<compile_context>
chip_gen: v7x
topology: tpu7x:2x2x1
jax: 0.10.2.dev20260603
libtpu: 0.0.44.dev20260713+nightly
codegen_flags: <defaults>
</compile_context>

<pallas_src>
import functools

import jax
import jax.numpy as jnp
from jax import lax
from jax.experimental import pallas as pl
from jax.experimental.pallas import tpu as pltpu
from jax.experimental.pallas import tpu_sc as plsc

H = 512
W = 512
NPIX = H * W
NSUB = 16
NCORE = 2
ROWS = H // NSUB
HIST_ITERS = ROWS * W // 16
MROWS = ROWS // NCORE
MAP_ITERS = MROWS * W // 16

_MESH = plsc.VectorSubcoreMesh(core_axis_name="c", subcore_axis_name="s")


def _body(src_hbm, tgt_hbm, out_hbm, rs, gs, bs, rt, gt, bt,
          hist_s, hist_t, wbuf, wbuf2, accbuf, bsbuf,
          cdfbuf, csbuf, ctbuf, pxbuf, pxlocal, shist_s, shist_t,
          sbins_s, sbins_t, scdf_s, scdf_t, spx, sem, sem2):
    c = lax.axis_index("c")
    s = lax.axis_index("s")
    lane = lax.iota(jnp.int32, 16)
    zeros16 = jnp.zeros((16,), jnp.int32)
    ones16 = jnp.ones((16,), jnp.int32)
    BINC = jnp.float32(127.0 * 256.0 / 255.0)

    for i in range(256):
        hist_s[pl.ds(i * 16, 16)] = zeros16
        hist_t[pl.ds(i * 16, 16)] = zeros16

    row0 = s * ROWS
    HR = ROWS // 2
    cps1 = [pltpu.async_copy(img.at[ch, pl.ds(row0, HR)],
                             buf.at[pl.ds(0, HR)], sem)
            for img, bufs in ((src_hbm, (rs, gs, bs)), (tgt_hbm, (rt, gt, bt)))
            for ch, buf in enumerate(bufs)]
    cps2 = [pltpu.async_copy(img.at[ch, pl.ds(row0 + HR, HR)],
                             buf.at[pl.ds(HR, HR)], sem2)
            for img, bufs in ((src_hbm, (rs, gs, bs)), (tgt_hbm, (rt, gt, bt)))
            for ch, buf in enumerate(bufs)]

    @pl.loop(0, 256)
    def _(i):
        hist_s[pl.ds(i * 16, 16)] = zeros16
        hist_t[pl.ds(i * 16, 16)] = zeros16

    def hist_span(lo, hi):
        @pl.loop(lo, hi)
        def _(i):
            row = lax.shift_right_logical(i, 5)
            cb = lax.bitwise_and(i, 31) * 16
            r1 = rs[row, pl.ds(cb, 16)]
            g1 = gs[row, pl.ds(cb, 16)]
            b1 = bs[row, pl.ds(cb, 16)]
            r2 = rt[row, pl.ds(cb, 16)]
            g2 = gt[row, pl.ds(cb, 16)]
            b2 = bt[row, pl.ds(cb, 16)]
            m1 = jnp.maximum(jnp.maximum(r1, g1), b1)
            m2 = jnp.maximum(jnp.maximum(r2, g2), b2)
            i1 = (m1 * BINC + BINC).astype(jnp.int32)
            i2 = (m2 * BINC + BINC).astype(jnp.int32)
            plsc.addupdate_scatter(hist_s, [i1 * 16 + lane], ones16)
            plsc.addupdate_scatter(hist_t, [i2 * 16 + lane], ones16)

    for cp in cps1:
        cp.wait()
    hist_span(0, HIST_ITERS // 2)
    for cp in cps2:
        cp.wait()
    hist_span(HIST_ITERS // 2, HIST_ITERS)

    pltpu.sync_copy(hist_s, shist_s.at[s])
    pltpu.sync_copy(hist_t, shist_t.at[s])
    plsc.subcore_barrier()

    for shist, sbins in ((shist_s, sbins_s), (shist_t, sbins_t)):
        pltpu.sync_copy(shist.at[:, pl.ds(s * 256, 256)], wbuf2)

        @pl.loop(0, 16)
        def _(j):
            acc = wbuf2[0, pl.ds(j * 16, 16)]
            for w in range(1, 16):
                acc = acc + wbuf2[w, pl.ds(j * 16, 16)]
            accbuf[pl.ds(j * 16, 16)] = acc

        binsum = zeros16
        for i in range(16):
            binsum = binsum + plsc.load_gather(accbuf, [lane * 16 + i])
        bsbuf[...] = binsum
        pltpu.sync_copy(bsbuf, sbins.at[pl.ds(s * 16, 16)])
    plsc.subcore_barrier()

    pltpu.sync_copy(sbins_s, wbuf)
    pltpu.sync_copy(sbins_t, accbuf)
    for ibuf, obuf in ((wbuf, csbuf), (accbuf, ctbuf)):
        chunks = []
        carry = jnp.int32(0)
        for j in range(16):
            cs = plsc.cumsum(ibuf[pl.ds(j * 16, 16)]) + carry
            chunks.append(cs)
            carry = cs[15]
        c0 = chunks[0][0]
        for j in range(16):
            val = (chunks[j] - c0).astype(jnp.float32)
            obuf[pl.ds(j * 16, 16)] = val / jnp.float32(NPIX - 1)

    x = csbuf[pl.ds(s * 16, 16)]

    def count_body(j, cnt):
        tv = ctbuf[pl.ds(j * 16, 16)]
        for l in range(16):
            cnt = cnt + jnp.where(tv[l] <= x, 1, 0)
        return cnt

    cnt = lax.fori_loop(0, 16, count_body, zeros16)
    i1 = jnp.clip(cnt, 1, 255)
    i0 = i1 - 1
    t0 = plsc.load_gather(ctbuf, [i0])
    t1 = plsc.load_gather(ctbuf, [i1])
    d = t1 - t0
    dsafe = jnp.where(d == 0.0, 1.0, d)
    pxv = (i0.astype(jnp.float32) + (x - t0) / dsafe) * jnp.float32(1.0 / 255.0)
    tfirst = ctbuf[pl.ds(0, 16)][0]
    tlast = ctbuf[pl.ds(240, 16)][15]
    pxv = jnp.where(x <= tfirst, 0.0, jnp.where(x >= tlast, 1.0, pxv))
    pxlocal[...] = pxv
    pltpu.sync_copy(pxlocal, spx.at[pl.ds(s * 16, 16)])
    plsc.subcore_barrier()
    pltpu.sync_copy(spx, pxbuf)

    pbase = c * (MROWS * W)

    @pl.loop(0, MAP_ITERS)
    def _(i):
        orow = lax.shift_right_logical(i, 5)
        cb = lax.bitwise_and(i, 31) * 16
        srow = orow + c * MROWS
        r = rs[srow, pl.ds(cb, 16)]
        g = gs[srow, pl.ds(cb, 16)]
        b = bs[srow, pl.ds(cb, 16)]
        m = jnp.maximum(jnp.maximum(r, g), b)
        t = (m + 1.0) * 127.0
        k = t.astype(jnp.int32)
        frac = t - k.astype(jnp.float32)
        p0 = plsc.load_gather(pxbuf, [k])
        p1 = plsc.load_gather(pxbuf, [k + 1])
        vn = (p0 + (p1 - p0) * frac) * 255.0
        iszero = t == 0.0
        tsafe = jnp.where(iszero, 1.0, t)
        scale = vn * 0.001
        sm1 = scale - 1.0
        zout = vn * jnp.float32(1.0 / 127.0) - 1.0
        o_r = jnp.where(iszero, zout, r * scale + sm1)
        o_g = jnp.where(iszero, zout, g * scale + sm1)
        o_b = jnp.where(iszero, zout, b * scale + sm1)
        rt[orow, pl.ds(cb, 16)] = o_r
        gt[orow, pl.ds(cb, 16)] = o_g
        bt[orow, pl.ds(cb, 16)] = o_b

    orow0 = s * ROWS + c * MROWS
    pltpu.sync_copy(rt.at[pl.ds(0, MROWS)], out_hbm.at[0, pl.ds(orow0, MROWS)])
    pltpu.sync_copy(gt.at[pl.ds(0, MROWS)], out_hbm.at[1, pl.ds(orow0, MROWS)])
    pltpu.sync_copy(bt.at[pl.ds(0, MROWS)], out_hbm.at[2, pl.ds(orow0, MROWS)])


@functools.partial(
    pl.kernel,
    mesh=_MESH,
    compiler_params=pltpu.CompilerParams(needs_layout_passes=False),
    out_type=jax.ShapeDtypeStruct((3, H, W), jnp.float32),
    scratch_types=[
        pltpu.VMEM((ROWS, W), jnp.float32),
        pltpu.VMEM((ROWS, W), jnp.float32),
        pltpu.VMEM((ROWS, W), jnp.float32),
        pltpu.VMEM((ROWS, W), jnp.float32),
        pltpu.VMEM((ROWS, W), jnp.float32),
        pltpu.VMEM((ROWS, W), jnp.float32),
        pltpu.VMEM((4096,), jnp.int32),
        pltpu.VMEM((4096,), jnp.int32),
        pltpu.VMEM((256,), jnp.int32),
        pltpu.VMEM((16, 256), jnp.int32),
        pltpu.VMEM((256,), jnp.int32),
        pltpu.VMEM((16,), jnp.int32),
        pltpu.VMEM((256,), jnp.float32),
        pltpu.VMEM((256,), jnp.float32),
        pltpu.VMEM((256,), jnp.float32),
        pltpu.VMEM((256,), jnp.float32),
        pltpu.VMEM((16,), jnp.float32),
        pltpu.VMEM_SHARED((16, 4096), jnp.int32),
        pltpu.VMEM_SHARED((16, 4096), jnp.int32),
        pltpu.VMEM_SHARED((256,), jnp.int32),
        pltpu.VMEM_SHARED((256,), jnp.int32),
        pltpu.VMEM_SHARED((256,), jnp.float32),
        pltpu.VMEM_SHARED((256,), jnp.float32),
        pltpu.VMEM_SHARED((256,), jnp.float32),
        pltpu.SemaphoreType.DMA,
        pltpu.SemaphoreType.DMA,
    ],
)
def _match(src_hbm, tgt_hbm, out_hbm, *scratch):
    _body(src_hbm, tgt_hbm, out_hbm, *scratch)


def kernel(src, tgt):
    out = _match(jnp.transpose(src, (2, 0, 1)), jnp.transpose(tgt, (2, 0, 1)))
    return jnp.transpose(out, (1, 2, 0))

# --- scband reference (transcript-rebuilt; emitter-appended) ---
"""Pipeline reference for scband-histogram-matcher-13408887899066 (READ-ONLY COPY).

The authoritative reference and input builder live on the scoring server;
editing this copy changes nothing except your own understanding.
"""

import jax, jax.numpy as jnp
import numpy as np


def _rgb_to_hsv(img):
    r, g, b = img[..., 0], img[..., 1], img[..., 2]
    maxc = jnp.maximum(jnp.maximum(r, g), b)
    minc = jnp.minimum(jnp.minimum(r, g), b)
    delta = maxc - minc
    safe_delta = jnp.where(delta == 0, 1.0, delta)
    rc = (maxc - r) / safe_delta
    gc = (maxc - g) / safe_delta
    bc = (maxc - b) / safe_delta
    h = jnp.where(r == maxc, bc - gc, jnp.where(g == maxc, 2.0 + rc - bc, 4.0 + gc - rc))
    h = (h / 6.0) % 1.0
    h = jnp.where(delta == 0, 0.0, h)
    safe_maxc = jnp.where(maxc == 0, 1.0, maxc)
    s = jnp.where(maxc == 0, 0.0, delta / safe_maxc)
    v = maxc
    return jnp.stack([h, s, v], axis=-1)


def _hsv_to_rgb(img):
    h, s, v = img[..., 0], img[..., 1], img[..., 2]
    h6 = h * 6.0
    i = jnp.floor(h6)
    f = h6 - i
    p = v * (1.0 - s)
    q = v * (1.0 - s * f)
    t = v * (1.0 - s * (1.0 - f))
    ii = (i.astype(jnp.int32)) % 6
    conds = [ii == 0, ii == 1, ii == 2, ii == 3, ii == 4, ii == 5]
    r = jnp.select(conds, [v, q, p, p, t, v])
    g = jnp.select(conds, [t, v, v, q, p, p])
    b = jnp.select(conds, [p, p, t, v, v, q])
    return jnp.stack([r, g, b], axis=-1)


def _equalize_histogram(image):
    # tf.histogram_fixed_width(image, [0,1], 256): bin = clip(floor(v*256), 0, 255)
    idx = jnp.clip(jnp.floor(image * 256.0).astype(jnp.int32), 0, 255)
    hist = jnp.zeros((256,), dtype=jnp.int32).at[idx.reshape(-1)].add(1)
    cdf = jnp.cumsum(hist)
    cdf_min = jnp.min(cdf)
    pix_cnt = image.shape[0] * image.shape[1]
    return (cdf - cdf_min).astype(jnp.float32) / jnp.float32(pix_cnt - 1)


def _interpolate(dx_T, dy_T, x):
    delVals = dx_T[jnp.newaxis, :] - x[:, jnp.newaxis]
    ind_1 = jnp.argmax(jnp.sign(delVals), axis=1)
    ind_0 = jnp.clip(ind_1 - 1, 0, 255)
    denom = dx_T[ind_1] - dx_T[ind_0]
    safe_denom = jnp.where(denom == 0, 1.0, denom)
    interp = dy_T[ind_0] + (dy_T[ind_1] - dy_T[ind_0]) * (x - dx_T[ind_0]) / safe_denom
    values = jnp.where(
        x <= dx_T[0], dy_T[0],
        jnp.where(x >= dx_T[-1], dy_T[-1], interp),
    )
    return values


def setup_inputs(seed: int = 0) -> dict:
    key = jax.random.key(seed)
    k1, k2 = jax.random.split(key)
    src = jax.random.uniform(k1, (512, 512, 3), dtype=jnp.float32, minval=-1.0, maxval=1.0)
    tgt = jax.random.uniform(k2, (512, 512, 3), dtype=jnp.float32, minval=-1.0, maxval=1.0)
    return {"src": src, "tgt": tgt}


def reference(src, tgt):
    src = (src + 1.0) * 127.0 / 255.0
    tgt = (tgt + 1.0) * 127.0 / 255.0
    src_hsv = _rgb_to_hsv(src)
    tgt_hsv = _rgb_to_hsv(tgt)
    h, w = src.shape[0], src.shape[1]
    floating_space = jnp.clip(jnp.arange(256, dtype=jnp.float32) / 255.0, 0.0, 1.0)
    src_h = src_hsv[:, :, 0]
    src_s = src_hsv[:, :, 1]
    src_v = src_hsv[:, :, 2]
    source = src_v
    target = tgt_hsv[:, :, 2:3]
    cdfsrc = _equalize_histogram(source)
    cdftgt = _equalize_histogram(target)
    pxmap = _interpolate(cdftgt, floating_space, cdfsrc)
    pxmap = _interpolate(floating_space, pxmap, source.reshape(h * w))
    pxmap = pxmap.reshape(h, w)
    out = _hsv_to_rgb(jnp.stack([src_h, src_s, pxmap], axis=2))
    return out * 255.0 / 127.0 - 1.0

if __name__ == "__main__":
    import jax
    _d = setup_inputs()
    print(jax.jit(kernel)(*tuple(_d.values())))

</pallas_src>

<mosaic_0001>
#map = affine_map<(d0, d1) -> (0, 0, 0)>
module attributes {stable_mosaic.version = 14 : i64} {
  func.func @_match(%arg0: i32, %arg1: i32, %arg2: memref<3x512x512xf32, #tpu.memory_space<hbm>>, %arg3: memref<3x512x512xf32, #tpu.memory_space<hbm>>, %arg4: memref<3x512x512xf32, #tpu.memory_space<hbm>>, %arg5: memref<32x512xf32, #tpu.memory_space<vmem>>, %arg6: memref<32x512xf32, #tpu.memory_space<vmem>>, %arg7: memref<32x512xf32, #tpu.memory_space<vmem>>, %arg8: memref<32x512xf32, #tpu.memory_space<vmem>>, %arg9: memref<32x512xf32, #tpu.memory_space<vmem>>, %arg10: memref<32x512xf32, #tpu.memory_space<vmem>>, %arg11: memref<4096xi32, #tpu.memory_space<vmem>>, %arg12: memref<4096xi32, #tpu.memory_space<vmem>>, %arg13: memref<256xi32, #tpu.memory_space<vmem>>, %arg14: memref<16x256xi32, #tpu.memory_space<vmem>>, %arg15: memref<256xi32, #tpu.memory_space<vmem>>, %arg16: memref<16xi32, #tpu.memory_space<vmem>>, %arg17: memref<256xf32, #tpu.memory_space<vmem>>, %arg18: memref<256xf32, #tpu.memory_space<vmem>>, %arg19: memref<256xf32, #tpu.memory_space<vmem>>, %arg20: memref<256xf32, #tpu.memory_space<vmem>>, %arg21: memref<16xf32, #tpu.memory_space<vmem>>, %arg22: memref<16x4096xi32, #tpu.memory_space<vmem_shared>>, %arg23: memref<16x4096xi32, #tpu.memory_space<vmem_shared>>, %arg24: memref<256xi32, #tpu.memory_space<vmem_shared>>, %arg25: memref<256xi32, #tpu.memory_space<vmem_shared>>, %arg26: memref<256xf32, #tpu.memory_space<vmem_shared>>, %arg27: memref<256xf32, #tpu.memory_space<vmem_shared>>, %arg28: memref<256xf32, #tpu.memory_space<vmem_shared>>, %arg29: memref<!tpu.dma_semaphore, #tpu.memory_space<semaphore_mem>>, %arg30: memref<!tpu.dma_semaphore, #tpu.memory_space<semaphore_mem>>) attributes {dimension_semantics = [#tpu.dimension_semantics<core_parallel>, #tpu.dimension_semantics<subcore_parallel>], iteration_bounds = array<i64: 2, 16>, scalar_prefetch = 0 : i64, scratch_operands = 26 : i64, tpu.core_type = #tpu.core_type<sc_vector_subcore>, window_params = [{transform_indices = #map}, {transform_indices = #map}, {transform_indices = #map}]} {
    %iota3A = tpu.iota {dimensions = array<i32: 0>} : vector<16xi32>
    %broadcast_in_dim3A = arith.constant 0 : i32
    %broadcast_in_dim3A_0 = vector.broadcast %broadcast_in_dim3A : i32 to vector<16xi32>
    %broadcast_in_dim3A_1 = arith.constant 1 : i32
    %broadcast_in_dim3A_2 = vector.broadcast %broadcast_in_dim3A_1 : i32 to vector<16xi32>
    %swap3A = arith.constant 0 : index
    %swap3A_3 = tpu.vector_load %arg11[%swap3A] {strides = array<i32>} : memref<4096xi32, #tpu.memory_space<vmem>>, vector<16xi32>,
    tpu.vector_store %arg11[%swap3A], %broadcast_in_dim3A_0 {strides = array<i32>} : memref<4096xi32, #tpu.memory_space<vmem>>, vector<16xi32>,
    %swap3A_4 = arith.constant 0 : index
    %swap3A_5 = tpu.vector_load %arg12[%swap3A_4] {strides = array<i32>} : memref<4096xi32, #tpu.memory_space<vmem>>, vector<16xi32>,
    tpu.vector_store %arg12[%swap3A_4], %broadcast_in_dim3A_0 {strides = array<i32>} : memref<4096xi32, #tpu.memory_space<vmem>>, vector<16xi32>,
    %swap3A_6 = arith.constant 16 : index
    %swap3A_7 = tpu.vector_load %arg11[%swap3A_6] {strides = array<i32>} : memref<4096xi32, #tpu.memory_space<vmem>>, vector<16xi32>,
    tpu.vector_store %arg11[%swap3A_6], %broadcast_in_dim3A_0 {strides = array<i32>} : memref<4096xi32, #tpu.memory_space<vmem>>, vector<16xi32>,
    %swap3A_8 = arith.constant 16 : index
    %swap3A_9 = tpu.vector_load %arg12[%swap3A_8] {strides = array<i32>} : memref<4096xi32, #tpu.memory_space<vmem>>, vector<16xi32>,
    tpu.vector_store %arg12[%swap3A_8], %broadcast_in_dim3A_0 {strides = array<i32>} : memref<4096xi32, #tpu.memory_space<vmem>>, vector<16xi32>,
    %swap3A_10 = arith.constant 32 : index
    %swap3A_11 = tpu.vector_load %arg11[%swap3A_10] {strides = array<i32>} : memref<4096xi32, #tpu.memory_space<vmem>>, vector<16xi32>,
    tpu.vector_store %arg11[%swap3A_10], %broadcast_in_dim3A_0 {strides = array<i32>} : memref<4096xi32, #tpu.memory_space<vmem>>, vector<16xi32>,
    %swap3A_12 = arith.constant 32 : index
    %swap3A_13 = tpu.vector_load %arg12[%swap3A_12] {strides = array<i32>} : memref<4096xi32, #tpu.memory_space<vmem>>, vector<16xi32>,
    tpu.vector_store %arg12[%swap3A_12], %broadcast_in_dim3A_0 {strides = array<i32>} : memref<4096xi32, #tpu.memory_space<vmem>>, vector<16xi32>,
    %swap3A_14 = arith.constant 48 : index
    %swap3A_15 = tpu.vector_load %arg11[%swap3A_14] {strides = array<i32>} : memref<4096xi32, #tpu.memory_space<vmem>>, vector<16xi32>,
    tpu.vector_store %arg11[%swap3A_14], %broadcast_in_dim3A_0 {strides = array<i32>} : memref<4096xi32, #tpu.memory_space<vmem>>, vector<16xi32>,
    %swap3A_16 = arith.constant 48 : index
    %swap3A_17 = tpu.vector_load %arg12[%swap3A_16] {strides = array<i32>} : memref<4096xi32, #tpu.memory_space<vmem>>, vector<16xi32>,
    tpu.vector_store %arg12[%swap3A_16], %broadcast_in_dim3A_0 {strides = array<i32>} : memref<4096xi32, #tpu.memory_space<vmem>>, vector<16xi32>,
    %swap3A_18 = arith.constant 64 : index
    %swap3A_19 = tpu.vector_load %arg11[%swap3A_18] {strides = array<i32>} : memref<4096xi32, #tpu.memory_space<vmem>>, vector<16xi32>,
    tpu.vector_store %arg11[%swap3A_18], %broadcast_in_dim3A_0 {strides = array<i32>} : memref<4096xi32, #tpu.memory_space<vmem>>, vector<16xi32>,
    %swap3A_20 = arith.constant 64 : index
    %swap3A_21 = tpu.vector_load %arg12[%swap3A_20] {strides = array<i32>} : memref<4096xi32, #tpu.memory_space<vmem>>, vector<16xi32>,
    tpu.vector_store %arg12[%swap3A_20], %broadcast_in_dim3A_0 {strides = array<i32>} : memref<4096xi32, #tpu.memory_space<vmem>>, vector<16xi32>,
    %swap3A_22 = arith.constant 80 : index
    %swap3A_23 = tpu.vector_load %arg11[%swap3A_22] {strides = array<i32>} : memref<4096xi32, #tpu.memory_space<vmem>>, vector<16xi32>,
    tpu.vector_store %arg11[%swap3A_22], %broadcast_in_dim3A_0 {strides = array<i32>} : memref<4096xi32, #tpu.memory_space<vmem>>, vector<16xi32>,
    %swap3A_24 = arith.constant 80 : index
    %swap3A_25 = tpu.vector_load %arg12[%swap3A_24] {strides = array<i32>} : memref<4096xi32, #tpu.memory_space<vmem>>, vector<16xi32>,
    tpu.vector_store %arg12[%swap3A_24], %broadcast_in_dim3A_0 {strides = array<i32>} : memref<4096xi32, #tpu.memory_space<vmem>>, vector<16xi32>,
    %swap3A_26 = arith.constant 96 : index
    %swap3A_27 = tpu.vector_load %arg11[%swap3A_26] {strides = array<i32>} : memref<4096xi32, #tpu.memory_space<vmem>>, vector<16xi32>,
    tpu.vector_store %arg11[%swap3A_26], %broadcast_in_dim3A_0 {strides = array<i32>} : memref<4096xi32, #tpu.memory_space<vmem>>, vector<16xi32>,
    %swap3A_28 = arith.constant 96 : index
    %swap3A_29 = tpu.vector_load %arg12[%swap3A_28] {strides = array<i32>} : memref<4096xi32, #tpu.memory_space<vmem>>, vector<16xi32>,
    tpu.vector_store %arg12[%swap3A_28], %broadcast_in_dim3A_0 {strides = array<i32>} : memref<4096xi32, #tpu.memory_space<vmem>>, vector<16xi32>,
    %swap3A_30 = arith.constant 112 : index
    %swap3A_31 = tpu.vector_load %arg11[%swap3A_30] {strides = array<i32>} : memref<4096xi32, #tpu.memory_space<vmem>>, vector<16xi32>,
    tpu.vector_store %arg11[%swap3A_30], %broadcast_in_dim3A_0 {strides = array<i32>} : memref<4096xi32, #tpu.memory_space<vmem>>, vector<16xi32>,
    %swap3A_32 = arith.constant 112 : index
    %swap3A_33 = tpu.vector_load %arg12[%swap3A_32] {strides = array<i32>} : memref<4096xi32, #tpu.memory_space<vmem>>, vector<16xi32>,
    tpu.vector_store %arg12[%swap3A_32], %broadcast_in_dim3A_0 {strides = array<i32>} : memref<4096xi32, #tpu.memory_space<vmem>>, vector<16xi32>,
    %swap3A_34 = arith.constant 128 : index
    %swap3A_35 = tpu.vector_load %arg11[%swap3A_34] {strides = array<i32>} : memref<4096xi32, #tpu.memory_space<vmem>>, vector<16xi32>,
    tpu.vector_store %arg11[%swap3A_34], %broadcast_in_dim3A_0 {strides = array<i32>} : memref<4096xi32, #tpu.memory_space<vmem>>, vector<16xi32>,
    %swap3A_36 = arith.constant 128 : index
    %swap3A_37 = tpu.vector_load %arg12[%swap3A_36] {strides = array<i32>} : memref<4096xi32, #tpu.memory_space<vmem>>, vector<16xi32>,
    tpu.vector_store %arg12[%swap3A_36], %broadcast_in_dim3A_0 {strides = array<i32>} : memref<4096xi32, #tpu.memory_space<vmem>>, vector<16xi32>,
    %swap3A_38 = arith.constant 144 : index
    %swap3A_39 = tpu.vector_load %arg11[%swap3A_38] {strides = array<i32>} : memref<4096xi32, #tpu.memory_space<vmem>>, vector<16xi32>,
    tpu.vector_store %arg11[%swap3A_38], %broadcast_in_dim3A_0 {strides = array<i32>} : memref<4096xi32, #tpu.memory_space<vmem>>, vector<16xi32>,
    %swap3A_40 = arith.constant 144 : index
    %swap3A_41 = tpu.vector_load %arg12[%swap3A_40] {strides = array<i32>} : memref<4096xi32, #tpu.memory_space<vmem>>, vector<16xi32>,
    tpu.vector_store %arg12[%swap3A_40], %broadcast_in_dim3A_0 {strides = array<i32>} : memref<4096xi32, #tpu.memory_space<vmem>>, vector<16xi32>,
    %swap3A_42 = arith.constant 160 : index
    %swap3A_43 = tpu.vector_load %arg11[%swap3A_42] {strides = array<i32>} : memref<4096xi32, #tpu.memory_space<vmem>>, vector<16xi32>,
    tpu.vector_store %arg11[%swap3A_42], %broadcast_in_dim3A_0 {strides = array<i32>} : memref<4096xi32, #tpu.memory_space<vmem>>, vector<16xi32>,
    %swap3A_44 = arith.constant 160 : index
    %swap3A_45 = tpu.vector_load %arg12[%swap3A_44] {strides = array<i32>} : memref<4096xi32, #tpu.memory_space<vmem>>, vector<16xi32>,
    tpu.vector_store %arg12[%swap3A_44], %broadcast_in_dim3A_0 {strides = array<i32>} : memref<4096xi32, #tpu.memory_space<vmem>>, vector<16xi32>,
    %swap3A_46 = arith.constant 176 : index
    %swap3A_47 = tpu.vector_load %arg11[%swap3A_46] {strides = array<i32>} : memref<4096xi32, #tpu.memory_space<vmem>>, vector<16xi32>,
    tpu.vector_store %arg11[%swap3A_46], %broadcast_in_dim3A_0 {strides = array<i32>} : memref<4096xi32, #tpu.memory_space<vmem>>, vector<16xi32>,
    %swap3A_48 = arith.constant 176 : index
    %swap3A_49 = tpu.vector_load %arg12[%swap3A_48] {strides = array<i32>} : memref<4096xi32, #tpu.memory_space<vmem>>, vector<16xi32>,
    tpu.vector_store %arg12[%swap3A_48], %broadcast_in_dim3A_0 {strides = array<i32>} : memref<4096xi32, #tpu.memory_space<vmem>>, vector<16xi32>,
    %swap3A_50 = arith.constant 192 : index
    %swap3A_51 = tpu.vector_load %arg11[%swap3A_50] {strides = array<i32>} : memref<4096xi32, #tpu.memory_space<vmem>>, vector<16xi32>,
    tpu.vector_store %arg11[%swap3A_50], %broadcast_in_dim3A_0 {strides = array<i32>} : memref<4096xi32, #tpu.memory_space<vmem>>, vector<16xi32>,
    %swap3A_52 = arith.constant 192 : index
    %swap3A_53 = tpu.vector_load %arg12[%swap3A_52] {strides = array<i32>} : memref<4096xi32, #tpu.memory_space<vmem>>, vector<16xi32>,
    tpu.vector_store %arg12[%swap3A_52], %broadcast_in_dim3A_0 {strides = array<i32>} : memref<4096xi32, #tpu.memory_space<vmem>>, vector<16xi32>,
    %swap3A_54 = arith.constant 208 : index
    %swap3A_55 = tpu.vector_load %arg11[%swap3A_54] {strides = array<i32>} : memref<4096xi32, #tpu.memory_space<vmem>>, vector<16xi32>,
    tpu.vector_store %arg11[%swap3A_54], %broadcast_in_dim3A_0 {strides = array<i32>} : memref<4096xi32, #tpu.memory_space<vmem>>, vector<16xi32>,
    %swap3A_56 = arith.constant 208 : index
    %swap3A_57 = tpu.vector_load %arg12[%swap3A_56] {strides = array<i32>} : memref<4096xi32, #tpu.memory_space<vmem>>, vector<16xi32>,
    tpu.vector_store %arg12[%swap3A_56], %broadcast_in_dim3A_0 {strides = array<i32>} : memref<4096xi32, #tpu.memory_space<vmem>>, vector<16xi32>,
    %swap3A_58 = arith.constant 224 : index
    %swap3A_59 = tpu.vector_load %arg11[%swap3A_58] {strides = array<i32>} : memref<4096xi32, #tpu.memory_space<vmem>>, vector<16xi32>,
    tpu.vector_store %arg11[%swap3A_58], %broadcast_in_dim3A_0 {strides = array<i32>} : memref<4096xi32, #tpu.memory_space<vmem>>, vector<16xi32>,
    %swap3A_60 = arith.constant 224 : index
    %swap3A_61 = tpu.vector_load %arg12[%swap3A_60] {strides = array<i32>} : memref<4096xi32, #tpu.memory_space<vmem>>, vector<16xi32>,
    tpu.vector_store %arg12[%swap3A_60], %broadcast_in_dim3A_0 {strides = array<i32>} : memref<4096xi32, #tpu.memory_space<vmem>>, vector<16xi32>,
    %swap3A_62 = arith.constant 240 : index
    %swap3A_63 = tpu.vector_load %arg11[%swap3A_62] {strides = array<i32>} : memref<4096xi32, #tpu.memory_space<vmem>>, vector<16xi32>,
    tpu.vector_store %arg11[%swap3A_62], %broadcast_in_dim3A_0 {strides = array<i32>} : memref<4096xi32, #tpu.memory_space<vmem>>, vector<16xi32>,
    %swap3A_64 = arith.constant 240 : index
    %swap3A_65 = tpu.vector_load %arg12[%swap3A_64] {strides = array<i32>} : memref<4096xi32, #tpu.memory_space<vmem>>, vector<16xi32>,
    tpu.vector_store %arg12[%swap3A_64], %broadcast_in_dim3A_0 {strides = array<i32>} : memref<4096xi32, #tpu.memory_space<vmem>>, vector<16xi32>,
    %swap3A_66 = arith.constant 256 : index
    %swap3A_67 = tpu.vector_load %arg11[%swap3A_66] {strides = array<i32>} : memref<4096xi32, #tpu.memory_space<vmem>>, vector<16xi32>,
    tpu.vector_store %arg11[%swap3A_66], %broadcast_in_dim3A_0 {strides = array<i32>} : memref<4096xi32, #tpu.memory_space<vmem>>, vector<16xi32>,
    %swap3A_68 = arith.constant 256 : index
    %swap3A_69 = tpu.vector_load %arg12[%swap3A_68] {strides = array<i32>} : memref<4096xi32, #tpu.memory_space<vmem>>, vector<16xi32>,
    tpu.vector_store %arg12[%swap3A_68], %broadcast_in_dim3A_0 {strides = array<i32>} : memref<4096xi32, #tpu.memory_space<vmem>>, vector<16xi32>,
    %swap3A_70 = arith.constant 272 : index
    %swap3A_71 = tpu.vector_load %arg11[%swap3A_70] {strides = array<i32>} : memref<4096xi32, #tpu.memory_space<vmem>>, vector<16xi32>,
    tpu.vector_store %arg11[%swap3A_70], %broadcast_in_dim3A_0 {strides = array<i32>} : memref<4096xi32, #tpu.memory_space<vmem>>, vector<16xi32>,
    %swap3A_72 = arith.constant 272 : index
    %swap3A_73 = tpu.vector_load %arg12[%swap3A_72] {strides = array<i32>} : memref<4096xi32, #tpu.memory_space<vmem>>, vector<16xi32>,
    tpu.vector_store %arg12[%swap3A_72], %broadcast_in_dim3A_0 {strides = array<i32>} : memref<4096xi32, #tpu.memory_space<vmem>>, vector<16xi32>,
    %swap3A_74 = arith.constant 288 : index
    %swap3A_75 = tpu.vector_load %arg11[%swap3A_74] {strides = array<i32>} : memref<4096xi32, #tpu.memory_space<vmem>>, vector<16xi32>,
    tpu.vector_store %arg11[%swap3A_74], %broadcast_in_dim3A_0 {strides = array<i32>} : memref<4096xi32, #tpu.memory_space<vmem>>, vector<16xi32>,
    %swap3A_76 = arith.constant 288 : index
    %swap3A_77 = tpu.vector_load %arg12[%swap3A_76] {strides = array<i32>} : memref<4096xi32, #tpu.memory_space<vmem>>, vector<16xi32>,
    tpu.vector_store %arg12[%swap3A_76], %broadcast_in_dim3A_0 {strides = array<i32>} : memref<4096xi32, #tpu.memory_space<vmem>>, vector<16xi32>,
    %swap3A_78 = arith.constant 304 : index
    %swap3A_79 = tpu.vector_load %arg11[%swap3A_78] {strides = array<i32>} : memref<4096xi32, #tpu.memory_space<vmem>>, vector<16xi32>,
    tpu.vector_store %arg11[%swap3A_78], %broadcast_in_dim3A_0 {strides = array<i32>} : memref<4096xi32, #tpu.memory_space<vmem>>, vector<16xi32>,
    %swap3A_80 = arith.constant 304 : index
    %swap3A_81 = tpu.vector_load %arg12[%swap3A_80] {strides = array<i32>} : memref<4096xi32, #tpu.memory_space<vmem>>, vector<16xi32>,
    tpu.vector_store %arg12[%swap3A_80], %broadcast_in_dim3A_0 {strides = array<i32>} : memref<4096xi32, #tpu.memory_space<vmem>>, vector<16xi32>,
    %swap3A_82 = arith.constant 320 : index
    %swap3A_83 = tpu.vector_load %arg11[%swap3A_82] {strides = array<i32>} : memref<4096xi32, #tpu.memory_space<vmem>>, vector<16xi32>,
    tpu.vector_store %arg11[%swap3A_82], %broadcast_in_dim3A_0 {strides = array<i32>} : memref<4096xi32, #tpu.memory_space<vmem>>, vector<16xi32>,
    %swap3A_84 = arith.constant 320 : index
    %swap3A_85 = tpu.vector_load %arg12[%swap3A_84] {strides = array<i32>} : memref<4096xi32, #tpu.memory_space<vmem>>, vector<16xi32>,
    tpu.vector_store %arg12[%swap3A_84], %broadcast_in_dim3A_0 {strides = array<i32>} : memref<4096xi32, #tpu.memory_space<vmem>>, vector<16xi32>,
    %swap3A_86 = arith.constant 336 : index
    %swap3A_87 = tpu.vector_load %arg11[%swap3A_86] {strides = array<i32>} : memref<4096xi32, #tpu.memory_space<vmem>>, vector<16xi32>,
    tpu.vector_store %arg11[%swap3A_86], %broadcast_in_dim3A_0 {strides = array<i32>} : memref<4096xi32, #tpu.memory_space<vmem>>, vector<16xi32>,
    %swap3A_88 = arith.constant 336 : index
    %swap3A_89 = tpu.vector_load %arg12[%swap3A_88] {strides = array<i32>} : memref<4096xi32, #tpu.memory_space<vmem>>, vector<16xi32>,
    tpu.vector_store %arg12[%swap3A_88], %broadcast_in_dim3A_0 {strides = array<i32>} : memref<4096xi32, #tpu.memory_space<vmem>>, vector<16xi32>,
    %swap3A_90 = arith.constant 352 : index
    %swap3A_91 = tpu.vector_load %arg11[%swap3A_90] {strides = array<i32>} : memref<4096xi32, #tpu.memory_space<vmem>>, vector<16xi32>,
    tpu.vector_store %arg11[%swap3A_90], %broadcast_in_dim3A_0 {strides = array<i32>} : memref<4096xi32, #tpu.memory_space<vmem>>, vector<16xi32>,
    %swap3A_92 = arith.constant 352 : index
    %swap3A_93 = tpu.vector_load %arg12[%swap3A_92] {strides = array<i32>} : memref<4096xi32, #tpu.memory_space<vmem>>, vector<16xi32>,
    tpu.vector_store %arg12[%swap3A_92], %broadcast_in_dim3A_0 {strides = array<i32>} : memref<4096xi32, #tpu.memory_space<vmem>>, vector<16xi32>,
    %swap3A_94 = arith.constant 368 : index
    %swap3A_95 = tpu.vector_load %arg11[%swap3A_94] {strides = array<i32>} : memref<4096xi32, #tpu.memory_space<vmem>>, vector<16xi32>,
    tpu.vector_store %arg11[%swap3A_94], %broadcast_in_dim3A_0 {strides = array<i32>} : memref<4096xi32, #tpu.memory_space<vmem>>, vector<16xi32>,
    %swap3A_96 = arith.constant 368 : index
    %swap3A_97 = tpu.vector_load %arg12[%swap3A_96] {strides = array<i32>} : memref<4096xi32, #tpu.memory_space<vmem>>, vector<16xi32>,
    tpu.vector_store %arg12[%swap3A_96], %broadcast_in_dim3A_0 {strides = array<i32>} : memref<4096xi32, #tpu.memory_space<vmem>>, vector<16xi32>,
    %swap3A_98 = arith.constant 384 : index
    %swap3A_99 = tpu.vector_load %arg11[%swap3A_98] {strides = array<i32>} : memref<4096xi32, #tpu.memory_space<vmem>>, vector<16xi32>,
    tpu.vector_store %arg11[%swap3A_98], %broadcast_in_dim3A_0 {strides = array<i32>} : memref<4096xi32, #tpu.memory_space<vmem>>, vector<16xi32>,
    %swap3A_100 = arith.constant 384 : index
    %swap3A_101 = tpu.vector_load %arg12[%swap3A_100] {strides = array<i32>} : memref<4096xi32, #tpu.memory_space<vmem>>, vector<16xi32>,
    tpu.vector_store %arg12[%swap3A_100], %broadcast_in_dim3A_0 {strides = array<i32>} : memref<4096xi32, #tpu.memory_space<vmem>>, vector<16xi32>,
    %swap3A_102 = arith.constant 400 : index
    %swap3A_103 = tpu.vector_load %arg11[%swap3A_102] {strides = array<i32>} : memref<4096xi32, #tpu.memory_space<vmem>>, vector<16xi32>,
    tpu.vector_store %arg11[%swap3A_102], %broadcast_in_dim3A_0 {strides = array<i32>} : memref<4096xi32, #tpu.memory_space<vmem>>, vector<16xi32>,
    %swap3A_104 = arith.constant 400 : index
    %swap3A_105 = tpu.vector_load %arg12[%swap3A_104] {strides = array<i32>} : memref<4096xi32, #tpu.memory_space<vmem>>, vector<16xi32>,
    tpu.vector_store %arg12[%swap3A_104], %broadcast_in_dim3A_0 {strides = array<i32>} : memref<4096xi32, #tpu.memory_space<vmem>>, vector<16xi32>,
    %swap3A_106 = arith.constant 416 : index
    %swap3A_107 = tpu.vector_load %arg11[%swap3A_106] {strides = array<i32>} : memref<4096xi32, #tpu.memory_space<vmem>>, vector<16xi32>,
    tpu.vector_store %arg11[%swap3A_106], %broadcast_in_dim3A_0 {strides = array<i32>} : memref<4096xi32, #tpu.memory_space<vmem>>, vector<16xi32>,
    %swap3A_108 = arith.constant 416 : index
    %swap3A_109 = tpu.vector_load %arg12[%swap3A_108] {strides = array<i32>} : memref<4096xi32, #tpu.memory_space<vmem>>, vector<16xi32>,
    tpu.vector_store %arg12[%swap3A_108], %broadcast_in_dim3A_0 {strides = array<i32>} : memref<4096xi32, #tpu.memory_space<vmem>>, vector<16xi32>,
    %swap3A_110 = arith.constant 432 : index
    %swap3A_111 = tpu.vector_load %arg11[%swap3A_110] {strides = array<i32>} : memref<4096xi32, #tpu.memory_space<vmem>>, vector<16xi32>,
    tpu.vector_store %arg11[%swap3A_110], %broadcast_in_dim3A_0 {strides = array<i32>} : memref<4096xi32, #tpu.memory_space<vmem>>, vector<16xi32>,
    %swap3A_112 = arith.constant 432 : index
    %swap3A_113 = tpu.vector_load %arg12[%swap3A_112] {strides = array<i32>} : memref<4096xi32, #tpu.memory_space<vmem>>, vector<16xi32>,
    tpu.vector_store %arg12[%swap3A_112], %broadcast_in_dim3A_0 {strides = array<i32>} : memref<4096xi32, #tpu.memory_space<vmem>>, vector<16xi32>,
    %swap3A_114 = arith.constant 448 : index
    %swap3A_115 = tpu.vector_load %arg11[%swap3A_114] {strides = array<i32>} : memref<4096xi32, #tpu.memory_space<vmem>>, vector<16xi32>,
    tpu.vector_store %arg11[%swap3A_114], %broadcast_in_dim3A_0 {strides = array<i32>} : memref<4096xi32, #tpu.memory_space<vmem>>, vector<16xi32>,
    %swap3A_116 = arith.constant 448 : index
    %swap3A_117 = tpu.vector_load %arg12[%swap3A_116] {strides = array<i32>} : memref<4096xi32, #tpu.memory_space<vmem>>, vector<16xi32>,
    tpu.vector_store %arg12[%swap3A_116], %broadcast_in_dim3A_0 {strides = array<i32>} : memref<4096xi32, #tpu.memory_space<vmem>>, vector<16xi32>,
    %swap3A_118 = arith.constant 464 : index
    %swap3A_119 = tpu.vector_load %arg11[%swap3A_118] {strides = array<i32>} : memref<4096xi32, #tpu.memory_space<vmem>>, vector<16xi32>,
    tpu.vector_store %arg11[%swap3A_118], %broadcast_in_dim3A_0 {strides = array<i32>} : memref<4096xi32, #tpu.memory_space<vmem>>, vector<16xi32>,
    %swap3A_120 = arith.constant 464 : index
    %swap3A_121 = tpu.vector_load %arg12[%swap3A_120] {strides = array<i32>} : memref<4096xi32, #tpu.memory_space<vmem>>, vector<16xi32>,
    tpu.vector_store %arg12[%swap3A_120], %broadcast_in_dim3A_0 {strides = array<i32>} : memref<4096xi32, #tpu.memory_space<vmem>>, vector<16xi32>,
    %swap3A_122 = arith.constant 480 : index
    %swap3A_123 = tpu.vector_load %arg11[%swap3A_122] {strides = array<i32>} : memref<4096xi32, #tpu.memory_space<vmem>>, vector<16xi32>,
    tpu.vector_store %arg11[%swap3A_122], %broadcast_in_dim3A_0 {strides = array<i32>} : memref<4096xi32, #tpu.memory_space<vmem>>, vector<16xi32>,
    %swap3A_124 = arith.constant 480 : index
    %swap3A_125 = tpu.vector_load %arg12[%swap3A_124] {strides = array<i32>} : memref<4096xi32, #tpu.memory_space<vmem>>, vector<16xi32>,
    tpu.vector_store %arg12[%swap3A_124], %broadcast_in_dim3A_0 {strides = array<i32>} : memref<4096xi32, #tpu.memory_space<vmem>>, vector<16xi32>,
    %swap3A_126 = arith.constant 496 : index
    %swap3A_127 = tpu.vector_load %arg11[%swap3A_126] {strides = array<i32>} : memref<4096xi32, #tpu.memory_space<vmem>>, vector<16xi32>,
    tpu.vector_store %arg11[%swap3A_126], %broadcast_in_dim3A_0 {strides = array<i32>} : memref<4096xi32, #tpu.memory_space<vmem>>, vector<16xi32>,
    %swap3A_128 = arith.constant 496 : index
    %swap3A_129 = tpu.vector_load %arg12[%swap3A_128] {strides = array<i32>} : memref<4096xi32, #tpu.memory_space<vmem>>, vector<16xi32>,
    tpu.vector_store %arg12[%swap3A_128], %broadcast_in_dim3A_0 {strides = array<i32>} : memref<4096xi32, #tpu.memory_space<vmem>>, vector<16xi32>,
    %swap3A_130 = arith.constant 512 : index
    %swap3A_131 = tpu.vector_load %arg11[%swap3A_130] {strides = array<i32>} : memref<4096xi32, #tpu.memory_space<vmem>>, vector<16xi32>,
    tpu.vector_store %arg11[%swap3A_130], %broadcast_in_dim3A_0 {strides = array<i32>} : memref<4096xi32, #tpu.memory_space<vmem>>, vector<16xi32>,
    %swap3A_132 = arith.constant 512 : index
    %swap3A_133 = tpu.vector_load %arg12[%swap3A_132] {strides = array<i32>} : memref<4096xi32, #tpu.memory_space<vmem>>, vector<16xi32>,
    tpu.vector_store %arg12[%swap3A_132], %broadcast_in_dim3A_0 {strides = array<i32>} : memref<4096xi32, #tpu.memory_space<vmem>>, vector<16xi32>,
    %swap3A_134 = arith.constant 528 : index
    %swap3A_135 = tpu.vector_load %arg11[%swap3A_134] {strides = array<i32>} : memref<4096xi32, #tpu.memory_space<vmem>>, vector<16xi32>,
    tpu.vector_store %arg11[%swap3A_134], %broadcast_in_dim3A_0 {strides = array<i32>} : memref<4096xi32, #tpu.memory_space<vmem>>, vector<16xi32>,
    %swap3A_136 = arith.constant 528 : index
    %swap3A_137 = tpu.vector_load %arg12[%swap3A_136] {strides = array<i32>} : memref<4096xi32, #tpu.memory_space<vmem>>, vector<16xi32>,
    tpu.vector_store %arg12[%swap3A_136], %broadcast_in_dim3A_0 {strides = array<i32>} : memref<4096xi32, #tpu.memory_space<vmem>>, vector<16xi32>,
    %swap3A_138 = arith.constant 544 : index
    %swap3A_139 = tpu.vector_load %arg11[%swap3A_138] {strides = array<i32>} : memref<4096xi32, #tpu.memory_space<vmem>>, vector<16xi32>,
    tpu.vector_store %arg11[%swap3A_138], %broadcast_in_dim3A_0 {strides = array<i32>} : memref<4096xi32, #tpu.memory_space<vmem>>, vector<16xi32>,
    %swap3A_140 = arith.constant 544 : index
    %swap3A_141 = tpu.vector_load %arg12[%swap3A_140] {strides = array<i32>} : memref<4096xi32, #tpu.memory_space<vmem>>, vector<16xi32>,
    tpu.vector_store %arg12[%swap3A_140], %broadcast_in_dim3A_0 {strides = array<i32>} : memref<4096xi32, #tpu.memory_space<vmem>>, vector<16xi32>,
    %swap3A_142 = arith.constant 560 : index
    %swap3A_143 = tpu.vector_load %arg11[%swap3A_142] {strides = array<i32>} : memref<4096xi32, #tpu.memory_space<vmem>>, vector<16xi32>,
    tpu.vector_store %arg11[%swap3A_142], %broadcast_in_dim3A_0 {strides = array<i32>} : memref<4096xi32, #tpu.memory_space<vmem>>, vector<16xi32>,
    %swap3A_144 = arith.constant 560 : index
    %swap3A_145 = tpu.vector_load %arg12[%swap3A_144] {strides = array<i32>} : memref<4096xi32, #tpu.memory_space<vmem>>, vector<16xi32>,
    tpu.vector_store %arg12[%swap3A_144], %broadcast_in_dim3A_0 {strides = array<i32>} : memref<4096xi32, #tpu.memory_space<vmem>>, vector<16xi32>,
    %swap3A_146 = arith.constant 576 : index
    %swap3A_147 = tpu.vector_load %arg11[%swap3A_146] {strides = array<i32>} : memref<4096xi32, #tpu.memory_space<vmem>>, vector<16xi32>,
    tpu.vector_store %arg11[%swap3A_146], %broadcast_in_dim3A_0 {strides = array<i32>} : memref<4096xi32, #tpu.memory_space<vmem>>, vector<16xi32>,
    %swap3A_148 = arith.constant 576 : index
    %swap3A_149 = tpu.vector_load %arg12[%swap3A_148] {strides = array<i32>} : memref<4096xi32, #tpu.memory_space<vmem>>, vector<16xi32>,
    tpu.vector_store %arg12[%swap3A_148], %broadcast_in_dim3A_0 {strides = array<i32>} : memref<4096xi32, #tpu.memory_space<vmem>>, vector<16xi32>,
    %swap3A_150 = arith.constant 592 : index
    %swap3A_151 = tpu.vector_load %arg11[%swap3A_150] {strides = array<i32>} : memref<4096xi32, #tpu.memory_space<vmem>>, vector<16xi32>,
    tpu.vector_store %arg11[%swap3A_150], %broadcast_in_dim3A_0 {strides = array<i32>} : memref<4096xi32, #tpu.memory_space<vmem>>, vector<16xi32>,
    %swap3A_152 = arith.constant 592 : index
    %swap3A_153 = tpu.vector_load %arg12[%swap3A_152] {strides = array<i32>} : memref<4096xi32, #tpu.memory_space<vmem>>, vector<16xi32>,
    tpu.vector_store %arg12[%swap3A_152], %broadcast_in_dim3A_0 {strides = array<i32>} : memref<4096xi32, #tpu.memory_space<vmem>>, vector<16xi32>,
    %swap3A_154 = arith.constant 608 : index
    %swap3A_155 = tpu.vector_load %arg11[%swap3A_154] {strides = array<i32>} : memref<4096xi32, #tpu.memory_space<vmem>>, vector<16xi32>,
    tpu.vector_store %arg11[%swap3A_154], %broadcast_in_dim3A_0 {strides = array<i32>} : memref<4096xi32, #tpu.memory_space<vmem>>, vector<16xi32>,
    %swap3A_156 = arith.constant 608 : index
    %swap3A_157 = tpu.vector_load %arg12[%swap3A_156] {strides = array<i32>} : memref<4096xi32, #tpu.memory_space<vmem>>, vector<16xi32>,
    tpu.vector_store %arg12[%swap3A_156], %broadcast_in_dim3A_0 {strides = array<i32>} : memref<4096xi32, #tpu.memory_space<vmem>>, vector<16xi32>,
    %swap3A_158 = arith.constant 624 : index
    %swap3A_159 = tpu.vector_load %arg11[%swap3A_158] {strides = array<i32>} : memref<4096xi32, #tpu.memory_space<vmem>>, vector<16xi32>,
    tpu.vector_store %arg11[%swap3A_158], %broadcast_in_dim3A_0 {strides = array<i32>} : memref<4096xi32, #tpu.memory_space<vmem>>, vector<16xi32>,
    %swap3A_160 = arith.constant 624 : index
    %swap3A_161 = tpu.vector_load %arg12[%swap3A_160] {strides = array<i32>} : memref<4096xi32, #tpu.memory_space<vmem>>, vector<16xi32>,
    tpu.vector_store %arg12[%swap3A_160], %broadcast_in_dim3A_0 {strides = array<i32>} : memref<4096xi32, #tpu.memory_space<vmem>>, vector<16xi32>,
    %swap3A_162 = arith.constant 640 : index
    %swap3A_163 = tpu.vector_load %arg11[%swap3A_162] {strides = array<i32>} : memref<4096xi32, #tpu.memory_space<vmem>>, vector<16xi32>,
    tpu.vector_store %arg11[%swap3A_162], %broadcast_in_dim3A_0 {strides = array<i32>} : memref<4096xi32, #tpu.memory_space<vmem>>, vector<16xi32>,
    %swap3A_164 = arith.constant 640 : index
    %swap3A_165 = tpu.vector_load %arg12[%swap3A_164] {strides = array<i32>} : memref<4096xi32, #tpu.memory_space<vmem>>, vector<16xi32>,
    tpu.vector_store %arg12[%swap3A_164], %broadcast_in_dim3A_0 {strides = array<i32>} : memref<4096xi32, #tpu.memory_space<vmem>>, vector<16xi32>,
    %swap3A_166 = arith.constant 656 : index
    %swap3A_167 = tpu.vector_load %arg11[%swap3A_166] {strides = array<i32>} : memref<4096xi32, #tpu.memory_space<vmem>>, vector<16xi32>,
    tpu.vector_store %arg11[%swap3A_166], %broadcast_in_dim3A_0 {strides = array<i32>} : memref<4096xi32, #tpu.memory_space<vmem>>, vector<16xi32>,
    %swap3A_168 = arith.constant 656 : index
    %swap3A_169 = tpu.vector_load %arg12[%swap3A_168] {strides = array<i32>} : memref<4096xi32, #tpu.memory_space<vmem>>, vector<16xi32>,
    tpu.vector_store %arg12[%swap3A_168], %broadcast_in_dim3A_0 {strides = array<i32>} : memref<4096xi32, #tpu.memory_space<vmem>>, vector<16xi32>,
    %swap3A_170 = arith.constant 672 : index
    %swap3A_171 = tpu.vector_load %arg11[%swap3A_170] {strides = array<i32>} : memref<4096xi32, #tpu.memory_space<vmem>>, vector<16xi32>,
    tpu.vector_store %arg11[%swap3A_170], %broadcast_in_dim3A_0 {strides = array<i32>} : memref<4096xi32, #tpu.memory_space<vmem>>, vector<16xi32>,
    %swap3A_172 = arith.constant 672 : index
    %swap3A_173 = tpu.vector_load %arg12[%swap3A_172] {strides = array<i32>} : memref<4096xi32, #tpu.memory_space<vmem>>, vector<16xi32>,
    tpu.vector_store %arg12[%swap3A_172], %broadcast_in_dim3A_0 {strides = array<i32>} : memref<4096xi32, #tpu.memory_space<vmem>>, vector<16xi32>,
    %swap3A_174 = arith.constant 688 : index
    %swap3A_175 = tpu.vector_load %arg11[%swap3A_174] {strides = array<i32>} : memref<4096xi32, #tpu.memory_space<vmem>>, vector<16xi32>,
    tpu.vector_store %arg11[%swap3A_174], %broadcast_in_dim3A_0 {strides = array<i32>} : memref<4096xi32, #tpu.memory_space<vmem>>, vector<16xi32>,
    %swap3A_176 = arith.constant 688 : index
    %swap3A_177 = tpu.vector_load %arg12[%swap3A_176] {strides = array<i32>} : memref<4096xi32, #tpu.memory_space<vmem>>, vector<16xi32>,
    tpu.vector_store %arg12[%swap3A_176], %broadcast_in_dim3A_0 {strides = array<i32>} : memref<4096xi32, #tpu.memory_space<vmem>>, vector<16xi32>,
    %swap3A_178 = arith.constant 704 : index
    %swap3A_179 = tpu.vector_load %arg11[%swap3A_178] {strides = array<i32>} : memref<4096xi32, #tpu.memory_space<vmem>>, vector<16xi32>,
    tpu.vector_store %arg11[%swap3A_178], %broadcast_in_dim3A_0 {strides = array<i32>} : memref<4096xi32, #tpu.memory_space<vmem>>, vector<16xi32>,
    %swap3A_180 = arith.constant 704 : index
    %swap3A_181 = tpu.vector_load %arg12[%swap3A_180] {strides = array<i32>} : memref<4096xi32, #tpu.memory_space<vmem>>, vector<16xi32>,
    tpu.vector_store %arg12[%swap3A_180], %broadcast_in_dim3A_0 {strides = array<i32>} : memref<4096xi32, #tpu.memory_space<vmem>>, vector<16xi32>,
    %swap3A_182 = arith.constant 720 : index
    %swap3A_183 = tpu.vector_load %arg11[%swap3A_182] {strides = array<i32>} : memref<4096xi32, #tpu.memory_space<vmem>>, vector<16xi32>,
    tpu.vector_store %arg11[%swap3A_182], %broadcast_in_dim3A_0 {strides = array<i32>} : memref<4096xi32, #tpu.memory_space<vmem>>, vector<16xi32>,
    %swap3A_184 = arith.constant 720 : index
    %swap3A_185 = tpu.vector_load %arg12[%swap3A_184] {strides = array<i32>} : memref<4096xi32, #tpu.memory_space<vmem>>, vector<16xi32>,
    tpu.vector_store %arg12[%swap3A_184], %broadcast_in_dim3A_0 {strides = array<i32>} : memref<4096xi32, #tpu.memory_space<vmem>>, vector<16xi32>,
    %swap3A_186 = arith.constant 736 : index
    %swap3A_187 = tpu.vector_load %arg11[%swap3A_186] {strides = array<i32>} : memref<4096xi32, #tpu.memory_space<vmem>>, vector<16xi32>,
    tpu.vector_store %arg11[%swap3A_186], %broadcast_in_dim3A_0 {strides = array<i32>} : memref<4096xi32, #tpu.memory_space<vmem>>, vector<16xi32>,
    %swap3A_188 = arith.constant 736 : index
    %swap3A_189 = tpu.vector_load %arg12[%swap3A_188] {strides = array<i32>} : memref<4096xi32, #tpu.memory_space<vmem>>, vector<16xi32>,
    tpu.vector_store %arg12[%swap3A_188], %broadcast_in_dim3A_0 {strides = array<i32>} : memref<4096xi32, #tpu.memory_space<vmem>>, vector<16xi32>,
    %swap3A_190 = arith.constant 752 : index
    %swap3A_191 = tpu.vector_load %arg11[%swap3A_190] {strides = array<i32>} : memref<4096xi32, #tpu.memory_space<vmem>>, vector<16xi32>,
    tpu.vector_store %arg11[%swap3A_190], %broadcast_in_dim3A_0 {strides = array<i32>} : memref<4096xi32, #tpu.memory_space<vmem>>, vector<16xi32>,
    %swap3A_192 = arith.constant 752 : index
    %swap3A_193 = tpu.vector_load %arg12[%swap3A_192] {strides = array<i32>} : memref<4096xi32, #tpu.memory_space<vmem>>, vector<16xi32>,
    tpu.vector_store %arg12[%swap3A_192], %broadcast_in_dim3A_0 {strides = array<i32>} : memref<4096xi32, #tpu.memory_space<vmem>>, vector<16xi32>,
    %swap3A_194 = arith.constant 768 : index
    %swap3A_195 = tpu.vector_load %arg11[%swap3A_194] {strides = array<i32>} : memref<4096xi32, #tpu.memory_space<vmem>>, vector<16xi32>,
    tpu.vector_store %arg11[%swap3A_194], %broadcast_in_dim3A_0 {strides = array<i32>} : memref<4096xi32, #tpu.memory_space<vmem>>, vector<16xi32>,
    %swap3A_196 = arith.constant 768 : index
    %swap3A_197 = tpu.vector_load %arg12[%swap3A_196] {strides = array<i32>} : memref<4096xi32, #tpu.memory_space<vmem>>, vector<16xi32>,
    tpu.vector_store %arg12[%swap3A_196], %broadcast_in_dim3A_0 {strides = array<i32>} : memref<4096xi32, #tpu.memory_space<vmem>>, vector<16xi32>,
    %swap3A_198 = arith.constant 784 : index
    %swap3A_199 = tpu.vector_load %arg11[%swap3A_198] {strides = array<i32>} : memref<4096xi32, #tpu.memory_space<vmem>>, vector<16xi32>,
    tpu.vector_store %arg11[%swap3A_198], %broadcast_in_dim3A_0 {strides = array<i32>} : memref<4096xi32, #tpu.memory_space<vmem>>, vector<16xi32>,
    %swap3A_200 = arith.constant 784 : index
    %swap3A_201 = tpu.vector_load %arg12[%swap3A_200] {strides = array<i32>} : memref<4096xi32, #tpu.memory_space<vmem>>, vector<16xi32>,
    tpu.vector_store %arg12[%swap3A_200], %broadcast_in_dim3A_0 {strides = array<i32>} : memref<4096xi32, #tpu.memory_space<vmem>>, vector<16xi32>,
    %swap3A_202 = arith.constant 800 : index
    %swap3A_203 = tpu.vector_load %arg11[%swap3A_202] {strides = array<i32>} : memref<4096xi32, #tpu.memory_space<vmem>>, vector<16xi32>,
    tpu.vector_store %arg11[%swap3A_202], %broadcast_in_dim3A_0 {strides = array<i32>} : memref<4096xi32, #tpu.memory_space<vmem>>, vector<16xi32>,
    %swap3A_204 = arith.constant 800 : index
    %swap3A_205 = tpu.vector_load %arg12[%swap3A_204] {strides = array<i32>} : memref<4096xi32, #tpu.memory_space<vmem>>, vector<16xi32>,
    tpu.vector_store %arg12[%swap3A_204], %broadcast_in_dim3A_0 {strides = array<i32>} : memref<4096xi32, #tpu.memory_space<vmem>>, vector<16xi32>,
    %swap3A_206 = arith.constant 816 : index
    %swap3A_207 = tpu.vector_load %arg11[%swap3A_206] {strides = array<i32>} : memref<4096xi32, #tpu.memory_space<vmem>>, vector<16xi32>,
    tpu.vector_store %arg11[%swap3A_206], %broadcast_in_dim3A_0 {strides = array<i32>} : memref<4096xi32, #tpu.memory_space<vmem>>, vector<16xi32>,
    %swap3A_208 = arith.constant 816 : index
    %swap3A_209 = tpu.vector_load %arg12[%swap3A_208] {strides = array<i32>} : memref<4096xi32, #tpu.memory_space<vmem>>, vector<16xi32>,
    tpu.vector_store %arg12[%swap3A_208], %broadcast_in_dim3A_0 {strides = array<i32>} : memref<4096xi32, #tpu.memory_space<vmem>>, vector<16xi32>,
    %swap3A_210 = arith.constant 832 : index
    %swap3A_211 = tpu.vector_load %arg11[%swap3A_210] {strides = array<i32>} : memref<4096xi32, #tpu.memory_space<vmem>>, vector<16xi32>,
    tpu.vector_store %arg11[%swap3A_210], %broadcast_in_dim3A_0 {strides = array<i32>} : memref<4096xi32, #tpu.memory_space<vmem>>, vector<16xi32>,
    %swap3A_212 = arith.constant 832 : index
    %swap3A_213 = tpu.vector_load %arg12[%swap3A_212] {strides = array<i32>} : memref<4096xi32, #tpu.memory_space<vmem>>, vector<16xi32>,
    tpu.vector_store %arg12[%swap3A_212], %broadcast_in_dim3A_0 {strides = array<i32>} : memref<4096xi32, #tpu.memory_space<vmem>>, vector<16xi32>,
    %swap3A_214 = arith.constant 848 : index
    %swap3A_215 = tpu.vector_load %arg11[%swap3A_214] {strides = array<i32>} : memref<4096xi32, #tpu.memory_space<vmem>>, vector<16xi32>,
    tpu.vector_store %arg11[%swap3A_214], %broadcast_in_dim3A_0 {strides = array<i32>} : memref<4096xi32, #tpu.memory_space<vmem>>, vector<16xi32>,
    %swap3A_216 = arith.constant 848 : index
    %swap3A_217 = tpu.vector_load %arg12[%swap3A_216] {strides = array<i32>} : memref<4096xi32, #tpu.memory_space<vmem>>, vector<16xi32>,
    tpu.vector_store %arg12[%swap3A_216], %broadcast_in_dim3A_0 {strides = array<i32>} : memref<4096xi32, #tpu.memory_space<vmem>>, vector<16xi32>,
    %swap3A_218 = arith.constant 864 : index
    %swap3A_219 = tpu.vector_load %arg11[%swap3A_218] {strides = array<i32>} : memref<4096xi32, #tpu.memory_space<vmem>>, vector<16xi32>,
    tpu.vector_store %arg11[%swap3A_218], %broadcast_in_dim3A_0 {strides = array<i32>} : memref<4096xi32, #tpu.memory_space<vmem>>, vector<16xi32>,
    %swap3A_220 = arith.constant 864 : index
    %swap3A_221 = tpu.vector_load %arg12[%swap3A_220] {strides = array<i32>} : memref<4096xi32, #tpu.memory_space<vmem>>, vector<16xi32>,
    tpu.vector_store %arg12[%swap3A_220], %broadcast_in_dim3A_0 {strides = array<i32>} : memref<4096xi32, #tpu.memory_space<vmem>>, vector<16xi32>,
    %swap3A_222 = arith.constant 880 : index
    %swap3A_223 = tpu.vector_load %arg11[%swap3A_222] {strides = array<i32>} : memref<4096xi32, #tpu.memory_space<vmem>>, vector<16xi32>,
    tpu.vector_store %arg11[%swap3A_222], %broadcast_in_dim3A_0 {strides = array<i32>} : memref<4096xi32, #tpu.memory_space<vmem>>, vector<16xi32>,
    %swap3A_224 = arith.constant 880 : index
    %swap3A_225 = tpu.vector_load %arg12[%swap3A_224] {strides = array<i32>} : memref<4096xi32, #tpu.memory_space<vmem>>, vector<16xi32>,
    tpu.vector_store %arg12[%swap3A_224], %broadcast_in_dim3A_0 {strides = array<i32>} : memref<4096xi32, #tpu.memory_space<vmem>>, vector<16xi32>,
    %swap3A_226 = arith.constant 896 : index
    %swap3A_227 = tpu.vector_load %arg11[%swap3A_226] {strides = array<i32>} : memref<4096xi32, #tpu.memory_space<vmem>>, vector<16xi32>,
    tpu.vector_store %arg11[%swap3A_226], %broadcast_in_dim3A_0 {strides = array<i32>} : memref<4096xi32, #tpu.memory_space<vmem>>, vector<16xi32>,
    %swap3A_228 = arith.constant 896 : index
    %swap3A_229 = tpu.vector_load %arg12[%swap3A_228] {strides = array<i32>} : memref<4096xi32, #tpu.memory_space<vmem>>, vector<16xi32>,
    tpu.vector_store %arg12[%swap3A_228], %broadcast_in_dim3A_0 {strides = array<i32>} : memref<4096xi32, #tpu.memory_space<vmem>>, vector<16xi32>,
    %swap3A_230 = arith.constant 912 : index
    %swap3A_231 = tpu.vector_load %arg11[%swap3A_230] {strides = array<i32>} : memref<4096xi32, #tpu.memory_space<vmem>>, vector<16xi32>,
    tpu.vector_store %arg11[%swap3A_230], %broadcast_in_dim3A_0 {strides = array<i32>} : memref<4096xi32, #tpu.memory_space<vmem>>, vector<16xi32>,
    %swap3A_232 = arith.constant 912 : index
    %swap3A_233 = tpu.vector_load %arg12[%swap3A_232] {strides = array<i32>} : memref<4096xi32, #tpu.memory_space<vmem>>, vector<16xi32>,
    tpu.vector_store %arg12[%swap3A_232], %broadcast_in_dim3A_0 {strides = array<i32>} : memref<4096xi32, #tpu.memory_space<vmem>>, vector<16xi32>,
    %swap3A_234 = arith.constant 928 : index
    %swap3A_235 = tpu.vector_load %arg11[%swap3A_234] {strides = array<i32>} : memref<4096xi32, #tpu.memory_space<vmem>>, vector<16xi32>,
    tpu.vector_store %arg11[%swap3A_234], %broadcast_in_dim3A_0 {strides = array<i32>} : memref<4096xi32, #tpu.memory_space<vmem>>, vector<16xi32>,
    %swap3A_236 = arith.constant 928 : index
    %swap3A_237 = tpu.vector_load %arg12[%swap3A_236] {strides = array<i32>} : memref<4096xi32, #tpu.memory_space<vmem>>, vector<16xi32>,
    tpu.vector_store %arg12[%swap3A_236], %broadcast_in_dim3A_0 {strides = array<i32>} : memref<4096xi32, #tpu.memory_space<vmem>>, vector<16xi32>,
    %swap3A_238 = arith.constant 944 : index
    %swap3A_239 = tpu.vector_load %arg11[%swap3A_238] {strides = array<i32>} : memref<4096xi32, #tpu.memory_space<vmem>>, vector<16xi32>,
    tpu.vector_store %arg11[%swap3A_238], %broadcast_in_dim3A_0 {strides = array<i32>} : memref<4096xi32, #tpu.memory_space<vmem>>, vector<16xi32>,
    %swap3A_240 = arith.constant 944 : index
    %swap3A_241 = tpu.vector_load %arg12[%swap3A_240] {strides = array<i32>} : memref<4096xi32, #tpu.memory_space<vmem>>, vector<16xi32>,
    tpu.vector_store %arg12[%swap3A_240], %broadcast_in_dim3A_0 {strides = array<i32>} : memref<4096xi32, #tpu.memory_space<vmem>>, vector<16xi32>,
    %swap3A_242 = arith.constant 960 : index
    %swap3A_243 = tpu.vector_load %arg11[%swap3A_242] {strides = array<i32>} : memref<4096xi32, #tpu.memory_space<vmem>>, vector<16xi32>,
    tpu.vector_store %arg11[%swap3A_242], %broadcast_in_dim3A_0 {strides = array<i32>} : memref<4096xi32, #tpu.memory_space<vmem>>, vector<16xi32>,
    %swap3A_244 = arith.constant 960 : index
    %swap3A_245 = tpu.vector_load %arg12[%swap3A_244] {strides = array<i32>} : memref<4096xi32, #tpu.memory_space<vmem>>, vector<16xi32>,
    tpu.vector_store %arg12[%swap3A_244], %broadcast_in_dim3A_0 {strides = array<i32>} : memref<4096xi32, #tpu.memory_space<vmem>>, vector<16xi32>,
    %swap3A_246 = arith.constant 976 : index
    %swap3A_247 = tpu.vector_load %arg11[%swap3A_246] {strides = array<i32>} : memref<4096xi32, #tpu.memory_space<vmem>>, vector<16xi32>,
    tpu.vector_store %arg11[%swap3A_246], %broadcast_in_dim3A_0 {strides = array<i32>} : memref<4096xi32, #tpu.memory_space<vmem>>, vector<16xi32>,
    %swap3A_248 = arith.constant 976 : index
    %swap3A_249 = tpu.vector_load %arg12[%swap3A_248] {strides = array<i32>} : memref<4096xi32, #tpu.memory_space<vmem>>, vector<16xi32>,
    tpu.vector_store %arg12[%swap3A_248], %broadcast_in_dim3A_0 {strides = array<i32>} : memref<4096xi32, #tpu.memory_space<vmem>>, vector<16xi32>,
    %swap3A_250 = arith.constant 992 : index
    %swap3A_251 = tpu.vector_load %arg11[%swap3A_250] {strides = array<i32>} : memref<4096xi32, #tpu.memory_space<vmem>>, vector<16xi32>,
    tpu.vector_store %arg11[%swap3A_250], %broadcast_in_dim3A_0 {strides = array<i32>} : memref<4096xi32, #tpu.memory_space<vmem>>, vector<16xi32>,
    %swap3A_252 = arith.constant 992 : index
    %swap3A_253 = tpu.vector_load %arg12[%swap3A_252] {strides = array<i32>} : memref<4096xi32, #tpu.memory_space<vmem>>, vector<16xi32>,
    tpu.vector_store %arg12[%swap3A_252], %broadcast_in_dim3A_0 {strides = array<i32>} : memref<4096xi32, #tpu.memory_space<vmem>>, vector<16xi32>,
    %swap3A_254 = arith.constant 1008 : index
    %swap3A_255 = tpu.vector_load %arg11[%swap3A_254] {strides = array<i32>} : memref<4096xi32, #tpu.memory_space<vmem>>, vector<16xi32>,
    tpu.vector_store %arg11[%swap3A_254], %broadcast_in_dim3A_0 {strides = array<i32>} : memref<4096xi32, #tpu.memory_space<vmem>>, vector<16xi32>,
    %swap3A_256 = arith.constant 1008 : index
    %swap3A_257 = tpu.vector_load %arg12[%swap3A_256] {strides = array<i32>} : memref<4096xi32, #tpu.memory_space<vmem>>, vector<16xi32>,
    tpu.vector_store %arg12[%swap3A_256], %broadcast_in_dim3A_0 {strides = array<i32>} : memref<4096xi32, #tpu.memory_space<vmem>>, vector<16xi32>,
    %swap3A_258 = arith.constant 1024 : index
    %swap3A_259 = tpu.vector_load %arg11[%swap3A_258] {strides = array<i32>} : memref<4096xi32, #tpu.memory_space<vmem>>, vector<16xi32>,
    tpu.vector_store %arg11[%swap3A_258], %broadcast_in_dim3A_0 {strides = array<i32>} : memref<4096xi32, #tpu.memory_space<vmem>>, vector<16xi32>,
    %swap3A_260 = arith.constant 1024 : index
    %swap3A_261 = tpu.vector_load %arg12[%swap3A_260] {strides = array<i32>} : memref<4096xi32, #tpu.memory_space<vmem>>, vector<16xi32>,
    tpu.vector_store %arg12[%swap3A_260], %broadcast_in_dim3A_0 {strides = array<i32>} : memref<4096xi32, #tpu.memory_space<vmem>>, vector<16xi32>,
    %swap3A_262 = arith.constant 1040 : index
    %swap3A_263 = tpu.vector_load %arg11[%swap3A_262] {strides = array<i32>} : memref<4096xi32, #tpu.memory_space<vmem>>, vector<16xi32>,
    tpu.vector_store %arg11[%swap3A_262], %broadcast_in_dim3A_0 {strides = array<i32>} : memref<4096xi32, #tpu.memory_space<vmem>>, vector<16xi32>,
    %swap3A_264 = arith.constant 1040 : index
    %swap3A_265 = tpu.vector_load %arg12[%swap3A_264] {strides = array<i32>} : memref<4096xi32, #tpu.memory_space<vmem>>, vector<16xi32>,
    tpu.vector_store %arg12[%swap3A_264], %broadcast_in_dim3A_0 {strides = array<i32>} : memref<4096xi32, #tpu.memory_space<vmem>>, vector<16xi32>,
    %swap3A_266 = arith.constant 1056 : index
    %swap3A_267 = tpu.vector_load %arg11[%swap3A_266] {strides = array<i32>} : memref<4096xi32, #tpu.memory_space<vmem>>, vector<16xi32>,
    tpu.vector_store %arg11[%swap3A_266], %broadcast_in_dim3A_0 {strides = array<i32>} : memref<4096xi32, #tpu.memory_space<vmem>>, vector<16xi32>,
    %swap3A_268 = arith.constant 1056 : index
    %swap3A_269 = tpu.vector_load %arg12[%swap3A_268] {strides = array<i32>} : memref<4096xi32, #tpu.memory_space<vmem>>, vector<16xi32>,
    tpu.vector_store %arg12[%swap3A_268], %broadcast_in_dim3A_0 {strides = array<i32>} : memref<4096xi32, #tpu.memory_space<vmem>>, vector<16xi32>,
    %swap3A_270 = arith.constant 1072 : index
    %swap3A_271 = tpu.vector_load %arg11[%swap3A_270] {strides = array<i32>} : memref<4096xi32, #tpu.memory_space<vmem>>, vector<16xi32>,
    tpu.vector_store %arg11[%swap3A_270], %broadcast_in_dim3A_0 {strides = array<i32>} : memref<4096xi32, #tpu.memory_space<vmem>>, vector<16xi32>,
    %swap3A_272 = arith.constant 1072 : index
    %swap3A_273 = tpu.vector_load %arg12[%swap3A_272] {strides = array<i32>} : memref<4096xi32, #tpu.memory_space<vmem>>, vector<16xi32>,
    tpu.vector_store %arg12[%swap3A_272], %broadcast_in_dim3A_0 {strides = array<i32>} : memref<4096xi32, #tpu.memory_space<vmem>>, vector<16xi32>,
    %swap3A_274 = arith.constant 1088 : index
    %swap3A_275 = tpu.vector_load %arg11[%swap3A_274] {strides = array<i32>} : memref<4096xi32, #tpu.memory_space<vmem>>, vector<16xi32>,
    tpu.vector_store %arg11[%swap3A_274], %broadcast_in_dim3A_0 {strides = array<i32>} : memref<4096xi32, #tpu.memory_space<vmem>>, vector<16xi32>,
    %swap3A_276 = arith.constant 1088 : index
    %swap3A_277 = tpu.vector_load %arg12[%swap3A_276] {strides = array<i32>} : memref<4096xi32, #tpu.memory_space<vmem>>, vector<16xi32>,
    tpu.vector_store %arg12[%swap3A_276], %broadcast_in_dim3A_0 {strides = array<i32>} : memref<4096xi32, #tpu.memory_space<vmem>>, vector<16xi32>,
    %swap3A_278 = arith.constant 1104 : index
    %swap3A_279 = tpu.vector_load %arg11[%swap3A_278] {strides = array<i32>} : memref<4096xi32, #tpu.memory_space<vmem>>, vector<16xi32>,
    tpu.vector_store %arg11[%swap3A_278], %broadcast_in_dim3A_0 {strides = array<i32>} : memref<4096xi32, #tpu.memory_space<vmem>>, vector<16xi32>,
    %swap3A_280 = arith.constant 1104 : index
    %swap3A_281 = tpu.vector_load %arg12[%swap3A_280] {strides = array<i32>} : memref<4096xi32, #tpu.memory_space<vmem>>, vector<16xi32>,
    tpu.vector_store %arg12[%swap3A_280], %broadcast_in_dim3A_0 {strides = array<i32>} : memref<4096xi32, #tpu.memory_space<vmem>>, vector<16xi32>,
    %swap3A_282 = arith.constant 1120 : index
    %swap3A_283 = tpu.vector_load %arg11[%swap3A_282] {strides = array<i32>} : memref<4096xi32, #tpu.memory_space<vmem>>, vector<16xi32>,
    tpu.vector_store %arg11[%swap3A_282], %broadcast_in_dim3A_0 {strides = array<i32>} : memref<4096xi32, #tpu.memory_space<vmem>>, vector<16xi32>,
    %swap3A_284 = arith.constant 1120 : index
    %swap3A_285 = tpu.vector_load %arg12[%swap3A_284] {strides = array<i32>} : memref<4096xi32, #tpu.memory_space<vmem>>, vector<16xi32>,
    tpu.vector_store %arg12[%swap3A_284], %broadcast_in_dim3A_0 {strides = array<i32>} : memref<4096xi32, #tpu.memory_space<vmem>>, vector<16xi32>,
    %swap3A_286 = arith.constant 1136 : index
    %swap3A_287 = tpu.vector_load %arg11[%swap3A_286] {strides = array<i32>} : memref<4096xi32, #tpu.memory_space<vmem>>, vector<16xi32>,
    tpu.vector_store %arg11[%swap3A_286], %broadcast_in_dim3A_0 {strides = array<i32>} : memref<4096xi32, #tpu.memory_space<vmem>>, vector<16xi32>,
    %swap3A_288 = arith.constant 1136 : index
    %swap3A_289 = tpu.vector_load %arg12[%swap3A_288] {strides = array<i32>} : memref<4096xi32, #tpu.memory_space<vmem>>, vector<16xi32>,
    tpu.vector_store %arg12[%swap3A_288], %broadcast_in_dim3A_0 {strides = array<i32>} : memref<4096xi32, #tpu.memory_space<vmem>>, vector<16xi32>,
    %swap3A_290 = arith.constant 1152 : index
    %swap3A_291 = tpu.vector_load %arg11[%swap3A_290] {strides = array<i32>} : memref<4096xi32, #tpu.memory_space<vmem>>, vector<16xi32>,
    tpu.vector_store %arg11[%swap3A_290], %broadcast_in_dim3A_0 {strides = array<i32>} : memref<4096xi32, #tpu.memory_space<vmem>>, vector<16xi32>,
    %swap3A_292 = arith.constant 1152 : index
    %swap3A_293 = tpu.vector_load %arg12[%swap3A_292] {strides = array<i32>} : memref<4096xi32, #tpu.memory_space<vmem>>, vector<16xi32>,
    tpu.vector_store %arg12[%swap3A_292], %broadcast_in_dim3A_0 {strides = array<i32>} : memref<4096xi32, #tpu.memory_space<vmem>>, vector<16xi32>,
    %swap3A_294 = arith.constant 1168 : index
    %swap3A_295 = tpu.vector_load %arg11[%swap3A_294] {strides = array<i32>} : memref<4096xi32, #tpu.memory_space<vmem>>, vector<16xi32>,
    tpu.vector_store %arg11[%swap3A_294], %broadcast_in_dim3A_0 {strides = array<i32>} : memref<4096xi32, #tpu.memory_space<vmem>>, vector<16xi32>,
    %swap3A_296 = arith.constant 1168 : index
    %swap3A_297 = tpu.vector_load %arg12[%swap3A_296] {strides = array<i32>} : memref<4096xi32, #tpu.memory_space<vmem>>, vector<16xi32>,
    tpu.vector_store %arg12[%swap3A_296], %broadcast_in_dim3A_0 {strides = array<i32>} : memref<4096xi32, #tpu.memory_space<vmem>>, vector<16xi32>,
    %swap3A_298 = arith.constant 1184 : index
    %swap3A_299 = tpu.vector_load %arg11[%swap3A_298] {strides = array<i32>} : memref<4096xi32, #tpu.memory_space<vmem>>, vector<16xi32>,
    tpu.vector_store %arg11[%swap3A_298], %broadcast_in_dim3A_0 {strides = array<i32>} : memref<4096xi32, #tpu.memory_space<vmem>>, vector<16xi32>,
    %swap3A_300 = arith.constant 1184 : index
    %swap3A_301 = tpu.vector_load %arg12[%swap3A_300] {strides = array<i32>} : memref<4096xi32, #tpu.memory_space<vmem>>, vector<16xi32>,
    tpu.vector_store %arg12[%swap3A_300], %broadcast_in_dim3A_0 {strides = array<i32>} : memref<4096xi32, #tpu.memory_space<vmem>>, vector<16xi32>,
    %swap3A_302 = arith.constant 1200 : index
    %swap3A_303 = tpu.vector_load %arg11[%swap3A_302] {strides = array<i32>} : memref<4096xi32, #tpu.memory_space<vmem>>, vector<16xi32>,
    tpu.vector_store %arg11[%swap3A_302], %broadcast_in_dim3A_0 {strides = array<i32>} : memref<4096xi32, #tpu.memory_space<vmem>>, vector<16xi32>,
    %swap3A_304 = arith.constant 1200 : index
    %swap3A_305 = tpu.vector_load %arg12[%swap3A_304] {strides = array<i32>} : memref<4096xi32, #tpu.memory_space<vmem>>, vector<16xi32>,
    tpu.vector_store %arg12[%swap3A_304], %broadcast_in_dim3A_0 {strides = array<i32>} : memref<4096xi32, #tpu.memory_space<vmem>>, vector<16xi32>,
    %swap3A_306 = arith.constant 1216 : index
    %swap3A_307 = tpu.vector_load %arg11[%swap3A_306] {strides = array<i32>} : memref<4096xi32, #tpu.memory_space<vmem>>, vector<16xi32>,
    tpu.vector_store %arg11[%swap3A_306], %broadcast_in_dim3A_0 {strides = array<i32>} : memref<4096xi32, #tpu.memory_space<vmem>>, vector<16xi32>,
    %swap3A_308 = arith.constant 1216 : index
    %swap3A_309 = tpu.vector_load %arg12[%swap3A_308] {strides = array<i32>} : memref<4096xi32, #tpu.memory_space<vmem>>, vector<16xi32>,
    tpu.vector_store %arg12[%swap3A_308], %broadcast_in_dim3A_0 {strides = array<i32>} : memref<4096xi32, #tpu.memory_space<vmem>>, vector<16xi32>,
    %swap3A_310 = arith.constant 1232 : index
    %swap3A_311 = tpu.vector_load %arg11[%swap3A_310] {strides = array<i32>} : memref<4096xi32, #tpu.memory_space<vmem>>, vector<16xi32>,
    tpu.vector_store %arg11[%swap3A_310], %broadcast_in_dim3A_0 {strides = array<i32>} : memref<4096xi32, #tpu.memory_space<vmem>>, vector<16xi32>,
    %swap3A_312 = arith.constant 1232 : index
    %swap3A_313 = tpu.vector_load %arg12[%swap3A_312] {strides = array<i32>} : memref<4096xi32, #tpu.memory_space<vmem>>, vector<16xi32>,
    tpu.vector_store %arg12[%swap3A_312], %broadcast_in_dim3A_0 {strides = array<i32>} : memref<4096xi32, #tpu.memory_space<vmem>>, vector<16xi32>,
    %swap3A_314 = arith.constant 1248 : index
    %swap3A_315 = tpu.vector_load %arg11[%swap3A_314] {strides = array<i32>} : memref<4096xi32, #tpu.memory_space<vmem>>, vector<16xi32>,
    tpu.vector_store %arg11[%swap3A_314], %broadcast_in_dim3A_0 {strides = array<i32>} : memref<4096xi32, #tpu.memory_space<vmem>>, vector<16xi32>,
    %swap3A_316 = arith.constant 1248 : index
    %swap3A_317 = tpu.vector_load %arg12[%swap3A_316] {strides = array<i32>} : memref<4096xi32, #tpu.memory_space<vmem>>, vector<16xi32>,
    tpu.vector_store %arg12[%swap3A_316], %broadcast_in_dim3A_0 {strides = array<i32>} : memref<4096xi32, #tpu.memory_space<vmem>>, vector<16xi32>,
    %swap3A_318 = arith.constant 1264 : index
    %swap3A_319 = tpu.vector_load %arg11[%swap3A_318] {strides = array<i32>} : memref<4096xi32, #tpu.memory_space<vmem>>, vector<16xi32>,
    tpu.vector_store %arg11[%swap3A_318], %broadcast_in_dim3A_0 {strides = array<i32>} : memref<4096xi32, #tpu.memory_space<vmem>>, vector<16xi32>,
    %swap3A_320 = arith.constant 1264 : index
    %swap3A_321 = tpu.vector_load %arg12[%swap3A_320] {strides = array<i32>} : memref<4096xi32, #tpu.memory_space<vmem>>, vector<16xi32>,
    tpu.vector_store %arg12[%swap3A_320], %broadcast_in_dim3A_0 {strides = array<i32>} : memref<4096xi32, #tpu.memory_space<vmem>>, vector<16xi32>,
    %swap3A_322 = arith.constant 1280 : index
    %swap3A_323 = tpu.vector_load %arg11[%swap3A_322] {strides = array<i32>} : memref<4096xi32, #tpu.memory_space<vmem>>, vector<16xi32>,
    tpu.vector_store %arg11[%swap3A_322], %broadcast_in_dim3A_0 {strides = array<i32>} : memref<4096xi32, #tpu.memory_space<vmem>>, vector<16xi32>,
    %swap3A_324 = arith.constant 1280 : index
    %swap3A_325 = tpu.vector_load %arg12[%swap3A_324] {strides = array<i32>} : memref<4096xi32, #tpu.memory_space<vmem>>, vector<16xi32>,
    tpu.vector_store %arg12[%swap3A_324], %broadcast_in_dim3A_0 {strides = array<i32>} : memref<4096xi32, #tpu.memory_space<vmem>>, vector<16xi32>,
    %swap3A_326 = arith.constant 1296 : index
    %swap3A_327 = tpu.vector_load %arg11[%swap3A_326] {strides = array<i32>} : memref<4096xi32, #tpu.memory_space<vmem>>, vector<16xi32>,
    tpu.vector_store %arg11[%swap3A_326], %broadcast_in_dim3A_0 {strides = array<i32>} : memref<4096xi32, #tpu.memory_space<vmem>>, vector<16xi32>,
    %swap3A_328 = arith.constant 1296 : index
    %swap3A_329 = tpu.vector_load %arg12[%swap3A_328] {strides = array<i32>} : memref<4096xi32, #tpu.memory_space<vmem>>, vector<16xi32>,
    tpu.vector_store %arg12[%swap3A_328], %broadcast_in_dim3A_0 {strides = array<i32>} : memref<4096xi32, #tpu.memory_space<vmem>>, vector<16xi32>,
    %swap3A_330 = arith.constant 1312 : index
    %swap3A_331 = tpu.vector_load %arg11[%swap3A_330] {strides = array<i32>} : memref<4096xi32, #tpu.memory_space<vmem>>, vector<16xi32>,
    tpu.vector_store %arg11[%swap3A_330], %broadcast_in_dim3A_0 {strides = array<i32>} : memref<4096xi32, #tpu.memory_space<vmem>>, vector<16xi32>,
    %swap3A_332 = arith.constant 1312 : index
    %swap3A_333 = tpu.vector_load %arg12[%swap3A_332] {strides = array<i32>} : memref<4096xi32, #tpu.memory_space<vmem>>, vector<16xi32>,
    tpu.vector_store %arg12[%swap3A_332], %broadcast_in_dim3A_0 {strides = array<i32>} : memref<4096xi32, #tpu.memory_space<vmem>>, vector<16xi32>,
    %swap3A_334 = arith.constant 1328 : index
    %swap3A_335 = tpu.vector_load %arg11[%swap3A_334] {strides = array<i32>} : memref<4096xi32, #tpu.memory_space<vmem>>, vector<16xi32>,
    tpu.vector_store %arg11[%swap3A_334], %broadcast_in_dim3A_0 {strides = array<i32>} : memref<4096xi32, #tpu.memory_space<vmem>>, vector<16xi32>,
    %swap3A_336 = arith.constant 1328 : index
    %swap3A_337 = tpu.vector_load %arg12[%swap3A_336] {strides = array<i32>} : memref<4096xi32, #tpu.memory_space<vmem>>, vector<16xi32>,
    tpu.vector_store %arg12[%swap3A_336], %broadcast_in_dim3A_0 {strides = array<i32>} : memref<4096xi32, #tpu.memory_space<vmem>>, vector<16xi32>,
    %swap3A_338 = arith.constant 1344 : index
    %swap3A_339 = tpu.vector_load %arg11[%swap3A_338] {strides = array<i32>} : memref<4096xi32, #tpu.memory_space<vmem>>, vector<16xi32>,
    tpu.vector_store %arg11[%swap3A_338], %broadcast_in_dim3A_0 {strides = array<i32>} : memref<4096xi32, #tpu.memory_space<vmem>>, vector<16xi32>,
    %swap3A_340 = arith.constant 1344 : index
    %swap3A_341 = tpu.vector_load %arg12[%swap3A_340] {strides = array<i32>} : memref<4096xi32, #tpu.memory_space<vmem>>, vector<16xi32>,
    tpu.vector_store %arg12[%swap3A_340], %broadcast_in_dim3A_0 {strides = array<i32>} : memref<4096xi32, #tpu.memory_space<vmem>>, vector<16xi32>,
    %swap3A_342 = arith.constant 1360 : index
    %swap3A_343 = tpu.vector_load %arg11[%swap3A_342] {strides = array<i32>} : memref<4096xi32, #tpu.memory_space<vmem>>, vector<16xi32>,
    tpu.vector_store %arg11[%swap3A_342], %broadcast_in_dim3A_0 {strides = array<i32>} : memref<4096xi32, #tpu.memory_space<vmem>>, vector<16xi32>,
    %swap3A_344 = arith.constant 1360 : index
    %swap3A_345 = tpu.vector_load %arg12[%swap3A_344] {strides = array<i32>} : memref<4096xi32, #tpu.memory_space<vmem>>, vector<16xi32>,
    tpu.vector_store %arg12[%swap3A_344], %broadcast_in_dim3A_0 {strides = array<i32>} : memref<4096xi32, #tpu.memory_space<vmem>>, vector<16xi32>,
    %swap3A_346 = arith.constant 1376 : index
    %swap3A_347 = tpu.vector_load %arg11[%swap3A_346] {strides = array<i32>} : memref<4096xi32, #tpu.memory_space<vmem>>, vector<16xi32>,
    tpu.vector_store %arg11[%swap3A_346], %broadcast_in_dim3A_0 {strides = array<i32>} : memref<4096xi32, #tpu.memory_space<vmem>>, vector<16xi32>,
    %swap3A_348 = arith.constant 1376 : index
    %swap3A_349 = tpu.vector_load %arg12[%swap3A_348] {strides = array<i32>} : memref<4096xi32, #tpu.memory_space<vmem>>, vector<16xi32>,
    tpu.vector_store %arg12[%swap3A_348], %broadcast_in_dim3A_0 {strides = array<i32>} : memref<4096xi32, #tpu.memory_space<vmem>>, vector<16xi32>,
    %swap3A_350 = arith.constant 1392 : index
    %swap3A_351 = tpu.vector_load %arg11[%swap3A_350] {strides = array<i32>} : memref<4096xi32, #tpu.memory_space<vmem>>, vector<16xi32>,
    tpu.vector_store %arg11[%swap3A_350], %broadcast_in_dim3A_0 {strides = array<i32>} : memref<4096xi32, #tpu.memory_space<vmem>>, vector<16xi32>,
    %swap3A_352 = arith.constant 1392 : index
    %swap3A_353 = tpu.vector_load %arg12[%swap3A_352] {strides = array<i32>} : memref<4096xi32, #tpu.memory_space<vmem>>, vector<16xi32>,
    tpu.vector_store %arg12[%swap3A_352], %broadcast_in_dim3A_0 {strides = array<i32>} : memref<4096xi32, #tpu.memory_space<vmem>>, vector<16xi32>,
    %swap3A_354 = arith.constant 1408 : index
    %swap3A_355 = tpu.vector_load %arg11[%swap3A_354] {strides = array<i32>} : memref<4096xi32, #tpu.memory_space<vmem>>, vector<16xi32>,
    tpu.vector_store %arg11[%swap3A_354], %broadcast_in_dim3A_0 {strides = array<i32>} : memref<4096xi32, #tpu.memory_space<vmem>>, vector<16xi32>,
    %swap3A_356 = arith.constant 1408 : index
    %swap3A_357 = tpu.vector_load %arg12[%swap3A_356] {strides = array<i32>} : memref<4096xi32, #tpu.memory_space<vmem>>, vector<16xi32>,
    tpu.vector_store %arg12[%swap3A_356], %broadcast_in_dim3A_0 {strides = array<i32>} : memref<4096xi32, #tpu.memory_space<vmem>>, vector<16xi32>,
    %swap3A_358 = arith.constant 1424 : index
    %swap3A_359 = tpu.vector_load %arg11[%swap3A_358] {strides = array<i32>} : memref<4096xi32, #tpu.memory_space<vmem>>, vector<16xi32>,
    tpu.vector_store %arg11[%swap3A_358], %broadcast_in_dim3A_0 {strides = array<i32>} : memref<4096xi32, #tpu.memory_space<vmem>>, vector<16xi32>,
    %swap3A_360 = arith.constant 1424 : index
    %swap3A_361 = tpu.vector_load %arg12[%swap3A_360] {strides = array<i32>} : memref<4096xi32, #tpu.memory_space<vmem>>, vector<16xi32>,
    tpu.vector_store %arg12[%swap3A_360], %broadcast_in_dim3A_0 {strides = array<i32>} : memref<4096xi32, #tpu.memory_space<vmem>>, vector<16xi32>,
    %swap3A_362 = arith.constant 1440 : index
    %swap3A_363 = tpu.vector_load %arg11[%swap3A_362] {strides = array<i32>} : memref<4096xi32, #tpu.memory_space<vmem>>, vector<16xi32>,
    tpu.vector_store %arg11[%swap3A_362], %broadcast_in_dim3A_0 {strides = array<i32>} : memref<4096xi32, #tpu.memory_space<vmem>>, vector<16xi32>,
    %swap3A_364 = arith.constant 1440 : index
    %swap3A_365 = tpu.vector_load %arg12[%swap3A_364] {strides = array<i32>} : memref<4096xi32, #tpu.memory_space<vmem>>, vector<16xi32>,
    tpu.vector_store %arg12[%swap3A_364], %broadcast_in_dim3A_0 {strides = array<i32>} : memref<4096xi32, #tpu.memory_space<vmem>>, vector<16xi32>,
    %swap3A_366 = arith.constant 1456 : index
    %swap3A_367 = tpu.vector_load %arg11[%swap3A_366] {strides = array<i32>} : memref<4096xi32, #tpu.memory_space<vmem>>, vector<16xi32>,
    tpu.vector_store %arg11[%swap3A_366], %broadcast_in_dim3A_0 {strides = array<i32>} : memref<4096xi32, #tpu.memory_space<vmem>>, vector<16xi32>,
    %swap3A_368 = arith.constant 1456 : index
    %swap3A_369 = tpu.vector_load %arg12[%swap3A_368] {strides = array<i32>} : memref<4096xi32, #tpu.memory_space<vmem>>, vector<16xi32>,
    tpu.vector_store %arg12[%swap3A_368], %broadcast_in_dim3A_0 {strides = array<i32>} : memref<4096xi32, #tpu.memory_space<vmem>>, vector<16xi32>,
    %swap3A_370 = arith.constant 1472 : index
    %swap3A_371 = tpu.vector_load %arg11[%swap3A_370] {strides = array<i32>} : memref<4096xi32, #tpu.memory_space<vmem>>, vector<16xi32>,
    tpu.vector_store %arg11[%swap3A_370], %broadcast_in_dim3A_0 {strides = array<i32>} : memref<4096xi32, #tpu.memory_space<vmem>>, vector<16xi32>,
    %swap3A_372 = arith.constant 1472 : index
    %swap3A_373 = tpu.vector_load %arg12[%swap3A_372] {strides = array<i32>} : memref<4096xi32, #tpu.memory_space<vmem>>, vector<16xi32>,
    tpu.vector_store %arg12[%swap3A_372], %broadcast_in_dim3A_0 {strides = array<i32>} : memref<4096xi32, #tpu.memory_space<vmem>>, vector<16xi32>,
    %swap3A_374 = arith.constant 1488 : index
    %swap3A_375 = tpu.vector_load %arg11[%swap3A_374] {strides = array<i32>} : memref<4096xi32, #tpu.memory_space<vmem>>, vector<16xi32>,
    tpu.vector_store %arg11[%swap3A_374], %broadcast_in_dim3A_0 {strides = array<i32>} : memref<4096xi32, #tpu.memory_space<vmem>>, vector<16xi32>,
    %swap3A_376 = arith.constant 1488 : index
    %swap3A_377 = tpu.vector_load %arg12[%swap3A_376] {strides = array<i32>} : memref<4096xi32, #tpu.memory_space<vmem>>, vector<16xi32>,
    tpu.vector_store %arg12[%swap3A_376], %broadcast_in_dim3A_0 {strides = array<i32>} : memref<4096xi32, #tpu.memory_space<vmem>>, vector<16xi32>,
    %swap3A_378 = arith.constant 1504 : index
    %swap3A_379 = tpu.vector_load %arg11[%swap3A_378] {strides = array<i32>} : memref<4096xi32, #tpu.memory_space<vmem>>, vector<16xi32>,
    tpu.vector_store %arg11[%swap3A_378], %broadcast_in_dim3A_0 {strides = array<i32>} : memref<4096xi32, #tpu.memory_space<vmem>>, vector<16xi32>,
    %swap3A_380 = arith.constant 1504 : index
    %swap3A_381 = tpu.vector_load %arg12[%swap3A_380] {strides = array<i32>} : memref<4096xi32, #tpu.memory_space<vmem>>, vector<16xi32>,
    tpu.vector_store %arg12[%swap3A_380], %broadcast_in_dim3A_0 {strides = array<i32>} : memref<4096xi32, #tpu.memory_space<vmem>>, vector<16xi32>,
    %swap3A_382 = arith.constant 1520 : index
    %swap3A_383 = tpu.vector_load %arg11[%swap3A_382] {strides = array<i32>} : memref<4096xi32, #tpu.memory_space<vmem>>, vector<16xi32>,
    tpu.vector_store %arg11[%swap3A_382], %broadcast_in_dim3A_0 {strides = array<i32>} : memref<4096xi32, #tpu.memory_space<vmem>>, vector<16xi32>,
    %swap3A_384 = arith.constant 1520 : index
    %swap3A_385 = tpu.vector_load %arg12[%swap3A_384] {strides = array<i32>} : memref<4096xi32, #tpu.memory_space<vmem>>, vector<16xi32>,
    tpu.vector_store %arg12[%swap3A_384], %broadcast_in_dim3A_0 {strides = array<i32>} : memref<4096xi32, #tpu.memory_space<vmem>>, vector<16xi32>,
    %swap3A_386 = arith.constant 1536 : index
    %swap3A_387 = tpu.vector_load %arg11[%swap3A_386] {strides = array<i32>} : memref<4096xi32, #tpu.memory_space<vmem>>, vector<16xi32>,
    tpu.vector_store %arg11[%swap3A_386], %broadcast_in_dim3A_0 {strides = array<i32>} : memref<4096xi32, #tpu.memory_space<vmem>>, vector<16xi32>,
    %swap3A_388 = arith.constant 1536 : index
    %swap3A_389 = tpu.vector_load %arg12[%swap3A_388] {strides = array<i32>} : memref<4096xi32, #tpu.memory_space<vmem>>, vector<16xi32>,
    tpu.vector_store %arg12[%swap3A_388], %broadcast_in_dim3A_0 {strides = array<i32>} : memref<4096xi32, #tpu.memory_space<vmem>>, vector<16xi32>,
    %swap3A_390 = arith.constant 1552 : index
    %swap3A_391 = tpu.vector_load %arg11[%swap3A_390] {strides = array<i32>} : memref<4096xi32, #tpu.memory_space<vmem>>, vector<16xi32>,
    tpu.vector_store %arg11[%swap3A_390], %broadcast_in_dim3A_0 {strides = array<i32>} : memref<4096xi32, #tpu.memory_space<vmem>>, vector<16xi32>,
    %swap3A_392 = arith.constant 1552 : index
    %swap3A_393 = tpu.vector_load %arg12[%swap3A_392] {strides = array<i32>} : memref<4096xi32, #tpu.memory_space<vmem>>, vector<16xi32>,
    tpu.vector_store %arg12[%swap3A_392], %broadcast_in_dim3A_0 {strides = array<i32>} : memref<4096xi32, #tpu.memory_space<vmem>>, vector<16xi32>,
    %swap3A_394 = arith.constant 1568 : index
    %swap3A_395 = tpu.vector_load %arg11[%swap3A_394] {strides = array<i32>} : memref<4096xi32, #tpu.memory_space<vmem>>, vector<16xi32>,
    tpu.vector_store %arg11[%swap3A_394], %broadcast_in_dim3A_0 {strides = array<i32>} : memref<4096xi32, #tpu.memory_space<vmem>>, vector<16xi32>,
    %swap3A_396 = arith.constant 1568 : index
    %swap3A_397 = tpu.vector_load %arg12[%swap3A_396] {strides = array<i32>} : memref<4096xi32, #tpu.memory_space<vmem>>, vector<16xi32>,
    tpu.vector_store %arg12[%swap3A_396], %broadcast_in_dim3A_0 {strides = array<i32>} : memref<4096xi32, #tpu.memory_space<vmem>>, vector<16xi32>,
    %swap3A_398 = arith.constant 1584 : index
    %swap3A_399 = tpu.vector_load %arg11[%swap3A_398] {strides = array<i32>} : memref<4096xi32, #tpu.memory_space<vmem>>, vector<16xi32>,
    tpu.vector_store %arg11[%swap3A_398], %broadcast_in_dim3A_0 {strides = array<i32>} : memref<4096xi32, #tpu.memory_space<vmem>>, vector<16xi32>,
    %swap3A_400 = arith.constant 1584 : index
    %swap3A_401 = tpu.vector_load %arg12[%swap3A_400] {strides = array<i32>} : memref<4096xi32, #tpu.memory_space<vmem>>, vector<16xi32>,
    tpu.vector_store %arg12[%swap3A_400], %broadcast_in_dim3A_0 {strides = array<i32>} : memref<4096xi32, #tpu.memory_space<vmem>>, vector<16xi32>,
    %swap3A_402 = arith.constant 1600 : index
    %swap3A_403 = tpu.vector_load %arg11[%swap3A_402] {strides = array<i32>} : memref<4096xi32, #tpu.memory_space<vmem>>, vector<16xi32>,
    tpu.vector_store %arg11[%swap3A_402], %broadcast_in_dim3A_0 {strides = array<i32>} : memref<4096xi32, #tpu.memory_space<vmem>>, vector<16xi32>,
    %swap3A_404 = arith.constant 1600 : index
    %swap3A_405 = tpu.vector_load %arg12[%swap3A_404] {strides = array<i32>} : memref<4096xi32, #tpu.memory_space<vmem>>, vector<16xi32>,
    tpu.vector_store %arg12[%swap3A_404], %broadcast_in_dim3A_0 {strides = array<i32>} : memref<4096xi32, #tpu.memory_space<vmem>>, vector<16xi32>,
    %swap3A_406 = arith.constant 1616 : index
    %swap3A_407 = tpu.vector_load %arg11[%swap3A_406] {strides = array<i32>} : memref<4096xi32, #tpu.memory_space<vmem>>, vector<16xi32>,
    tpu.vector_store %arg11[%swap3A_406], %broadcast_in_dim3A_0 {strides = array<i32>} : memref<4096xi32, #tpu.memory_space<vmem>>, vector<16xi32>,
    %swap3A_408 = arith.constant 1616 : index
    %swap3A_409 = tpu.vector_load %arg12[%swap3A_408] {strides = array<i32>} : memref<4096xi32, #tpu.memory_space<vmem>>, vector<16xi32>,
    tpu.vector_store %arg12[%swap3A_408], %broadcast_in_dim3A_0 {strides = array<i32>} : memref<4096xi32, #tpu.memory_space<vmem>>, vector<16xi32>,
    %swap3A_410 = arith.constant 1632 : index
    %swap3A_411 = tpu.vector_load %arg11[%swap3A_410] {strides = array<i32>} : memref<4096xi32, #tpu.memory_space<vmem>>, vector<16xi32>,
    tpu.vector_store %arg11[%swap3A_410], %broadcast_in_dim3A_0 {strides = array<i32>} : memref<4096xi32, #tpu.memory_space<vmem>>, vector<16xi32>,
    %swap3A_412 = arith.constant 1632 : index
    %swap3A_413 = tpu.vector_load %arg12[%swap3A_412] {strides = array<i32>} : memref<4096xi32, #tpu.memory_space<vmem>>, vector<16xi32>,
    tpu.vector_store %arg12[%swap3A_412], %broadcast_in_dim3A_0 {strides = array<i32>} : memref<4096xi32, #tpu.memory_space<vmem>>, vector<16xi32>,
    %swap3A_414 = arith.constant 1648 : index
    %swap3A_415 = tpu.vector_load %arg11[%swap3A_414] {strides = array<i32>} : memref<4096xi32, #tpu.memory_space<vmem>>, vector<16xi32>,
    tpu.vector_store %arg11[%swap3A_414], %broadcast_in_dim3A_0 {strides = array<i32>} : memref<4096xi32, #tpu.memory_space<vmem>>, vector<16xi32>,
    %swap3A_416 = arith.constant 1648 : index
    %swap3A_417 = tpu.vector_load %arg12[%swap3A_416] {strides = array<i32>} : memref<4096xi32, #tpu.memory_space<vmem>>, vector<16xi32>,
    tpu.vector_store %arg12[%swap3A_416], %broadcast_in_dim3A_0 {strides = array<i32>} : memref<4096xi32, #tpu.memory_space<vmem>>, vector<16xi32>,
    %swap3A_418 = arith.constant 1664 : index
    %swap3A_419 = tpu.vector_load %arg11[%swap3A_418] {strides = array<i32>} : memref<4096xi32, #tpu.memory_space<vmem>>, vector<16xi32>,
    tpu.vector_store %arg11[%swap3A_418], %broadcast_in_dim3A_0 {strides = array<i32>} : memref<4096xi32, #tpu.memory_space<vmem>>, vector<16xi32>,
    %swap3A_420 = arith.constant 1664 : index
    %swap3A_421 = tpu.vector_load %arg12[%swap3A_420] {strides = array<i32>} : memref<4096xi32, #tpu.memory_space<vmem>>, vector<16xi32>,
    tpu.vector_store %arg12[%swap3A_420], %broadcast_in_dim3A_0 {strides = array<i32>} : memref<4096xi32, #tpu.memory_space<vmem>>, vector<16xi32>,
    %swap3A_422 = arith.constant 1680 : index
    %swap3A_423 = tpu.vector_load %arg11[%swap3A_422] {strides = array<i32>} : memref<4096xi32, #tpu.memory_space<vmem>>, vector<16xi32>,
    tpu.vector_store %arg11[%swap3A_422], %broadcast_in_dim3A_0 {strides = array<i32>} : memref<4096xi32, #tpu.memory_space<vmem>>, vector<16xi32>,
    %swap3A_424 = arith.constant 1680 : index
    %swap3A_425 = tpu.vector_load %arg12[%swap3A_424] {strides = array<i32>} : memref<4096xi32, #tpu.memory_space<vmem>>, vector<16xi32>,
    tpu.vector_store %arg12[%swap3A_424], %broadcast_in_dim3A_0 {strides = array<i32>} : memref<4096xi32, #tpu.memory_space<vmem>>, vector<16xi32>,
    %swap3A_426 = arith.constant 1696 : index
    %swap3A_427 = tpu.vector_load %arg11[%swap3A_426] {strides = array<i32>} : memref<4096xi32, #tpu.memory_space<vmem>>, vector<16xi32>,
    tpu.vector_store %arg11[%swap3A_426], %broadcast_in_dim3A_0 {strides = array<i32>} : memref<4096xi32, #tpu.memory_space<vmem>>, vector<16xi32>,
    %swap3A_428 = arith.constant 1696 : index
    %swap3A_429 = tpu.vector_load %arg12[%swap3A_428] {strides = array<i32>} : memref<4096xi32, #tpu.memory_space<vmem>>, vector<16xi32>,
    tpu.vector_store %arg12[%swap3A_428], %broadcast_in_dim3A_0 {strides = array<i32>} : memref<4096xi32, #tpu.memory_space<vmem>>, vector<16xi32>,
    %swap3A_430 = arith.constant 1712 : index
    %swap3A_431 = tpu.vector_load %arg11[%swap3A_430] {strides = array<i32>} : memref<4096xi32, #tpu.memory_space<vmem>>, vector<16xi32>,
    tpu.vector_store %arg11[%swap3A_430], %broadcast_in_dim3A_0 {strides = array<i32>} : memref<4096xi32, #tpu.memory_space<vmem>>, vector<16xi32>,
    %swap3A_432 = arith.constant 1712 : index
    %swap3A_433 = tpu.vector_load %arg12[%swap3A_432] {strides = array<i32>} : memref<4096xi32, #tpu.memory_space<vmem>>, vector<16xi32>,
    tpu.vector_store %arg12[%swap3A_432], %broadcast_in_dim3A_0 {strides = array<i32>} : memref<4096xi32, #tpu.memory_space<vmem>>, vector<16xi32>,
    %swap3A_434 = arith.constant 1728 : index
    %swap3A_435 = tpu.vector_load %arg11[%swap3A_434] {strides = array<i32>} : memref<4096xi32, #tpu.memory_space<vmem>>, vector<16xi32>,
    tpu.vector_store %arg11[%swap3A_434], %broadcast_in_dim3A_0 {strides = array<i32>} : memref<4096xi32, #tpu.memory_space<vmem>>, vector<16xi32>,
    %swap3A_436 = arith.constant 1728 : index
    %swap3A_437 = tpu.vector_load %arg12[%swap3A_436] {strides = array<i32>} : memref<4096xi32, #tpu.memory_space<vmem>>, vector<16xi32>,
    tpu.vector_store %arg12[%swap3A_436], %broadcast_in_dim3A_0 {strides = array<i32>} : memref<4096xi32, #tpu.memory_space<vmem>>, vector<16xi32>,
    %swap3A_438 = arith.constant 1744 : index
    %swap3A_439 = tpu.vector_load %arg11[%swap3A_438] {strides = array<i32>} : memref<4096xi32, #tpu.memory_space<vmem>>, vector<16xi32>,
    tpu.vector_store %arg11[%swap3A_438], %broadcast_in_dim3A_0 {strides = array<i32>} : memref<4096xi32, #tpu.memory_space<vmem>>, vector<16xi32>,
    %swap3A_440 = arith.constant 1744 : index
    %swap3A_441 = tpu.vector_load %arg12[%swap3A_440] {strides = array<i32>} : memref<4096xi32, #tpu.memory_space<vmem>>, vector<16xi32>,
    tpu.vector_store %arg12[%swap3A_440], %broadcast_in_dim3A_0 {strides = array<i32>} : memref<4096xi32, #tpu.memory_space<vmem>>, vector<16xi32>,
    %swap3A_442 = arith.constant 1760 : index
    %swap3A_443 = tpu.vector_load %arg11[%swap3A_442] {strides = array<i32>} : memref<4096xi32, #tpu.memory_space<vmem>>, vector<16xi32>,
    tpu.vector_store %arg11[%swap3A_442], %broadcast_in_dim3A_0 {strides = array<i32>} : memref<4096xi32, #tpu.memory_space<vmem>>, vector<16xi32>,
    %swap3A_444 = arith.constant 1760 : index
    %swap3A_445 = tpu.vector_load %arg12[%swap3A_444] {strides = array<i32>} : memref<4096xi32, #tpu.memory_space<vmem>>, vector<16xi32>,
    tpu.vector_store %arg12[%swap3A_444], %broadcast_in_dim3A_0 {strides = array<i32>} : memref<4096xi32, #tpu.memory_space<vmem>>, vector<16xi32>,
    %swap3A_446 = arith.constant 1776 : index
    %swap3A_447 = tpu.vector_load %arg11[%swap3A_446] {strides = array<i32>} : memref<4096xi32, #tpu.memory_space<vmem>>, vector<16xi32>,
    tpu.vector_store %arg11[%swap3A_446], %broadcast_in_dim3A_0 {strides = array<i32>} : memref<4096xi32, #tpu.memory_space<vmem>>, vector<16xi32>,
    %swap3A_448 = arith.constant 1776 : index
    %swap3A_449 = tpu.vector_load %arg12[%swap3A_448] {strides = array<i32>} : memref<4096xi32, #tpu.memory_space<vmem>>, vector<16xi32>,
    tpu.vector_store %arg12[%swap3A_448], %broadcast_in_dim3A_0 {strides = array<i32>} : memref<4096xi32, #tpu.memory_space<vmem>>, vector<16xi32>,
    %swap3A_450 = arith.constant 1792 : index
    %swap3A_451 = tpu.vector_load %arg11[%swap3A_450] {strides = array<i32>} : memref<4096xi32, #tpu.memory_space<vmem>>, vector<16xi32>,
    tpu.vector_store %arg11[%swap3A_450], %broadcast_in_dim3A_0 {strides = array<i32>} : memref<4096xi32, #tpu.memory_space<vmem>>, vector<16xi32>,
    %swap3A_452 = arith.constant 1792 : index
    %swap3A_453 = tpu.vector_load %arg12[%swap3A_452] {strides = array<i32>} : memref<4096xi32, #tpu.memory_space<vmem>>, vector<16xi32>,
    tpu.vector_store %arg12[%swap3A_452], %broadcast_in_dim3A_0 {strides = array<i32>} : memref<4096xi32, #tpu.memory_space<vmem>>, vector<16xi32>,
    %swap3A_454 = arith.constant 1808 : index
    %swap3A_455 = tpu.vector_load %arg11[%swap3A_454] {strides = array<i32>} : memref<4096xi32, #tpu.memory_space<vmem>>, vector<16xi32>,
    tpu.vector_store %arg11[%swap3A_454], %broadcast_in_dim3A_0 {strides = array<i32>} : memref<4096xi32, #tpu.memory_space<vmem>>, vector<16xi32>,
    %swap3A_456 = arith.constant 1808 : index
    %swap3A_457 = tpu.vector_load %arg12[%swap3A_456] {strides = array<i32>} : memref<4096xi32, #tpu.memory_space<vmem>>, vector<16xi32>,
    tpu.vector_store %arg12[%swap3A_456], %broadcast_in_dim3A_0 {strides = array<i32>} : memref<4096xi32, #tpu.memory_space<vmem>>, vector<16xi32>,
    %swap3A_458 = arith.constant 1824 : index
    %swap3A_459 = tpu.vector_load %arg11[%swap3A_458] {strides = array<i32>} : memref<4096xi32, #tpu.memory_space<vmem>>, vector<16xi32>,
    tpu.vector_store %arg11[%swap3A_458], %broadcast_in_dim3A_0 {strides = array<i32>} : memref<4096xi32, #tpu.memory_space<vmem>>, vector<16xi32>,
    %swap3A_460 = arith.constant 1824 : index
    %swap3A_461 = tpu.vector_load %arg12[%swap3A_460] {strides = array<i32>} : memref<4096xi32, #tpu.memory_space<vmem>>, vector<16xi32>,
    tpu.vector_store %arg12[%swap3A_460], %broadcast_in_dim3A_0 {strides = array<i32>} : memref<4096xi32, #tpu.memory_space<vmem>>, vector<16xi32>,
    %swap3A_462 = arith.constant 1840 : index
    %swap3A_463 = tpu.vector_load %arg11[%swap3A_462] {strides = array<i32>} : memref<4096xi32, #tpu.memory_space<vmem>>, vector<16xi32>,
    tpu.vector_store %arg11[%swap3A_462], %broadcast_in_dim3A_0 {strides = array<i32>} : memref<4096xi32, #tpu.memory_space<vmem>>, vector<16xi32>,
    %swap3A_464 = arith.constant 1840 : index
    %swap3A_465 = tpu.vector_load %arg12[%swap3A_464] {strides = array<i32>} : memref<4096xi32, #tpu.memory_space<vmem>>, vector<16xi32>,
    tpu.vector_store %arg12[%swap3A_464], %broadcast_in_dim3A_0 {strides = array<i32>} : memref<4096xi32, #tpu.memory_space<vmem>>, vector<16xi32>,
    %swap3A_466 = arith.constant 1856 : index
    %swap3A_467 = tpu.vector_load %arg11[%swap3A_466] {strides = array<i32>} : memref<4096xi32, #tpu.memory_space<vmem>>, vector<16xi32>,
    tpu.vector_store %arg11[%swap3A_466], %broadcast_in_dim3A_0 {strides = array<i32>} : memref<4096xi32, #tpu.memory_space<vmem>>, vector<16xi32>,
    %swap3A_468 = arith.constant 1856 : index
    %swap3A_469 = tpu.vector_load %arg12[%swap3A_468] {strides = array<i32>} : memref<4096xi32, #tpu.memory_space<vmem>>, vector<16xi32>,
    tpu.vector_store %arg12[%swap3A_468], %broadcast_in_dim3A_0 {strides = array<i32>} : memref<4096xi32, #tpu.memory_space<vmem>>, vector<16xi32>,
    %swap3A_470 = arith.constant 1872 : index
    %swap3A_471 = tpu.vector_load %arg11[%swap3A_470] {strides = array<i32>} : memref<4096xi32, #tpu.memory_space<vmem>>, vector<16xi32>,
    tpu.vector_store %arg11[%swap3A_470], %broadcast_in_dim3A_0 {strides = array<i32>} : memref<4096xi32, #tpu.memory_space<vmem>>, vector<16xi32>,
    %swap3A_472 = arith.constant 1872 : index
    %swap3A_473 = tpu.vector_load %arg12[%swap3A_472] {strides = array<i32>} : memref<4096xi32, #tpu.memory_space<vmem>>, vector<16xi32>,
    tpu.vector_store %arg12[%swap3A_472], %broadcast_in_dim3A_0 {strides = array<i32>} : memref<4096xi32, #tpu.memory_space<vmem>>, vector<16xi32>,
    %swap3A_474 = arith.constant 1888 : index
    %swap3A_475 = tpu.vector_load %arg11[%swap3A_474] {strides = array<i32>} : memref<4096xi32, #tpu.memory_space<vmem>>, vector<16xi32>,
    tpu.vector_store %arg11[%swap3A_474], %broadcast_in_dim3A_0 {strides = array<i32>} : memref<4096xi32, #tpu.memory_space<vmem>>, vector<16xi32>,
    %swap3A_476 = arith.constant 1888 : index
    %swap3A_477 = tpu.vector_load %arg12[%swap3A_476] {strides = array<i32>} : memref<4096xi32, #tpu.memory_space<vmem>>, vector<16xi32>,
    tpu.vector_store %arg12[%swap3A_476], %broadcast_in_dim3A_0 {strides = array<i32>} : memref<4096xi32, #tpu.memory_space<vmem>>, vector<16xi32>,
    %swap3A_478 = arith.constant 1904 : index
    %swap3A_479 = tpu.vector_load %arg11[%swap3A_478] {strides = array<i32>} : memref<4096xi32, #tpu.memory_space<vmem>>, vector<16xi32>,
    tpu.vector_store %arg11[%swap3A_478], %broadcast_in_dim3A_0 {strides = array<i32>} : memref<4096xi32, #tpu.memory_space<vmem>>, vector<16xi32>,
    %swap3A_480 = arith.constant 1904 : index
    %swap3A_481 = tpu.vector_load %arg12[%swap3A_480] {strides = array<i32>} : memref<4096xi32, #tpu.memory_space<vmem>>, vector<16xi32>,
    tpu.vector_store %arg12[%swap3A_480], %broadcast_in_dim3A_0 {strides = array<i32>} : memref<4096xi32, #tpu.memory_space<vmem>>, vector<16xi32>,
    %swap3A_482 = arith.constant 1920 : index
    %swap3A_483 = tpu.vector_load %arg11[%swap3A_482] {strides = array<i32>} : memref<4096xi32, #tpu.memory_space<vmem>>, vector<16xi32>,
    tpu.vector_store %arg11[%swap3A_482], %broadcast_in_dim3A_0 {strides = array<i32>} : memref<4096xi32, #tpu.memory_space<vmem>>, vector<16xi32>,
    %swap3A_484 = arith.constant 1920 : index
    %swap3A_485 = tpu.vector_load %arg12[%swap3A_484] {strides = array<i32>} : memref<4096xi32, #tpu.memory_space<vmem>>, vector<16xi32>,
    tpu.vector_store %arg12[%swap3A_484], %broadcast_in_dim3A_0 {strides = array<i32>} : memref<4096xi32, #tpu.memory_space<vmem>>, vector<16xi32>,
    %swap3A_486 = arith.constant 1936 : index
    %swap3A_487 = tpu.vector_load %arg11[%swap3A_486] {strides = array<i32>} : memref<4096xi32, #tpu.memory_space<vmem>>, vector<16xi32>,
    tpu.vector_store %arg11[%swap3A_486], %broadcast_in_dim3A_0 {strides = array<i32>} : memref<4096xi32, #tpu.memory_space<vmem>>, vector<16xi32>,
    %swap3A_488 = arith.constant 1936 : index
    %swap3A_489 = tpu.vector_load %arg12[%swap3A_488] {strides = array<i32>} : memref<4096xi32, #tpu.memory_space<vmem>>, vector<16xi32>,
    tpu.vector_store %arg12[%swap3A_488], %broadcast_in_dim3A_0 {strides = array<i32>} : memref<4096xi32, #tpu.memory_space<vmem>>, vector<16xi32>,
    %swap3A_490 = arith.constant 1952 : index
    %swap3A_491 = tpu.vector_load %arg11[%swap3A_490] {strides = array<i32>} : memref<4096xi32, #tpu.memory_space<vmem>>, vector<16xi32>,
    tpu.vector_store %arg11[%swap3A_490], %broadcast_in_dim3A_0 {strides = array<i32>} : memref<4096xi32, #tpu.memory_space<vmem>>, vector<16xi32>,
    %swap3A_492 = arith.constant 1952 : index
    %swap3A_493 = tpu.vector_load %arg12[%swap3A_492] {strides = array<i32>} : memref<4096xi32, #tpu.memory_space<vmem>>, vector<16xi32>,
    tpu.vector_store %arg12[%swap3A_492], %broadcast_in_dim3A_0 {strides = array<i32>} : memref<4096xi32, #tpu.memory_space<vmem>>, vector<16xi32>,
    %swap3A_494 = arith.constant 1968 : index
    %swap3A_495 = tpu.vector_load %arg11[%swap3A_494] {strides = array<i32>} : memref<4096xi32, #tpu.memory_space<vmem>>, vector<16xi32>,
    tpu.vector_store %arg11[%swap3A_494], %broadcast_in_dim3A_0 {strides = array<i32>} : memref<4096xi32, #tpu.memory_space<vmem>>, vector<16xi32>,
    %swap3A_496 = arith.constant 1968 : index
    %swap3A_497 = tpu.vector_load %arg12[%swap3A_496] {strides = array<i32>} : memref<4096xi32, #tpu.memory_space<vmem>>, vector<16xi32>,
    tpu.vector_store %arg12[%swap3A_496], %broadcast_in_dim3A_0 {strides = array<i32>} : memref<4096xi32, #tpu.memory_space<vmem>>, vector<16xi32>,
    %swap3A_498 = arith.constant 1984 : index
    %swap3A_499 = tpu.vector_load %arg11[%swap3A_498] {strides = array<i32>} : memref<4096xi32, #tpu.memory_space<vmem>>, vector<16xi32>,
    tpu.vector_store %arg11[%swap3A_498], %broadcast_in_dim3A_0 {strides = array<i32>} : memref<4096xi32, #tpu.memory_space<vmem>>, vector<16xi32>,
    %swap3A_500 = arith.constant 1984 : index
    %swap3A_501 = tpu.vector_load %arg12[%swap3A_500] {strides = array<i32>} : memref<4096xi32, #tpu.memory_space<vmem>>, vector<16xi32>,
    tpu.vector_store %arg12[%swap3A_500], %broadcast_in_dim3A_0 {strides = array<i32>} : memref<4096xi32, #tpu.memory_space<vmem>>, vector<16xi32>,
    %swap3A_502 = arith.constant 2000 : index
    %swap3A_503 = tpu.vector_load %arg11[%swap3A_502] {strides = array<i32>} : memref<4096xi32, #tpu.memory_space<vmem>>, vector<16xi32>,
    tpu.vector_store %arg11[%swap3A_502], %broadcast_in_dim3A_0 {strides = array<i32>} : memref<4096xi32, #tpu.memory_space<vmem>>, vector<16xi32>,
    %swap3A_504 = arith.constant 2000 : index
    %swap3A_505 = tpu.vector_load %arg12[%swap3A_504] {strides = array<i32>} : memref<4096xi32, #tpu.memory_space<vmem>>, vector<16xi32>,
    tpu.vector_store %arg12[%swap3A_504], %broadcast_in_dim3A_0 {strides = array<i32>} : memref<4096xi32, #tpu.memory_space<vmem>>, vector<16xi32>,
    %swap3A_506 = arith.constant 2016 : index
    %swap3A_507 = tpu.vector_load %arg11[%swap3A_506] {strides = array<i32>} : memref<4096xi32, #tpu.memory_space<vmem>>, vector<16xi32>,
    tpu.vector_store %arg11[%swap3A_506], %broadcast_in_dim3A_0 {strides = array<i32>} : memref<4096xi32, #tpu.memory_space<vmem>>, vector<16xi32>,
    %swap3A_508 = arith.constant 2016 : index
    %swap3A_509 = tpu.vector_load %arg12[%swap3A_508] {strides = array<i32>} : memref<4096xi32, #tpu.memory_space<vmem>>, vector<16xi32>,
    tpu.vector_store %arg12[%swap3A_508], %broadcast_in_dim3A_0 {strides = array<i32>} : memref<4096xi32, #tpu.memory_space<vmem>>, vector<16xi32>,
    %swap3A_510 = arith.constant 2032 : index
    %swap3A_511 = tpu.vector_load %arg11[%swap3A_510] {strides = array<i32>} : memref<4096xi32, #tpu.memory_space<vmem>>, vector<16xi32>,
    tpu.vector_store %arg11[%swap3A_510], %broadcast_in_dim3A_0 {strides = array<i32>} : memref<4096xi32, #tpu.memory_space<vmem>>, vector<16xi32>,
    %swap3A_512 = arith.constant 2032 : index
    %swap3A_513 = tpu.vector_load %arg12[%swap3A_512] {strides = array<i32>} : memref<4096xi32, #tpu.memory_space<vmem>>, vector<16xi32>,
    tpu.vector_store %arg12[%swap3A_512], %broadcast_in_dim3A_0 {strides = array<i32>} : memref<4096xi32, #tpu.memory_space<vmem>>, vector<16xi32>,
    %swap3A_514 = arith.constant 2048 : index
    %swap3A_515 = tpu.vector_load %arg11[%swap3A_514] {strides = array<i32>} : memref<4096xi32, #tpu.memory_space<vmem>>, vector<16xi32>,
    tpu.vector_store %arg11[%swap3A_514], %broadcast_in_dim3A_0 {strides = array<i32>} : memref<4096xi32, #tpu.memory_space<vmem>>, vector<16xi32>,
    %swap3A_516 = arith.constant 2048 : index
    %swap3A_517 = tpu.vector_load %arg12[%swap3A_516] {strides = array<i32>} : memref<4096xi32, #tpu.memory_space<vmem>>, vector<16xi32>,
    tpu.vector_store %arg12[%swap3A_516], %broadcast_in_dim3A_0 {strides = array<i32>} : memref<4096xi32, #tpu.memory_space<vmem>>, vector<16xi32>,
    %swap3A_518 = arith.constant 2064 : index
    %swap3A_519 = tpu.vector_load %arg11[%swap3A_518] {strides = array<i32>} : memref<4096xi32, #tpu.memory_space<vmem>>, vector<16xi32>,
    tpu.vector_store %arg11[%swap3A_518], %broadcast_in_dim3A_0 {strides = array<i32>} : memref<4096xi32, #tpu.memory_space<vmem>>, vector<16xi32>,
    %swap3A_520 = arith.constant 2064 : index
    %swap3A_521 = tpu.vector_load %arg12[%swap3A_520] {strides = array<i32>} : memref<4096xi32, #tpu.memory_space<vmem>>, vector<16xi32>,
    tpu.vector_store %arg12[%swap3A_520], %broadcast_in_dim3A_0 {strides = array<i32>} : memref<4096xi32, #tpu.memory_space<vmem>>, vector<16xi32>,
    %swap3A_522 = arith.constant 2080 : index
    %swap3A_523 = tpu.vector_load %arg11[%swap3A_522] {strides = array<i32>} : memref<4096xi32, #tpu.memory_space<vmem>>, vector<16xi32>,
    tpu.vector_store %arg11[%swap3A_522], %broadcast_in_dim3A_0 {strides = array<i32>} : memref<4096xi32, #tpu.memory_space<vmem>>, vector<16xi32>,
    %swap3A_524 = arith.constant 2080 : index
    %swap3A_525 = tpu.vector_load %arg12[%swap3A_524] {strides = array<i32>} : memref<4096xi32, #tpu.memory_space<vmem>>, vector<16xi32>,
    tpu.vector_store %arg12[%swap3A_524], %broadcast_in_dim3A_0 {strides = array<i32>} : memref<4096xi32, #tpu.memory_space<vmem>>, vector<16xi32>,
    %swap3A_526 = arith.constant 2096 : index
    %swap3A_527 = tpu.vector_load %arg11[%swap3A_526] {strides = array<i32>} : memref<4096xi32, #tpu.memory_space<vmem>>, vector<16xi32>,
    tpu.vector_store %arg11[%swap3A_526], %broadcast_in_dim3A_0 {strides = array<i32>} : memref<4096xi32, #tpu.memory_space<vmem>>, vector<16xi32>,
    %swap3A_528 = arith.constant 2096 : index
    %swap3A_529 = tpu.vector_load %arg12[%swap3A_528] {strides = array<i32>} : memref<4096xi32, #tpu.memory_space<vmem>>, vector<16xi32>,
    tpu.vector_store %arg12[%swap3A_528], %broadcast_in_dim3A_0 {strides = array<i32>} : memref<4096xi32, #tpu.memory_space<vmem>>, vector<16xi32>,
    %swap3A_530 = arith.constant 2112 : index
    %swap3A_531 = tpu.vector_load %arg11[%swap3A_530] {strides = array<i32>} : memref<4096xi32, #tpu.memory_space<vmem>>, vector<16xi32>,
    tpu.vector_store %arg11[%swap3A_530], %broadcast_in_dim3A_0 {strides = array<i32>} : memref<4096xi32, #tpu.memory_space<vmem>>, vector<16xi32>,
    %swap3A_532 = arith.constant 2112 : index
    %swap3A_533 = tpu.vector_load %arg12[%swap3A_532] {strides = array<i32>} : memref<4096xi32, #tpu.memory_space<vmem>>, vector<16xi32>,
    tpu.vector_store %arg12[%swap3A_532], %broadcast_in_dim3A_0 {strides = array<i32>} : memref<4096xi32, #tpu.memory_space<vmem>>, vector<16xi32>,
    %swap3A_534 = arith.constant 2128 : index
    %swap3A_535 = tpu.vector_load %arg11[%swap3A_534] {strides = array<i32>} : memref<4096xi32, #tpu.memory_space<vmem>>, vector<16xi32>,
    tpu.vector_store %arg11[%swap3A_534], %broadcast_in_dim3A_0 {strides = array<i32>} : memref<4096xi32, #tpu.memory_space<vmem>>, vector<16xi32>,
    %swap3A_536 = arith.constant 2128 : index
    %swap3A_537 = tpu.vector_load %arg12[%swap3A_536] {strides = array<i32>} : memref<4096xi32, #tpu.memory_space<vmem>>, vector<16xi32>,
    tpu.vector_store %arg12[%swap3A_536], %broadcast_in_dim3A_0 {strides = array<i32>} : memref<4096xi32, #tpu.memory_space<vmem>>, vector<16xi32>,
    %swap3A_538 = arith.constant 2144 : index
    %swap3A_539 = tpu.vector_load %arg11[%swap3A_538] {strides = array<i32>} : memref<4096xi32, #tpu.memory_space<vmem>>, vector<16xi32>,
    tpu.vector_store %arg11[%swap3A_538], %broadcast_in_dim3A_0 {strides = array<i32>} : memref<4096xi32, #tpu.memory_space<vmem>>, vector<16xi32>,
    %swap3A_540 = arith.constant 2144 : index
    %swap3A_541 = tpu.vector_load %arg12[%swap3A_540] {strides = array<i32>} : memref<4096xi32, #tpu.memory_space<vmem>>, vector<16xi32>,
    tpu.vector_store %arg12[%swap3A_540], %broadcast_in_dim3A_0 {strides = array<i32>} : memref<4096xi32, #tpu.memory_space<vmem>>, vector<16xi32>,
    %swap3A_542 = arith.constant 2160 : index
    %swap3A_543 = tpu.vector_load %arg11[%swap3A_542] {strides = array<i32>} : memref<4096xi32, #tpu.memory_space<vmem>>, vector<16xi32>,
    tpu.vector_store %arg11[%swap3A_542], %broadcast_in_dim3A_0 {strides = array<i32>} : memref<4096xi32, #tpu.memory_space<vmem>>, vector<16xi32>,
    %swap3A_544 = arith.constant 2160 : index
    %swap3A_545 = tpu.vector_load %arg12[%swap3A_544] {strides = array<i32>} : memref<4096xi32, #tpu.memory_space<vmem>>, vector<16xi32>,
    tpu.vector_store %arg12[%swap3A_544], %broadcast_in_dim3A_0 {strides = array<i32>} : memref<4096xi32, #tpu.memory_space<vmem>>, vector<16xi32>,
    %swap3A_546 = arith.constant 2176 : index
    %swap3A_547 = tpu.vector_load %arg11[%swap3A_546] {strides = array<i32>} : memref<4096xi32, #tpu.memory_space<vmem>>, vector<16xi32>,
    tpu.vector_store %arg11[%swap3A_546], %broadcast_in_dim3A_0 {strides = array<i32>} : memref<4096xi32, #tpu.memory_space<vmem>>, vector<16xi32>,
    %swap3A_548 = arith.constant 2176 : index
    %swap3A_549 = tpu.vector_load %arg12[%swap3A_548] {strides = array<i32>} : memref<4096xi32, #tpu.memory_space<vmem>>, vector<16xi32>,
    tpu.vector_store %arg12[%swap3A_548], %broadcast_in_dim3A_0 {strides = array<i32>} : memref<4096xi32, #tpu.memory_space<vmem>>, vector<16xi32>,
    %swap3A_550 = arith.constant 2192 : index
    %swap3A_551 = tpu.vector_load %arg11[%swap3A_550] {strides = array<i32>} : memref<4096xi32, #tpu.memory_space<vmem>>, vector<16xi32>,
    tpu.vector_store %arg11[%swap3A_550], %broadcast_in_dim3A_0 {strides = array<i32>} : memref<4096xi32, #tpu.memory_space<vmem>>, vector<16xi32>,
    %swap3A_552 = arith.constant 2192 : index
    %swap3A_553 = tpu.vector_load %arg12[%swap3A_552] {strides = array<i32>} : memref<4096xi32, #tpu.memory_space<vmem>>, vector<16xi32>,
    tpu.vector_store %arg12[%swap3A_552], %broadcast_in_dim3A_0 {strides = array<i32>} : memref<4096xi32, #tpu.memory_space<vmem>>, vector<16xi32>,
    %swap3A_554 = arith.constant 2208 : index
    %swap3A_555 = tpu.vector_load %arg11[%swap3A_554] {strides = array<i32>} : memref<4096xi32, #tpu.memory_space<vmem>>, vector<16xi32>,
    tpu.vector_store %arg11[%swap3A_554], %broadcast_in_dim3A_0 {strides = array<i32>} : memref<4096xi32, #tpu.memory_space<vmem>>, vector<16xi32>,
    %swap3A_556 = arith.constant 2208 : index
    %swap3A_557 = tpu.vector_load %arg12[%swap3A_556] {strides = array<i32>} : memref<4096xi32, #tpu.memory_space<vmem>>, vector<16xi32>,
    tpu.vector_store %arg12[%swap3A_556], %broadcast_in_dim3A_0 {strides = array<i32>} : memref<4096xi32, #tpu.memory_space<vmem>>, vector<16xi32>,
    %swap3A_558 = arith.constant 2224 : index
    %swap3A_559 = tpu.vector_load %arg11[%swap3A_558] {strides = array<i32>} : memref<4096xi32, #tpu.memory_space<vmem>>, vector<16xi32>,
    tpu.vector_store %arg11[%swap3A_558], %broadcast_in_dim3A_0 {strides = array<i32>} : memref<4096xi32, #tpu.memory_space<vmem>>, vector<16xi32>,
    %swap3A_560 = arith.constant 2224 : index
    %swap3A_561 = tpu.vector_load %arg12[%swap3A_560] {strides = array<i32>} : memref<4096xi32, #tpu.memory_space<vmem>>, vector<16xi32>,
    tpu.vector_store %arg12[%swap3A_560], %broadcast_in_dim3A_0 {strides = array<i32>} : memref<4096xi32, #tpu.memory_space<vmem>>, vector<16xi32>,
    %swap3A_562 = arith.constant 2240 : index
    %swap3A_563 = tpu.vector_load %arg11[%swap3A_562] {strides = array<i32>} : memref<4096xi32, #tpu.memory_space<vmem>>, vector<16xi32>,
    tpu.vector_store %arg11[%swap3A_562], %broadcast_in_dim3A_0 {strides = array<i32>} : memref<4096xi32, #tpu.memory_space<vmem>>, vector<16xi32>,
    %swap3A_564 = arith.constant 2240 : index
    %swap3A_565 = tpu.vector_load %arg12[%swap3A_564] {strides = array<i32>} : memref<4096xi32, #tpu.memory_space<vmem>>, vector<16xi32>,
    tpu.vector_store %arg12[%swap3A_564], %broadcast_in_dim3A_0 {strides = array<i32>} : memref<4096xi32, #tpu.memory_space<vmem>>, vector<16xi32>,
    %swap3A_566 = arith.constant 2256 : index
    %swap3A_567 = tpu.vector_load %arg11[%swap3A_566] {strides = array<i32>} : memref<4096xi32, #tpu.memory_space<vmem>>, vector<16xi32>,
    tpu.vector_store %arg11[%swap3A_566], %broadcast_in_dim3A_0 {strides = array<i32>} : memref<4096xi32, #tpu.memory_space<vmem>>, vector<16xi32>,
    %swap3A_568 = arith.constant 2256 : index
    %swap3A_569 = tpu.vector_load %arg12[%swap3A_568] {strides = array<i32>} : memref<4096xi32, #tpu.memory_space<vmem>>, vector<16xi32>,
    tpu.vector_store %arg12[%swap3A_568], %broadcast_in_dim3A_0 {strides = array<i32>} : memref<4096xi32, #tpu.memory_space<vmem>>, vector<16xi32>,
    %swap3A_570 = arith.constant 2272 : index
    %swap3A_571 = tpu.vector_load %arg11[%swap3A_570] {strides = array<i32>} : memref<4096xi32, #tpu.memory_space<vmem>>, vector<16xi32>,
    tpu.vector_store %arg11[%swap3A_570], %broadcast_in_dim3A_0 {strides = array<i32>} : memref<4096xi32, #tpu.memory_space<vmem>>, vector<16xi32>,
    %swap3A_572 = arith.constant 2272 : index
    %swap3A_573 = tpu.vector_load %arg12[%swap3A_572] {strides = array<i32>} : memref<4096xi32, #tpu.memory_space<vmem>>, vector<16xi32>,
    tpu.vector_store %arg12[%swap3A_572], %broadcast_in_dim3A_0 {strides = array<i32>} : memref<4096xi32, #tpu.memory_space<vmem>>, vector<16xi32>,
    %swap3A_574 = arith.constant 2288 : index
    %swap3A_575 = tpu.vector_load %arg11[%swap3A_574] {strides = array<i32>} : memref<4096xi32, #tpu.memory_space<vmem>>, vector<16xi32>,
    tpu.vector_store %arg11[%swap3A_574], %broadcast_in_dim3A_0 {strides = array<i32>} : memref<4096xi32, #tpu.memory_space<vmem>>, vector<16xi32>,
    %swap3A_576 = arith.constant 2288 : index
    %swap3A_577 = tpu.vector_load %arg12[%swap3A_576] {strides = array<i32>} : memref<4096xi32, #tpu.memory_space<vmem>>, vector<16xi32>,
    tpu.vector_store %arg12[%swap3A_576], %broadcast_in_dim3A_0 {strides = array<i32>} : memref<4096xi32, #tpu.memory_space<vmem>>, vector<16xi32>,
    %swap3A_578 = arith.constant 2304 : index
    %swap3A_579 = tpu.vector_load %arg11[%swap3A_578] {strides = array<i32>} : memref<4096xi32, #tpu.memory_space<vmem>>, vector<16xi32>,
    tpu.vector_store %arg11[%swap3A_578], %broadcast_in_dim3A_0 {strides = array<i32>} : memref<4096xi32, #tpu.memory_space<vmem>>, vector<16xi32>,
    %swap3A_580 = arith.constant 2304 : index
    %swap3A_581 = tpu.vector_load %arg12[%swap3A_580] {strides = array<i32>} : memref<4096xi32, #tpu.memory_space<vmem>>, vector<16xi32>,
    tpu.vector_store %arg12[%swap3A_580], %broadcast_in_dim3A_0 {strides = array<i32>} : memref<4096xi32, #tpu.memory_space<vmem>>, vector<16xi32>,
    %swap3A_582 = arith.constant 2320 : index
    %swap3A_583 = tpu.vector_load %arg11[%swap3A_582] {strides = array<i32>} : memref<4096xi32, #tpu.memory_space<vmem>>, vector<16xi32>,
    tpu.vector_store %arg11[%swap3A_582], %broadcast_in_dim3A_0 {strides = array<i32>} : memref<4096xi32, #tpu.memory_space<vmem>>, vector<16xi32>,
    %swap3A_584 = arith.constant 2320 : index
    %swap3A_585 = tpu.vector_load %arg12[%swap3A_584] {strides = array<i32>} : memref<4096xi32, #tpu.memory_space<vmem>>, vector<16xi32>,
    tpu.vector_store %arg12[%swap3A_584], %broadcast_in_dim3A_0 {strides = array<i32>} : memref<4096xi32, #tpu.memory_space<vmem>>, vector<16xi32>,
    %swap3A_586 = arith.constant 2336 : index
    %swap3A_587 = tpu.vector_load %arg11[%swap3A_586] {strides = array<i32>} : memref<4096xi32, #tpu.memory_space<vmem>>, vector<16xi32>,
    tpu.vector_store %arg11[%swap3A_586], %broadcast_in_dim3A_0 {strides = array<i32>} : memref<4096xi32, #tpu.memory_space<vmem>>, vector<16xi32>,
    %swap3A_588 = arith.constant 2336 : index
    %swap3A_589 = tpu.vector_load %arg12[%swap3A_588] {strides = array<i32>} : memref<4096xi32, #tpu.memory_space<vmem>>, vector<16xi32>,
    tpu.vector_store %arg12[%swap3A_588], %broadcast_in_dim3A_0 {strides = array<i32>} : memref<4096xi32, #tpu.memory_space<vmem>>, vector<16xi32>,
    %swap3A_590 = arith.constant 2352 : index
    %swap3A_591 = tpu.vector_load %arg11[%swap3A_590] {strides = array<i32>} : memref<4096xi32, #tpu.memory_space<vmem>>, vector<16xi32>,
    tpu.vector_store %arg11[%swap3A_590], %broadcast_in_dim3A_0 {strides = array<i32>} : memref<4096xi32, #tpu.memory_space<vmem>>, vector<16xi32>,
    %swap3A_592 = arith.constant 2352 : index
    %swap3A_593 = tpu.vector_load %arg12[%swap3A_592] {strides = array<i32>} : memref<4096xi32, #tpu.memory_space<vmem>>, vector<16xi32>,
    tpu.vector_store %arg12[%swap3A_592], %broadcast_in_dim3A_0 {strides = array<i32>} : memref<4096xi32, #tpu.memory_space<vmem>>, vector<16xi32>,
    %swap3A_594 = arith.constant 2368 : index
    %swap3A_595 = tpu.vector_load %arg11[%swap3A_594] {strides = array<i32>} : memref<4096xi32, #tpu.memory_space<vmem>>, vector<16xi32>,
    tpu.vector_store %arg11[%swap3A_594], %broadcast_in_dim3A_0 {strides = array<i32>} : memref<4096xi32, #tpu.memory_space<vmem>>, vector<16xi32>,
    %swap3A_596 = arith.constant 2368 : index
    %swap3A_597 = tpu.vector_load %arg12[%swap3A_596] {strides = array<i32>} : memref<4096xi32, #tpu.memory_space<vmem>>, vector<16xi32>,
    tpu.vector_store %arg12[%swap3A_596], %broadcast_in_dim3A_0 {strides = array<i32>} : memref<4096xi32, #tpu.memory_space<vmem>>, vector<16xi32>,
    %swap3A_598 = arith.constant 2384 : index
    %swap3A_599 = tpu.vector_load %arg11[%swap3A_598] {strides = array<i32>} : memref<4096xi32, #tpu.memory_space<vmem>>, vector<16xi32>,
    tpu.vector_store %arg11[%swap3A_598], %broadcast_in_dim3A_0 {strides = array<i32>} : memref<4096xi32, #tpu.memory_space<vmem>>, vector<16xi32>,
    %swap3A_600 = arith.constant 2384 : index
    %swap3A_601 = tpu.vector_load %arg12[%swap3A_600] {strides = array<i32>} : memref<4096xi32, #tpu.memory_space<vmem>>, vector<16xi32>,
    tpu.vector_store %arg12[%swap3A_600], %broadcast_in_dim3A_0 {strides = array<i32>} : memref<4096xi32, #tpu.memory_space<vmem>>, vector<16xi32>,
    %swap3A_602 = arith.constant 2400 : index
    %swap3A_603 = tpu.vector_load %arg11[%swap3A_602] {strides = array<i32>} : memref<4096xi32, #tpu.memory_space<vmem>>, vector<16xi32>,
    tpu.vector_store %arg11[%swap3A_602], %broadcast_in_dim3A_0 {strides = array<i32>} : memref<4096xi32, #tpu.memory_space<vmem>>, vector<16xi32>,
    %swap3A_604 = arith.constant 2400 : index
    %swap3A_605 = tpu.vector_load %arg12[%swap3A_604] {strides = array<i32>} : memref<4096xi32, #tpu.memory_space<vmem>>, vector<16xi32>,
    tpu.vector_store %arg12[%swap3A_604], %broadcast_in_dim3A_0 {strides = array<i32>} : memref<4096xi32, #tpu.memory_space<vmem>>, vector<16xi32>,
    %swap3A_606 = arith.constant 2416 : index
    %swap3A_607 = tpu.vector_load %arg11[%swap3A_606] {strides = array<i32>} : memref<4096xi32, #tpu.memory_space<vmem>>, vector<16xi32>,
    tpu.vector_store %arg11[%swap3A_606], %broadcast_in_dim3A_0 {strides = array<i32>} : memref<4096xi32, #tpu.memory_space<vmem>>, vector<16xi32>,
    %swap3A_608 = arith.constant 2416 : index
    %swap3A_609 = tpu.vector_load %arg12[%swap3A_608] {strides = array<i32>} : memref<4096xi32, #tpu.memory_space<vmem>>, vector<16xi32>,
    tpu.vector_store %arg12[%swap3A_608], %broadcast_in_dim3A_0 {strides = array<i32>} : memref<4096xi32, #tpu.memory_space<vmem>>, vector<16xi32>,
    %swap3A_610 = arith.constant 2432 : index
    %swap3A_611 = tpu.vector_load %arg11[%swap3A_610] {strides = array<i32>} : memref<4096xi32, #tpu.memory_space<vmem>>, vector<16xi32>,
    tpu.vector_store %arg11[%swap3A_610], %broadcast_in_dim3A_0 {strides = array<i32>} : memref<4096xi32, #tpu.memory_space<vmem>>, vector<16xi32>,
    %swap3A_612 = arith.constant 2432 : index
    %swap3A_613 = tpu.vector_load %arg12[%swap3A_612] {strides = array<i32>} : memref<4096xi32, #tpu.memory_space<vmem>>, vector<16xi32>,
    tpu.vector_store %arg12[%swap3A_612], %broadcast_in_dim3A_0 {strides = array<i32>} : memref<4096xi32, #tpu.memory_space<vmem>>, vector<16xi32>,
    %swap3A_614 = arith.constant 2448 : index
    %swap3A_615 = tpu.vector_load %arg11[%swap3A_614] {strides = array<i32>} : memref<4096xi32, #tpu.memory_space<vmem>>, vector<16xi32>,
    tpu.vector_store %arg11[%swap3A_614], %broadcast_in_dim3A_0 {strides = array<i32>} : memref<4096xi32, #tpu.memory_space<vmem>>, vector<16xi32>,
    %swap3A_616 = arith.constant 2448 : index
    %swap3A_617 = tpu.vector_load %arg12[%swap3A_616] {strides = array<i32>} : memref<4096xi32, #tpu.memory_space<vmem>>, vector<16xi32>,
    tpu.vector_store %arg12[%swap3A_616], %broadcast_in_dim3A_0 {strides = array<i32>} : memref<4096xi32, #tpu.memory_space<vmem>>, vector<16xi32>,
    %swap3A_618 = arith.constant 2464 : index
    %swap3A_619 = tpu.vector_load %arg11[%swap3A_618] {strides = array<i32>} : memref<4096xi32, #tpu.memory_space<vmem>>, vector<16xi32>,
    tpu.vector_store %arg11[%swap3A_618], %broadcast_in_dim3A_0 {strides = array<i32>} : memref<4096xi32, #tpu.memory_space<vmem>>, vector<16xi32>,
    %swap3A_620 = arith.constant 2464 : index
    %swap3A_621 = tpu.vector_load %arg12[%swap3A_620] {strides = array<i32>} : memref<4096xi32, #tpu.memory_space<vmem>>, vector<16xi32>,
    tpu.vector_store %arg12[%swap3A_620], %broadcast_in_dim3A_0 {strides = array<i32>} : memref<4096xi32, #tpu.memory_space<vmem>>, vector<16xi32>,
    %swap3A_622 = arith.constant 2480 : index
    %swap3A_623 = tpu.vector_load %arg11[%swap3A_622] {strides = array<i32>} : memref<4096xi32, #tpu.memory_space<vmem>>, vector<16xi32>,
    tpu.vector_store %arg11[%swap3A_622], %broadcast_in_dim3A_0 {strides = array<i32>} : memref<4096xi32, #tpu.memory_space<vmem>>, vector<16xi32>,
    %swap3A_624 = arith.constant 2480 : index
    %swap3A_625 = tpu.vector_load %arg12[%swap3A_624] {strides = array<i32>} : memref<4096xi32, #tpu.memory_space<vmem>>, vector<16xi32>,
    tpu.vector_store %arg12[%swap3A_624], %broadcast_in_dim3A_0 {strides = array<i32>} : memref<4096xi32, #tpu.memory_space<vmem>>, vector<16xi32>,
    %swap3A_626 = arith.constant 2496 : index
    %swap3A_627 = tpu.vector_load %arg11[%swap3A_626] {strides = array<i32>} : memref<4096xi32, #tpu.memory_space<vmem>>, vector<16xi32>,
    tpu.vector_store %arg11[%swap3A_626], %broadcast_in_dim3A_0 {strides = array<i32>} : memref<4096xi32, #tpu.memory_space<vmem>>, vector<16xi32>,
    %swap3A_628 = arith.constant 2496 : index
    %swap3A_629 = tpu.vector_load %arg12[%swap3A_628] {strides = array<i32>} : memref<4096xi32, #tpu.memory_space<vmem>>, vector<16xi32>,
    tpu.vector_store %arg12[%swap3A_628], %broadcast_in_dim3A_0 {strides = array<i32>} : memref<4096xi32, #tpu.memory_space<vmem>>, vector<16xi32>,
    %swap3A_630 = arith.constant 2512 : index
    %swap3A_631 = tpu.vector_load %arg11[%swap3A_630] {strides = array<i32>} : memref<4096xi32, #tpu.memory_space<vmem>>, vector<16xi32>,
    tpu.vector_store %arg11[%swap3A_630], %broadcast_in_dim3A_0 {strides = array<i32>} : memref<4096xi32, #tpu.memory_space<vmem>>, vector<16xi32>,
    %swap3A_632 = arith.constant 2512 : index
    %swap3A_633 = tpu.vector_load %arg12[%swap3A_632] {strides = array<i32>} : memref<4096xi32, #tpu.memory_space<vmem>>, vector<16xi32>,
    tpu.vector_store %arg12[%swap3A_632], %broadcast_in_dim3A_0 {strides = array<i32>} : memref<4096xi32, #tpu.memory_space<vmem>>, vector<16xi32>,
    %swap3A_634 = arith.constant 2528 : index
    %swap3A_635 = tpu.vector_load %arg11[%swap3A_634] {strides = array<i32>} : memref<4096xi32, #tpu.memory_space<vmem>>, vector<16xi32>,
    tpu.vector_store %arg11[%swap3A_634], %broadcast_in_dim3A_0 {strides = array<i32>} : memref<4096xi32, #tpu.memory_space<vmem>>, vector<16xi32>,
    %swap3A_636 = arith.constant 2528 : index
    %swap3A_637 = tpu.vector_load %arg12[%swap3A_636] {strides = array<i32>} : memref<4096xi32, #tpu.memory_space<vmem>>, vector<16xi32>,
    tpu.vector_store %arg12[%swap3A_636], %broadcast_in_dim3A_0 {strides = array<i32>} : memref<4096xi32, #tpu.memory_space<vmem>>, vector<16xi32>,
    %swap3A_638 = arith.constant 2544 : index
    %swap3A_639 = tpu.vector_load %arg11[%swap3A_638] {strides = array<i32>} : memref<4096xi32, #tpu.memory_space<vmem>>, vector<16xi32>,
    tpu.vector_store %arg11[%swap3A_638], %broadcast_in_dim3A_0 {strides = array<i32>} : memref<4096xi32, #tpu.memory_space<vmem>>, vector<16xi32>,
    %swap3A_640 = arith.constant 2544 : index
    %swap3A_641 = tpu.vector_load %arg12[%swap3A_640] {strides = array<i32>} : memref<4096xi32, #tpu.memory_space<vmem>>, vector<16xi32>,
    tpu.vector_store %arg12[%swap3A_640], %broadcast_in_dim3A_0 {strides = array<i32>} : memref<4096xi32, #tpu.memory_space<vmem>>, vector<16xi32>,
    %swap3A_642 = arith.constant 2560 : index
    %swap3A_643 = tpu.vector_load %arg11[%swap3A_642] {strides = array<i32>} : memref<4096xi32, #tpu.memory_space<vmem>>, vector<16xi32>,
    tpu.vector_store %arg11[%swap3A_642], %broadcast_in_dim3A_0 {strides = array<i32>} : memref<4096xi32, #tpu.memory_space<vmem>>, vector<16xi32>,
    %swap3A_644 = arith.constant 2560 : index
    %swap3A_645 = tpu.vector_load %arg12[%swap3A_644] {strides = array<i32>} : memref<4096xi32, #tpu.memory_space<vmem>>, vector<16xi32>,
    tpu.vector_store %arg12[%swap3A_644], %broadcast_in_dim3A_0 {strides = array<i32>} : memref<4096xi32, #tpu.memory_space<vmem>>, vector<16xi32>,
    %swap3A_646 = arith.constant 2576 : index
    %swap3A_647 = tpu.vector_load %arg11[%swap3A_646] {strides = array<i32>} : memref<4096xi32, #tpu.memory_space<vmem>>, vector<16xi32>,
    tpu.vector_store %arg11[%swap3A_646], %broadcast_in_dim3A_0 {strides = array<i32>} : memref<4096xi32, #tpu.memory_space<vmem>>, vector<16xi32>,
    %swap3A_648 = arith.constant 2576 : index
    %swap3A_649 = tpu.vector_load %arg12[%swap3A_648] {strides = array<i32>} : memref<4096xi32, #tpu.memory_space<vmem>>, vector<16xi32>,
    tpu.vector_store %arg12[%swap3A_648], %broadcast_in_dim3A_0 {strides = array<i32>} : memref<4096xi32, #tpu.memory_space<vmem>>, vector<16xi32>,
    %swap3A_650 = arith.constant 2592 : index
    %swap3A_651 = tpu.vector_load %arg11[%swap3A_650] {strides = array<i32>} : memref<4096xi32, #tpu.memory_space<vmem>>, vector<16xi32>,
    tpu.vector_store %arg11[%swap3A_650], %broadcast_in_dim3A_0 {strides = array<i32>} : memref<4096xi32, #tpu.memory_space<vmem>>, vector<16xi32>,
    %swap3A_652 = arith.constant 2592 : index
    %swap3A_653 = tpu.vector_load %arg12[%swap3A_652] {strides = array<i32>} : memref<4096xi32, #tpu.memory_space<vmem>>, vector<16xi32>,
    tpu.vector_store %arg12[%swap3A_652], %broadcast_in_dim3A_0 {strides = array<i32>} : memref<4096xi32, #tpu.memory_space<vmem>>, vector<16xi32>,
    %swap3A_654 = arith.constant 2608 : index
    %swap3A_655 = tpu.vector_load %arg11[%swap3A_654] {strides = array<i32>} : memref<4096xi32, #tpu.memory_space<vmem>>, vector<16xi32>,
    tpu.vector_store %arg11[%swap3A_654], %broadcast_in_dim3A_0 {strides = array<i32>} : memref<4096xi32, #tpu.memory_space<vmem>>, vector<16xi32>,
    %swap3A_656 = arith.constant 2608 : index
    %swap3A_657 = tpu.vector_load %arg12[%swap3A_656] {strides = array<i32>} : memref<4096xi32, #tpu.memory_space<vmem>>, vector<16xi32>,
    tpu.vector_store %arg12[%swap3A_656], %broadcast_in_dim3A_0 {strides = array<i32>} : memref<4096xi32, #tpu.memory_space<vmem>>, vector<16xi32>,
    %swap3A_658 = arith.constant 2624 : index
    %swap3A_659 = tpu.vector_load %arg11[%swap3A_658] {strides = array<i32>} : memref<4096xi32, #tpu.memory_space<vmem>>, vector<16xi32>,
    tpu.vector_store %arg11[%swap3A_658], %broadcast_in_dim3A_0 {strides = array<i32>} : memref<4096xi32, #tpu.memory_space<vmem>>, vector<16xi32>,
    %swap3A_660 = arith.constant 2624 : index
    %swap3A_661 = tpu.vector_load %arg12[%swap3A_660] {strides = array<i32>} : memref<4096xi32, #tpu.memory_space<vmem>>, vector<16xi32>,
    tpu.vector_store %arg12[%swap3A_660], %broadcast_in_dim3A_0 {strides = array<i32>} : memref<4096xi32, #tpu.memory_space<vmem>>, vector<16xi32>,
    %swap3A_662 = arith.constant 2640 : index
    %swap3A_663 = tpu.vector_load %arg11[%swap3A_662] {strides = array<i32>} : memref<4096xi32, #tpu.memory_space<vmem>>, vector<16xi32>,
    tpu.vector_store %arg11[%swap3A_662], %broadcast_in_dim3A_0 {strides = array<i32>} : memref<4096xi32, #tpu.memory_space<vmem>>, vector<16xi32>,
    %swap3A_664 = arith.constant 2640 : index
    %swap3A_665 = tpu.vector_load %arg12[%swap3A_664] {strides = array<i32>} : memref<4096xi32, #tpu.memory_space<vmem>>, vector<16xi32>,
    tpu.vector_store %arg12[%swap3A_664], %broadcast_in_dim3A_0 {strides = array<i32>} : memref<4096xi32, #tpu.memory_space<vmem>>, vector<16xi32>,
    %swap3A_666 = arith.constant 2656 : index
    %swap3A_667 = tpu.vector_load %arg11[%swap3A_666] {strides = array<i32>} : memref<4096xi32, #tpu.memory_space<vmem>>, vector<16xi32>,
    tpu.vector_store %arg11[%swap3A_666], %broadcast_in_dim3A_0 {strides = array<i32>} : memref<4096xi32, #tpu.memory_space<vmem>>, vector<16xi32>,
    %swap3A_668 = arith.constant 2656 : index
    %swap3A_669 = tpu.vector_load %arg12[%swap3A_668] {strides = array<i32>} : memref<4096xi32, #tpu.memory_space<vmem>>, vector<16xi32>,
    tpu.vector_store %arg12[%swap3A_668], %broadcast_in_dim3A_0 {strides = array<i32>} : memref<4096xi32, #tpu.memory_space<vmem>>, vector<16xi32>,
    %swap3A_670 = arith.constant 2672 : index
    %swap3A_671 = tpu.vector_load %arg11[%swap3A_670] {strides = array<i32>} : memref<4096xi32, #tpu.memory_space<vmem>>, vector<16xi32>,
    tpu.vector_store %arg11[%swap3A_670], %broadcast_in_dim3A_0 {strides = array<i32>} : memref<4096xi32, #tpu.memory_space<vmem>>, vector<16xi32>,
    %swap3A_672 = arith.constant 2672 : index
    %swap3A_673 = tpu.vector_load %arg12[%swap3A_672] {strides = array<i32>} : memref<4096xi32, #tpu.memory_space<vmem>>, vector<16xi32>,
    tpu.vector_store %arg12[%swap3A_672], %broadcast_in_dim3A_0 {strides = array<i32>} : memref<4096xi32, #tpu.memory_space<vmem>>, vector<16xi32>,
    %swap3A_674 = arith.constant 2688 : index
    %swap3A_675 = tpu.vector_load %arg11[%swap3A_674] {strides = array<i32>} : memref<4096xi32, #tpu.memory_space<vmem>>, vector<16xi32>,
    tpu.vector_store %arg11[%swap3A_674], %broadcast_in_dim3A_0 {strides = array<i32>} : memref<4096xi32, #tpu.memory_space<vmem>>, vector<16xi32>,
    %swap3A_676 = arith.constant 2688 : index
    %swap3A_677 = tpu.vector_load %arg12[%swap3A_676] {strides = array<i32>} : memref<4096xi32, #tpu.memory_space<vmem>>, vector<16xi32>,
    tpu.vector_store %arg12[%swap3A_676], %broadcast_in_dim3A_0 {strides = array<i32>} : memref<4096xi32, #tpu.memory_space<vmem>>, vector<16xi32>,
    %swap3A_678 = arith.constant 2704 : index
    %swap3A_679 = tpu.vector_load %arg11[%swap3A_678] {strides = array<i32>} : memref<4096xi32, #tpu.memory_space<vmem>>, vector<16xi32>,
    tpu.vector_store %arg11[%swap3A_678], %broadcast_in_dim3A_0 {strides = array<i32>} : memref<4096xi32, #tpu.memory_space<vmem>>, vector<16xi32>,
    %swap3A_680 = arith.constant 2704 : index
    %swap3A_681 = tpu.vector_load %arg12[%swap3A_680] {strides = array<i32>} : memref<4096xi32, #tpu.memory_space<vmem>>, vector<16xi32>,
    tpu.vector_store %arg12[%swap3A_680], %broadcast_in_dim3A_0 {strides = array<i32>} : memref<4096xi32, #tpu.memory_space<vmem>>, vector<16xi32>,
    %swap3A_682 = arith.constant 2720 : index
    %swap3A_683 = tpu.vector_load %arg11[%swap3A_682] {strides = array<i32>} : memref<4096xi32, #tpu.memory_space<vmem>>, vector<16xi32>,
    tpu.vector_store %arg11[%swap3A_682], %broadcast_in_dim3A_0 {strides = array<i32>} : memref<4096xi32, #tpu.memory_space<vmem>>, vector<16xi32>,
    %swap3A_684 = arith.constant 2720 : index
    %swap3A_685 = tpu.vector_load %arg12[%swap3A_684] {strides = array<i32>} : memref<4096xi32, #tpu.memory_space<vmem>>, vector<16xi32>,
    tpu.vector_store %arg12[%swap3A_684], %broadcast_in_dim3A_0 {strides = array<i32>} : memref<4096xi32, #tpu.memory_space<vmem>>, vector<16xi32>,
    %swap3A_686 = arith.constant 2736 : index
    %swap3A_687 = tpu.vector_load %arg11[%swap3A_686] {strides = array<i32>} : memref<4096xi32, #tpu.memory_space<vmem>>, vector<16xi32>,
    tpu.vector_store %arg11[%swap3A_686], %broadcast_in_dim3A_0 {strides = array<i32>} : memref<4096xi32, #tpu.memory_space<vmem>>, vector<16xi32>,
    %swap3A_688 = arith.constant 2736 : index
    %swap3A_689 = tpu.vector_load %arg12[%swap3A_688] {strides = array<i32>} : memref<4096xi32, #tpu.memory_space<vmem>>, vector<16xi32>,
    tpu.vector_store %arg12[%swap3A_688], %broadcast_in_dim3A_0 {strides = array<i32>} : memref<4096xi32, #tpu.memory_space<vmem>>, vector<16xi32>,
    %swap3A_690 = arith.constant 2752 : index
    %swap3A_691 = tpu.vector_load %arg11[%swap3A_690] {strides = array<i32>} : memref<4096xi32, #tpu.memory_space<vmem>>, vector<16xi32>,
    tpu.vector_store %arg11[%swap3A_690], %broadcast_in_dim3A_0 {strides = array<i32>} : memref<4096xi32, #tpu.memory_space<vmem>>, vector<16xi32>,
    %swap3A_692 = arith.constant 2752 : index
    %swap3A_693 = tpu.vector_load %arg12[%swap3A_692] {strides = array<i32>} : memref<4096xi32, #tpu.memory_space<vmem>>, vector<16xi32>,
    tpu.vector_store %arg12[%swap3A_692], %broadcast_in_dim3A_0 {strides = array<i32>} : memref<4096xi32, #tpu.memory_space<vmem>>, vector<16xi32>,
    %swap3A_694 = arith.constant 2768 : index
    %swap3A_695 = tpu.vector_load %arg11[%swap3A_694] {strides = array<i32>} : memref<4096xi32, #tpu.memory_space<vmem>>, vector<16xi32>,
    tpu.vector_store %arg11[%swap3A_694], %broadcast_in_dim3A_0 {strides = array<i32>} : memref<4096xi32, #tpu.memory_space<vmem>>, vector<16xi32>,
    %swap3A_696 = arith.constant 2768 : index
    %swap3A_697 = tpu.vector_load %arg12[%swap3A_696] {strides = array<i32>} : memref<4096xi32, #tpu.memory_space<vmem>>, vector<16xi32>,
    tpu.vector_store %arg12[%swap3A_696], %broadcast_in_dim3A_0 {strides = array<i32>} : memref<4096xi32, #tpu.memory_space<vmem>>, vector<16xi32>,
    %swap3A_698 = arith.constant 2784 : index
    %swap3A_699 = tpu.vector_load %arg11[%swap3A_698] {strides = array<i32>} : memref<4096xi32, #tpu.memory_space<vmem>>, vector<16xi32>,
    tpu.vector_store %arg11[%swap3A_698], %broadcast_in_dim3A_0 {strides = array<i32>} : memref<4096xi32, #tpu.memory_space<vmem>>, vector<16xi32>,
    %swap3A_700 = arith.constant 2784 : index
    %swap3A_701 = tpu.vector_load %arg12[%swap3A_700] {strides = array<i32>} : memref<4096xi32, #tpu.memory_space<vmem>>, vector<16xi32>,
    tpu.vector_store %arg12[%swap3A_700], %broadcast_in_dim3A_0 {strides = array<i32>} : memref<4096xi32, #tpu.memory_space<vmem>>, vector<16xi32>,
    %swap3A_702 = arith.constant 2800 : index
    %swap3A_703 = tpu.vector_load %arg11[%swap3A_702] {strides = array<i32>} : memref<4096xi32, #tpu.memory_space<vmem>>, vector<16xi32>,
    tpu.vector_store %arg11[%swap3A_702], %broadcast_in_dim3A_0 {strides = array<i32>} : memref<4096xi32, #tpu.memory_space<vmem>>, vector<16xi32>,
    %swap3A_704 = arith.constant 2800 : index
    %swap3A_705 = tpu.vector_load %arg12[%swap3A_704] {strides = array<i32>} : memref<4096xi32, #tpu.memory_space<vmem>>, vector<16xi32>,
    tpu.vector_store %arg12[%swap3A_704], %broadcast_in_dim3A_0 {strides = array<i32>} : memref<4096xi32, #tpu.memory_space<vmem>>, vector<16xi32>,
    %swap3A_706 = arith.constant 2816 : index
    %swap3A_707 = tpu.vector_load %arg11[%swap3A_706] {strides = array<i32>} : memref<4096xi32, #tpu.memory_space<vmem>>, vector<16xi32>,
    tpu.vector_store %arg11[%swap3A_706], %broadcast_in_dim3A_0 {strides = array<i32>} : memref<4096xi32, #tpu.memory_space<vmem>>, vector<16xi32>,
    %swap3A_708 = arith.constant 2816 : index
    %swap3A_709 = tpu.vector_load %arg12[%swap3A_708] {strides = array<i32>} : memref<4096xi32, #tpu.memory_space<vmem>>, vector<16xi32>,
    tpu.vector_store %arg12[%swap3A_708], %broadcast_in_dim3A_0 {strides = array<i32>} : memref<4096xi32, #tpu.memory_space<vmem>>, vector<16xi32>,
    %swap3A_710 = arith.constant 2832 : index
    %swap3A_711 = tpu.vector_load %arg11[%swap3A_710] {strides = array<i32>} : memref<4096xi32, #tpu.memory_space<vmem>>, vector<16xi32>,
    tpu.vector_store %arg11[%swap3A_710], %broadcast_in_dim3A_0 {strides = array<i32>} : memref<4096xi32, #tpu.memory_space<vmem>>, vector<16xi32>,
    %swap3A_712 = arith.constant 2832 : index
    %swap3A_713 = tpu.vector_load %arg12[%swap3A_712] {strides = array<i32>} : memref<4096xi32, #tpu.memory_space<vmem>>, vector<16xi32>,
    tpu.vector_store %arg12[%swap3A_712], %broadcast_in_dim3A_0 {strides = array<i32>} : memref<4096xi32, #tpu.memory_space<vmem>>, vector<16xi32>,
    %swap3A_714 = arith.constant 2848 : index
    %swap3A_715 = tpu.vector_load %arg11[%swap3A_714] {strides = array<i32>} : memref<4096xi32, #tpu.memory_space<vmem>>, vector<16xi32>,
    tpu.vector_store %arg11[%swap3A_714], %broadcast_in_dim3A_0 {strides = array<i32>} : memref<4096xi32, #tpu.memory_space<vmem>>, vector<16xi32>,
    %swap3A_716 = arith.constant 2848 : index
    %swap3A_717 = tpu.vector_load %arg12[%swap3A_716] {strides = array<i32>} : memref<4096xi32, #tpu.memory_space<vmem>>, vector<16xi32>,
    tpu.vector_store %arg12[%swap3A_716], %broadcast_in_dim3A_0 {strides = array<i32>} : memref<4096xi32, #tpu.memory_space<vmem>>, vector<16xi32>,
    %swap3A_718 = arith.constant 2864 : index
    %swap3A_719 = tpu.vector_load %arg11[%swap3A_718] {strides = array<i32>} : memref<4096xi32, #tpu.memory_space<vmem>>, vector<16xi32>,
    tpu.vector_store %arg11[%swap3A_718], %broadcast_in_dim3A_0 {strides = array<i32>} : memref<4096xi32, #tpu.memory_space<vmem>>, vector<16xi32>,
    %swap3A_720 = arith.constant 2864 : index
    %swap3A_721 = tpu.vector_load %arg12[%swap3A_720] {strides = array<i32>} : memref<4096xi32, #tpu.memory_space<vmem>>, vector<16xi32>,
    tpu.vector_store %arg12[%swap3A_720], %broadcast_in_dim3A_0 {strides = array<i32>} : memref<4096xi32, #tpu.memory_space<vmem>>, vector<16xi32>,
    %swap3A_722 = arith.constant 2880 : index
    %swap3A_723 = tpu.vector_load %arg11[%swap3A_722] {strides = array<i32>} : memref<4096xi32, #tpu.memory_space<vmem>>, vector<16xi32>,
    tpu.vector_store %arg11[%swap3A_722], %broadcast_in_dim3A_0 {strides = array<i32>} : memref<4096xi32, #tpu.memory_space<vmem>>, vector<16xi32>,
    %swap3A_724 = arith.constant 2880 : index
    %swap3A_725 = tpu.vector_load %arg12[%swap3A_724] {strides = array<i32>} : memref<4096xi32, #tpu.memory_space<vmem>>, vector<16xi32>,
    tpu.vector_store %arg12[%swap3A_724], %broadcast_in_dim3A_0 {strides = array<i32>} : memref<4096xi32, #tpu.memory_space<vmem>>, vector<16xi32>,
    %swap3A_726 = arith.constant 2896 : index
    %swap3A_727 = tpu.vector_load %arg11[%swap3A_726] {strides = array<i32>} : memref<4096xi32, #tpu.memory_space<vmem>>, vector<16xi32>,
    tpu.vector_store %arg11[%swap3A_726], %broadcast_in_dim3A_0 {strides = array<i32>} : memref<4096xi32, #tpu.memory_space<vmem>>, vector<16xi32>,
    %swap3A_728 = arith.constant 2896 : index
    %swap3A_729 = tpu.vector_load %arg12[%swap3A_728] {strides = array<i32>} : memref<4096xi32, #tpu.memory_space<vmem>>, vector<16xi32>,
    tpu.vector_store %arg12[%swap3A_728], %broadcast_in_dim3A_0 {strides = array<i32>} : memref<4096xi32, #tpu.memory_space<vmem>>, vector<16xi32>,
    %swap3A_730 = arith.constant 2912 : index
    %swap3A_731 = tpu.vector_load %arg11[%swap3A_730] {strides = array<i32>} : memref<4096xi32, #tpu.memory_space<vmem>>, vector<16xi32>,
    tpu.vector_store %arg11[%swap3A_730], %broadcast_in_dim3A_0 {strides = array<i32>} : memref<4096xi32, #tpu.memory_space<vmem>>, vector<16xi32>,
    %swap3A_732 = arith.constant 2912 : index
    %swap3A_733 = tpu.vector_load %arg12[%swap3A_732] {strides = array<i32>} : memref<4096xi32, #tpu.memory_space<vmem>>, vector<16xi32>,
    tpu.vector_store %arg12[%swap3A_732], %broadcast_in_dim3A_0 {strides = array<i32>} : memref<4096xi32, #tpu.memory_space<vmem>>, vector<16xi32>,
    %swap3A_734 = arith.constant 2928 : index
    %swap3A_735 = tpu.vector_load %arg11[%swap3A_734] {strides = array<i32>} : memref<4096xi32, #tpu.memory_space<vmem>>, vector<16xi32>,
    tpu.vector_store %arg11[%swap3A_734], %broadcast_in_dim3A_0 {strides = array<i32>} : memref<4096xi32, #tpu.memory_space<vmem>>, vector<16xi32>,
    %swap3A_736 = arith.constant 2928 : index
    %swap3A_737 = tpu.vector_load %arg12[%swap3A_736] {strides = array<i32>} : memref<4096xi32, #tpu.memory_space<vmem>>, vector<16xi32>,
    tpu.vector_store %arg12[%swap3A_736], %broadcast_in_dim3A_0 {strides = array<i32>} : memref<4096xi32, #tpu.memory_space<vmem>>, vector<16xi32>,
    %swap3A_738 = arith.constant 2944 : index
    %swap3A_739 = tpu.vector_load %arg11[%swap3A_738] {strides = array<i32>} : memref<4096xi32, #tpu.memory_space<vmem>>, vector<16xi32>,
    tpu.vector_store %arg11[%swap3A_738], %broadcast_in_dim3A_0 {strides = array<i32>} : memref<4096xi32, #tpu.memory_space<vmem>>, vector<16xi32>,
    %swap3A_740 = arith.constant 2944 : index
    %swap3A_741 = tpu.vector_load %arg12[%swap3A_740] {strides = array<i32>} : memref<4096xi32, #tpu.memory_space<vmem>>, vector<16xi32>,
    tpu.vector_store %arg12[%swap3A_740], %broadcast_in_dim3A_0 {strides = array<i32>} : memref<4096xi32, #tpu.memory_space<vmem>>, vector<16xi32>,
    %swap3A_742 = arith.constant 2960 : index
    %swap3A_743 = tpu.vector_load %arg11[%swap3A_742] {strides = array<i32>} : memref<4096xi32, #tpu.memory_space<vmem>>, vector<16xi32>,
    tpu.vector_store %arg11[%swap3A_742], %broadcast_in_dim3A_0 {strides = array<i32>} : memref<4096xi32, #tpu.memory_space<vmem>>, vector<16xi32>,
    %swap3A_744 = arith.constant 2960 : index
    %swap3A_745 = tpu.vector_load %arg12[%swap3A_744] {strides = array<i32>} : memref<4096xi32, #tpu.memory_space<vmem>>, vector<16xi32>,
    tpu.vector_store %arg12[%swap3A_744], %broadcast_in_dim3A_0 {strides = array<i32>} : memref<4096xi32, #tpu.memory_space<vmem>>, vector<16xi32>,
    %swap3A_746 = arith.constant 2976 : index
    %swap3A_747 = tpu.vector_load %arg11[%swap3A_746] {strides = array<i32>} : memref<4096xi32, #tpu.memory_space<vmem>>, vector<16xi32>,
    tpu.vector_store %arg11[%swap3A_746], %broadcast_in_dim3A_0 {strides = array<i32>} : memref<4096xi32, #tpu.memory_space<vmem>>, vector<16xi32>,
    %swap3A_748 = arith.constant 2976 : index
    %swap3A_749 = tpu.vector_load %arg12[%swap3A_748] {strides = array<i32>} : memref<4096xi32, #tpu.memory_space<vmem>>, vector<16xi32>,
    tpu.vector_store %arg12[%swap3A_748], %broadcast_in_dim3A_0 {strides = array<i32>} : memref<4096xi32, #tpu.memory_space<vmem>>, vector<16xi32>,
    %swap3A_750 = arith.constant 2992 : index
    %swap3A_751 = tpu.vector_load %arg11[%swap3A_750] {strides = array<i32>} : memref<4096xi32, #tpu.memory_space<vmem>>, vector<16xi32>,
    tpu.vector_store %arg11[%swap3A_750], %broadcast_in_dim3A_0 {strides = array<i32>} : memref<4096xi32, #tpu.memory_space<vmem>>, vector<16xi32>,
    %swap3A_752 = arith.constant 2992 : index
    %swap3A_753 = tpu.vector_load %arg12[%swap3A_752] {strides = array<i32>} : memref<4096xi32, #tpu.memory_space<vmem>>, vector<16xi32>,
    tpu.vector_store %arg12[%swap3A_752], %broadcast_in_dim3A_0 {strides = array<i32>} : memref<4096xi32, #tpu.memory_space<vmem>>, vector<16xi32>,
    %swap3A_754 = arith.constant 3008 : index
    %swap3A_755 = tpu.vector_load %arg11[%swap3A_754] {strides = array<i32>} : memref<4096xi32, #tpu.memory_space<vmem>>, vector<16xi32>,
    tpu.vector_store %arg11[%swap3A_754], %broadcast_in_dim3A_0 {strides = array<i32>} : memref<4096xi32, #tpu.memory_space<vmem>>, vector<16xi32>,
    %swap3A_756 = arith.constant 3008 : index
    %swap3A_757 = tpu.vector_load %arg12[%swap3A_756] {strides = array<i32>} : memref<4096xi32, #tpu.memory_space<vmem>>, vector<16xi32>,
    tpu.vector_store %arg12[%swap3A_756], %broadcast_in_dim3A_0 {strides = array<i32>} : memref<4096xi32, #tpu.memory_space<vmem>>, vector<16xi32>,
    %swap3A_758 = arith.constant 3024 : index
    %swap3A_759 = tpu.vector_load %arg11[%swap3A_758] {strides = array<i32>} : memref<4096xi32, #tpu.memory_space<vmem>>, vector<16xi32>,
    tpu.vector_store %arg11[%swap3A_758], %broadcast_in_dim3A_0 {strides = array<i32>} : memref<4096xi32, #tpu.memory_space<vmem>>, vector<16xi32>,
    %swap3A_760 = arith.constant 3024 : index
    %swap3A_761 = tpu.vector_load %arg12[%swap3A_760] {strides = array<i32>} : memref<4096xi32, #tpu.memory_space<vmem>>, vector<16xi32>,
    tpu.vector_store %arg12[%swap3A_760], %broadcast_in_dim3A_0 {strides = array<i32>} : memref<4096xi32, #tpu.memory_space<vmem>>, vector<16xi32>,
    %swap3A_762 = arith.constant 3040 : index
    %swap3A_763 = tpu.vector_load %arg11[%swap3A_762] {strides = array<i32>} : memref<4096xi32, #tpu.memory_space<vmem>>, vector<16xi32>,
    tpu.vector_store %arg11[%swap3A_762], %broadcast_in_dim3A_0 {strides = array<i32>} : memref<4096xi32, #tpu.memory_space<vmem>>, vector<16xi32>,
    %swap3A_764 = arith.constant 3040 : index
    %swap3A_765 = tpu.vector_load %arg12[%swap3A_764] {strides = array<i32>} : memref<4096xi32, #tpu.memory_space<vmem>>, vector<16xi32>,
    tpu.vector_store %arg12[%swap3A_764], %broadcast_in_dim3A_0 {strides = array<i32>} : memref<4096xi32, #tpu.memory_space<vmem>>, vector<16xi32>,
    %swap3A_766 = arith.constant 3056 : index
    %swap3A_767 = tpu.vector_load %arg11[%swap3A_766] {strides = array<i32>} : memref<4096xi32, #tpu.memory_space<vmem>>, vector<16xi32>,
    tpu.vector_store %arg11[%swap3A_766], %broadcast_in_dim3A_0 {strides = array<i32>} : memref<4096xi32, #tpu.memory_space<vmem>>, vector<16xi32>,
    %swap3A_768 = arith.constant 3056 : index
    %swap3A_769 = tpu.vector_load %arg12[%swap3A_768] {strides = array<i32>} : memref<4096xi32, #tpu.memory_space<vmem>>, vector<16xi32>,
    tpu.vector_store %arg12[%swap3A_768], %broadcast_in_dim3A_0 {strides = array<i32>} : memref<4096xi32, #tpu.memory_space<vmem>>, vector<16xi32>,
    %swap3A_770 = arith.constant 3072 : index
    %swap3A_771 = tpu.vector_load %arg11[%swap3A_770] {strides = array<i32>} : memref<4096xi32, #tpu.memory_space<vmem>>, vector<16xi32>,
    tpu.vector_store %arg11[%swap3A_770], %broadcast_in_dim3A_0 {strides = array<i32>} : memref<4096xi32, #tpu.memory_space<vmem>>, vector<16xi32>,
    %swap3A_772 = arith.constant 3072 : index
    %swap3A_773 = tpu.vector_load %arg12[%swap3A_772] {strides = array<i32>} : memref<4096xi32, #tpu.memory_space<vmem>>, vector<16xi32>,
    tpu.vector_store %arg12[%swap3A_772], %broadcast_in_dim3A_0 {strides = array<i32>} : memref<4096xi32, #tpu.memory_space<vmem>>, vector<16xi32>,
    %swap3A_774 = arith.constant 3088 : index
    %swap3A_775 = tpu.vector_load %arg11[%swap3A_774] {strides = array<i32>} : memref<4096xi32, #tpu.memory_space<vmem>>, vector<16xi32>,
    tpu.vector_store %arg11[%swap3A_774], %broadcast_in_dim3A_0 {strides = array<i32>} : memref<4096xi32, #tpu.memory_space<vmem>>, vector<16xi32>,
    %swap3A_776 = arith.constant 3088 : index
    %swap3A_777 = tpu.vector_load %arg12[%swap3A_776] {strides = array<i32>} : memref<4096xi32, #tpu.memory_space<vmem>>, vector<16xi32>,
    tpu.vector_store %arg12[%swap3A_776], %broadcast_in_dim3A_0 {strides = array<i32>} : memref<4096xi32, #tpu.memory_space<vmem>>, vector<16xi32>,
    %swap3A_778 = arith.constant 3104 : index
    %swap3A_779 = tpu.vector_load %arg11[%swap3A_778] {strides = array<i32>} : memref<4096xi32, #tpu.memory_space<vmem>>, vector<16xi32>,
    tpu.vector_store %arg11[%swap3A_778], %broadcast_in_dim3A_0 {strides = array<i32>} : memref<4096xi32, #tpu.memory_space<vmem>>, vector<16xi32>,
    %swap3A_780 = arith.constant 3104 : index
    %swap3A_781 = tpu.vector_load %arg12[%swap3A_780] {strides = array<i32>} : memref<4096xi32, #tpu.memory_space<vmem>>, vector<16xi32>,
    tpu.vector_store %arg12[%swap3A_780], %broadcast_in_dim3A_0 {strides = array<i32>} : memref<4096xi32, #tpu.memory_space<vmem>>, vector<16xi32>,
    %swap3A_782 = arith.constant 3120 : index
    %swap3A_783 = tpu.vector_load %arg11[%swap3A_782] {strides = array<i32>} : memref<4096xi32, #tpu.memory_space<vmem>>, vector<16xi32>,
    tpu.vector_store %arg11[%swap3A_782], %broadcast_in_dim3A_0 {strides = array<i32>} : memref<4096xi32, #tpu.memory_space<vmem>>, vector<16xi32>,
    %swap3A_784 = arith.constant 3120 : index
    %swap3A_785 = tpu.vector_load %arg12[%swap3A_784] {strides = array<i32>} : memref<4096xi32, #tpu.memory_space<vmem>>, vector<16xi32>,
    tpu.vector_store %arg12[%swap3A_784], %broadcast_in_dim3A_0 {strides = array<i32>} : memref<4096xi32, #tpu.memory_space<vmem>>, vector<16xi32>,
    %swap3A_786 = arith.constant 3136 : index
    %swap3A_787 = tpu.vector_load %arg11[%swap3A_786] {strides = array<i32>} : memref<4096xi32, #tpu.memory_space<vmem>>, vector<16xi32>,
    tpu.vector_store %arg11[%swap3A_786], %broadcast_in_dim3A_0 {strides = array<i32>} : memref<4096xi32, #tpu.memory_space<vmem>>, vector<16xi32>,
    %swap3A_788 = arith.constant 3136 : index
    %swap3A_789 = tpu.vector_load %arg12[%swap3A_788] {strides = array<i32>} : memref<4096xi32, #tpu.memory_space<vmem>>, vector<16xi32>,
    tpu.vector_store %arg12[%swap3A_788], %broadcast_in_dim3A_0 {strides = array<i32>} : memref<4096xi32, #tpu.memory_space<vmem>>, vector<16xi32>,
    %swap3A_790 = arith.constant 3152 : index
    %swap3A_791 = tpu.vector_load %arg11[%swap3A_790] {strides = array<i32>} : memref<4096xi32, #tpu.memory_space<vmem>>, vector<16xi32>,
    tpu.vector_store %arg11[%swap3A_790], %broadcast_in_dim3A_0 {strides = array<i32>} : memref<4096xi32, #tpu.memory_space<vmem>>, vector<16xi32>,
    %swap3A_792 = arith.constant 3152 : index
    %swap3A_793 = tpu.vector_load %arg12[%swap3A_792] {strides = array<i32>} : memref<4096xi32, #tpu.memory_space<vmem>>, vector<16xi32>,
    tpu.vector_store %arg12[%swap3A_792], %broadcast_in_dim3A_0 {strides = array<i32>} : memref<4096xi32, #tpu.memory_space<vmem>>, vector<16xi32>,
    %swap3A_794 = arith.constant 3168 : index
    %swap3A_795 = tpu.vector_load %arg11[%swap3A_794] {strides = array<i32>} : memref<4096xi32, #tpu.memory_space<vmem>>, vector<16xi32>,
    tpu.vector_store %arg11[%swap3A_794], %broadcast_in_dim3A_0 {strides = array<i32>} : memref<4096xi32, #tpu.memory_space<vmem>>, vector<16xi32>,
    %swap3A_796 = arith.constant 3168 : index
    %swap3A_797 = tpu.vector_load %arg12[%swap3A_796] {strides = array<i32>} : memref<4096xi32, #tpu.memory_space<vmem>>, vector<16xi32>,
    tpu.vector_store %arg12[%swap3A_796], %broadcast_in_dim3A_0 {strides = array<i32>} : memref<4096xi32, #tpu.memory_space<vmem>>, vector<16xi32>,
    %swap3A_798 = arith.constant 3184 : index
    %swap3A_799 = tpu.vector_load %arg11[%swap3A_798] {strides = array<i32>} : memref<4096xi32, #tpu.memory_space<vmem>>, vector<16xi32>,
    tpu.vector_store %arg11[%swap3A_798], %broadcast_in_dim3A_0 {strides = array<i32>} : memref<4096xi32, #tpu.memory_space<vmem>>, vector<16xi32>,
    %swap3A_800 = arith.constant 3184 : index
    %swap3A_801 = tpu.vector_load %arg12[%swap3A_800] {strides = array<i32>} : memref<4096xi32, #tpu.memory_space<vmem>>, vector<16xi32>,
    tpu.vector_store %arg12[%swap3A_800], %broadcast_in_dim3A_0 {strides = array<i32>} : memref<4096xi32, #tpu.memory_space<vmem>>, vector<16xi32>,
    %swap3A_802 = arith.constant 3200 : index
    %swap3A_803 = tpu.vector_load %arg11[%swap3A_802] {strides = array<i32>} : memref<4096xi32, #tpu.memory_space<vmem>>, vector<16xi32>,
    tpu.vector_store %arg11[%swap3A_802], %broadcast_in_dim3A_0 {strides = array<i32>} : memref<4096xi32, #tpu.memory_space<vmem>>, vector<16xi32>,
    %swap3A_804 = arith.constant 3200 : index
    %swap3A_805 = tpu.vector_load %arg12[%swap3A_804] {strides = array<i32>} : memref<4096xi32, #tpu.memory_space<vmem>>, vector<16xi32>,
    tpu.vector_store %arg12[%swap3A_804], %broadcast_in_dim3A_0 {strides = array<i32>} : memref<4096xi32, #tpu.memory_space<vmem>>, vector<16xi32>,
    %swap3A_806 = arith.constant 3216 : index
    %swap3A_807 = tpu.vector_load %arg11[%swap3A_806] {strides = array<i32>} : memref<4096xi32, #tpu.memory_space<vmem>>, vector<16xi32>,
    tpu.vector_store %arg11[%swap3A_806], %broadcast_in_dim3A_0 {strides = array<i32>} : memref<4096xi32, #tpu.memory_space<vmem>>, vector<16xi32>,
    %swap3A_808 = arith.constant 3216 : index
    %swap3A_809 = tpu.vector_load %arg12[%swap3A_808] {strides = array<i32>} : memref<4096xi32, #tpu.memory_space<vmem>>, vector<16xi32>,
    tpu.vector_store %arg12[%swap3A_808], %broadcast_in_dim3A_0 {strides = array<i32>} : memref<4096xi32, #tpu.memory_space<vmem>>, vector<16xi32>,
    %swap3A_810 = arith.constant 3232 : index
    %swap3A_811 = tpu.vector_load %arg11[%swap3A_810] {strides = array<i32>} : memref<4096xi32, #tpu.memory_space<vmem>>, vector<16xi32>,
    tpu.vector_store %arg11[%swap3A_810], %broadcast_in_dim3A_0 {strides = array<i32>} : memref<4096xi32, #tpu.memory_space<vmem>>, vector<16xi32>,
    %swap3A_812 = arith.constant 3232 : index
    %swap3A_813 = tpu.vector_load %arg12[%swap3A_812] {strides = array<i32>} : memref<4096xi32, #tpu.memory_space<vmem>>, vector<16xi32>,
    tpu.vector_store %arg12[%swap3A_812], %broadcast_in_dim3A_0 {strides = array<i32>} : memref<4096xi32, #tpu.memory_space<vmem>>, vector<16xi32>,
    %swap3A_814 = arith.constant 3248 : index
    %swap3A_815 = tpu.vector_load %arg11[%swap3A_814] {strides = array<i32>} : memref<4096xi32, #tpu.memory_space<vmem>>, vector<16xi32>,
    tpu.vector_store %arg11[%swap3A_814], %broadcast_in_dim3A_0 {strides = array<i32>} : memref<4096xi32, #tpu.memory_space<vmem>>, vector<16xi32>,
    %swap3A_816 = arith.constant 3248 : index
    %swap3A_817 = tpu.vector_load %arg12[%swap3A_816] {strides = array<i32>} : memref<4096xi32, #tpu.memory_space<vmem>>, vector<16xi32>,
    tpu.vector_store %arg12[%swap3A_816], %broadcast_in_dim3A_0 {strides = array<i32>} : memref<4096xi32, #tpu.memory_space<vmem>>, vector<16xi32>,
    %swap3A_818 = arith.constant 3264 : index
    %swap3A_819 = tpu.vector_load %arg11[%swap3A_818] {strides = array<i32>} : memref<4096xi32, #tpu.memory_space<vmem>>, vector<16xi32>,
    tpu.vector_store %arg11[%swap3A_818], %broadcast_in_dim3A_0 {strides = array<i32>} : memref<4096xi32, #tpu.memory_space<vmem>>, vector<16xi32>,
    %swap3A_820 = arith.constant 3264 : index
    %swap3A_821 = tpu.vector_load %arg12[%swap3A_820] {strides = array<i32>} : memref<4096xi32, #tpu.memory_space<vmem>>, vector<16xi32>,
    tpu.vector_store %arg12[%swap3A_820], %broadcast_in_dim3A_0 {strides = array<i32>} : memref<4096xi32, #tpu.memory_space<vmem>>, vector<16xi32>,
    %swap3A_822 = arith.constant 3280 : index
    %swap3A_823 = tpu.vector_load %arg11[%swap3A_822] {strides = array<i32>} : memref<4096xi32, #tpu.memory_space<vmem>>, vector<16xi32>,
    tpu.vector_store %arg11[%swap3A_822], %broadcast_in_dim3A_0 {strides = array<i32>} : memref<4096xi32, #tpu.memory_space<vmem>>, vector<16xi32>,
    %swap3A_824 = arith.constant 3280 : index
    %swap3A_825 = tpu.vector_load %arg12[%swap3A_824] {strides = array<i32>} : memref<4096xi32, #tpu.memory_space<vmem>>, vector<16xi32>,
    tpu.vector_store %arg12[%swap3A_824], %broadcast_in_dim3A_0 {strides = array<i32>} : memref<4096xi32, #tpu.memory_space<vmem>>, vector<16xi32>,
    %swap3A_826 = arith.constant 3296 : index
    %swap3A_827 = tpu.vector_load %arg11[%swap3A_826] {strides = array<i32>} : memref<4096xi32, #tpu.memory_space<vmem>>, vector<16xi32>,
    tpu.vector_store %arg11[%swap3A_826], %broadcast_in_dim3A_0 {strides = array<i32>} : memref<4096xi32, #tpu.memory_space<vmem>>, vector<16xi32>,
    %swap3A_828 = arith.constant 3296 : index
    %swap3A_829 = tpu.vector_load %arg12[%swap3A_828] {strides = array<i32>} : memref<4096xi32, #tpu.memory_space<vmem>>, vector<16xi32>,
    tpu.vector_store %arg12[%swap3A_828], %broadcast_in_dim3A_0 {strides = array<i32>} : memref<4096xi32, #tpu.memory_space<vmem>>, vector<16xi32>,
    %swap3A_830 = arith.constant 3312 : index
    %swap3A_831 = tpu.vector_load %arg11[%swap3A_830] {strides = array<i32>} : memref<4096xi32, #tpu.memory_space<vmem>>, vector<16xi32>,
    tpu.vector_store %arg11[%swap3A_830], %broadcast_in_dim3A_0 {strides = array<i32>} : memref<4096xi32, #tpu.memory_space<vmem>>, vector<16xi32>,
    %swap3A_832 = arith.constant 3312 : index
    %swap3A_833 = tpu.vector_load %arg12[%swap3A_832] {strides = array<i32>} : memref<4096xi32, #tpu.memory_space<vmem>>, vector<16xi32>,
    tpu.vector_store %arg12[%swap3A_832], %broadcast_in_dim3A_0 {strides = array<i32>} : memref<4096xi32, #tpu.memory_space<vmem>>, vector<16xi32>,
    %swap3A_834 = arith.constant 3328 : index
    %swap3A_835 = tpu.vector_load %arg11[%swap3A_834] {strides = array<i32>} : memref<4096xi32, #tpu.memory_space<vmem>>, vector<16xi32>,
    tpu.vector_store %arg11[%swap3A_834], %broadcast_in_dim3A_0 {strides = array<i32>} : memref<4096xi32, #tpu.memory_space<vmem>>, vector<16xi32>,
    %swap3A_836 = arith.constant 3328 : index
    %swap3A_837 = tpu.vector_load %arg12[%swap3A_836] {strides = array<i32>} : memref<4096xi32, #tpu.memory_space<vmem>>, vector<16xi32>,
    tpu.vector_store %arg12[%swap3A_836], %broadcast_in_dim3A_0 {strides = array<i32>} : memref<4096xi32, #tpu.memory_space<vmem>>, vector<16xi32>,
    %swap3A_838 = arith.constant 3344 : index
    %swap3A_839 = tpu.vector_load %arg11[%swap3A_838] {strides = array<i32>} : memref<4096xi32, #tpu.memory_space<vmem>>, vector<16xi32>,
    tpu.vector_store %arg11[%swap3A_838], %broadcast_in_dim3A_0 {strides = array<i32>} : memref<4096xi32, #tpu.memory_space<vmem>>, vector<16xi32>,
    %swap3A_840 = arith.constant 3344 : index
    %swap3A_841 = tpu.vector_load %arg12[%swap3A_840] {strides = array<i32>} : memref<4096xi32, #tpu.memory_space<vmem>>, vector<16xi32>,
    tpu.vector_store %arg12[%swap3A_840], %broadcast_in_dim3A_0 {strides = array<i32>} : memref<4096xi32, #tpu.memory_space<vmem>>, vector<16xi32>,
    %swap3A_842 = arith.constant 3360 : index
    %swap3A_843 = tpu.vector_load %arg11[%swap3A_842] {strides = array<i32>} : memref<4096xi32, #tpu.memory_space<vmem>>, vector<16xi32>,
    tpu.vector_store %arg11[%swap3A_842], %broadcast_in_dim3A_0 {strides = array<i32>} : memref<4096xi32, #tpu.memory_space<vmem>>, vector<16xi32>,
    %swap3A_844 = arith.constant 3360 : index
    %swap3A_845 = tpu.vector_load %arg12[%swap3A_844] {strides = array<i32>} : memref<4096xi32, #tpu.memory_space<vmem>>, vector<16xi32>,
    tpu.vector_store %arg12[%swap3A_844], %broadcast_in_dim3A_0 {strides = array<i32>} : memref<4096xi32, #tpu.memory_space<vmem>>, vector<16xi32>,
    %swap3A_846 = arith.constant 3376 : index
    %swap3A_847 = tpu.vector_load %arg11[%swap3A_846] {strides = array<i32>} : memref<4096xi32, #tpu.memory_space<vmem>>, vector<16xi32>,
    tpu.vector_store %arg11[%swap3A_846], %broadcast_in_dim3A_0 {strides = array<i32>} : memref<4096xi32, #tpu.memory_space<vmem>>, vector<16xi32>,
    %swap3A_848 = arith.constant 3376 : index
    %swap3A_849 = tpu.vector_load %arg12[%swap3A_848] {strides = array<i32>} : memref<4096xi32, #tpu.memory_space<vmem>>, vector<16xi32>,
    tpu.vector_store %arg12[%swap3A_848], %broadcast_in_dim3A_0 {strides = array<i32>} : memref<4096xi32, #tpu.memory_space<vmem>>, vector<16xi32>,
    %swap3A_850 = arith.constant 3392 : index
    %swap3A_851 = tpu.vector_load %arg11[%swap3A_850] {strides = array<i32>} : memref<4096xi32, #tpu.memory_space<vmem>>, vector<16xi32>,
    tpu.vector_store %arg11[%swap3A_850], %broadcast_in_dim3A_0 {strides = array<i32>} : memref<4096xi32, #tpu.memory_space<vmem>>, vector<16xi32>,
    %swap3A_852 = arith.constant 3392 : index
    %swap3A_853 = tpu.vector_load %arg12[%swap3A_852] {strides = array<i32>} : memref<4096xi32, #tpu.memory_space<vmem>>, vector<16xi32>,
    tpu.vector_store %arg12[%swap3A_852], %broadcast_in_dim3A_0 {strides = array<i32>} : memref<4096xi32, #tpu.memory_space<vmem>>, vector<16xi32>,
    %swap3A_854 = arith.constant 3408 : index
    %swap3A_855 = tpu.vector_load %arg11[%swap3A_854] {strides = array<i32>} : memref<4096xi32, #tpu.memory_space<vmem>>, vector<16xi32>,
    tpu.vector_store %arg11[%swap3A_854], %broadcast_in_dim3A_0 {strides = array<i32>} : memref<4096xi32, #tpu.memory_space<vmem>>, vector<16xi32>,
    %swap3A_856 = arith.constant 3408 : index
    %swap3A_857 = tpu.vector_load %arg12[%swap3A_856] {strides = array<i32>} : memref<4096xi32, #tpu.memory_space<vmem>>, vector<16xi32>,
    tpu.vector_store %arg12[%swap3A_856], %broadcast_in_dim3A_0 {strides = array<i32>} : memref<4096xi32, #tpu.memory_space<vmem>>, vector<16xi32>,
    %swap3A_858 = arith.constant 3424 : index
    %swap3A_859 = tpu.vector_load %arg11[%swap3A_858] {strides = array<i32>} : memref<4096xi32, #tpu.memory_space<vmem>>, vector<16xi32>,
    tpu.vector_store %arg11[%swap3A_858], %broadcast_in_dim3A_0 {strides = array<i32>} : memref<4096xi32, #tpu.memory_space<vmem>>, vector<16xi32>,
    %swap3A_860 = arith.constant 3424 : index
    %swap3A_861 = tpu.vector_load %arg12[%swap3A_860] {strides = array<i32>} : memref<4096xi32, #tpu.memory_space<vmem>>, vector<16xi32>,
    tpu.vector_store %arg12[%swap3A_860], %broadcast_in_dim3A_0 {strides = array<i32>} : memref<4096xi32, #tpu.memory_space<vmem>>, vector<16xi32>,
    %swap3A_862 = arith.constant 3440 : index
    %swap3A_863 = tpu.vector_load %arg11[%swap3A_862] {strides = array<i32>} : memref<4096xi32, #tpu.memory_space<vmem>>, vector<16xi32>,
    tpu.vector_store %arg11[%swap3A_862], %broadcast_in_dim3A_0 {strides = array<i32>} : memref<4096xi32, #tpu.memory_space<vmem>>, vector<16xi32>,
    %swap3A_864 = arith.constant 3440 : index
    %swap3A_865 = tpu.vector_load %arg12[%swap3A_864] {strides = array<i32>} : memref<4096xi32, #tpu.memory_space<vmem>>, vector<16xi32>,
    tpu.vector_store %arg12[%swap3A_864], %broadcast_in_dim3A_0 {strides = array<i32>} : memref<4096xi32, #tpu.memory_space<vmem>>, vector<16xi32>,
    %swap3A_866 = arith.constant 3456 : index
    %swap3A_867 = tpu.vector_load %arg11[%swap3A_866] {strides = array<i32>} : memref<4096xi32, #tpu.memory_space<vmem>>, vector<16xi32>,
    tpu.vector_store %arg11[%swap3A_866], %broadcast_in_dim3A_0 {strides = array<i32>} : memref<4096xi32, #tpu.memory_space<vmem>>, vector<16xi32>,
    %swap3A_868 = arith.constant 3456 : index
    %swap3A_869 = tpu.vector_load %arg12[%swap3A_868] {strides = array<i32>} : memref<4096xi32, #tpu.memory_space<vmem>>, vector<16xi32>,
    tpu.vector_store %arg12[%swap3A_868], %broadcast_in_dim3A_0 {strides = array<i32>} : memref<4096xi32, #tpu.memory_space<vmem>>, vector<16xi32>,
    %swap3A_870 = arith.constant 3472 : index
    %swap3A_871 = tpu.vector_load %arg11[%swap3A_870] {strides = array<i32>} : memref<4096xi32, #tpu.memory_space<vmem>>, vector<16xi32>,
    tpu.vector_store %arg11[%swap3A_870], %broadcast_in_dim3A_0 {strides = array<i32>} : memref<4096xi32, #tpu.memory_space<vmem>>, vector<16xi32>,
    %swap3A_872 = arith.constant 3472 : index
    %swap3A_873 = tpu.vector_load %arg12[%swap3A_872] {strides = array<i32>} : memref<4096xi32, #tpu.memory_space<vmem>>, vector<16xi32>,
    tpu.vector_store %arg12[%swap3A_872], %broadcast_in_dim3A_0 {strides = array<i32>} : memref<4096xi32, #tpu.memory_space<vmem>>, vector<16xi32>,
    %swap3A_874 = arith.constant 3488 : index
    %swap3A_875 = tpu.vector_load %arg11[%swap3A_874] {strides = array<i32>} : memref<4096xi32, #tpu.memory_space<vmem>>, vector<16xi32>,
    tpu.vector_store %arg11[%swap3A_874], %broadcast_in_dim3A_0 {strides = array<i32>} : memref<4096xi32, #tpu.memory_space<vmem>>, vector<16xi32>,
    %swap3A_876 = arith.constant 3488 : index
    %swap3A_877 = tpu.vector_load %arg12[%swap3A_876] {strides = array<i32>} : memref<4096xi32, #tpu.memory_space<vmem>>, vector<16xi32>,
    tpu.vector_store %arg12[%swap3A_876], %broadcast_in_dim3A_0 {strides = array<i32>} : memref<4096xi32, #tpu.memory_space<vmem>>, vector<16xi32>,
    %swap3A_878 = arith.constant 3504 : index
    %swap3A_879 = tpu.vector_load %arg11[%swap3A_878] {strides = array<i32>} : memref<4096xi32, #tpu.memory_space<vmem>>, vector<16xi32>,
    tpu.vector_store %arg11[%swap3A_878], %broadcast_in_dim3A_0 {strides = array<i32>} : memref<4096xi32, #tpu.memory_space<vmem>>, vector<16xi32>,
    %swap3A_880 = arith.constant 3504 : index
    %swap3A_881 = tpu.vector_load %arg12[%swap3A_880] {strides = array<i32>} : memref<4096xi32, #tpu.memory_space<vmem>>, vector<16xi32>,
    tpu.vector_store %arg12[%swap3A_880], %broadcast_in_dim3A_0 {strides = array<i32>} : memref<4096xi32, #tpu.memory_space<vmem>>, vector<16xi32>,
    %swap3A_882 = arith.constant 3520 : index
    %swap3A_883 = tpu.vector_load %arg11[%swap3A_882] {strides = array<i32>} : memref<4096xi32, #tpu.memory_space<vmem>>, vector<16xi32>,
    tpu.vector_store %arg11[%swap3A_882], %broadcast_in_dim3A_0 {strides = array<i32>} : memref<4096xi32, #tpu.memory_space<vmem>>, vector<16xi32>,
    %swap3A_884 = arith.constant 3520 : index
    %swap3A_885 = tpu.vector_load %arg12[%swap3A_884] {strides = array<i32>} : memref<4096xi32, #tpu.memory_space<vmem>>, vector<16xi32>,
    tpu.vector_store %arg12[%swap3A_884], %broadcast_in_dim3A_0 {strides = array<i32>} : memref<4096xi32, #tpu.memory_space<vmem>>, vector<16xi32>,
    %swap3A_886 = arith.constant 3536 : index
    %swap3A_887 = tpu.vector_load %arg11[%swap3A_886] {strides = array<i32>} : memref<4096xi32, #tpu.memory_space<vmem>>, vector<16xi32>,
    tpu.vector_store %arg11[%swap3A_886], %broadcast_in_dim3A_0 {strides = array<i32>} : memref<4096xi32, #tpu.memory_space<vmem>>, vector<16xi32>,
    %swap3A_888 = arith.constant 3536 : index
    %swap3A_889 = tpu.vector_load %arg12[%swap3A_888] {strides = array<i32>} : memref<4096xi32, #tpu.memory_space<vmem>>, vector<16xi32>,
    tpu.vector_store %arg12[%swap3A_888], %broadcast_in_dim3A_0 {strides = array<i32>} : memref<4096xi32, #tpu.memory_space<vmem>>, vector<16xi32>,
    %swap3A_890 = arith.constant 3552 : index
    %swap3A_891 = tpu.vector_load %arg11[%swap3A_890] {strides = array<i32>} : memref<4096xi32, #tpu.memory_space<vmem>>, vector<16xi32>,
    tpu.vector_store %arg11[%swap3A_890], %broadcast_in_dim3A_0 {strides = array<i32>} : memref<4096xi32, #tpu.memory_space<vmem>>, vector<16xi32>,
    %swap3A_892 = arith.constant 3552 : index
    %swap3A_893 = tpu.vector_load %arg12[%swap3A_892] {strides = array<i32>} : memref<4096xi32, #tpu.memory_space<vmem>>, vector<16xi32>,
    tpu.vector_store %arg12[%swap3A_892], %broadcast_in_dim3A_0 {strides = array<i32>} : memref<4096xi32, #tpu.memory_space<vmem>>, vector<16xi32>,
    %swap3A_894 = arith.constant 3568 : index
    %swap3A_895 = tpu.vector_load %arg11[%swap3A_894] {strides = array<i32>} : memref<4096xi32, #tpu.memory_space<vmem>>, vector<16xi32>,
    tpu.vector_store %arg11[%swap3A_894], %broadcast_in_dim3A_0 {strides = array<i32>} : memref<4096xi32, #tpu.memory_space<vmem>>, vector<16xi32>,
    %swap3A_896 = arith.constant 3568 : index
    %swap3A_897 = tpu.vector_load %arg12[%swap3A_896] {strides = array<i32>} : memref<4096xi32, #tpu.memory_space<vmem>>, vector<16xi32>,
    tpu.vector_store %arg12[%swap3A_896], %broadcast_in_dim3A_0 {strides = array<i32>} : memref<4096xi32, #tpu.memory_space<vmem>>, vector<16xi32>,
    %swap3A_898 = arith.constant 3584 : index
    %swap3A_899 = tpu.vector_load %arg11[%swap3A_898] {strides = array<i32>} : memref<4096xi32, #tpu.memory_space<vmem>>, vector<16xi32>,
    tpu.vector_store %arg11[%swap3A_898], %broadcast_in_dim3A_0 {strides = array<i32>} : memref<4096xi32, #tpu.memory_space<vmem>>, vector<16xi32>,
    %swap3A_900 = arith.constant 3584 : index
    %swap3A_901 = tpu.vector_load %arg12[%swap3A_900] {strides = array<i32>} : memref<4096xi32, #tpu.memory_space<vmem>>, vector<16xi32>,
    tpu.vector_store %arg12[%swap3A_900], %broadcast_in_dim3A_0 {strides = array<i32>} : memref<4096xi32, #tpu.memory_space<vmem>>, vector<16xi32>,
    %swap3A_902 = arith.constant 3600 : index
    %swap3A_903 = tpu.vector_load %arg11[%swap3A_902] {strides = array<i32>} : memref<4096xi32, #tpu.memory_space<vmem>>, vector<16xi32>,
    tpu.vector_store %arg11[%swap3A_902], %broadcast_in_dim3A_0 {strides = array<i32>} : memref<4096xi32, #tpu.memory_space<vmem>>, vector<16xi32>,
    %swap3A_904 = arith.constant 3600 : index
    %swap3A_905 = tpu.vector_load %arg12[%swap3A_904] {strides = array<i32>} : memref<4096xi32, #tpu.memory_space<vmem>>, vector<16xi32>,
    tpu.vector_store %arg12[%swap3A_904], %broadcast_in_dim3A_0 {strides = array<i32>} : memref<4096xi32, #tpu.memory_space<vmem>>, vector<16xi32>,
    %swap3A_906 = arith.constant 3616 : index
    %swap3A_907 = tpu.vector_load %arg11[%swap3A_906] {strides = array<i32>} : memref<4096xi32, #tpu.memory_space<vmem>>, vector<16xi32>,
    tpu.vector_store %arg11[%swap3A_906], %broadcast_in_dim3A_0 {strides = array<i32>} : memref<4096xi32, #tpu.memory_space<vmem>>, vector<16xi32>,
    %swap3A_908 = arith.constant 3616 : index
    %swap3A_909 = tpu.vector_load %arg12[%swap3A_908] {strides = array<i32>} : memref<4096xi32, #tpu.memory_space<vmem>>, vector<16xi32>,
    tpu.vector_store %arg12[%swap3A_908], %broadcast_in_dim3A_0 {strides = array<i32>} : memref<4096xi32, #tpu.memory_space<vmem>>, vector<16xi32>,
    %swap3A_910 = arith.constant 3632 : index
    %swap3A_911 = tpu.vector_load %arg11[%swap3A_910] {strides = array<i32>} : memref<4096xi32, #tpu.memory_space<vmem>>, vector<16xi32>,
    tpu.vector_store %arg11[%swap3A_910], %broadcast_in_dim3A_0 {strides = array<i32>} : memref<4096xi32, #tpu.memory_space<vmem>>, vector<16xi32>,
    %swap3A_912 = arith.constant 3632 : index
    %swap3A_913 = tpu.vector_load %arg12[%swap3A_912] {strides = array<i32>} : memref<4096xi32, #tpu.memory_space<vmem>>, vector<16xi32>,
    tpu.vector_store %arg12[%swap3A_912], %broadcast_in_dim3A_0 {strides = array<i32>} : memref<4096xi32, #tpu.memory_space<vmem>>, vector<16xi32>,
    %swap3A_914 = arith.constant 3648 : index
    %swap3A_915 = tpu.vector_load %arg11[%swap3A_914] {strides = array<i32>} : memref<4096xi32, #tpu.memory_space<vmem>>, vector<16xi32>,
    tpu.vector_store %arg11[%swap3A_914], %broadcast_in_dim3A_0 {strides = array<i32>} : memref<4096xi32, #tpu.memory_space<vmem>>, vector<16xi32>,
    %swap3A_916 = arith.constant 3648 : index
    %swap3A_917 = tpu.vector_load %arg12[%swap3A_916] {strides = array<i32>} : memref<4096xi32, #tpu.memory_space<vmem>>, vector<16xi32>,
    tpu.vector_store %arg12[%swap3A_916], %broadcast_in_dim3A_0 {strides = array<i32>} : memref<4096xi32, #tpu.memory_space<vmem>>, vector<16xi32>,
    %swap3A_918 = arith.constant 3664 : index
    %swap3A_919 = tpu.vector_load %arg11[%swap3A_918] {strides = array<i32>} : memref<4096xi32, #tpu.memory_space<vmem>>, vector<16xi32>,
    tpu.vector_store %arg11[%swap3A_918], %broadcast_in_dim3A_0 {strides = array<i32>} : memref<4096xi32, #tpu.memory_space<vmem>>, vector<16xi32>,
    %swap3A_920 = arith.constant 3664 : index
    %swap3A_921 = tpu.vector_load %arg12[%swap3A_920] {strides = array<i32>} : memref<4096xi32, #tpu.memory_space<vmem>>, vector<16xi32>,
    tpu.vector_store %arg12[%swap3A_920], %broadcast_in_dim3A_0 {strides = array<i32>} : memref<4096xi32, #tpu.memory_space<vmem>>, vector<16xi32>,
    %swap3A_922 = arith.constant 3680 : index
    %swap3A_923 = tpu.vector_load %arg11[%swap3A_922] {strides = array<i32>} : memref<4096xi32, #tpu.memory_space<vmem>>, vector<16xi32>,
    tpu.vector_store %arg11[%swap3A_922], %broadcast_in_dim3A_0 {strides = array<i32>} : memref<4096xi32, #tpu.memory_space<vmem>>, vector<16xi32>,
    %swap3A_924 = arith.constant 3680 : index
    %swap3A_925 = tpu.vector_load %arg12[%swap3A_924] {strides = array<i32>} : memref<4096xi32, #tpu.memory_space<vmem>>, vector<16xi32>,
    tpu.vector_store %arg12[%swap3A_924], %broadcast_in_dim3A_0 {strides = array<i32>} : memref<4096xi32, #tpu.memory_space<vmem>>, vector<16xi32>,
    %swap3A_926 = arith.constant 3696 : index
    %swap3A_927 = tpu.vector_load %arg11[%swap3A_926] {strides = array<i32>} : memref<4096xi32, #tpu.memory_space<vmem>>, vector<16xi32>,
    tpu.vector_store %arg11[%swap3A_926], %broadcast_in_dim3A_0 {strides = array<i32>} : memref<4096xi32, #tpu.memory_space<vmem>>, vector<16xi32>,
    %swap3A_928 = arith.constant 3696 : index
    %swap3A_929 = tpu.vector_load %arg12[%swap3A_928] {strides = array<i32>} : memref<4096xi32, #tpu.memory_space<vmem>>, vector<16xi32>,
    tpu.vector_store %arg12[%swap3A_928], %broadcast_in_dim3A_0 {strides = array<i32>} : memref<4096xi32, #tpu.memory_space<vmem>>, vector<16xi32>,
    %swap3A_930 = arith.constant 3712 : index
    %swap3A_931 = tpu.vector_load %arg11[%swap3A_930] {strides = array<i32>} : memref<4096xi32, #tpu.memory_space<vmem>>, vector<16xi32>,
    tpu.vector_store %arg11[%swap3A_930], %broadcast_in_dim3A_0 {strides = array<i32>} : memref<4096xi32, #tpu.memory_space<vmem>>, vector<16xi32>,
    %swap3A_932 = arith.constant 3712 : index
    %swap3A_933 = tpu.vector_load %arg12[%swap3A_932] {strides = array<i32>} : memref<4096xi32, #tpu.memory_space<vmem>>, vector<16xi32>,
    tpu.vector_store %arg12[%swap3A_932], %broadcast_in_dim3A_0 {strides = array<i32>} : memref<4096xi32, #tpu.memory_space<vmem>>, vector<16xi32>,
    %swap3A_934 = arith.constant 3728 : index
    %swap3A_935 = tpu.vector_load %arg11[%swap3A_934] {strides = array<i32>} : memref<4096xi32, #tpu.memory_space<vmem>>, vector<16xi32>,
    tpu.vector_store %arg11[%swap3A_934], %broadcast_in_dim3A_0 {strides = array<i32>} : memref<4096xi32, #tpu.memory_space<vmem>>, vector<16xi32>,
    %swap3A_936 = arith.constant 3728 : index
    %swap3A_937 = tpu.vector_load %arg12[%swap3A_936] {strides = array<i32>} : memref<4096xi32, #tpu.memory_space<vmem>>, vector<16xi32>,
    tpu.vector_store %arg12[%swap3A_936], %broadcast_in_dim3A_0 {strides = array<i32>} : memref<4096xi32, #tpu.memory_space<vmem>>, vector<16xi32>,
    %swap3A_938 = arith.constant 3744 : index
    %swap3A_939 = tpu.vector_load %arg11[%swap3A_938] {strides = array<i32>} : memref<4096xi32, #tpu.memory_space<vmem>>, vector<16xi32>,
    tpu.vector_store %arg11[%swap3A_938], %broadcast_in_dim3A_0 {strides = array<i32>} : memref<4096xi32, #tpu.memory_space<vmem>>, vector<16xi32>,
    %swap3A_940 = arith.constant 3744 : index
    %swap3A_941 = tpu.vector_load %arg12[%swap3A_940] {strides = array<i32>} : memref<4096xi32, #tpu.memory_space<vmem>>, vector<16xi32>,
    tpu.vector_store %arg12[%swap3A_940], %broadcast_in_dim3A_0 {strides = array<i32>} : memref<4096xi32, #tpu.memory_space<vmem>>, vector<16xi32>,
    %swap3A_942 = arith.constant 3760 : index
    %swap3A_943 = tpu.vector_load %arg11[%swap3A_942] {strides = array<i32>} : memref<4096xi32, #tpu.memory_space<vmem>>, vector<16xi32>,
    tpu.vector_store %arg11[%swap3A_942], %broadcast_in_dim3A_0 {strides = array<i32>} : memref<4096xi32, #tpu.memory_space<vmem>>, vector<16xi32>,
    %swap3A_944 = arith.constant 3760 : index
    %swap3A_945 = tpu.vector_load %arg12[%swap3A_944] {strides = array<i32>} : memref<4096xi32, #tpu.memory_space<vmem>>, vector<16xi32>,
    tpu.vector_store %arg12[%swap3A_944], %broadcast_in_dim3A_0 {strides = array<i32>} : memref<4096xi32, #tpu.memory_space<vmem>>, vector<16xi32>,
    %swap3A_946 = arith.constant 3776 : index
    %swap3A_947 = tpu.vector_load %arg11[%swap3A_946] {strides = array<i32>} : memref<4096xi32, #tpu.memory_space<vmem>>, vector<16xi32>,
    tpu.vector_store %arg11[%swap3A_946], %broadcast_in_dim3A_0 {strides = array<i32>} : memref<4096xi32, #tpu.memory_space<vmem>>, vector<16xi32>,
    %swap3A_948 = arith.constant 3776 : index
    %swap3A_949 = tpu.vector_load %arg12[%swap3A_948] {strides = array<i32>} : memref<4096xi32, #tpu.memory_space<vmem>>, vector<16xi32>,
    tpu.vector_store %arg12[%swap3A_948], %broadcast_in_dim3A_0 {strides = array<i32>} : memref<4096xi32, #tpu.memory_space<vmem>>, vector<16xi32>,
    %swap3A_950 = arith.constant 3792 : index
    %swap3A_951 = tpu.vector_load %arg11[%swap3A_950] {strides = array<i32>} : memref<4096xi32, #tpu.memory_space<vmem>>, vector<16xi32>,
    tpu.vector_store %arg11[%swap3A_950], %broadcast_in_dim3A_0 {strides = array<i32>} : memref<4096xi32, #tpu.memory_space<vmem>>, vector<16xi32>,
    %swap3A_952 = arith.constant 3792 : index
    %swap3A_953 = tpu.vector_load %arg12[%swap3A_952] {strides = array<i32>} : memref<4096xi32, #tpu.memory_space<vmem>>, vector<16xi32>,
    tpu.vector_store %arg12[%swap3A_952], %broadcast_in_dim3A_0 {strides = array<i32>} : memref<4096xi32, #tpu.memory_space<vmem>>, vector<16xi32>,
    %swap3A_954 = arith.constant 3808 : index
    %swap3A_955 = tpu.vector_load %arg11[%swap3A_954] {strides = array<i32>} : memref<4096xi32, #tpu.memory_space<vmem>>, vector<16xi32>,
    tpu.vector_store %arg11[%swap3A_954], %broadcast_in_dim3A_0 {strides = array<i32>} : memref<4096xi32, #tpu.memory_space<vmem>>, vector<16xi32>,
    %swap3A_956 = arith.constant 3808 : index
    %swap3A_957 = tpu.vector_load %arg12[%swap3A_956] {strides = array<i32>} : memref<4096xi32, #tpu.memory_space<vmem>>, vector<16xi32>,
    tpu.vector_store %arg12[%swap3A_956], %broadcast_in_dim3A_0 {strides = array<i32>} : memref<4096xi32, #tpu.memory_space<vmem>>, vector<16xi32>,
    %swap3A_958 = arith.constant 3824 : index
    %swap3A_959 = tpu.vector_load %arg11[%swap3A_958] {strides = array<i32>} : memref<4096xi32, #tpu.memory_space<vmem>>, vector<16xi32>,
    tpu.vector_store %arg11[%swap3A_958], %broadcast_in_dim3A_0 {strides = array<i32>} : memref<4096xi32, #tpu.memory_space<vmem>>, vector<16xi32>,
    %swap3A_960 = arith.constant 3824 : index
    %swap3A_961 = tpu.vector_load %arg12[%swap3A_960] {strides = array<i32>} : memref<4096xi32, #tpu.memory_space<vmem>>, vector<16xi32>,
    tpu.vector_store %arg12[%swap3A_960], %broadcast_in_dim3A_0 {strides = array<i32>} : memref<4096xi32, #tpu.memory_space<vmem>>, vector<16xi32>,
    %swap3A_962 = arith.constant 3840 : index
    %swap3A_963 = tpu.vector_load %arg11[%swap3A_962] {strides = array<i32>} : memref<4096xi32, #tpu.memory_space<vmem>>, vector<16xi32>,
    tpu.vector_store %arg11[%swap3A_962], %broadcast_in_dim3A_0 {strides = array<i32>} : memref<4096xi32, #tpu.memory_space<vmem>>, vector<16xi32>,
    %swap3A_964 = arith.constant 3840 : index
    %swap3A_965 = tpu.vector_load %arg12[%swap3A_964] {strides = array<i32>} : memref<4096xi32, #tpu.memory_space<vmem>>, vector<16xi32>,
    tpu.vector_store %arg12[%swap3A_964], %broadcast_in_dim3A_0 {strides = array<i32>} : memref<4096xi32, #tpu.memory_space<vmem>>, vector<16xi32>,
    %swap3A_966 = arith.constant 3856 : index
    %swap3A_967 = tpu.vector_load %arg11[%swap3A_966] {strides = array<i32>} : memref<4096xi32, #tpu.memory_space<vmem>>, vector<16xi32>,
    tpu.vector_store %arg11[%swap3A_966], %broadcast_in_dim3A_0 {strides = array<i32>} : memref<4096xi32, #tpu.memory_space<vmem>>, vector<16xi32>,
    %swap3A_968 = arith.constant 3856 : index
    %swap3A_969 = tpu.vector_load %arg12[%swap3A_968] {strides = array<i32>} : memref<4096xi32, #tpu.memory_space<vmem>>, vector<16xi32>,
    tpu.vector_store %arg12[%swap3A_968], %broadcast_in_dim3A_0 {strides = array<i32>} : memref<4096xi32, #tpu.memory_space<vmem>>, vector<16xi32>,
    %swap3A_970 = arith.constant 3872 : index
    %swap3A_971 = tpu.vector_load %arg11[%swap3A_970] {strides = array<i32>} : memref<4096xi32, #tpu.memory_space<vmem>>, vector<16xi32>,
    tpu.vector_store %arg11[%swap3A_970], %broadcast_in_dim3A_0 {strides = array<i32>} : memref<4096xi32, #tpu.memory_space<vmem>>, vector<16xi32>,
    %swap3A_972 = arith.constant 3872 : index
    %swap3A_973 = tpu.vector_load %arg12[%swap3A_972] {strides = array<i32>} : memref<4096xi32, #tpu.memory_space<vmem>>, vector<16xi32>,
    tpu.vector_store %arg12[%swap3A_972], %broadcast_in_dim3A_0 {strides = array<i32>} : memref<4096xi32, #tpu.memory_space<vmem>>, vector<16xi32>,
    %swap3A_974 = arith.constant 3888 : index
    %swap3A_975 = tpu.vector_load %arg11[%swap3A_974] {strides = array<i32>} : memref<4096xi32, #tpu.memory_space<vmem>>, vector<16xi32>,
    tpu.vector_store %arg11[%swap3A_974], %broadcast_in_dim3A_0 {strides = array<i32>} : memref<4096xi32, #tpu.memory_space<vmem>>, vector<16xi32>,
    %swap3A_976 = arith.constant 3888 : index
    %swap3A_977 = tpu.vector_load %arg12[%swap3A_976] {strides = array<i32>} : memref<4096xi32, #tpu.memory_space<vmem>>, vector<16xi32>,
    tpu.vector_store %arg12[%swap3A_976], %broadcast_in_dim3A_0 {strides = array<i32>} : memref<4096xi32, #tpu.memory_space<vmem>>, vector<16xi32>,
    %swap3A_978 = arith.constant 3904 : index
    %swap3A_979 = tpu.vector_load %arg11[%swap3A_978] {strides = array<i32>} : memref<4096xi32, #tpu.memory_space<vmem>>, vector<16xi32>,
    tpu.vector_store %arg11[%swap3A_978], %broadcast_in_dim3A_0 {strides = array<i32>} : memref<4096xi32, #tpu.memory_space<vmem>>, vector<16xi32>,
    %swap3A_980 = arith.constant 3904 : index
    %swap3A_981 = tpu.vector_load %arg12[%swap3A_980] {strides = array<i32>} : memref<4096xi32, #tpu.memory_space<vmem>>, vector<16xi32>,
    tpu.vector_store %arg12[%swap3A_980], %broadcast_in_dim3A_0 {strides = array<i32>} : memref<4096xi32, #tpu.memory_space<vmem>>, vector<16xi32>,
    %swap3A_982 = arith.constant 3920 : index
    %swap3A_983 = tpu.vector_load %arg11[%swap3A_982] {strides = array<i32>} : memref<4096xi32, #tpu.memory_space<vmem>>, vector<16xi32>,
    tpu.vector_store %arg11[%swap3A_982], %broadcast_in_dim3A_0 {strides = array<i32>} : memref<4096xi32, #tpu.memory_space<vmem>>, vector<16xi32>,
    %swap3A_984 = arith.constant 3920 : index
    %swap3A_985 = tpu.vector_load %arg12[%swap3A_984] {strides = array<i32>} : memref<4096xi32, #tpu.memory_space<vmem>>, vector<16xi32>,
    tpu.vector_store %arg12[%swap3A_984], %broadcast_in_dim3A_0 {strides = array<i32>} : memref<4096xi32, #tpu.memory_space<vmem>>, vector<16xi32>,
    %swap3A_986 = arith.constant 3936 : index
    %swap3A_987 = tpu.vector_load %arg11[%swap3A_986] {strides = array<i32>} : memref<4096xi32, #tpu.memory_space<vmem>>, vector<16xi32>,
    tpu.vector_store %arg11[%swap3A_986], %broadcast_in_dim3A_0 {strides = array<i32>} : memref<4096xi32, #tpu.memory_space<vmem>>, vector<16xi32>,
    %swap3A_988 = arith.constant 3936 : index
    %swap3A_989 = tpu.vector_load %arg12[%swap3A_988] {strides = array<i32>} : memref<4096xi32, #tpu.memory_space<vmem>>, vector<16xi32>,
    tpu.vector_store %arg12[%swap3A_988], %broadcast_in_dim3A_0 {strides = array<i32>} : memref<4096xi32, #tpu.memory_space<vmem>>, vector<16xi32>,
    %swap3A_990 = arith.constant 3952 : index
    %swap3A_991 = tpu.vector_load %arg11[%swap3A_990] {strides = array<i32>} : memref<4096xi32, #tpu.memory_space<vmem>>, vector<16xi32>,
    tpu.vector_store %arg11[%swap3A_990], %broadcast_in_dim3A_0 {strides = array<i32>} : memref<4096xi32, #tpu.memory_space<vmem>>, vector<16xi32>,
    %swap3A_992 = arith.constant 3952 : index
    %swap3A_993 = tpu.vector_load %arg12[%swap3A_992] {strides = array<i32>} : memref<4096xi32, #tpu.memory_space<vmem>>, vector<16xi32>,
    tpu.vector_store %arg12[%swap3A_992], %broadcast_in_dim3A_0 {strides = array<i32>} : memref<4096xi32, #tpu.memory_space<vmem>>, vector<16xi32>,
    %swap3A_994 = arith.constant 3968 : index
    %swap3A_995 = tpu.vector_load %arg11[%swap3A_994] {strides = array<i32>} : memref<4096xi32, #tpu.memory_space<vmem>>, vector<16xi32>,
    tpu.vector_store %arg11[%swap3A_994], %broadcast_in_dim3A_0 {strides = array<i32>} : memref<4096xi32, #tpu.memory_space<vmem>>, vector<16xi32>,
    %swap3A_996 = arith.constant 3968 : index
    %swap3A_997 = tpu.vector_load %arg12[%swap3A_996] {strides = array<i32>} : memref<4096xi32, #tpu.memory_space<vmem>>, vector<16xi32>,
    tpu.vector_store %arg12[%swap3A_996], %broadcast_in_dim3A_0 {strides = array<i32>} : memref<4096xi32, #tpu.memory_space<vmem>>, vector<16xi32>,
    %swap3A_998 = arith.constant 3984 : index
    %swap3A_999 = tpu.vector_load %arg11[%swap3A_998] {strides = array<i32>} : memref<4096xi32, #tpu.memory_space<vmem>>, vector<16xi32>,
    tpu.vector_store %arg11[%swap3A_998], %broadcast_in_dim3A_0 {strides = array<i32>} : memref<4096xi32, #tpu.memory_space<vmem>>, vector<16xi32>,
    %swap3A_1000 = arith.constant 3984 : index
    %swap3A_1001 = tpu.vector_load %arg12[%swap3A_1000] {strides = array<i32>} : memref<4096xi32, #tpu.memory_space<vmem>>, vector<16xi32>,
    tpu.vector_store %arg12[%swap3A_1000], %broadcast_in_dim3A_0 {strides = array<i32>} : memref<4096xi32, #tpu.memory_space<vmem>>, vector<16xi32>,
    %swap3A_1002 = arith.constant 4000 : index
    %swap3A_1003 = tpu.vector_load %arg11[%swap3A_1002] {strides = array<i32>} : memref<4096xi32, #tpu.memory_space<vmem>>, vector<16xi32>,
    tpu.vector_store %arg11[%swap3A_1002], %broadcast_in_dim3A_0 {strides = array<i32>} : memref<4096xi32, #tpu.memory_space<vmem>>, vector<16xi32>,
    %swap3A_1004 = arith.constant 4000 : index
    %swap3A_1005 = tpu.vector_load %arg12[%swap3A_1004] {strides = array<i32>} : memref<4096xi32, #tpu.memory_space<vmem>>, vector<16xi32>,
    tpu.vector_store %arg12[%swap3A_1004], %broadcast_in_dim3A_0 {strides = array<i32>} : memref<4096xi32, #tpu.memory_space<vmem>>, vector<16xi32>,
    %swap3A_1006 = arith.constant 4016 : index
    %swap3A_1007 = tpu.vector_load %arg11[%swap3A_1006] {strides = array<i32>} : memref<4096xi32, #tpu.memory_space<vmem>>, vector<16xi32>,
    tpu.vector_store %arg11[%swap3A_1006], %broadcast_in_dim3A_0 {strides = array<i32>} : memref<4096xi32, #tpu.memory_space<vmem>>, vector<16xi32>,
    %swap3A_1008 = arith.constant 4016 : index
    %swap3A_1009 = tpu.vector_load %arg12[%swap3A_1008] {strides = array<i32>} : memref<4096xi32, #tpu.memory_space<vmem>>, vector<16xi32>,
    tpu.vector_store %arg12[%swap3A_1008], %broadcast_in_dim3A_0 {strides = array<i32>} : memref<4096xi32, #tpu.memory_space<vmem>>, vector<16xi32>,
    %swap3A_1010 = arith.constant 4032 : index
    %swap3A_1011 = tpu.vector_load %arg11[%swap3A_1010] {strides = array<i32>} : memref<4096xi32, #tpu.memory_space<vmem>>, vector<16xi32>,
    tpu.vector_store %arg11[%swap3A_1010], %broadcast_in_dim3A_0 {strides = array<i32>} : memref<4096xi32, #tpu.memory_space<vmem>>, vector<16xi32>,
    %swap3A_1012 = arith.constant 4032 : index
    %swap3A_1013 = tpu.vector_load %arg12[%swap3A_1012] {strides = array<i32>} : memref<4096xi32, #tpu.memory_space<vmem>>, vector<16xi32>,
    tpu.vector_store %arg12[%swap3A_1012], %broadcast_in_dim3A_0 {strides = array<i32>} : memref<4096xi32, #tpu.memory_space<vmem>>, vector<16xi32>,
    %swap3A_1014 = arith.constant 4048 : index
    %swap3A_1015 = tpu.vector_load %arg11[%swap3A_1014] {strides = array<i32>} : memref<4096xi32, #tpu.memory_space<vmem>>, vector<16xi32>,
    tpu.vector_store %arg11[%swap3A_1014], %broadcast_in_dim3A_0 {strides = array<i32>} : memref<4096xi32, #tpu.memory_space<vmem>>, vector<16xi32>,
    %swap3A_1016 = arith.constant 4048 : index
    %swap3A_1017 = tpu.vector_load %arg12[%swap3A_1016] {strides = array<i32>} : memref<4096xi32, #tpu.memory_space<vmem>>, vector<16xi32>,
    tpu.vector_store %arg12[%swap3A_1016], %broadcast_in_dim3A_0 {strides = array<i32>} : memref<4096xi32, #tpu.memory_space<vmem>>, vector<16xi32>,
    %swap3A_1018 = arith.constant 4064 : index
    %swap3A_1019 = tpu.vector_load %arg11[%swap3A_1018] {strides = array<i32>} : memref<4096xi32, #tpu.memory_space<vmem>>, vector<16xi32>,
    tpu.vector_store %arg11[%swap3A_1018], %broadcast_in_dim3A_0 {strides = array<i32>} : memref<4096xi32, #tpu.memory_space<vmem>>, vector<16xi32>,
    %swap3A_1020 = arith.constant 4064 : index
    %swap3A_1021 = tpu.vector_load %arg12[%swap3A_1020] {strides = array<i32>} : memref<4096xi32, #tpu.memory_space<vmem>>, vector<16xi32>,
    tpu.vector_store %arg12[%swap3A_1020], %broadcast_in_dim3A_0 {strides = array<i32>} : memref<4096xi32, #tpu.memory_space<vmem>>, vector<16xi32>,
    %swap3A_1022 = arith.constant 4080 : index
    %swap3A_1023 = tpu.vector_load %arg11[%swap3A_1022] {strides = array<i32>} : memref<4096xi32, #tpu.memory_space<vmem>>, vector<16xi32>,
    tpu.vector_store %arg11[%swap3A_1022], %broadcast_in_dim3A_0 {strides = array<i32>} : memref<4096xi32, #tpu.memory_space<vmem>>, vector<16xi32>,
    %swap3A_1024 = arith.constant 4080 : index
    %swap3A_1025 = tpu.vector_load %arg12[%swap3A_1024] {strides = array<i32>} : memref<4096xi32, #tpu.memory_space<vmem>>, vector<16xi32>,
    tpu.vector_store %arg12[%swap3A_1024], %broadcast_in_dim3A_0 {strides = array<i32>} : memref<4096xi32, #tpu.memory_space<vmem>>, vector<16xi32>,
    %mul3A = arith.constant 32 : i32
    %mul3A_1026 = arith.muli %arg1, %mul3A : i32
    %dma_start3A = arith.constant 0 : i32
    %dma_start3A_1027 = arith.constant 0 : i32
    %dma_start3A_1028 = arith.constant 0 : i32
    %dma_start3A_1029 = tpu.memref_slice %arg5[%dma_start3A_1027, %dma_start3A_1028] : memref<32x512xf32, #tpu.memory_space<vmem>> -> memref<16x512xf32, #tpu.memory_space<vmem>>
    %dma_start3A_1030 = arith.constant 0 : i32
    %dma_start3A_1031 = tpu.memref_slice %arg2[%dma_start3A, %mul3A_1026, %dma_start3A_1030] : memref<3x512x512xf32, #tpu.memory_space<hbm>> -> memref<1x16x512xf32, #tpu.memory_space<hbm>>
    %dma_start3A_1032 = tpu.memref_squeeze %dma_start3A_1031 : memref<1x16x512xf32, #tpu.memory_space<hbm>> -> memref<16x512xf32, #tpu.memory_space<hbm>>
    %dma_start3A_1033 = arith.constant 0 : i32
    %dma_start3A_1034 = arith.constant 0 : i32
    %dma_start3A_1035 = tpu.memref_slice %arg5[%dma_start3A_1033, %dma_start3A_1034] : memref<32x512xf32, #tpu.memory_space<vmem>> -> memref<16x512xf32, #tpu.memory_space<vmem>>
    %dma_start3A_1036 = arith.constant 0 : i32
    %dma_start3A_1037 = tpu.memref_slice %arg2[%dma_start3A, %mul3A_1026, %dma_start3A_1036] : memref<3x512x512xf32, #tpu.memory_space<hbm>> -> memref<1x16x512xf32, #tpu.memory_space<hbm>>
    %dma_start3A_1038 = tpu.memref_squeeze %dma_start3A_1037 : memref<1x16x512xf32, #tpu.memory_space<hbm>> -> memref<16x512xf32, #tpu.memory_space<hbm>>
    tpu.enqueue_dma source(%dma_start3A_1038 : memref<16x512xf32, #tpu.memory_space<hbm>>) target(%dma_start3A_1035 : memref<16x512xf32, #tpu.memory_space<vmem>>) target_semaphore(%arg29 : memref<!tpu.dma_semaphore, #tpu.memory_space<semaphore_mem>>)
    %dma_start3A_1039 = arith.constant 1 : i32
    %dma_start3A_1040 = arith.constant 0 : i32
    %dma_start3A_1041 = arith.constant 0 : i32
    %dma_start3A_1042 = tpu.memref_slice %arg6[%dma_start3A_1040, %dma_start3A_1041] : memref<32x512xf32, #tpu.memory_space<vmem>> -> memref<16x512xf32, #tpu.memory_space<vmem>>
    %dma_start3A_1043 = arith.constant 0 : i32
    %dma_start3A_1044 = tpu.memref_slice %arg2[%dma_start3A_1039, %mul3A_1026, %dma_start3A_1043] : memref<3x512x512xf32, #tpu.memory_space<hbm>> -> memref<1x16x512xf32, #tpu.memory_space<hbm>>
    %dma_start3A_1045 = tpu.memref_squeeze %dma_start3A_1044 : memref<1x16x512xf32, #tpu.memory_space<hbm>> -> memref<16x512xf32, #tpu.memory_space<hbm>>
    %dma_start3A_1046 = arith.constant 0 : i32
    %dma_start3A_1047 = arith.constant 0 : i32
    %dma_start3A_1048 = tpu.memref_slice %arg6[%dma_start3A_1046, %dma_start3A_1047] : memref<32x512xf32, #tpu.memory_space<vmem>> -> memref<16x512xf32, #tpu.memory_space<vmem>>
    %dma_start3A_1049 = arith.constant 0 : i32
    %dma_start3A_1050 = tpu.memref_slice %arg2[%dma_start3A_1039, %mul3A_1026, %dma_start3A_1049] : memref<3x512x512xf32, #tpu.memory_space<hbm>> -> memref<1x16x512xf32, #tpu.memory_space<hbm>>
    %dma_start3A_1051 = tpu.memref_squeeze %dma_start3A_1050 : memref<1x16x512xf32, #tpu.memory_space<hbm>> -> memref<16x512xf32, #tpu.memory_space<hbm>>
    tpu.enqueue_dma source(%dma_start3A_1051 : memref<16x512xf32, #tpu.memory_space<hbm>>) target(%dma_start3A_1048 : memref<16x512xf32, #tpu.memory_space<vmem>>) target_semaphore(%arg29 : memref<!tpu.dma_semaphore, #tpu.memory_space<semaphore_mem>>)
    %dma_start3A_1052 = arith.constant 2 : i32
    %dma_start3A_1053 = arith.constant 0 : i32
    %dma_start3A_1054 = arith.constant 0 : i32
    %dma_start3A_1055 = tpu.memref_slice %arg7[%dma_start3A_1053, %dma_start3A_1054] : memref<32x512xf32, #tpu.memory_space<vmem>> -> memref<16x512xf32, #tpu.memory_space<vmem>>
    %dma_start3A_1056 = arith.constant 0 : i32
    %dma_start3A_1057 = tpu.memref_slice %arg2[%dma_start3A_1052, %mul3A_1026, %dma_start3A_1056] : memref<3x512x512xf32, #tpu.memory_space<hbm>> -> memref<1x16x512xf32, #tpu.memory_space<hbm>>
    %dma_start3A_1058 = tpu.memref_squeeze %dma_start3A_1057 : memref<1x16x512xf32, #tpu.memory_space<hbm>> -> memref<16x512xf32, #tpu.memory_space<hbm>>
    %dma_start3A_1059 = arith.constant 0 : i32
    %dma_start3A_1060 = arith.constant 0 : i32
    %dma_start3A_1061 = tpu.memref_slice %arg7[%dma_start3A_1059, %dma_start3A_1060] : memref<32x512xf32, #tpu.memory_space<vmem>> -> memref<16x512xf32, #tpu.memory_space<vmem>>
    %dma_start3A_1062 = arith.constant 0 : i32
    %dma_start3A_1063 = tpu.memref_slice %arg2[%dma_start3A_1052, %mul3A_1026, %dma_start3A_1062] : memref<3x512x512xf32, #tpu.memory_space<hbm>> -> memref<1x16x512xf32, #tpu.memory_space<hbm>>
    %dma_start3A_1064 = tpu.memref_squeeze %dma_start3A_1063 : memref<1x16x512xf32, #tpu.memory_space<hbm>> -> memref<16x512xf32, #tpu.memory_space<hbm>>
    tpu.enqueue_dma source(%dma_start3A_1064 : memref<16x512xf32, #tpu.memory_space<hbm>>) target(%dma_start3A_1061 : memref<16x512xf32, #tpu.memory_space<vmem>>) target_semaphore(%arg29 : memref<!tpu.dma_semaphore, #tpu.memory_space<semaphore_mem>>)
    %dma_start3A_1065 = arith.constant 0 : i32
    %dma_start3A_1066 = arith.constant 0 : i32
    %dma_start3A_1067 = arith.constant 0 : i32
    %dma_start3A_1068 = tpu.memref_slice %arg8[%dma_start3A_1066, %dma_start3A_1067] : memref<32x512xf32, #tpu.memory_space<vmem>> -> memref<16x512xf32, #tpu.memory_space<vmem>>
    %dma_start3A_1069 = arith.constant 0 : i32
    %dma_start3A_1070 = tpu.memref_slice %arg3[%dma_start3A_1065, %mul3A_1026, %dma_start3A_1069] : memref<3x512x512xf32, #tpu.memory_space<hbm>> -> memref<1x16x512xf32, #tpu.memory_space<hbm>>
    %dma_start3A_1071 = tpu.memref_squeeze %dma_start3A_1070 : memref<1x16x512xf32, #tpu.memory_space<hbm>> -> memref<16x512xf32, #tpu.memory_space<hbm>>
    %dma_start3A_1072 = arith.constant 0 : i32
    %dma_start3A_1073 = arith.constant 0 : i32
    %dma_start3A_1074 = tpu.memref_slice %arg8[%dma_start3A_1072, %dma_start3A_1073] : memref<32x512xf32, #tpu.memory_space<vmem>> -> memref<16x512xf32, #tpu.memory_space<vmem>>
    %dma_start3A_1075 = arith.constant 0 : i32
    %dma_start3A_1076 = tpu.memref_slice %arg3[%dma_start3A_1065, %mul3A_1026, %dma_start3A_1075] : memref<3x512x512xf32, #tpu.memory_space<hbm>> -> memref<1x16x512xf32, #tpu.memory_space<hbm>>
    %dma_start3A_1077 = tpu.memref_squeeze %dma_start3A_1076 : memref<1x16x512xf32, #tpu.memory_space<hbm>> -> memref<16x512xf32, #tpu.memory_space<hbm>>
    tpu.enqueue_dma source(%dma_start3A_1077 : memref<16x512xf32, #tpu.memory_space<hbm>>) target(%dma_start3A_1074 : memref<16x512xf32, #tpu.memory_space<vmem>>) target_semaphore(%arg29 : memref<!tpu.dma_semaphore, #tpu.memory_space<semaphore_mem>>)
    %dma_start3A_1078 = arith.constant 1 : i32
    %dma_start3A_1079 = arith.constant 0 : i32
    %dma_start3A_1080 = arith.constant 0 : i32
    %dma_start3A_1081 = tpu.memref_slice %arg9[%dma_start3A_1079, %dma_start3A_1080] : memref<32x512xf32, #tpu.memory_space<vmem>> -> memref<16x512xf32, #tpu.memory_space<vmem>>
    %dma_start3A_1082 = arith.constant 0 : i32
    %dma_start3A_1083 = tpu.memref_slice %arg3[%dma_start3A_1078, %mul3A_1026, %dma_start3A_1082] : memref<3x512x512xf32, #tpu.memory_space<hbm>> -> memref<1x16x512xf32, #tpu.memory_space<hbm>>
    %dma_start3A_1084 = tpu.memref_squeeze %dma_start3A_1083 : memref<1x16x512xf32, #tpu.memory_space<hbm>> -> memref<16x512xf32, #tpu.memory_space<hbm>>
    %dma_start3A_1085 = arith.constant 0 : i32
    %dma_start3A_1086 = arith.constant 0 : i32
    %dma_start3A_1087 = tpu.memref_slice %arg9[%dma_start3A_1085, %dma_start3A_1086] : memref<32x512xf32, #tpu.memory_space<vmem>> -> memref<16x512xf32, #tpu.memory_space<vmem>>
    %dma_start3A_1088 = arith.constant 0 : i32
    %dma_start3A_1089 = tpu.memref_slice %arg3[%dma_start3A_1078, %mul3A_1026, %dma_start3A_1088] : memref<3x512x512xf32, #tpu.memory_space<hbm>> -> memref<1x16x512xf32, #tpu.memory_space<hbm>>
    %dma_start3A_1090 = tpu.memref_squeeze %dma_start3A_1089 : memref<1x16x512xf32, #tpu.memory_space<hbm>> -> memref<16x512xf32, #tpu.memory_space<hbm>>
    tpu.enqueue_dma source(%dma_start3A_1090 : memref<16x512xf32, #tpu.memory_space<hbm>>) target(%dma_start3A_1087 : memref<16x512xf32, #tpu.memory_space<vmem>>) target_semaphore(%arg29 : memref<!tpu.dma_semaphore, #tpu.memory_space<semaphore_mem>>)
    %dma_start3A_1091 = arith.constant 2 : i32
    %dma_start3A_1092 = arith.constant 0 : i32
    %dma_start3A_1093 = arith.constant 0 : i32
    %dma_start3A_1094 = tpu.memref_slice %arg10[%dma_start3A_1092, %dma_start3A_1093] : memref<32x512xf32, #tpu.memory_space<vmem>> -> memref<16x512xf32, #tpu.memory_space<vmem>>
    %dma_start3A_1095 = arith.constant 0 : i32
    %dma_start3A_1096 = tpu.memref_slice %arg3[%dma_start3A_1091, %mul3A_1026, %dma_start3A_1095] : memref<3x512x512xf32, #tpu.memory_space<hbm>> -> memref<1x16x512xf32, #tpu.memory_space<hbm>>
    %dma_start3A_1097 = tpu.memref_squeeze %dma_start3A_1096 : memref<1x16x512xf32, #tpu.memory_space<hbm>> -> memref<16x512xf32, #tpu.memory_space<hbm>>
    %dma_start3A_1098 = arith.constant 0 : i32
    %dma_start3A_1099 = arith.constant 0 : i32
    %dma_start3A_1100 = tpu.memref_slice %arg10[%dma_start3A_1098, %dma_start3A_1099] : memref<32x512xf32, #tpu.memory_space<vmem>> -> memref<16x512xf32, #tpu.memory_space<vmem>>
    %dma_start3A_1101 = arith.constant 0 : i32
    %dma_start3A_1102 = tpu.memref_slice %arg3[%dma_start3A_1091, %mul3A_1026, %dma_start3A_1101] : memref<3x512x512xf32, #tpu.memory_space<hbm>> -> memref<1x16x512xf32, #tpu.memory_space<hbm>>
    %dma_start3A_1103 = tpu.memref_squeeze %dma_start3A_1102 : memref<1x16x512xf32, #tpu.memory_space<hbm>> -> memref<16x512xf32, #tpu.memory_space<hbm>>
    tpu.enqueue_dma source(%dma_start3A_1103 : memref<16x512xf32, #tpu.memory_space<hbm>>) target(%dma_start3A_1100 : memref<16x512xf32, #tpu.memory_space<vmem>>) target_semaphore(%arg29 : memref<!tpu.dma_semaphore, #tpu.memory_space<semaphore_mem>>)
    %add3A = arith.constant 16 : i32
    %add3A_1104 = arith.addi %mul3A_1026, %add3A : i32
    %dma_start3A_1105 = arith.constant 0 : i32
    %dma_start3A_1106 = arith.constant 16 : i32
    %dma_start3A_1107 = arith.constant 0 : i32
    %dma_start3A_1108 = tpu.memref_slice %arg5[%dma_start3A_1106, %dma_start3A_1107] : memref<32x512xf32, #tpu.memory_space<vmem>> -> memref<16x512xf32, #tpu.memory_space<vmem>>
    %dma_start3A_1109 = arith.constant 0 : i32
    %dma_start3A_1110 = tpu.memref_slice %arg2[%dma_start3A_1105, %add3A_1104, %dma_start3A_1109] : memref<3x512x512xf32, #tpu.memory_space<hbm>> -> memref<1x16x512xf32, #tpu.memory_space<hbm>>
    %dma_start3A_1111 = tpu.memref_squeeze %dma_start3A_1110 : memref<1x16x512xf32, #tpu.memory_space<hbm>> -> memref<16x512xf32, #tpu.memory_space<hbm>>
    %dma_start3A_1112 = arith.constant 16 : i32
    %dma_start3A_1113 = arith.constant 0 : i32
    %dma_start3A_1114 = tpu.memref_slice %arg5[%dma_start3A_1112, %dma_start3A_1113] : memref<32x512xf32, #tpu.memory_space<vmem>> -> memref<16x512xf32, #tpu.memory_space<vmem>>
    %dma_start3A_1115 = arith.constant 0 : i32
    %dma_start3A_1116 = tpu.memref_slice %arg2[%dma_start3A_1105, %add3A_1104, %dma_start3A_1115] : memref<3x512x512xf32, #tpu.memory_space<hbm>> -> memref<1x16x512xf32, #tpu.memory_space<hbm>>
    %dma_start3A_1117 = tpu.memref_squeeze %dma_start3A_1116 : memref<1x16x512xf32, #tpu.memory_space<hbm>> -> memref<16x512xf32, #tpu.memory_space<hbm>>
    tpu.enqueue_dma source(%dma_start3A_1117 : memref<16x512xf32, #tpu.memory_space<hbm>>) target(%dma_start3A_1114 : memref<16x512xf32, #tpu.memory_space<vmem>>) target_semaphore(%arg30 : memref<!tpu.dma_semaphore, #tpu.memory_space<semaphore_mem>>)
    %add3A_1118 = arith.constant 16 : i32
    %add3A_1119 = arith.addi %mul3A_1026, %add3A_1118 : i32
    %dma_start3A_1120 = arith.constant 1 : i32
    %dma_start3A_1121 = arith.constant 16 : i32
    %dma_start3A_1122 = arith.constant 0 : i32
    %dma_start3A_1123 = tpu.memref_slice %arg6[%dma_start3A_1121, %dma_start3A_1122] : memref<32x512xf32, #tpu.memory_space<vmem>> -> memref<16x512xf32, #tpu.memory_space<vmem>>
    %dma_start3A_1124 = arith.constant 0 : i32
    %dma_start3A_1125 = tpu.memref_slice %arg2[%dma_start3A_1120, %add3A_1119, %dma_start3A_1124] : memref<3x512x512xf32, #tpu.memory_space<hbm>> -> memref<1x16x512xf32, #tpu.memory_space<hbm>>
    %dma_start3A_1126 = tpu.memref_squeeze %dma_start3A_1125 : memref<1x16x512xf32, #tpu.memory_space<hbm>> -> memref<16x512xf32, #tpu.memory_space<hbm>>
    %dma_start3A_1127 = arith.constant 16 : i32
    %dma_start3A_1128 = arith.constant 0 : i32
    %dma_start3A_1129 = tpu.memref_slice %arg6[%dma_start3A_1127, %dma_start3A_1128] : memref<32x512xf32, #tpu.memory_space<vmem>> -> memref<16x512xf32, #tpu.memory_space<vmem>>
    %dma_start3A_1130 = arith.constant 0 : i32
    %dma_start3A_1131 = tpu.memref_slice %arg2[%dma_start3A_1120, %add3A_1119, %dma_start3A_1130] : memref<3x512x512xf32, #tpu.memory_space<hbm>> -> memref<1x16x512xf32, #tpu.memory_space<hbm>>
    %dma_start3A_1132 = tpu.memref_squeeze %dma_start3A_1131 : memref<1x16x512xf32, #tpu.memory_space<hbm>> -> memref<16x512xf32, #tpu.memory_space<hbm>>
    tpu.enqueue_dma source(%dma_start3A_1132 : memref<16x512xf32, #tpu.memory_space<hbm>>) target(%dma_start3A_1129 : memref<16x512xf32, #tpu.memory_space<vmem>>) target_semaphore(%arg30 : memref<!tpu.dma_semaphore, #tpu.memory_space<semaphore_mem>>)
    %add3A_1133 = arith.constant 16 : i32
    %add3A_1134 = arith.addi %mul3A_1026, %add3A_1133 : i32
    %dma_start3A_1135 = arith.constant 2 : i32
    %dma_start3A_1136 = arith.constant 16 : i32
    %dma_start3A_1137 = arith.constant 0 : i32
    %dma_start3A_1138 = tpu.memref_slice %arg7[%dma_start3A_1136, %dma_start3A_1137] : memref<32x512xf32, #tpu.memory_space<vmem>> -> memref<16x512xf32, #tpu.memory_space<vmem>>
    %dma_start3A_1139 = arith.constant 0 : i32
    %dma_start3A_1140 = tpu.memref_slice %arg2[%dma_start3A_1135, %add3A_1134, %dma_start3A_1139] : memref<3x512x512xf32, #tpu.memory_space<hbm>> -> memref<1x16x512xf32, #tpu.memory_space<hbm>>
    %dma_start3A_1141 = tpu.memref_squeeze %dma_start3A_1140 : memref<1x16x512xf32, #tpu.memory_space<hbm>> -> memref<16x512xf32, #tpu.memory_space<hbm>>
    %dma_start3A_1142 = arith.constant 16 : i32
    %dma_start3A_1143 = arith.constant 0 : i32
    %dma_start3A_1144 = tpu.memref_slice %arg7[%dma_start3A_1142, %dma_start3A_1143] : memref<32x512xf32, #tpu.memory_space<vmem>> -> memref<16x512xf32, #tpu.memory_space<vmem>>
    %dma_start3A_1145 = arith.constant 0 : i32
    %dma_start3A_1146 = tpu.memref_slice %arg2[%dma_start3A_1135, %add3A_1134, %dma_start3A_1145] : memref<3x512x512xf32, #tpu.memory_space<hbm>> -> memref<1x16x512xf32, #tpu.memory_space<hbm>>
    %dma_start3A_1147 = tpu.memref_squeeze %dma_start3A_1146 : memref<1x16x512xf32, #tpu.memory_space<hbm>> -> memref<16x512xf32, #tpu.memory_space<hbm>>
    tpu.enqueue_dma source(%dma_start3A_1147 : memref<16x512xf32, #tpu.memory_space<hbm>>) target(%dma_start3A_1144 : memref<16x512xf32, #tpu.memory_space<vmem>>) target_semaphore(%arg30 : memref<!tpu.dma_semaphore, #tpu.memory_space<semaphore_mem>>)
    %add3A_1148 = arith.constant 16 : i32
    %add3A_1149 = arith.addi %mul3A_1026, %add3A_1148 : i32
    %dma_start3A_1150 = arith.constant 0 : i32
    %dma_start3A_1151 = arith.constant 16 : i32
    %dma_start3A_1152 = arith.constant 0 : i32
    %dma_start3A_1153 = tpu.memref_slice %arg8[%dma_start3A_1151, %dma_start3A_1152] : memref<32x512xf32, #tpu.memory_space<vmem>> -> memref<16x512xf32, #tpu.memory_space<vmem>>
    %dma_start3A_1154 = arith.constant 0 : i32
    %dma_start3A_1155 = tpu.memref_slice %arg3[%dma_start3A_1150, %add3A_1149, %dma_start3A_1154] : memref<3x512x512xf32, #tpu.memory_space<hbm>> -> memref<1x16x512xf32, #tpu.memory_space<hbm>>
    %dma_start3A_1156 = tpu.memref_squeeze %dma_start3A_1155 : memref<1x16x512xf32, #tpu.memory_space<hbm>> -> memref<16x512xf32, #tpu.memory_space<hbm>>
    %dma_start3A_1157 = arith.constant 16 : i32
    %dma_start3A_1158 = arith.constant 0 : i32
    %dma_start3A_1159 = tpu.memref_slice %arg8[%dma_start3A_1157, %dma_start3A_1158] : memref<32x512xf32, #tpu.memory_space<vmem>> -> memref<16x512xf32, #tpu.memory_space<vmem>>
    %dma_start3A_1160 = arith.constant 0 : i32
    %dma_start3A_1161 = tpu.memref_slice %arg3[%dma_start3A_1150, %add3A_1149, %dma_start3A_1160] : memref<3x512x512xf32, #tpu.memory_space<hbm>> -> memref<1x16x512xf32, #tpu.memory_space<hbm>>
    %dma_start3A_1162 = tpu.memref_squeeze %dma_start3A_1161 : memref<1x16x512xf32, #tpu.memory_space<hbm>> -> memref<16x512xf32, #tpu.memory_space<hbm>>
    tpu.enqueue_dma source(%dma_start3A_1162 : memref<16x512xf32, #tpu.memory_space<hbm>>) target(%dma_start3A_1159 : memref<16x512xf32, #tpu.memory_space<vmem>>) target_semaphore(%arg30 : memref<!tpu.dma_semaphore, #tpu.memory_space<semaphore_mem>>)
    %add3A_1163 = arith.constant 16 : i32
    %add3A_1164 = arith.addi %mul3A_1026, %add3A_1163 : i32
    %dma_start3A_1165 = arith.constant 1 : i32
    %dma_start3A_1166 = arith.constant 16 : i32
    %dma_start3A_1167 = arith.constant 0 : i32
    %dma_start3A_1168 = tpu.memref_slice %arg9[%dma_start3A_1166, %dma_start3A_1167] : memref<32x512xf32, #tpu.memory_space<vmem>> -> memref<16x512xf32, #tpu.memory_space<vmem>>
    %dma_start3A_1169 = arith.constant 0 : i32
    %dma_start3A_1170 = tpu.memref_slice %arg3[%dma_start3A_1165, %add3A_1164, %dma_start3A_1169] : memref<3x512x512xf32, #tpu.memory_space<hbm>> -> memref<1x16x512xf32, #tpu.memory_space<hbm>>
    %dma_start3A_1171 = tpu.memref_squeeze %dma_start3A_1170 : memref<1x16x512xf32, #tpu.memory_space<hbm>> -> memref<16x512xf32, #tpu.memory_space<hbm>>
    %dma_start3A_1172 = arith.constant 16 : i32
    %dma_start3A_1173 = arith.constant 0 : i32
    %dma_start3A_1174 = tpu.memref_slice %arg9[%dma_start3A_1172, %dma_start3A_1173] : memref<32x512xf32, #tpu.memory_space<vmem>> -> memref<16x512xf32, #tpu.memory_space<vmem>>
    %dma_start3A_1175 = arith.constant 0 : i32
    %dma_start3A_1176 = tpu.memref_slice %arg3[%dma_start3A_1165, %add3A_1164, %dma_start3A_1175] : memref<3x512x512xf32, #tpu.memory_space<hbm>> -> memref<1x16x512xf32, #tpu.memory_space<hbm>>
    %dma_start3A_1177 = tpu.memref_squeeze %dma_start3A_1176 : memref<1x16x512xf32, #tpu.memory_space<hbm>> -> memref<16x512xf32, #tpu.memory_space<hbm>>
    tpu.enqueue_dma source(%dma_start3A_1177 : memref<16x512xf32, #tpu.memory_space<hbm>>) target(%dma_start3A_1174 : memref<16x512xf32, #tpu.memory_space<vmem>>) target_semaphore(%arg30 : memref<!tpu.dma_semaphore, #tpu.memory_space<semaphore_mem>>)
    %add3A_1178 = arith.constant 16 : i32
    %add3A_1179 = arith.addi %mul3A_1026, %add3A_1178 : i32
    %dma_start3A_1180 = arith.constant 2 : i32
    %dma_start3A_1181 = arith.constant 16 : i32
    %dma_start3A_1182 = arith.constant 0 : i32
    %dma_start3A_1183 = tpu.memref_slice %arg10[%dma_start3A_1181, %dma_start3A_1182] : memref<32x512xf32, #tpu.memory_space<vmem>> -> memref<16x512xf32, #tpu.memory_space<vmem>>
    %dma_start3A_1184 = arith.constant 0 : i32
    %dma_start3A_1185 = tpu.memref_slice %arg3[%dma_start3A_1180, %add3A_1179, %dma_start3A_1184] : memref<3x512x512xf32, #tpu.memory_space<hbm>> -> memref<1x16x512xf32, #tpu.memory_space<hbm>>
    %dma_start3A_1186 = tpu.memref_squeeze %dma_start3A_1185 : memref<1x16x512xf32, #tpu.memory_space<hbm>> -> memref<16x512xf32, #tpu.memory_space<hbm>>
    %dma_start3A_1187 = arith.constant 16 : i32
    %dma_start3A_1188 = arith.constant 0 : i32
    %dma_start3A_1189 = tpu.memref_slice %arg10[%dma_start3A_1187, %dma_start3A_1188] : memref<32x512xf32, #tpu.memory_space<vmem>> -> memref<16x512xf32, #tpu.memory_space<vmem>>
    %dma_start3A_1190 = arith.constant 0 : i32
    %dma_start3A_1191 = tpu.memref_slice %arg3[%dma_start3A_1180, %add3A_1179, %dma_start3A_1190] : memref<3x512x512xf32, #tpu.memory_space<hbm>> -> memref<1x16x512xf32, #tpu.memory_space<hbm>>
    %dma_start3A_1192 = tpu.memref_squeeze %dma_start3A_1191 : memref<1x16x512xf32, #tpu.memory_space<hbm>> -> memref<16x512xf32, #tpu.memory_space<hbm>>
    tpu.enqueue_dma source(%dma_start3A_1192 : memref<16x512xf32, #tpu.memory_space<hbm>>) target(%dma_start3A_1189 : memref<16x512xf32, #tpu.memory_space<vmem>>) target_semaphore(%arg30 : memref<!tpu.dma_semaphore, #tpu.memory_space<semaphore_mem>>)
    %scan3A = arith.constant 0 : i32
    %scan3A_1193 = arith.constant 256 : i32
    %scan3A_1194 = arith.addi %scan3A, %scan3A_1193 : i32
    %scan3A_1195 = arith.constant 1 : i32
    scf.for %scan3A_2250 = %scan3A to %scan3A_1194 step %scan3A_1195  : i32 {
      %mul3A_2251 = arith.constant 1 : i32
      %mul3A_2252 = arith.muli %scan3A_2250, %mul3A_2251 : i32
      %add3A_2253 = arith.constant 0 : i32
      %add3A_2254 = arith.addi %add3A_2253, %mul3A_2252 : i32
      %mul3A_2255 = arith.constant 16 : i32
      %mul3A_2256 = arith.muli %add3A_2254, %mul3A_2255 : i32
      %swap3A_2257 = arith.index_cast %mul3A_2256 : i32 to index
      %swap3A_2258 = tpu.vector_load %arg11[%swap3A_2257] {strides = array<i32>} : memref<4096xi32, #tpu.memory_space<vmem>>, vector<16xi32>,
      tpu.vector_store %arg11[%swap3A_2257], %broadcast_in_dim3A_0 {strides = array<i32>} : memref<4096xi32, #tpu.memory_space<vmem>>, vector<16xi32>,
      %mul3A_2259 = arith.constant 16 : i32
      %mul3A_2260 = arith.muli %add3A_2254, %mul3A_2259 : i32
      %swap3A_2261 = arith.index_cast %mul3A_2260 : i32 to index
      %swap3A_2262 = tpu.vector_load %arg12[%swap3A_2261] {strides = array<i32>} : memref<4096xi32, #tpu.memory_space<vmem>>, vector<16xi32>,
      tpu.vector_store %arg12[%swap3A_2261], %broadcast_in_dim3A_0 {strides = array<i32>} : memref<4096xi32, #tpu.memory_space<vmem>>, vector<16xi32>,
    }
    %scan3A_1196 = arith.constant 256 : i32
    %dma_wait3A = arith.constant 0 : i32
    %dma_wait3A_1197 = arith.constant 0 : i32
    %dma_wait3A_1198 = arith.constant 0 : i32
    %dma_wait3A_1199 = tpu.memref_slice %arg5[%dma_wait3A_1197, %dma_wait3A_1198] : memref<32x512xf32, #tpu.memory_space<vmem>> -> memref<16x512xf32, #tpu.memory_space<vmem>>
    %dma_wait3A_1200 = arith.constant 0 : i32
    %dma_wait3A_1201 = tpu.memref_slice %arg2[%dma_wait3A, %mul3A_1026, %dma_wait3A_1200] : memref<3x512x512xf32, #tpu.memory_space<hbm>> -> memref<1x16x512xf32, #tpu.memory_space<hbm>>
    %dma_wait3A_1202 = tpu.memref_squeeze %dma_wait3A_1201 : memref<1x16x512xf32, #tpu.memory_space<hbm>> -> memref<16x512xf32, #tpu.memory_space<hbm>>
    %dma_wait3A_1203 = arith.constant 0 : i32
    %dma_wait3A_1204 = arith.constant 0 : i32
    %dma_wait3A_1205 = tpu.memref_slice %arg5[%dma_wait3A_1203, %dma_wait3A_1204] : memref<32x512xf32, #tpu.memory_space<vmem>> -> memref<16x512xf32, #tpu.memory_space<vmem>>
    %dma_wait3A_1206 = arith.constant 0 : i32
    %dma_wait3A_1207 = tpu.memref_slice %arg2[%dma_wait3A, %mul3A_1026, %dma_wait3A_1206] : memref<3x512x512xf32, #tpu.memory_space<hbm>> -> memref<1x16x512xf32, #tpu.memory_space<hbm>>
    %dma_wait3A_1208 = tpu.memref_squeeze %dma_wait3A_1207 : memref<1x16x512xf32, #tpu.memory_space<hbm>> -> memref<16x512xf32, #tpu.memory_space<hbm>>
    tpu.wait_dma2 semaphore(%arg29 : memref<!tpu.dma_semaphore, #tpu.memory_space<semaphore_mem>>) src(%dma_wait3A_1208 : memref<16x512xf32, #tpu.memory_space<hbm>>) dst(%dma_wait3A_1205 : memref<16x512xf32, #tpu.memory_space<vmem>>)
    %dma_wait3A_1209 = arith.constant 1 : i32
    %dma_wait3A_1210 = arith.constant 0 : i32
    %dma_wait3A_1211 = arith.constant 0 : i32
    %dma_wait3A_1212 = tpu.memref_slice %arg6[%dma_wait3A_1210, %dma_wait3A_1211] : memref<32x512xf32, #tpu.memory_space<vmem>> -> memref<16x512xf32, #tpu.memory_space<vmem>>
    %dma_wait3A_1213 = arith.constant 0 : i32
    %dma_wait3A_1214 = tpu.memref_slice %arg2[%dma_wait3A_1209, %mul3A_1026, %dma_wait3A_1213] : memref<3x512x512xf32, #tpu.memory_space<hbm>> -> memref<1x16x512xf32, #tpu.memory_space<hbm>>
    %dma_wait3A_1215 = tpu.memref_squeeze %dma_wait3A_1214 : memref<1x16x512xf32, #tpu.memory_space<hbm>> -> memref<16x512xf32, #tpu.memory_space<hbm>>
    %dma_wait3A_1216 = arith.constant 0 : i32
    %dma_wait3A_1217 = arith.constant 0 : i32
    %dma_wait3A_1218 = tpu.memref_slice %arg6[%dma_wait3A_1216, %dma_wait3A_1217] : memref<32x512xf32, #tpu.memory_space<vmem>> -> memref<16x512xf32, #tpu.memory_space<vmem>>
    %dma_wait3A_1219 = arith.constant 0 : i32
    %dma_wait3A_1220 = tpu.memref_slice %arg2[%dma_wait3A_1209, %mul3A_1026, %dma_wait3A_1219] : memref<3x512x512xf32, #tpu.memory_space<hbm>> -> memref<1x16x512xf32, #tpu.memory_space<hbm>>
    %dma_wait3A_1221 = tpu.memref_squeeze %dma_wait3A_1220 : memref<1x16x512xf32, #tpu.memory_space<hbm>> -> memref<16x512xf32, #tpu.memory_space<hbm>>
    tpu.wait_dma2 semaphore(%arg29 : memref<!tpu.dma_semaphore, #tpu.memory_space<semaphore_mem>>) src(%dma_wait3A_1221 : memref<16x512xf32, #tpu.memory_space<hbm>>) dst(%dma_wait3A_1218 : memref<16x512xf32, #tpu.memory_space<vmem>>)
    %dma_wait3A_1222 = arith.constant 2 : i32
    %dma_wait3A_1223 = arith.constant 0 : i32
    %dma_wait3A_1224 = arith.constant 0 : i32
    %dma_wait3A_1225 = tpu.memref_slice %arg7[%dma_wait3A_1223, %dma_wait3A_1224] : memref<32x512xf32, #tpu.memory_space<vmem>> -> memref<16x512xf32, #tpu.memory_space<vmem>>
    %dma_wait3A_1226 = arith.constant 0 : i32
    %dma_wait3A_1227 = tpu.memref_slice %arg2[%dma_wait3A_1222, %mul3A_1026, %dma_wait3A_1226] : memref<3x512x512xf32, #tpu.memory_space<hbm>> -> memref<1x16x512xf32, #tpu.memory_space<hbm>>
    %dma_wait3A_1228 = tpu.memref_squeeze %dma_wait3A_1227 : memref<1x16x512xf32, #tpu.memory_space<hbm>> -> memref<16x512xf32, #tpu.memory_space<hbm>>
    %dma_wait3A_1229 = arith.constant 0 : i32
    %dma_wait3A_1230 = arith.constant 0 : i32
    %dma_wait3A_1231 = tpu.memref_slice %arg7[%dma_wait3A_1229, %dma_wait3A_1230] : memref<32x512xf32, #tpu.memory_space<vmem>> -> memref<16x512xf32, #tpu.memory_space<vmem>>
    %dma_wait3A_1232 = arith.constant 0 : i32
    %dma_wait3A_1233 = tpu.memref_slice %arg2[%dma_wait3A_1222, %mul3A_1026, %dma_wait3A_1232] : memref<3x512x512xf32, #tpu.memory_space<hbm>> -> memref<1x16x512xf32, #tpu.memory_space<hbm>>
    %dma_wait3A_1234 = tpu.memref_squeeze %dma_wait3A_1233 : memref<1x16x512xf32, #tpu.memory_space<hbm>> -> memref<16x512xf32, #tpu.memory_space<hbm>>
    tpu.wait_dma2 semaphore(%arg29 : memref<!tpu.dma_semaphore, #tpu.memory_space<semaphore_mem>>) src(%dma_wait3A_1234 : memref<16x512xf32, #tpu.memory_space<hbm>>) dst(%dma_wait3A_1231 : memref<16x512xf32, #tpu.memory_space<vmem>>)
    %dma_wait3A_1235 = arith.constant 0 : i32
    %dma_wait3A_1236 = arith.constant 0 : i32
    %dma_wait3A_1237 = arith.constant 0 : i32
    %dma_wait3A_1238 = tpu.memref_slice %arg8[%dma_wait3A_1236, %dma_wait3A_1237] : memref<32x512xf32, #tpu.memory_space<vmem>> -> memref<16x512xf32, #tpu.memory_space<vmem>>
    %dma_wait3A_1239 = arith.constant 0 : i32
    %dma_wait3A_1240 = tpu.memref_slice %arg3[%dma_wait3A_1235, %mul3A_1026, %dma_wait3A_1239] : memref<3x512x512xf32, #tpu.memory_space<hbm>> -> memref<1x16x512xf32, #tpu.memory_space<hbm>>
    %dma_wait3A_1241 = tpu.memref_squeeze %dma_wait3A_1240 : memref<1x16x512xf32, #tpu.memory_space<hbm>> -> memref<16x512xf32, #tpu.memory_space<hbm>>
    %dma_wait3A_1242 = arith.constant 0 : i32
    %dma_wait3A_1243 = arith.constant 0 : i32
    %dma_wait3A_1244 = tpu.memref_slice %arg8[%dma_wait3A_1242, %dma_wait3A_1243] : memref<32x512xf32, #tpu.memory_space<vmem>> -> memref<16x512xf32, #tpu.memory_space<vmem>>
    %dma_wait3A_1245 = arith.constant 0 : i32
    %dma_wait3A_1246 = tpu.memref_slice %arg3[%dma_wait3A_1235, %mul3A_1026, %dma_wait3A_1245] : memref<3x512x512xf32, #tpu.memory_space<hbm>> -> memref<1x16x512xf32, #tpu.memory_space<hbm>>
    %dma_wait3A_1247 = tpu.memref_squeeze %dma_wait3A_1246 : memref<1x16x512xf32, #tpu.memory_space<hbm>> -> memref<16x512xf32, #tpu.memory_space<hbm>>
    tpu.wait_dma2 semaphore(%arg29 : memref<!tpu.dma_semaphore, #tpu.memory_space<semaphore_mem>>) src(%dma_wait3A_1247 : memref<16x512xf32, #tpu.memory_space<hbm>>) dst(%dma_wait3A_1244 : memref<16x512xf32, #tpu.memory_space<vmem>>)
    %dma_wait3A_1248 = arith.constant 1 : i32
    %dma_wait3A_1249 = arith.constant 0 : i32
    %dma_wait3A_1250 = arith.constant 0 : i32
    %dma_wait3A_1251 = tpu.memref_slice %arg9[%dma_wait3A_1249, %dma_wait3A_1250] : memref<32x512xf32, #tpu.memory_space<vmem>> -> memref<16x512xf32, #tpu.memory_space<vmem>>
    %dma_wait3A_1252 = arith.constant 0 : i32
    %dma_wait3A_1253 = tpu.memref_slice %arg3[%dma_wait3A_1248, %mul3A_1026, %dma_wait3A_1252] : memref<3x512x512xf32, #tpu.memory_space<hbm>> -> memref<1x16x512xf32, #tpu.memory_space<hbm>>
    %dma_wait3A_1254 = tpu.memref_squeeze %dma_wait3A_1253 : memref<1x16x512xf32, #tpu.memory_space<hbm>> -> memref<16x512xf32, #tpu.memory_space<hbm>>
    %dma_wait3A_1255 = arith.constant 0 : i32
    %dma_wait3A_1256 = arith.constant 0 : i32
    %dma_wait3A_1257 = tpu.memref_slice %arg9[%dma_wait3A_1255, %dma_wait3A_1256] : memref<32x512xf32, #tpu.memory_space<vmem>> -> memref<16x512xf32, #tpu.memory_space<vmem>>
    %dma_wait3A_1258 = arith.constant 0 : i32
    %dma_wait3A_1259 = tpu.memref_slice %arg3[%dma_wait3A_1248, %mul3A_1026, %dma_wait3A_1258] : memref<3x512x512xf32, #tpu.memory_space<hbm>> -> memref<1x16x512xf32, #tpu.memory_space<hbm>>
    %dma_wait3A_1260 = tpu.memref_squeeze %dma_wait3A_1259 : memref<1x16x512xf32, #tpu.memory_space<hbm>> -> memref<16x512xf32, #tpu.memory_space<hbm>>
    tpu.wait_dma2 semaphore(%arg29 : memref<!tpu.dma_semaphore, #tpu.memory_space<semaphore_mem>>) src(%dma_wait3A_1260 : memref<16x512xf32, #tpu.memory_space<hbm>>) dst(%dma_wait3A_1257 : memref<16x512xf32, #tpu.memory_space<vmem>>)
    %dma_wait3A_1261 = arith.constant 2 : i32
    %dma_wait3A_1262 = arith.constant 0 : i32
    %dma_wait3A_1263 = arith.constant 0 : i32
    %dma_wait3A_1264 = tpu.memref_slice %arg10[%dma_wait3A_1262, %dma_wait3A_1263] : memref<32x512xf32, #tpu.memory_space<vmem>> -> memref<16x512xf32, #tpu.memory_space<vmem>>
    %dma_wait3A_1265 = arith.constant 0 : i32
    %dma_wait3A_1266 = tpu.memref_slice %arg3[%dma_wait3A_1261, %mul3A_1026, %dma_wait3A_1265] : memref<3x512x512xf32, #tpu.memory_space<hbm>> -> memref<1x16x512xf32, #tpu.memory_space<hbm>>
    %dma_wait3A_1267 = tpu.memref_squeeze %dma_wait3A_1266 : memref<1x16x512xf32, #tpu.memory_space<hbm>> -> memref<16x512xf32, #tpu.memory_space<hbm>>
    %dma_wait3A_1268 = arith.constant 0 : i32
    %dma_wait3A_1269 = arith.constant 0 : i32
    %dma_wait3A_1270 = tpu.memref_slice %arg10[%dma_wait3A_1268, %dma_wait3A_1269] : memref<32x512xf32, #tpu.memory_space<vmem>> -> memref<16x512xf32, #tpu.memory_space<vmem>>
    %dma_wait3A_1271 = arith.constant 0 : i32
    %dma_wait3A_1272 = tpu.memref_slice %arg3[%dma_wait3A_1261, %mul3A_1026, %dma_wait3A_1271] : memref<3x512x512xf32, #tpu.memory_space<hbm>> -> memref<1x16x512xf32, #tpu.memory_space<hbm>>
    %dma_wait3A_1273 = tpu.memref_squeeze %dma_wait3A_1272 : memref<1x16x512xf32, #tpu.memory_space<hbm>> -> memref<16x512xf32, #tpu.memory_space<hbm>>
    tpu.wait_dma2 semaphore(%arg29 : memref<!tpu.dma_semaphore, #tpu.memory_space<semaphore_mem>>) src(%dma_wait3A_1273 : memref<16x512xf32, #tpu.memory_space<hbm>>) dst(%dma_wait3A_1270 : memref<16x512xf32, #tpu.memory_space<vmem>>)
    %scan3A_1274 = arith.constant 127.498039 : f32
    %scan3A_1275 = arith.constant 0 : i32
    %scan3A_1276 = arith.constant 512 : i32
    %scan3A_1277 = arith.addi %scan3A_1275, %scan3A_1276 : i32
    %scan3A_1278 = arith.constant 1 : i32
    scf.for %scan3A_2250 = %scan3A_1275 to %scan3A_1277 step %scan3A_1278  : i32 {
      %mul3A_2251 = arith.constant 1 : i32
      %mul3A_2252 = arith.muli %scan3A_2250, %mul3A_2251 : i32
      %add3A_2253 = arith.constant 0 : i32
      %add3A_2254 = arith.addi %add3A_2253, %mul3A_2252 : i32
      %shift_right_logical3A = arith.constant 5 : i32
      %shift_right_logical3A_2255 = arith.shrui %add3A_2254, %shift_right_logical3A : i32
      %and3A = arith.constant 31 : i32
      %and3A_2256 = arith.andi %add3A_2254, %and3A : i32
      %mul3A_2257 = arith.constant 16 : i32
      %mul3A_2258 = arith.muli %and3A_2256, %mul3A_2257 : i32
      %get3A_2259 = arith.index_cast %shift_right_logical3A_2255 : i32 to index
      %get3A_2260 = arith.index_cast %mul3A_2258 : i32 to index
      %get3A_2261 = tpu.vector_load %arg5[%get3A_2259, %get3A_2260] {strides = array<i32>} : memref<32x512xf32, #tpu.memory_space<vmem>>, vector<16xf32>,
      %get3A_2262 = arith.index_cast %shift_right_logical3A_2255 : i32 to index
      %get3A_2263 = arith.index_cast %mul3A_2258 : i32 to index
      %get3A_2264 = tpu.vector_load %arg6[%get3A_2262, %get3A_2263] {strides = array<i32>} : memref<32x512xf32, #tpu.memory_space<vmem>>, vector<16xf32>,
      %get3A_2265 = arith.index_cast %shift_right_logical3A_2255 : i32 to index
      %get3A_2266 = arith.index_cast %mul3A_2258 : i32 to index
      %get3A_2267 = tpu.vector_load %arg7[%get3A_2265, %get3A_2266] {strides = array<i32>} : memref<32x512xf32, #tpu.memory_space<vmem>>, vector<16xf32>,
      %get3A_2268 = arith.index_cast %shift_right_logical3A_2255 : i32 to index
      %get3A_2269 = arith.index_cast %mul3A_2258 : i32 to index
      %get3A_2270 = tpu.vector_load %arg8[%get3A_2268, %get3A_2269] {strides = array<i32>} : memref<32x512xf32, #tpu.memory_space<vmem>>, vector<16xf32>,
      %get3A_2271 = arith.index_cast %shift_right_logical3A_2255 : i32 to index
      %get3A_2272 = arith.index_cast %mul3A_2258 : i32 to index
      %get3A_2273 = tpu.vector_load %arg9[%get3A_2271, %get3A_2272] {strides = array<i32>} : memref<32x512xf32, #tpu.memory_space<vmem>>, vector<16xf32>,
      %get3A_2274 = arith.index_cast %shift_right_logical3A_2255 : i32 to index
      %get3A_2275 = arith.index_cast %mul3A_2258 : i32 to index
      %get3A_2276 = tpu.vector_load %arg10[%get3A_2274, %get3A_2275] {strides = array<i32>} : memref<32x512xf32, #tpu.memory_space<vmem>>, vector<16xf32>,
      %max3A_2277 = arith.maximumf %get3A_2261, %get3A_2264 : vector<16xf32>
      %max3A_2278 = arith.maximumf %max3A_2277, %get3A_2267 : vector<16xf32>
      %max3A_2279 = arith.maximumf %get3A_2270, %get3A_2273 : vector<16xf32>
      %max3A_2280 = arith.maximumf %max3A_2279, %get3A_2276 : vector<16xf32>
      %mul3A_2281 = vector.broadcast %scan3A_1274 : f32 to vector<16xf32>
      %mul3A_2282 = arith.mulf %max3A_2278, %mul3A_2281 : vector<16xf32>
      %add3A_2283 = vector.broadcast %scan3A_1274 : f32 to vector<16xf32>
      %add3A_2284 = arith.addf %mul3A_2282, %add3A_2283 : vector<16xf32>
      %convert_element_type3A_2285 = arith.fptosi %add3A_2284 : vector<16xf32> to vector<16xi32>
      %mul3A_2286 = vector.broadcast %scan3A_1274 : f32 to vector<16xf32>
      %mul3A_2287 = arith.mulf %max3A_2280, %mul3A_2286 : vector<16xf32>
      %add3A_2288 = vector.broadcast %scan3A_1274 : f32 to vector<16xf32>
      %add3A_2289 = arith.addf %mul3A_2287, %add3A_2288 : vector<16xf32>
      %convert_element_type3A_2290 = arith.fptosi %add3A_2289 : vector<16xf32> to vector<16xi32>
      %mul3A_2291 = arith.constant 16 : i32
      %mul3A_2292 = vector.broadcast %mul3A_2291 : i32 to vector<16xi32>
      %mul3A_2293 = arith.muli %convert_element_type3A_2285, %mul3A_2292 : vector<16xi32>
      %add3A_2294 = arith.addi %mul3A_2293, %iota3A : vector<16xi32>
      tpu.vector_store_idx %arg11[%add3A_2294], %broadcast_in_dim3A_2 {add = true} : memref<4096xi32, #tpu.memory_space<vmem>>[vector<16xi32>], vector<16xi32>,
      %mul3A_2295 = arith.constant 16 : i32
      %mul3A_2296 = vector.broadcast %mul3A_2295 : i32 to vector<16xi32>
      %mul3A_2297 = arith.muli %convert_element_type3A_2290, %mul3A_2296 : vector<16xi32>
      %add3A_2298 = arith.addi %mul3A_2297, %iota3A : vector<16xi32>
      tpu.vector_store_idx %arg12[%add3A_2298], %broadcast_in_dim3A_2 {add = true} : memref<4096xi32, #tpu.memory_space<vmem>>[vector<16xi32>], vector<16xi32>,
    }
    %scan3A_1279 = arith.constant 512 : i32
    %dma_wait3A_1280 = arith.constant 0 : i32
    %dma_wait3A_1281 = arith.constant 16 : i32
    %dma_wait3A_1282 = arith.constant 0 : i32
    %dma_wait3A_1283 = tpu.memref_slice %arg5[%dma_wait3A_1281, %dma_wait3A_1282] : memref<32x512xf32, #tpu.memory_space<vmem>> -> memref<16x512xf32, #tpu.memory_space<vmem>>
    %dma_wait3A_1284 = arith.constant 0 : i32
    %dma_wait3A_1285 = tpu.memref_slice %arg2[%dma_wait3A_1280, %add3A_1104, %dma_wait3A_1284] : memref<3x512x512xf32, #tpu.memory_space<hbm>> -> memref<1x16x512xf32, #tpu.memory_space<hbm>>
    %dma_wait3A_1286 = tpu.memref_squeeze %dma_wait3A_1285 : memref<1x16x512xf32, #tpu.memory_space<hbm>> -> memref<16x512xf32, #tpu.memory_space<hbm>>
    %dma_wait3A_1287 = arith.constant 16 : i32
    %dma_wait3A_1288 = arith.constant 0 : i32
    %dma_wait3A_1289 = tpu.memref_slice %arg5[%dma_wait3A_1287, %dma_wait3A_1288] : memref<32x512xf32, #tpu.memory_space<vmem>> -> memref<16x512xf32, #tpu.memory_space<vmem>>
    %dma_wait3A_1290 = arith.constant 0 : i32
    %dma_wait3A_1291 = tpu.memref_slice %arg2[%dma_wait3A_1280, %add3A_1104, %dma_wait3A_1290] : memref<3x512x512xf32, #tpu.memory_space<hbm>> -> memref<1x16x512xf32, #tpu.memory_space<hbm>>
    %dma_wait3A_1292 = tpu.memref_squeeze %dma_wait3A_1291 : memref<1x16x512xf32, #tpu.memory_space<hbm>> -> memref<16x512xf32, #tpu.memory_space<hbm>>
    tpu.wait_dma2 semaphore(%arg30 : memref<!tpu.dma_semaphore, #tpu.memory_space<semaphore_mem>>) src(%dma_wait3A_1292 : memref<16x512xf32, #tpu.memory_space<hbm>>) dst(%dma_wait3A_1289 : memref<16x512xf32, #tpu.memory_space<vmem>>)
    %dma_wait3A_1293 = arith.constant 1 : i32
    %dma_wait3A_1294 = arith.constant 16 : i32
    %dma_wait3A_1295 = arith.constant 0 : i32
    %dma_wait3A_1296 = tpu.memref_slice %arg6[%dma_wait3A_1294, %dma_wait3A_1295] : memref<32x512xf32, #tpu.memory_space<vmem>> -> memref<16x512xf32, #tpu.memory_space<vmem>>
    %dma_wait3A_1297 = arith.constant 0 : i32
    %dma_wait3A_1298 = tpu.memref_slice %arg2[%dma_wait3A_1293, %add3A_1119, %dma_wait3A_1297] : memref<3x512x512xf32, #tpu.memory_space<hbm>> -> memref<1x16x512xf32, #tpu.memory_space<hbm>>
    %dma_wait3A_1299 = tpu.memref_squeeze %dma_wait3A_1298 : memref<1x16x512xf32, #tpu.memory_space<hbm>> -> memref<16x512xf32, #tpu.memory_space<hbm>>
    %dma_wait3A_1300 = arith.constant 16 : i32
    %dma_wait3A_1301 = arith.constant 0 : i32
    %dma_wait3A_1302 = tpu.memref_slice %arg6[%dma_wait3A_1300, %dma_wait3A_1301] : memref<32x512xf32, #tpu.memory_space<vmem>> -> memref<16x512xf32, #tpu.memory_space<vmem>>
    %dma_wait3A_1303 = arith.constant 0 : i32
    %dma_wait3A_1304 = tpu.memref_slice %arg2[%dma_wait3A_1293, %add3A_1119, %dma_wait3A_1303] : memref<3x512x512xf32, #tpu.memory_space<hbm>> -> memref<1x16x512xf32, #tpu.memory_space<hbm>>
    %dma_wait3A_1305 = tpu.memref_squeeze %dma_wait3A_1304 : memref<1x16x512xf32, #tpu.memory_space<hbm>> -> memref<16x512xf32, #tpu.memory_space<hbm>>
    tpu.wait_dma2 semaphore(%arg30 : memref<!tpu.dma_semaphore, #tpu.memory_space<semaphore_mem>>) src(%dma_wait3A_1305 : memref<16x512xf32, #tpu.memory_space<hbm>>) dst(%dma_wait3A_1302 : memref<16x512xf32, #tpu.memory_space<vmem>>)
    %dma_wait3A_1306 = arith.constant 2 : i32
    %dma_wait3A_1307 = arith.constant 16 : i32
    %dma_wait3A_1308 = arith.constant 0 : i32
    %dma_wait3A_1309 = tpu.memref_slice %arg7[%dma_wait3A_1307, %dma_wait3A_1308] : memref<32x512xf32, #tpu.memory_space<vmem>> -> memref<16x512xf32, #tpu.memory_space<vmem>>
    %dma_wait3A_1310 = arith.constant 0 : i32
    %dma_wait3A_1311 = tpu.memref_slice %arg2[%dma_wait3A_1306, %add3A_1134, %dma_wait3A_1310] : memref<3x512x512xf32, #tpu.memory_space<hbm>> -> memref<1x16x512xf32, #tpu.memory_space<hbm>>
    %dma_wait3A_1312 = tpu.memref_squeeze %dma_wait3A_1311 : memref<1x16x512xf32, #tpu.memory_space<hbm>> -> memref<16x512xf32, #tpu.memory_space<hbm>>
    %dma_wait3A_1313 = arith.constant 16 : i32
    %dma_wait3A_1314 = arith.constant 0 : i32
    %dma_wait3A_1315 = tpu.memref_slice %arg7[%dma_wait3A_1313, %dma_wait3A_1314] : memref<32x512xf32, #tpu.memory_space<vmem>> -> memref<16x512xf32, #tpu.memory_space<vmem>>
    %dma_wait3A_1316 = arith.constant 0 : i32
    %dma_wait3A_1317 = tpu.memref_slice %arg2[%dma_wait3A_1306, %add3A_1134, %dma_wait3A_1316] : memref<3x512x512xf32, #tpu.memory_space<hbm>> -> memref<1x16x512xf32, #tpu.memory_space<hbm>>
    %dma_wait3A_1318 = tpu.memref_squeeze %dma_wait3A_1317 : memref<1x16x512xf32, #tpu.memory_space<hbm>> -> memref<16x512xf32, #tpu.memory_space<hbm>>
    tpu.wait_dma2 semaphore(%arg30 : memref<!tpu.dma_semaphore, #tpu.memory_space<semaphore_mem>>) src(%dma_wait3A_1318 : memref<16x512xf32, #tpu.memory_space<hbm>>) dst(%dma_wait3A_1315 : memref<16x512xf32, #tpu.memory_space<vmem>>)
    %dma_wait3A_1319 = arith.constant 0 : i32
    %dma_wait3A_1320 = arith.constant 16 : i32
    %dma_wait3A_1321 = arith.constant 0 : i32
    %dma_wait3A_1322 = tpu.memref_slice %arg8[%dma_wait3A_1320, %dma_wait3A_1321] : memref<32x512xf32, #tpu.memory_space<vmem>> -> memref<16x512xf32, #tpu.memory_space<vmem>>
    %dma_wait3A_1323 = arith.constant 0 : i32
    %dma_wait3A_1324 = tpu.memref_slice %arg3[%dma_wait3A_1319, %add3A_1149, %dma_wait3A_1323] : memref<3x512x512xf32, #tpu.memory_space<hbm>> -> memref<1x16x512xf32, #tpu.memory_space<hbm>>
    %dma_wait3A_1325 = tpu.memref_squeeze %dma_wait3A_1324 : memref<1x16x512xf32, #tpu.memory_space<hbm>> -> memref<16x512xf32, #tpu.memory_space<hbm>>
    %dma_wait3A_1326 = arith.constant 16 : i32
    %dma_wait3A_1327 = arith.constant 0 : i32
    %dma_wait3A_1328 = tpu.memref_slice %arg8[%dma_wait3A_1326, %dma_wait3A_1327] : memref<32x512xf32, #tpu.memory_space<vmem>> -> memref<16x512xf32, #tpu.memory_space<vmem>>
    %dma_wait3A_1329 = arith.constant 0 : i32
    %dma_wait3A_1330 = tpu.memref_slice %arg3[%dma_wait3A_1319, %add3A_1149, %dma_wait3A_1329] : memref<3x512x512xf32, #tpu.memory_space<hbm>> -> memref<1x16x512xf32, #tpu.memory_space<hbm>>
    %dma_wait3A_1331 = tpu.memref_squeeze %dma_wait3A_1330 : memref<1x16x512xf32, #tpu.memory_space<hbm>> -> memref<16x512xf32, #tpu.memory_space<hbm>>
    tpu.wait_dma2 semaphore(%arg30 : memref<!tpu.dma_semaphore, #tpu.memory_space<semaphore_mem>>) src(%dma_wait3A_1331 : memref<16x512xf32, #tpu.memory_space<hbm>>) dst(%dma_wait3A_1328 : memref<16x512xf32, #tpu.memory_space<vmem>>)
    %dma_wait3A_1332 = arith.constant 1 : i32
    %dma_wait3A_1333 = arith.constant 16 : i32
    %dma_wait3A_1334 = arith.constant 0 : i32
    %dma_wait3A_1335 = tpu.memref_slice %arg9[%dma_wait3A_1333, %dma_wait3A_1334] : memref<32x512xf32, #tpu.memory_space<vmem>> -> memref<16x512xf32, #tpu.memory_space<vmem>>
    %dma_wait3A_1336 = arith.constant 0 : i32
    %dma_wait3A_1337 = tpu.memref_slice %arg3[%dma_wait3A_1332, %add3A_1164, %dma_wait3A_1336] : memref<3x512x512xf32, #tpu.memory_space<hbm>> -> memref<1x16x512xf32, #tpu.memory_space<hbm>>
    %dma_wait3A_1338 = tpu.memref_squeeze %dma_wait3A_1337 : memref<1x16x512xf32, #tpu.memory_space<hbm>> -> memref<16x512xf32, #tpu.memory_space<hbm>>
    %dma_wait3A_1339 = arith.constant 16 : i32
    %dma_wait3A_1340 = arith.constant 0 : i32
    %dma_wait3A_1341 = tpu.memref_slice %arg9[%dma_wait3A_1339, %dma_wait3A_1340] : memref<32x512xf32, #tpu.memory_space<vmem>> -> memref<16x512xf32, #tpu.memory_space<vmem>>
    %dma_wait3A_1342 = arith.constant 0 : i32
    %dma_wait3A_1343 = tpu.memref_slice %arg3[%dma_wait3A_1332, %add3A_1164, %dma_wait3A_1342] : memref<3x512x512xf32, #tpu.memory_space<hbm>> -> memref<1x16x512xf32, #tpu.memory_space<hbm>>
    %dma_wait3A_1344 = tpu.memref_squeeze %dma_wait3A_1343 : memref<1x16x512xf32, #tpu.memory_space<hbm>> -> memref<16x512xf32, #tpu.memory_space<hbm>>
    tpu.wait_dma2 semaphore(%arg30 : memref<!tpu.dma_semaphore, #tpu.memory_space<semaphore_mem>>) src(%dma_wait3A_1344 : memref<16x512xf32, #tpu.memory_space<hbm>>) dst(%dma_wait3A_1341 : memref<16x512xf32, #tpu.memory_space<vmem>>)
    %dma_wait3A_1345 = arith.constant 2 : i32
    %dma_wait3A_1346 = arith.constant 16 : i32
    %dma_wait3A_1347 = arith.constant 0 : i32
    %dma_wait3A_1348 = tpu.memref_slice %arg10[%dma_wait3A_1346, %dma_wait3A_1347] : memref<32x512xf32, #tpu.memory_space<vmem>> -> memref<16x512xf32, #tpu.memory_space<vmem>>
    %dma_wait3A_1349 = arith.constant 0 : i32
    %dma_wait3A_1350 = tpu.memref_slice %arg3[%dma_wait3A_1345, %add3A_1179, %dma_wait3A_1349] : memref<3x512x512xf32, #tpu.memory_space<hbm>> -> memref<1x16x512xf32, #tpu.memory_space<hbm>>
    %dma_wait3A_1351 = tpu.memref_squeeze %dma_wait3A_1350 : memref<1x16x512xf32, #tpu.memory_space<hbm>> -> memref<16x512xf32, #tpu.memory_space<hbm>>
    %dma_wait3A_1352 = arith.constant 16 : i32
    %dma_wait3A_1353 = arith.constant 0 : i32
    %dma_wait3A_1354 = tpu.memref_slice %arg10[%dma_wait3A_1352, %dma_wait3A_1353] : memref<32x512xf32, #tpu.memory_space<vmem>> -> memref<16x512xf32, #tpu.memory_space<vmem>>
    %dma_wait3A_1355 = arith.constant 0 : i32
    %dma_wait3A_1356 = tpu.memref_slice %arg3[%dma_wait3A_1345, %add3A_1179, %dma_wait3A_1355] : memref<3x512x512xf32, #tpu.memory_space<hbm>> -> memref<1x16x512xf32, #tpu.memory_space<hbm>>
    %dma_wait3A_1357 = tpu.memref_squeeze %dma_wait3A_1356 : memref<1x16x512xf32, #tpu.memory_space<hbm>> -> memref<16x512xf32, #tpu.memory_space<hbm>>
    tpu.wait_dma2 semaphore(%arg30 : memref<!tpu.dma_semaphore, #tpu.memory_space<semaphore_mem>>) src(%dma_wait3A_1357 : memref<16x512xf32, #tpu.memory_space<hbm>>) dst(%dma_wait3A_1354 : memref<16x512xf32, #tpu.memory_space<vmem>>)
    %scan3A_1358 = arith.constant 127.498039 : f32
    %scan3A_1359 = arith.constant 0 : i32
    %scan3A_1360 = arith.constant 512 : i32
    %scan3A_1361 = arith.addi %scan3A_1359, %scan3A_1360 : i32
    %scan3A_1362 = arith.constant 1 : i32
    scf.for %scan3A_2250 = %scan3A_1359 to %scan3A_1361 step %scan3A_1362  : i32 {
      %mul3A_2251 = arith.constant 1 : i32
      %mul3A_2252 = arith.muli %scan3A_2250, %mul3A_2251 : i32
      %add3A_2253 = arith.constant 512 : i32
      %add3A_2254 = arith.addi %add3A_2253, %mul3A_2252 : i32
      %shift_right_logical3A = arith.constant 5 : i32
      %shift_right_logical3A_2255 = arith.shrui %add3A_2254, %shift_right_logical3A : i32
      %and3A = arith.constant 31 : i32
      %and3A_2256 = arith.andi %add3A_2254, %and3A : i32
      %mul3A_2257 = arith.constant 16 : i32
      %mul3A_2258 = arith.muli %and3A_2256, %mul3A_2257 : i32
      %get3A_2259 = arith.index_cast %shift_right_logical3A_2255 : i32 to index
      %get3A_2260 = arith.index_cast %mul3A_2258 : i32 to index
      %get3A_2261 = tpu.vector_load %arg5[%get3A_2259, %get3A_2260] {strides = array<i32>} : memref<32x512xf32, #tpu.memory_space<vmem>>, vector<16xf32>,
      %get3A_2262 = arith.index_cast %shift_right_logical3A_2255 : i32 to index
      %get3A_2263 = arith.index_cast %mul3A_2258 : i32 to index
      %get3A_2264 = tpu.vector_load %arg6[%get3A_2262, %get3A_2263] {strides = array<i32>} : memref<32x512xf32, #tpu.memory_space<vmem>>, vector<16xf32>,
      %get3A_2265 = arith.index_cast %shift_right_logical3A_2255 : i32 to index
      %get3A_2266 = arith.index_cast %mul3A_2258 : i32 to index
      %get3A_2267 = tpu.vector_load %arg7[%get3A_2265, %get3A_2266] {strides = array<i32>} : memref<32x512xf32, #tpu.memory_space<vmem>>, vector<16xf32>,
      %get3A_2268 = arith.index_cast %shift_right_logical3A_2255 : i32 to index
      %get3A_2269 = arith.index_cast %mul3A_2258 : i32 to index
      %get3A_2270 = tpu.vector_load %arg8[%get3A_2268, %get3A_2269] {strides = array<i32>} : memref<32x512xf32, #tpu.memory_space<vmem>>, vector<16xf32>,
      %get3A_2271 = arith.index_cast %shift_right_logical3A_2255 : i32 to index
      %get3A_2272 = arith.index_cast %mul3A_2258 : i32 to index
      %get3A_2273 = tpu.vector_load %arg9[%get3A_2271, %get3A_2272] {strides = array<i32>} : memref<32x512xf32, #tpu.memory_space<vmem>>, vector<16xf32>,
      %get3A_2274 = arith.index_cast %shift_right_logical3A_2255 : i32 to index
      %get3A_2275 = arith.index_cast %mul3A_2258 : i32 to index
      %get3A_2276 = tpu.vector_load %arg10[%get3A_2274, %get3A_2275] {strides = array<i32>} : memref<32x512xf32, #tpu.memory_space<vmem>>, vector<16xf32>,
      %max3A_2277 = arith.maximumf %get3A_2261, %get3A_2264 : vector<16xf32>
      %max3A_2278 = arith.maximumf %max3A_2277, %get3A_2267 : vector<16xf32>
      %max3A_2279 = arith.maximumf %get3A_2270, %get3A_2273 : vector<16xf32>
      %max3A_2280 = arith.maximumf %max3A_2279, %get3A_2276 : vector<16xf32>
      %mul3A_2281 = vector.broadcast %scan3A_1358 : f32 to vector<16xf32>
      %mul3A_2282 = arith.mulf %max3A_2278, %mul3A_2281 : vector<16xf32>
      %add3A_2283 = vector.broadcast %scan3A_1358 : f32 to vector<16xf32>
      %add3A_2284 = arith.addf %mul3A_2282, %add3A_2283 : vector<16xf32>
      %convert_element_type3A_2285 = arith.fptosi %add3A_2284 : vector<16xf32> to vector<16xi32>
      %mul3A_2286 = vector.broadcast %scan3A_1358 : f32 to vector<16xf32>
      %mul3A_2287 = arith.mulf %max3A_2280, %mul3A_2286 : vector<16xf32>
      %add3A_2288 = vector.broadcast %scan3A_1358 : f32 to vector<16xf32>
      %add3A_2289 = arith.addf %mul3A_2287, %add3A_2288 : vector<16xf32>
      %convert_element_type3A_2290 = arith.fptosi %add3A_2289 : vector<16xf32> to vector<16xi32>
      %mul3A_2291 = arith.constant 16 : i32
      %mul3A_2292 = vector.broadcast %mul3A_2291 : i32 to vector<16xi32>
      %mul3A_2293 = arith.muli %convert_element_type3A_2285, %mul3A_2292 : vector<16xi32>
      %add3A_2294 = arith.addi %mul3A_2293, %iota3A : vector<16xi32>
      tpu.vector_store_idx %arg11[%add3A_2294], %broadcast_in_dim3A_2 {add = true} : memref<4096xi32, #tpu.memory_space<vmem>>[vector<16xi32>], vector<16xi32>,
      %mul3A_2295 = arith.constant 16 : i32
      %mul3A_2296 = vector.broadcast %mul3A_2295 : i32 to vector<16xi32>
      %mul3A_2297 = arith.muli %convert_element_type3A_2290, %mul3A_2296 : vector<16xi32>
      %add3A_2298 = arith.addi %mul3A_2297, %iota3A : vector<16xi32>
      tpu.vector_store_idx %arg12[%add3A_2298], %broadcast_in_dim3A_2 {add = true} : memref<4096xi32, #tpu.memory_space<vmem>>[vector<16xi32>], vector<16xi32>,
    }
    %scan3A_1363 = arith.constant 512 : i32
    "tpu.region"() ({
      %run_scoped3A_2250 = tpu.sem_alloc : memref<!tpu.dma_semaphore, #tpu.memory_space<semaphore_mem>>
      %dma_start3A_2251 = arith.constant 0 : i32
      %dma_start3A_2252 = tpu.memref_slice %arg22[%arg1, %dma_start3A_2251] : memref<16x4096xi32, #tpu.memory_space<vmem_shared>> -> memref<1x4096xi32, #tpu.memory_space<vmem_shared>>
      %dma_start3A_2253 = tpu.memref_squeeze %dma_start3A_2252 : memref<1x4096xi32, #tpu.memory_space<vmem_shared>> -> memref<4096xi32, #tpu.memory_space<vmem_shared>>
      %dma_start3A_2254 = arith.constant 0 : i32
      %dma_start3A_2255 = tpu.memref_slice %arg22[%arg1, %dma_start3A_2254] : memref<16x4096xi32, #tpu.memory_space<vmem_shared>> -> memref<1x4096xi32, #tpu.memory_space<vmem_shared>>
      %dma_start3A_2256 = tpu.memref_squeeze %dma_start3A_2255 : memref<1x4096xi32, #tpu.memory_space<vmem_shared>> -> memref<4096xi32, #tpu.memory_space<vmem_shared>>
      tpu.enqueue_dma source(%arg11 : memref<4096xi32, #tpu.memory_space<vmem>>) target(%dma_start3A_2256 : memref<4096xi32, #tpu.memory_space<vmem_shared>>) target_semaphore(%run_scoped3A_2250 : memref<!tpu.dma_semaphore, #tpu.memory_space<semaphore_mem>>)
      %dma_wait3A_2257 = arith.constant 0 : i32
      %dma_wait3A_2258 = tpu.memref_slice %arg22[%arg1, %dma_wait3A_2257] : memref<16x4096xi32, #tpu.memory_space<vmem_shared>> -> memref<1x4096xi32, #tpu.memory_space<vmem_shared>>
      %dma_wait3A_2259 = tpu.memref_squeeze %dma_wait3A_2258 : memref<1x4096xi32, #tpu.memory_space<vmem_shared>> -> memref<4096xi32, #tpu.memory_space<vmem_shared>>
      %dma_wait3A_2260 = arith.constant 0 : i32
      %dma_wait3A_2261 = tpu.memref_slice %arg22[%arg1, %dma_wait3A_2260] : memref<16x4096xi32, #tpu.memory_space<vmem_shared>> -> memref<1x4096xi32, #tpu.memory_space<vmem_shared>>
      %dma_wait3A_2262 = tpu.memref_squeeze %dma_wait3A_2261 : memref<1x4096xi32, #tpu.memory_space<vmem_shared>> -> memref<4096xi32, #tpu.memory_space<vmem_shared>>
      tpu.wait_dma2 semaphore(%run_scoped3A_2250 : memref<!tpu.dma_semaphore, #tpu.memory_space<semaphore_mem>>) src(%arg11 : memref<4096xi32, #tpu.memory_space<vmem>>) dst(%dma_wait3A_2262 : memref<4096xi32, #tpu.memory_space<vmem_shared>>)
      tpu.yield
    }) : () -> ()
    "tpu.region"() ({
      %run_scoped3A_2250 = tpu.sem_alloc : memref<!tpu.dma_semaphore, #tpu.memory_space<semaphore_mem>>
      %dma_start3A_2251 = arith.constant 0 : i32
      %dma_start3A_2252 = tpu.memref_slice %arg23[%arg1, %dma_start3A_2251] : memref<16x4096xi32, #tpu.memory_space<vmem_shared>> -> memref<1x4096xi32, #tpu.memory_space<vmem_shared>>
      %dma_start3A_2253 = tpu.memref_squeeze %dma_start3A_2252 : memref<1x4096xi32, #tpu.memory_space<vmem_shared>> -> memref<4096xi32, #tpu.memory_space<vmem_shared>>
      %dma_start3A_2254 = arith.constant 0 : i32
      %dma_start3A_2255 = tpu.memref_slice %arg23[%arg1, %dma_start3A_2254] : memref<16x4096xi32, #tpu.memory_space<vmem_shared>> -> memref<1x4096xi32, #tpu.memory_space<vmem_shared>>
      %dma_start3A_2256 = tpu.memref_squeeze %dma_start3A_2255 : memref<1x4096xi32, #tpu.memory_space<vmem_shared>> -> memref<4096xi32, #tpu.memory_space<vmem_shared>>
      tpu.enqueue_dma source(%arg12 : memref<4096xi32, #tpu.memory_space<vmem>>) target(%dma_start3A_2256 : memref<4096xi32, #tpu.memory_space<vmem_shared>>) target_semaphore(%run_scoped3A_2250 : memref<!tpu.dma_semaphore, #tpu.memory_space<semaphore_mem>>)
      %dma_wait3A_2257 = arith.constant 0 : i32
      %dma_wait3A_2258 = tpu.memref_slice %arg23[%arg1, %dma_wait3A_2257] : memref<16x4096xi32, #tpu.memory_space<vmem_shared>> -> memref<1x4096xi32, #tpu.memory_space<vmem_shared>>
      %dma_wait3A_2259 = tpu.memref_squeeze %dma_wait3A_2258 : memref<1x4096xi32, #tpu.memory_space<vmem_shared>> -> memref<4096xi32, #tpu.memory_space<vmem_shared>>
      %dma_wait3A_2260 = arith.constant 0 : i32
      %dma_wait3A_2261 = tpu.memref_slice %arg23[%arg1, %dma_wait3A_2260] : memref<16x4096xi32, #tpu.memory_space<vmem_shared>> -> memref<1x4096xi32, #tpu.memory_space<vmem_shared>>
      %dma_wait3A_2262 = tpu.memref_squeeze %dma_wait3A_2261 : memref<1x4096xi32, #tpu.memory_space<vmem_shared>> -> memref<4096xi32, #tpu.memory_space<vmem_shared>>
      tpu.wait_dma2 semaphore(%run_scoped3A_2250 : memref<!tpu.dma_semaphore, #tpu.memory_space<semaphore_mem>>) src(%arg12 : memref<4096xi32, #tpu.memory_space<vmem>>) dst(%dma_wait3A_2262 : memref<4096xi32, #tpu.memory_space<vmem_shared>>)
      tpu.yield
    }) : () -> ()
    %barrier3A = arith.constant 0 : index
    tpu.barrier barrier_id(%barrier3A)
    %mul3A_1364 = arith.constant 256 : i32
    %mul3A_1365 = arith.muli %arg1, %mul3A_1364 : i32
    "tpu.region"() ({
      %run_scoped3A_2250 = tpu.sem_alloc : memref<!tpu.dma_semaphore, #tpu.memory_space<semaphore_mem>>
      %dma_start3A_2251 = arith.constant 0 : i32
      %dma_start3A_2252 = tpu.memref_slice %arg22[%dma_start3A_2251, %mul3A_1365] : memref<16x4096xi32, #tpu.memory_space<vmem_shared>> -> memref<16x256xi32, #tpu.memory_space<vmem_shared>>
      %dma_start3A_2253 = arith.constant 0 : i32
      %dma_start3A_2254 = tpu.memref_slice %arg22[%dma_start3A_2253, %mul3A_1365] : memref<16x4096xi32, #tpu.memory_space<vmem_shared>> -> memref<16x256xi32, #tpu.memory_space<vmem_shared>>
      tpu.enqueue_dma source(%dma_start3A_2254 : memref<16x256xi32, #tpu.memory_space<vmem_shared>>) target(%arg14 : memref<16x256xi32, #tpu.memory_space<vmem>>) target_semaphore(%run_scoped3A_2250 : memref<!tpu.dma_semaphore, #tpu.memory_space<semaphore_mem>>)
      %dma_wait3A_2255 = arith.constant 0 : i32
      %dma_wait3A_2256 = tpu.memref_slice %arg22[%dma_wait3A_2255, %mul3A_1365] : memref<16x4096xi32, #tpu.memory_space<vmem_shared>> -> memref<16x256xi32, #tpu.memory_space<vmem_shared>>
      %dma_wait3A_2257 = arith.constant 0 : i32
      %dma_wait3A_2258 = tpu.memref_slice %arg22[%dma_wait3A_2257, %mul3A_1365] : memref<16x4096xi32, #tpu.memory_space<vmem_shared>> -> memref<16x256xi32, #tpu.memory_space<vmem_shared>>
      tpu.wait_dma2 semaphore(%run_scoped3A_2250 : memref<!tpu.dma_semaphore, #tpu.memory_space<semaphore_mem>>) src(%dma_wait3A_2258 : memref<16x256xi32, #tpu.memory_space<vmem_shared>>) dst(%arg14 : memref<16x256xi32, #tpu.memory_space<vmem>>)
      tpu.yield
    }) : () -> ()
    %scan3A_1366 = arith.constant 0 : i32
    %scan3A_1367 = arith.constant 16 : i32
    %scan3A_1368 = arith.addi %scan3A_1366, %scan3A_1367 : i32
    %scan3A_1369 = arith.constant 1 : i32
    scf.for %scan3A_2250 = %scan3A_1366 to %scan3A_1368 step %scan3A_1369  : i32 {
      %mul3A_2251 = arith.constant 1 : i32
      %mul3A_2252 = arith.muli %scan3A_2250, %mul3A_2251 : i32
      %add3A_2253 = arith.constant 0 : i32
      %add3A_2254 = arith.addi %add3A_2253, %mul3A_2252 : i32
      %mul3A_2255 = arith.constant 16 : i32
      %mul3A_2256 = arith.muli %add3A_2254, %mul3A_2255 : i32
      %get3A_2257 = arith.constant 0 : i32
      %get3A_2258 = arith.index_cast %get3A_2257 : i32 to index
      %get3A_2259 = arith.index_cast %mul3A_2256 : i32 to index
      %get3A_2260 = tpu.vector_load %arg14[%get3A_2258, %get3A_2259] {strides = array<i32>} : memref<16x256xi32, #tpu.memory_space<vmem>>, vector<16xi32>,
      %mul3A_2261 = arith.constant 16 : i32
      %mul3A_2262 = arith.muli %add3A_2254, %mul3A_2261 : i32
      %get3A_2263 = arith.constant 1 : i32
      %get3A_2264 = arith.index_cast %get3A_2263 : i32 to index
      %get3A_2265 = arith.index_cast %mul3A_2262 : i32 to index
      %get3A_2266 = tpu.vector_load %arg14[%get3A_2264, %get3A_2265] {strides = array<i32>} : memref<16x256xi32, #tpu.memory_space<vmem>>, vector<16xi32>,
      %add3A_2267 = arith.addi %get3A_2260, %get3A_2266 : vector<16xi32>
      %mul3A_2268 = arith.constant 16 : i32
      %mul3A_2269 = arith.muli %add3A_2254, %mul3A_2268 : i32
      %get3A_2270 = arith.constant 2 : i32
      %get3A_2271 = arith.index_cast %get3A_2270 : i32 to index
      %get3A_2272 = arith.index_cast %mul3A_2269 : i32 to index
      %get3A_2273 = tpu.vector_load %arg14[%get3A_2271, %get3A_2272] {strides = array<i32>} : memref<16x256xi32, #tpu.memory_space<vmem>>, vector<16xi32>,
      %add3A_2274 = arith.addi %add3A_2267, %get3A_2273 : vector<16xi32>
      %mul3A_2275 = arith.constant 16 : i32
      %mul3A_2276 = arith.muli %add3A_2254, %mul3A_2275 : i32
      %get3A_2277 = arith.constant 3 : i32
      %get3A_2278 = arith.index_cast %get3A_2277 : i32 to index
      %get3A_2279 = arith.index_cast %mul3A_2276 : i32 to index
      %get3A_2280 = tpu.vector_load %arg14[%get3A_2278, %get3A_2279] {strides = array<i32>} : memref<16x256xi32, #tpu.memory_space<vmem>>, vector<16xi32>,
      %add3A_2281 = arith.addi %add3A_2274, %get3A_2280 : vector<16xi32>
      %mul3A_2282 = arith.constant 16 : i32
      %mul3A_2283 = arith.muli %add3A_2254, %mul3A_2282 : i32
      %get3A_2284 = arith.constant 4 : i32
      %get3A_2285 = arith.index_cast %get3A_2284 : i32 to index
      %get3A_2286 = arith.index_cast %mul3A_2283 : i32 to index
      %get3A_2287 = tpu.vector_load %arg14[%get3A_2285, %get3A_2286] {strides = array<i32>} : memref<16x256xi32, #tpu.memory_space<vmem>>, vector<16xi32>,
      %add3A_2288 = arith.addi %add3A_2281, %get3A_2287 : vector<16xi32>
      %mul3A_2289 = arith.constant 16 : i32
      %mul3A_2290 = arith.muli %add3A_2254, %mul3A_2289 : i32
      %get3A_2291 = arith.constant 5 : i32
      %get3A_2292 = arith.index_cast %get3A_2291 : i32 to index
      %get3A_2293 = arith.index_cast %mul3A_2290 : i32 to index
      %get3A_2294 = tpu.vector_load %arg14[%get3A_2292, %get3A_2293] {strides = array<i32>} : memref<16x256xi32, #tpu.memory_space<vmem>>, vector<16xi32>,
      %add3A_2295 = arith.addi %add3A_2288, %get3A_2294 : vector<16xi32>
      %mul3A_2296 = arith.constant 16 : i32
      %mul3A_2297 = arith.muli %add3A_2254, %mul3A_2296 : i32
      %get3A_2298 = arith.constant 6 : i32
      %get3A_2299 = arith.index_cast %get3A_2298 : i32 to index
      %get3A_2300 = arith.index_cast %mul3A_2297 : i32 to index
      %get3A_2301 = tpu.vector_load %arg14[%get3A_2299, %get3A_2300] {strides = array<i32>} : memref<16x256xi32, #tpu.memory_space<vmem>>, vector<16xi32>,
      %add3A_2302 = arith.addi %add3A_2295, %get3A_2301 : vector<16xi32>
      %mul3A_2303 = arith.constant 16 : i32
      %mul3A_2304 = arith.muli %add3A_2254, %mul3A_2303 : i32
      %get3A_2305 = arith.constant 7 : i32
      %get3A_2306 = arith.index_cast %get3A_2305 : i32 to index
      %get3A_2307 = arith.index_cast %mul3A_2304 : i32 to index
      %get3A_2308 = tpu.vector_load %arg14[%get3A_2306, %get3A_2307] {strides = array<i32>} : memref<16x256xi32, #tpu.memory_space<vmem>>, vector<16xi32>,
      %add3A_2309 = arith.addi %add3A_2302, %get3A_2308 : vector<16xi32>
      %mul3A_2310 = arith.constant 16 : i32
      %mul3A_2311 = arith.muli %add3A_2254, %mul3A_2310 : i32
      %get3A_2312 = arith.constant 8 : i32
      %get3A_2313 = arith.index_cast %get3A_2312 : i32 to index
      %get3A_2314 = arith.index_cast %mul3A_2311 : i32 to index
      %get3A_2315 = tpu.vector_load %arg14[%get3A_2313, %get3A_2314] {strides = array<i32>} : memref<16x256xi32, #tpu.memory_space<vmem>>, vector<16xi32>,
      %add3A_2316 = arith.addi %add3A_2309, %get3A_2315 : vector<16xi32>
      %mul3A_2317 = arith.constant 16 : i32
      %mul3A_2318 = arith.muli %add3A_2254, %mul3A_2317 : i32
      %get3A_2319 = arith.constant 9 : i32
      %get3A_2320 = arith.index_cast %get3A_2319 : i32 to index
      %get3A_2321 = arith.index_cast %mul3A_2318 : i32 to index
      %get3A_2322 = tpu.vector_load %arg14[%get3A_2320, %get3A_2321] {strides = array<i32>} : memref<16x256xi32, #tpu.memory_space<vmem>>, vector<16xi32>,
      %add3A_2323 = arith.addi %add3A_2316, %get3A_2322 : vector<16xi32>
      %mul3A_2324 = arith.constant 16 : i32
      %mul3A_2325 = arith.muli %add3A_2254, %mul3A_2324 : i32
      %get3A_2326 = arith.constant 10 : i32
      %get3A_2327 = arith.index_cast %get3A_2326 : i32 to index
      %get3A_2328 = arith.index_cast %mul3A_2325 : i32 to index
      %get3A_2329 = tpu.vector_load %arg14[%get3A_2327, %get3A_2328] {strides = array<i32>} : memref<16x256xi32, #tpu.memory_space<vmem>>, vector<16xi32>,
      %add3A_2330 = arith.addi %add3A_2323, %get3A_2329 : vector<16xi32>
      %mul3A_2331 = arith.constant 16 : i32
      %mul3A_2332 = arith.muli %add3A_2254, %mul3A_2331 : i32
      %get3A_2333 = arith.constant 11 : i32
      %get3A_2334 = arith.index_cast %get3A_2333 : i32 to index
      %get3A_2335 = arith.index_cast %mul3A_2332 : i32 to index
      %get3A_2336 = tpu.vector_load %arg14[%get3A_2334, %get3A_2335] {strides = array<i32>} : memref<16x256xi32, #tpu.memory_space<vmem>>, vector<16xi32>,
      %add3A_2337 = arith.addi %add3A_2330, %get3A_2336 : vector<16xi32>
      %mul3A_2338 = arith.constant 16 : i32
      %mul3A_2339 = arith.muli %add3A_2254, %mul3A_2338 : i32
      %get3A_2340 = arith.constant 12 : i32
      %get3A_2341 = arith.index_cast %get3A_2340 : i32 to index
      %get3A_2342 = arith.index_cast %mul3A_2339 : i32 to index
      %get3A_2343 = tpu.vector_load %arg14[%get3A_2341, %get3A_2342] {strides = array<i32>} : memref<16x256xi32, #tpu.memory_space<vmem>>, vector<16xi32>,
      %add3A_2344 = arith.addi %add3A_2337, %get3A_2343 : vector<16xi32>
      %mul3A_2345 = arith.constant 16 : i32
      %mul3A_2346 = arith.muli %add3A_2254, %mul3A_2345 : i32
      %get3A_2347 = arith.constant 13 : i32
      %get3A_2348 = arith.index_cast %get3A_2347 : i32 to index
      %get3A_2349 = arith.index_cast %mul3A_2346 : i32 to index
      %get3A_2350 = tpu.vector_load %arg14[%get3A_2348, %get3A_2349] {strides = array<i32>} : memref<16x256xi32, #tpu.memory_space<vmem>>, vector<16xi32>,
      %add3A_2351 = arith.addi %add3A_2344, %get3A_2350 : vector<16xi32>
      %mul3A_2352 = arith.constant 16 : i32
      %mul3A_2353 = arith.muli %add3A_2254, %mul3A_2352 : i32
      %get3A_2354 = arith.constant 14 : i32
      %get3A_2355 = arith.index_cast %get3A_2354 : i32 to index
      %get3A_2356 = arith.index_cast %mul3A_2353 : i32 to index
      %get3A_2357 = tpu.vector_load %arg14[%get3A_2355, %get3A_2356] {strides = array<i32>} : memref<16x256xi32, #tpu.memory_space<vmem>>, vector<16xi32>,
      %add3A_2358 = arith.addi %add3A_2351, %get3A_2357 : vector<16xi32>
      %mul3A_2359 = arith.constant 16 : i32
      %mul3A_2360 = arith.muli %add3A_2254, %mul3A_2359 : i32
      %get3A_2361 = arith.constant 15 : i32
      %get3A_2362 = arith.index_cast %get3A_2361 : i32 to index
      %get3A_2363 = arith.index_cast %mul3A_2360 : i32 to index
      %get3A_2364 = tpu.vector_load %arg14[%get3A_2362, %get3A_2363] {strides = array<i32>} : memref<16x256xi32, #tpu.memory_space<vmem>>, vector<16xi32>,
      %add3A_2365 = arith.addi %add3A_2358, %get3A_2364 : vector<16xi32>
      %mul3A_2366 = arith.constant 16 : i32
      %mul3A_2367 = arith.muli %add3A_2254, %mul3A_2366 : i32
      %swap3A_2368 = arith.index_cast %mul3A_2367 : i32 to index
      %swap3A_2369 = tpu.vector_load %arg15[%swap3A_2368] {strides = array<i32>} : memref<256xi32, #tpu.memory_space<vmem>>, vector<16xi32>,
      tpu.vector_store %arg15[%swap3A_2368], %add3A_2365 {strides = array<i32>} : memref<256xi32, #tpu.memory_space<vmem>>, vector<16xi32>,
    }
    %scan3A_1370 = arith.constant 16 : i32
    %mul3A_1371 = arith.constant 16 : i32
    %mul3A_1372 = vector.broadcast %mul3A_1371 : i32 to vector<16xi32>
    %mul3A_1373 = arith.muli %iota3A, %mul3A_1372 : vector<16xi32>
    %add3A_1374 = arith.constant 0 : i32
    %add3A_1375 = vector.broadcast %add3A_1374 : i32 to vector<16xi32>
    %add3A_1376 = arith.addi %mul3A_1373, %add3A_1375 : vector<16xi32>
    %gather3A = tpu.vector_load_idx %arg15[%add3A_1376] : memref<256xi32, #tpu.memory_space<vmem>>[vector<16xi32>], vector<16xi32>,
    %add3A_1377 = arith.addi %broadcast_in_dim3A_0, %gather3A : vector<16xi32>
    %mul3A_1378 = arith.constant 16 : i32
    %mul3A_1379 = vector.broadcast %mul3A_1378 : i32 to vector<16xi32>
    %mul3A_1380 = arith.muli %iota3A, %mul3A_1379 : vector<16xi32>
    %add3A_1381 = arith.constant 1 : i32
    %add3A_1382 = vector.broadcast %add3A_1381 : i32 to vector<16xi32>
    %add3A_1383 = arith.addi %mul3A_1380, %add3A_1382 : vector<16xi32>
    %gather3A_1384 = tpu.vector_load_idx %arg15[%add3A_1383] : memref<256xi32, #tpu.memory_space<vmem>>[vector<16xi32>], vector<16xi32>,
    %add3A_1385 = arith.addi %add3A_1377, %gather3A_1384 : vector<16xi32>
    %mul3A_1386 = arith.constant 16 : i32
    %mul3A_1387 = vector.broadcast %mul3A_1386 : i32 to vector<16xi32>
    %mul3A_1388 = arith.muli %iota3A, %mul3A_1387 : vector<16xi32>
    %add3A_1389 = arith.constant 2 : i32
    %add3A_1390 = vector.broadcast %add3A_1389 : i32 to vector<16xi32>
    %add3A_1391 = arith.addi %mul3A_1388, %add3A_1390 : vector<16xi32>
    %gather3A_1392 = tpu.vector_load_idx %arg15[%add3A_1391] : memref<256xi32, #tpu.memory_space<vmem>>[vector<16xi32>], vector<16xi32>,
    %add3A_1393 = arith.addi %add3A_1385, %gather3A_1392 : vector<16xi32>
    %mul3A_1394 = arith.constant 16 : i32
    %mul3A_1395 = vector.broadcast %mul3A_1394 : i32 to vector<16xi32>
    %mul3A_1396 = arith.muli %iota3A, %mul3A_1395 : vector<16xi32>
    %add3A_1397 = arith.constant 3 : i32
    %add3A_1398 = vector.broadcast %add3A_1397 : i32 to vector<16xi32>
    %add3A_1399 = arith.addi %mul3A_1396, %add3A_1398 : vector<16xi32>
    %gather3A_1400 = tpu.vector_load_idx %arg15[%add3A_1399] : memref<256xi32, #tpu.memory_space<vmem>>[vector<16xi32>], vector<16xi32>,
    %add3A_1401 = arith.addi %add3A_1393, %gather3A_1400 : vector<16xi32>
    %mul3A_1402 = arith.constant 16 : i32
    %mul3A_1403 = vector.broadcast %mul3A_1402 : i32 to vector<16xi32>
    %mul3A_1404 = arith.muli %iota3A, %mul3A_1403 : vector<16xi32>
    %add3A_1405 = arith.constant 4 : i32
    %add3A_1406 = vector.broadcast %add3A_1405 : i32 to vector<16xi32>
    %add3A_1407 = arith.addi %mul3A_1404, %add3A_1406 : vector<16xi32>
    %gather3A_1408 = tpu.vector_load_idx %arg15[%add3A_1407] : memref<256xi32, #tpu.memory_space<vmem>>[vector<16xi32>], vector<16xi32>,
    %add3A_1409 = arith.addi %add3A_1401, %gather3A_1408 : vector<16xi32>
    %mul3A_1410 = arith.constant 16 : i32
    %mul3A_1411 = vector.broadcast %mul3A_1410 : i32 to vector<16xi32>
    %mul3A_1412 = arith.muli %iota3A, %mul3A_1411 : vector<16xi32>
    %add3A_1413 = arith.constant 5 : i32
    %add3A_1414 = vector.broadcast %add3A_1413 : i32 to vector<16xi32>
    %add3A_1415 = arith.addi %mul3A_1412, %add3A_1414 : vector<16xi32>
    %gather3A_1416 = tpu.vector_load_idx %arg15[%add3A_1415] : memref<256xi32, #tpu.memory_space<vmem>>[vector<16xi32>], vector<16xi32>,
    %add3A_1417 = arith.addi %add3A_1409, %gather3A_1416 : vector<16xi32>
    %mul3A_1418 = arith.constant 16 : i32
    %mul3A_1419 = vector.broadcast %mul3A_1418 : i32 to vector<16xi32>
    %mul3A_1420 = arith.muli %iota3A, %mul3A_1419 : vector<16xi32>
    %add3A_1421 = arith.constant 6 : i32
    %add3A_1422 = vector.broadcast %add3A_1421 : i32 to vector<16xi32>
    %add3A_1423 = arith.addi %mul3A_1420, %add3A_1422 : vector<16xi32>
    %gather3A_1424 = tpu.vector_load_idx %arg15[%add3A_1423] : memref<256xi32, #tpu.memory_space<vmem>>[vector<16xi32>], vector<16xi32>,
    %add3A_1425 = arith.addi %add3A_1417, %gather3A_1424 : vector<16xi32>
    %mul3A_1426 = arith.constant 16 : i32
    %mul3A_1427 = vector.broadcast %mul3A_1426 : i32 to vector<16xi32>
    %mul3A_1428 = arith.muli %iota3A, %mul3A_1427 : vector<16xi32>
    %add3A_1429 = arith.constant 7 : i32
    %add3A_1430 = vector.broadcast %add3A_1429 : i32 to vector<16xi32>
    %add3A_1431 = arith.addi %mul3A_1428, %add3A_1430 : vector<16xi32>
    %gather3A_1432 = tpu.vector_load_idx %arg15[%add3A_1431] : memref<256xi32, #tpu.memory_space<vmem>>[vector<16xi32>], vector<16xi32>,
    %add3A_1433 = arith.addi %add3A_1425, %gather3A_1432 : vector<16xi32>
    %mul3A_1434 = arith.constant 16 : i32
    %mul3A_1435 = vector.broadcast %mul3A_1434 : i32 to vector<16xi32>
    %mul3A_1436 = arith.muli %iota3A, %mul3A_1435 : vector<16xi32>
    %add3A_1437 = arith.constant 8 : i32
    %add3A_1438 = vector.broadcast %add3A_1437 : i32 to vector<16xi32>
    %add3A_1439 = arith.addi %mul3A_1436, %add3A_1438 : vector<16xi32>
    %gather3A_1440 = tpu.vector_load_idx %arg15[%add3A_1439] : memref<256xi32, #tpu.memory_space<vmem>>[vector<16xi32>], vector<16xi32>,
    %add3A_1441 = arith.addi %add3A_1433, %gather3A_1440 : vector<16xi32>
    %mul3A_1442 = arith.constant 16 : i32
    %mul3A_1443 = vector.broadcast %mul3A_1442 : i32 to vector<16xi32>
    %mul3A_1444 = arith.muli %iota3A, %mul3A_1443 : vector<16xi32>
    %add3A_1445 = arith.constant 9 : i32
    %add3A_1446 = vector.broadcast %add3A_1445 : i32 to vector<16xi32>
    %add3A_1447 = arith.addi %mul3A_1444, %add3A_1446 : vector<16xi32>
    %gather3A_1448 = tpu.vector_load_idx %arg15[%add3A_1447] : memref<256xi32, #tpu.memory_space<vmem>>[vector<16xi32>], vector<16xi32>,
    %add3A_1449 = arith.addi %add3A_1441, %gather3A_1448 : vector<16xi32>
    %mul3A_1450 = arith.constant 16 : i32
    %mul3A_1451 = vector.broadcast %mul3A_1450 : i32 to vector<16xi32>
    %mul3A_1452 = arith.muli %iota3A, %mul3A_1451 : vector<16xi32>
    %add3A_1453 = arith.constant 10 : i32
    %add3A_1454 = vector.broadcast %add3A_1453 : i32 to vector<16xi32>
    %add3A_1455 = arith.addi %mul3A_1452, %add3A_1454 : vector<16xi32>
    %gather3A_1456 = tpu.vector_load_idx %arg15[%add3A_1455] : memref<256xi32, #tpu.memory_space<vmem>>[vector<16xi32>], vector<16xi32>,
    %add3A_1457 = arith.addi %add3A_1449, %gather3A_1456 : vector<16xi32>
    %mul3A_1458 = arith.constant 16 : i32
    %mul3A_1459 = vector.broadcast %mul3A_1458 : i32 to vector<16xi32>
    %mul3A_1460 = arith.muli %iota3A, %mul3A_1459 : vector<16xi32>
    %add3A_1461 = arith.constant 11 : i32
    %add3A_1462 = vector.broadcast %add3A_1461 : i32 to vector<16xi32>
    %add3A_1463 = arith.addi %mul3A_1460, %add3A_1462 : vector<16xi32>
    %gather3A_1464 = tpu.vector_load_idx %arg15[%add3A_1463] : memref<256xi32, #tpu.memory_space<vmem>>[vector<16xi32>], vector<16xi32>,
    %add3A_1465 = arith.addi %add3A_1457, %gather3A_1464 : vector<16xi32>
    %mul3A_1466 = arith.constant 16 : i32
    %mul3A_1467 = vector.broadcast %mul3A_1466 : i32 to vector<16xi32>
    %mul3A_1468 = arith.muli %iota3A, %mul3A_1467 : vector<16xi32>
    %add3A_1469 = arith.constant 12 : i32
    %add3A_1470 = vector.broadcast %add3A_1469 : i32 to vector<16xi32>
    %add3A_1471 = arith.addi %mul3A_1468, %add3A_1470 : vector<16xi32>
    %gather3A_1472 = tpu.vector_load_idx %arg15[%add3A_1471] : memref<256xi32, #tpu.memory_space<vmem>>[vector<16xi32>], vector<16xi32>,
    %add3A_1473 = arith.addi %add3A_1465, %gather3A_1472 : vector<16xi32>
    %mul3A_1474 = arith.constant 16 : i32
    %mul3A_1475 = vector.broadcast %mul3A_1474 : i32 to vector<16xi32>
    %mul3A_1476 = arith.muli %iota3A, %mul3A_1475 : vector<16xi32>
    %add3A_1477 = arith.constant 13 : i32
    %add3A_1478 = vector.broadcast %add3A_1477 : i32 to vector<16xi32>
    %add3A_1479 = arith.addi %mul3A_1476, %add3A_1478 : vector<16xi32>
    %gather3A_1480 = tpu.vector_load_idx %arg15[%add3A_1479] : memref<256xi32, #tpu.memory_space<vmem>>[vector<16xi32>], vector<16xi32>,
    %add3A_1481 = arith.addi %add3A_1473, %gather3A_1480 : vector<16xi32>
    %mul3A_1482 = arith.constant 16 : i32
    %mul3A_1483 = vector.broadcast %mul3A_1482 : i32 to vector<16xi32>
    %mul3A_1484 = arith.muli %iota3A, %mul3A_1483 : vector<16xi32>
    %add3A_1485 = arith.constant 14 : i32
    %add3A_1486 = vector.broadcast %add3A_1485 : i32 to vector<16xi32>
    %add3A_1487 = arith.addi %mul3A_1484, %add3A_1486 : vector<16xi32>
    %gather3A_1488 = tpu.vector_load_idx %arg15[%add3A_1487] : memref<256xi32, #tpu.memory_space<vmem>>[vector<16xi32>], vector<16xi32>,
    %add3A_1489 = arith.addi %add3A_1481, %gather3A_1488 : vector<16xi32>
    %mul3A_1490 = arith.constant 16 : i32
    %mul3A_1491 = vector.broadcast %mul3A_1490 : i32 to vector<16xi32>
    %mul3A_1492 = arith.muli %iota3A, %mul3A_1491 : vector<16xi32>
    %add3A_1493 = arith.constant 15 : i32
    %add3A_1494 = vector.broadcast %add3A_1493 : i32 to vector<16xi32>
    %add3A_1495 = arith.addi %mul3A_1492, %add3A_1494 : vector<16xi32>
    %gather3A_1496 = tpu.vector_load_idx %arg15[%add3A_1495] : memref<256xi32, #tpu.memory_space<vmem>>[vector<16xi32>], vector<16xi32>,
    %add3A_1497 = arith.addi %add3A_1489, %gather3A_1496 : vector<16xi32>
    %swap3A_1498 = arith.constant 0 : index
    %swap3A_1499 = tpu.vector_load %arg16[%swap3A_1498] {strides = array<i32>} : memref<16xi32, #tpu.memory_space<vmem>>, vector<16xi32>,
    tpu.vector_store %arg16[%swap3A_1498], %add3A_1497 {strides = array<i32>} : memref<16xi32, #tpu.memory_space<vmem>>, vector<16xi32>,
    %mul3A_1500 = arith.constant 16 : i32
    %mul3A_1501 = arith.muli %arg1, %mul3A_1500 : i32
    "tpu.region"() ({
      %run_scoped3A_2250 = tpu.sem_alloc : memref<!tpu.dma_semaphore, #tpu.memory_space<semaphore_mem>>
      %dma_start3A_2251 = tpu.memref_slice %arg24[%mul3A_1501] : memref<256xi32, #tpu.memory_space<vmem_shared>> -> memref<16xi32, #tpu.memory_space<vmem_shared>>
      %dma_start3A_2252 = tpu.memref_slice %arg24[%mul3A_1501] : memref<256xi32, #tpu.memory_space<vmem_shared>> -> memref<16xi32, #tpu.memory_space<vmem_shared>>
      tpu.enqueue_dma source(%arg16 : memref<16xi32, #tpu.memory_space<vmem>>) target(%dma_start3A_2252 : memref<16xi32, #tpu.memory_space<vmem_shared>>) target_semaphore(%run_scoped3A_2250 : memref<!tpu.dma_semaphore, #tpu.memory_space<semaphore_mem>>)
      %dma_wait3A_2253 = tpu.memref_slice %arg24[%mul3A_1501] : memref<256xi32, #tpu.memory_space<vmem_shared>> -> memref<16xi32, #tpu.memory_space<vmem_shared>>
      %dma_wait3A_2254 = tpu.memref_slice %arg24[%mul3A_1501] : memref<256xi32, #tpu.memory_space<vmem_shared>> -> memref<16xi32, #tpu.memory_space<vmem_shared>>
      tpu.wait_dma2 semaphore(%run_scoped3A_2250 : memref<!tpu.dma_semaphore, #tpu.memory_space<semaphore_mem>>) src(%arg16 : memref<16xi32, #tpu.memory_space<vmem>>) dst(%dma_wait3A_2254 : memref<16xi32, #tpu.memory_space<vmem_shared>>)
      tpu.yield
    }) : () -> ()
    %mul3A_1502 = arith.constant 256 : i32
    %mul3A_1503 = arith.muli %arg1, %mul3A_1502 : i32
    "tpu.region"() ({
      %run_scoped3A_2250 = tpu.sem_alloc : memref<!tpu.dma_semaphore, #tpu.memory_space<semaphore_mem>>
      %dma_start3A_2251 = arith.constant 0 : i32
      %dma_start3A_2252 = tpu.memref_slice %arg23[%dma_start3A_2251, %mul3A_1503] : memref<16x4096xi32, #tpu.memory_space<vmem_shared>> -> memref<16x256xi32, #tpu.memory_space<vmem_shared>>
      %dma_start3A_2253 = arith.constant 0 : i32
      %dma_start3A_2254 = tpu.memref_slice %arg23[%dma_start3A_2253, %mul3A_1503] : memref<16x4096xi32, #tpu.memory_space<vmem_shared>> -> memref<16x256xi32, #tpu.memory_space<vmem_shared>>
      tpu.enqueue_dma source(%dma_start3A_2254 : memref<16x256xi32, #tpu.memory_space<vmem_shared>>) target(%arg14 : memref<16x256xi32, #tpu.memory_space<vmem>>) target_semaphore(%run_scoped3A_2250 : memref<!tpu.dma_semaphore, #tpu.memory_space<semaphore_mem>>)
      %dma_wait3A_2255 = arith.constant 0 : i32
      %dma_wait3A_2256 = tpu.memref_slice %arg23[%dma_wait3A_2255, %mul3A_1503] : memref<16x4096xi32, #tpu.memory_space<vmem_shared>> -> memref<16x256xi32, #tpu.memory_space<vmem_shared>>
      %dma_wait3A_2257 = arith.constant 0 : i32
      %dma_wait3A_2258 = tpu.memref_slice %arg23[%dma_wait3A_2257, %mul3A_1503] : memref<16x4096xi32, #tpu.memory_space<vmem_shared>> -> memref<16x256xi32, #tpu.memory_space<vmem_shared>>
      tpu.wait_dma2 semaphore(%run_scoped3A_2250 : memref<!tpu.dma_semaphore, #tpu.memory_space<semaphore_mem>>) src(%dma_wait3A_2258 : memref<16x256xi32, #tpu.memory_space<vmem_shared>>) dst(%arg14 : memref<16x256xi32, #tpu.memory_space<vmem>>)
      tpu.yield
    }) : () -> ()
    %scan3A_1504 = arith.constant 0 : i32
    %scan3A_1505 = arith.constant 16 : i32
    %scan3A_1506 = arith.addi %scan3A_1504, %scan3A_1505 : i32
    %scan3A_1507 = arith.constant 1 : i32
    scf.for %scan3A_2250 = %scan3A_1504 to %scan3A_1506 step %scan3A_1507  : i32 {
      %mul3A_2251 = arith.constant 1 : i32
      %mul3A_2252 = arith.muli %scan3A_2250, %mul3A_2251 : i32
      %add3A_2253 = arith.constant 0 : i32
      %add3A_2254 = arith.addi %add3A_2253, %mul3A_2252 : i32
      %mul3A_2255 = arith.constant 16 : i32
      %mul3A_2256 = arith.muli %add3A_2254, %mul3A_2255 : i32
      %get3A_2257 = arith.constant 0 : i32
      %get3A_2258 = arith.index_cast %get3A_2257 : i32 to index
      %get3A_2259 = arith.index_cast %mul3A_2256 : i32 to index
      %get3A_2260 = tpu.vector_load %arg14[%get3A_2258, %get3A_2259] {strides = array<i32>} : memref<16x256xi32, #tpu.memory_space<vmem>>, vector<16xi32>,
      %mul3A_2261 = arith.constant 16 : i32
      %mul3A_2262 = arith.muli %add3A_2254, %mul3A_2261 : i32
      %get3A_2263 = arith.constant 1 : i32
      %get3A_2264 = arith.index_cast %get3A_2263 : i32 to index
      %get3A_2265 = arith.index_cast %mul3A_2262 : i32 to index
      %get3A_2266 = tpu.vector_load %arg14[%get3A_2264, %get3A_2265] {strides = array<i32>} : memref<16x256xi32, #tpu.memory_space<vmem>>, vector<16xi32>,
      %add3A_2267 = arith.addi %get3A_2260, %get3A_2266 : vector<16xi32>
      %mul3A_2268 = arith.constant 16 : i32
      %mul3A_2269 = arith.muli %add3A_2254, %mul3A_2268 : i32
      %get3A_2270 = arith.constant 2 : i32
      %get3A_2271 = arith.index_cast %get3A_2270 : i32 to index
      %get3A_2272 = arith.index_cast %mul3A_2269 : i32 to index
      %get3A_2273 = tpu.vector_load %arg14[%get3A_2271, %get3A_2272] {strides = array<i32>} : memref<16x256xi32, #tpu.memory_space<vmem>>, vector<16xi32>,
      %add3A_2274 = arith.addi %add3A_2267, %get3A_2273 : vector<16xi32>
      %mul3A_2275 = arith.constant 16 : i32
      %mul3A_2276 = arith.muli %add3A_2254, %mul3A_2275 : i32
      %get3A_2277 = arith.constant 3 : i32
      %get3A_2278 = arith.index_cast %get3A_2277 : i32 to index
      %get3A_2279 = arith.index_cast %mul3A_2276 : i32 to index
      %get3A_2280 = tpu.vector_load %arg14[%get3A_2278, %get3A_2279] {strides = array<i32>} : memref<16x256xi32, #tpu.memory_space<vmem>>, vector<16xi32>,
      %add3A_2281 = arith.addi %add3A_2274, %get3A_2280 : vector<16xi32>
      %mul3A_2282 = arith.constant 16 : i32
      %mul3A_2283 = arith.muli %add3A_2254, %mul3A_2282 : i32
      %get3A_2284 = arith.constant 4 : i32
      %get3A_2285 = arith.index_cast %get3A_2284 : i32 to index
      %get3A_2286 = arith.index_cast %mul3A_2283 : i32 to index
      %get3A_2287 = tpu.vector_load %arg14[%get3A_2285, %get3A_2286] {strides = array<i32>} : memref<16x256xi32, #tpu.memory_space<vmem>>, vector<16xi32>,
      %add3A_2288 = arith.addi %add3A_2281, %get3A_2287 : vector<16xi32>
      %mul3A_2289 = arith.constant 16 : i32
      %mul3A_2290 = arith.muli %add3A_2254, %mul3A_2289 : i32
      %get3A_2291 = arith.constant 5 : i32
      %get3A_2292 = arith.index_cast %get3A_2291 : i32 to index
      %get3A_2293 = arith.index_cast %mul3A_2290 : i32 to index
      %get3A_2294 = tpu.vector_load %arg14[%get3A_2292, %get3A_2293] {strides = array<i32>} : memref<16x256xi32, #tpu.memory_space<vmem>>, vector<16xi32>,
      %add3A_2295 = arith.addi %add3A_2288, %get3A_2294 : vector<16xi32>
      %mul3A_2296 = arith.constant 16 : i32
      %mul3A_2297 = arith.muli %add3A_2254, %mul3A_2296 : i32
      %get3A_2298 = arith.constant 6 : i32
      %get3A_2299 = arith.index_cast %get3A_2298 : i32 to index
      %get3A_2300 = arith.index_cast %mul3A_2297 : i32 to index
      %get3A_2301 = tpu.vector_load %arg14[%get3A_2299, %get3A_2300] {strides = array<i32>} : memref<16x256xi32, #tpu.memory_space<vmem>>, vector<16xi32>,
      %add3A_2302 = arith.addi %add3A_2295, %get3A_2301 : vector<16xi32>
      %mul3A_2303 = arith.constant 16 : i32
      %mul3A_2304 = arith.muli %add3A_2254, %mul3A_2303 : i32
      %get3A_2305 = arith.constant 7 : i32
      %get3A_2306 = arith.index_cast %get3A_2305 : i32 to index
      %get3A_2307 = arith.index_cast %mul3A_2304 : i32 to index
      %get3A_2308 = tpu.vector_load %arg14[%get3A_2306, %get3A_2307] {strides = array<i32>} : memref<16x256xi32, #tpu.memory_space<vmem>>, vector<16xi32>,
      %add3A_2309 = arith.addi %add3A_2302, %get3A_2308 : vector<16xi32>
      %mul3A_2310 = arith.constant 16 : i32
      %mul3A_2311 = arith.muli %add3A_2254, %mul3A_2310 : i32
      %get3A_2312 = arith.constant 8 : i32
      %get3A_2313 = arith.index_cast %get3A_2312 : i32 to index
      %get3A_2314 = arith.index_cast %mul3A_2311 : i32 to index
      %get3A_2315 = tpu.vector_load %arg14[%get3A_2313, %get3A_2314] {strides = array<i32>} : memref<16x256xi32, #tpu.memory_space<vmem>>, vector<16xi32>,
      %add3A_2316 = arith.addi %add3A_2309, %get3A_2315 : vector<16xi32>
      %mul3A_2317 = arith.constant 16 : i32
      %mul3A_2318 = arith.muli %add3A_2254, %mul3A_2317 : i32
      %get3A_2319 = arith.constant 9 : i32
      %get3A_2320 = arith.index_cast %get3A_2319 : i32 to index
      %get3A_2321 = arith.index_cast %mul3A_2318 : i32 to index
      %get3A_2322 = tpu.vector_load %arg14[%get3A_2320, %get3A_2321] {strides = array<i32>} : memref<16x256xi32, #tpu.memory_space<vmem>>, vector<16xi32>,
      %add3A_2323 = arith.addi %add3A_2316, %get3A_2322 : vector<16xi32>
      %mul3A_2324 = arith.constant 16 : i32
      %mul3A_2325 = arith.muli %add3A_2254, %mul3A_2324 : i32
      %get3A_2326 = arith.constant 10 : i32
      %get3A_2327 = arith.index_cast %get3A_2326 : i32 to index
      %get3A_2328 = arith.index_cast %mul3A_2325 : i32 to index
      %get3A_2329 = tpu.vector_load %arg14[%get3A_2327, %get3A_2328] {strides = array<i32>} : memref<16x256xi32, #tpu.memory_space<vmem>>, vector<16xi32>,
      %add3A_2330 = arith.addi %add3A_2323, %get3A_2329 : vector<16xi32>
      %mul3A_2331 = arith.constant 16 : i32
      %mul3A_2332 = arith.muli %add3A_2254, %mul3A_2331 : i32
      %get3A_2333 = arith.constant 11 : i32
      %get3A_2334 = arith.index_cast %get3A_2333 : i32 to index
      %get3A_2335 = arith.index_cast %mul3A_2332 : i32 to index
      %get3A_2336 = tpu.vector_load %arg14[%get3A_2334, %get3A_2335] {strides = array<i32>} : memref<16x256xi32, #tpu.memory_space<vmem>>, vector<16xi32>,
      %add3A_2337 = arith.addi %add3A_2330, %get3A_2336 : vector<16xi32>
      %mul3A_2338 = arith.constant 16 : i32
      %mul3A_2339 = arith.muli %add3A_2254, %mul3A_2338 : i32
      %get3A_2340 = arith.constant 12 : i32
      %get3A_2341 = arith.index_cast %get3A_2340 : i32 to index
      %get3A_2342 = arith.index_cast %mul3A_2339 : i32 to index
      %get3A_2343 = tpu.vector_load %arg14[%get3A_2341, %get3A_2342] {strides = array<i32>} : memref<16x256xi32, #tpu.memory_space<vmem>>, vector<16xi32>,
      %add3A_2344 = arith.addi %add3A_2337, %get3A_2343 : vector<16xi32>
      %mul3A_2345 = arith.constant 16 : i32
      %mul3A_2346 = arith.muli %add3A_2254, %mul3A_2345 : i32
      %get3A_2347 = arith.constant 13 : i32
      %get3A_2348 = arith.index_cast %get3A_2347 : i32 to index
      %get3A_2349 = arith.index_cast %mul3A_2346 : i32 to index
      %get3A_2350 = tpu.vector_load %arg14[%get3A_2348, %get3A_2349] {strides = array<i32>} : memref<16x256xi32, #tpu.memory_space<vmem>>, vector<16xi32>,
      %add3A_2351 = arith.addi %add3A_2344, %get3A_2350 : vector<16xi32>
      %mul3A_2352 = arith.constant 16 : i32
      %mul3A_2353 = arith.muli %add3A_2254, %mul3A_2352 : i32
      %get3A_2354 = arith.constant 14 : i32
      %get3A_2355 = arith.index_cast %get3A_2354 : i32 to index
      %get3A_2356 = arith.index_cast %mul3A_2353 : i32 to index
      %get3A_2357 = tpu.vector_load %arg14[%get3A_2355, %get3A_2356] {strides = array<i32>} : memref<16x256xi32, #tpu.memory_space<vmem>>, vector<16xi32>,
      %add3A_2358 = arith.addi %add3A_2351, %get3A_2357 : vector<16xi32>
      %mul3A_2359 = arith.constant 16 : i32
      %mul3A_2360 = arith.muli %add3A_2254, %mul3A_2359 : i32
      %get3A_2361 = arith.constant 15 : i32
      %get3A_2362 = arith.index_cast %get3A_2361 : i32 to index
      %get3A_2363 = arith.index_cast %mul3A_2360 : i32 to index
      %get3A_2364 = tpu.vector_load %arg14[%get3A_2362, %get3A_2363] {strides = array<i32>} : memref<16x256xi32, #tpu.memory_space<vmem>>, vector<16xi32>,
      %add3A_2365 = arith.addi %add3A_2358, %get3A_2364 : vector<16xi32>
      %mul3A_2366 = arith.constant 16 : i32
      %mul3A_2367 = arith.muli %add3A_2254, %mul3A_2366 : i32
      %swap3A_2368 = arith.index_cast %mul3A_2367 : i32 to index
      %swap3A_2369 = tpu.vector_load %arg15[%swap3A_2368] {strides = array<i32>} : memref<256xi32, #tpu.memory_space<vmem>>, vector<16xi32>,
      tpu.vector_store %arg15[%swap3A_2368], %add3A_2365 {strides = array<i32>} : memref<256xi32, #tpu.memory_space<vmem>>, vector<16xi32>,
    }
    %scan3A_1508 = arith.constant 16 : i32
    %mul3A_1509 = arith.constant 16 : i32
    %mul3A_1510 = vector.broadcast %mul3A_1509 : i32 to vector<16xi32>
    %mul3A_1511 = arith.muli %iota3A, %mul3A_1510 : vector<16xi32>
    %add3A_1512 = arith.constant 0 : i32
    %add3A_1513 = vector.broadcast %add3A_1512 : i32 to vector<16xi32>
    %add3A_1514 = arith.addi %mul3A_1511, %add3A_1513 : vector<16xi32>
    %gather3A_1515 = tpu.vector_load_idx %arg15[%add3A_1514] : memref<256xi32, #tpu.memory_space<vmem>>[vector<16xi32>], vector<16xi32>,
    %add3A_1516 = arith.addi %broadcast_in_dim3A_0, %gather3A_1515 : vector<16xi32>
    %mul3A_1517 = arith.constant 16 : i32
    %mul3A_1518 = vector.broadcast %mul3A_1517 : i32 to vector<16xi32>
    %mul3A_1519 = arith.muli %iota3A, %mul3A_1518 : vector<16xi32>
    %add3A_1520 = arith.constant 1 : i32
    %add3A_1521 = vector.broadcast %add3A_1520 : i32 to vector<16xi32>
    %add3A_1522 = arith.addi %mul3A_1519, %add3A_1521 : vector<16xi32>
    %gather3A_1523 = tpu.vector_load_idx %arg15[%add3A_1522] : memref<256xi32, #tpu.memory_space<vmem>>[vector<16xi32>], vector<16xi32>,
    %add3A_1524 = arith.addi %add3A_1516, %gather3A_1523 : vector<16xi32>
    %mul3A_1525 = arith.constant 16 : i32
    %mul3A_1526 = vector.broadcast %mul3A_1525 : i32 to vector<16xi32>
    %mul3A_1527 = arith.muli %iota3A, %mul3A_1526 : vector<16xi32>
    %add3A_1528 = arith.constant 2 : i32
    %add3A_1529 = vector.broadcast %add3A_1528 : i32 to vector<16xi32>
    %add3A_1530 = arith.addi %mul3A_1527, %add3A_1529 : vector<16xi32>
    %gather3A_1531 = tpu.vector_load_idx %arg15[%add3A_1530] : memref<256xi32, #tpu.memory_space<vmem>>[vector<16xi32>], vector<16xi32>,
    %add3A_1532 = arith.addi %add3A_1524, %gather3A_1531 : vector<16xi32>
    %mul3A_1533 = arith.constant 16 : i32
    %mul3A_1534 = vector.broadcast %mul3A_1533 : i32 to vector<16xi32>
    %mul3A_1535 = arith.muli %iota3A, %mul3A_1534 : vector<16xi32>
    %add3A_1536 = arith.constant 3 : i32
    %add3A_1537 = vector.broadcast %add3A_1536 : i32 to vector<16xi32>
    %add3A_1538 = arith.addi %mul3A_1535, %add3A_1537 : vector<16xi32>
    %gather3A_1539 = tpu.vector_load_idx %arg15[%add3A_1538] : memref<256xi32, #tpu.memory_space<vmem>>[vector<16xi32>], vector<16xi32>,
    %add3A_1540 = arith.addi %add3A_1532, %gather3A_1539 : vector<16xi32>
    %mul3A_1541 = arith.constant 16 : i32
    %mul3A_1542 = vector.broadcast %mul3A_1541 : i32 to vector<16xi32>
    %mul3A_1543 = arith.muli %iota3A, %mul3A_1542 : vector<16xi32>
    %add3A_1544 = arith.constant 4 : i32
    %add3A_1545 = vector.broadcast %add3A_1544 : i32 to vector<16xi32>
    %add3A_1546 = arith.addi %mul3A_1543, %add3A_1545 : vector<16xi32>
    %gather3A_1547 = tpu.vector_load_idx %arg15[%add3A_1546] : memref<256xi32, #tpu.memory_space<vmem>>[vector<16xi32>], vector<16xi32>,
    %add3A_1548 = arith.addi %add3A_1540, %gather3A_1547 : vector<16xi32>
    %mul3A_1549 = arith.constant 16 : i32
    %mul3A_1550 = vector.broadcast %mul3A_1549 : i32 to vector<16xi32>
    %mul3A_1551 = arith.muli %iota3A, %mul3A_1550 : vector<16xi32>
    %add3A_1552 = arith.constant 5 : i32
    %add3A_1553 = vector.broadcast %add3A_1552 : i32 to vector<16xi32>
    %add3A_1554 = arith.addi %mul3A_1551, %add3A_1553 : vector<16xi32>
    %gather3A_1555 = tpu.vector_load_idx %arg15[%add3A_1554] : memref<256xi32, #tpu.memory_space<vmem>>[vector<16xi32>], vector<16xi32>,
    %add3A_1556 = arith.addi %add3A_1548, %gather3A_1555 : vector<16xi32>
    %mul3A_1557 = arith.constant 16 : i32
    %mul3A_1558 = vector.broadcast %mul3A_1557 : i32 to vector<16xi32>
    %mul3A_1559 = arith.muli %iota3A, %mul3A_1558 : vector<16xi32>
    %add3A_1560 = arith.constant 6 : i32
    %add3A_1561 = vector.broadcast %add3A_1560 : i32 to vector<16xi32>
    %add3A_1562 = arith.addi %mul3A_1559, %add3A_1561 : vector<16xi32>
    %gather3A_1563 = tpu.vector_load_idx %arg15[%add3A_1562] : memref<256xi32, #tpu.memory_space<vmem>>[vector<16xi32>], vector<16xi32>,
    %add3A_1564 = arith.addi %add3A_1556, %gather3A_1563 : vector<16xi32>
    %mul3A_1565 = arith.constant 16 : i32
    %mul3A_1566 = vector.broadcast %mul3A_1565 : i32 to vector<16xi32>
    %mul3A_1567 = arith.muli %iota3A, %mul3A_1566 : vector<16xi32>
    %add3A_1568 = arith.constant 7 : i32
    %add3A_1569 = vector.broadcast %add3A_1568 : i32 to vector<16xi32>
    %add3A_1570 = arith.addi %mul3A_1567, %add3A_1569 : vector<16xi32>
    %gather3A_1571 = tpu.vector_load_idx %arg15[%add3A_1570] : memref<256xi32, #tpu.memory_space<vmem>>[vector<16xi32>], vector<16xi32>,
    %add3A_1572 = arith.addi %add3A_1564, %gather3A_1571 : vector<16xi32>
    %mul3A_1573 = arith.constant 16 : i32
    %mul3A_1574 = vector.broadcast %mul3A_1573 : i32 to vector<16xi32>
    %mul3A_1575 = arith.muli %iota3A, %mul3A_1574 : vector<16xi32>
    %add3A_1576 = arith.constant 8 : i32
    %add3A_1577 = vector.broadcast %add3A_1576 : i32 to vector<16xi32>
    %add3A_1578 = arith.addi %mul3A_1575, %add3A_1577 : vector<16xi32>
    %gather3A_1579 = tpu.vector_load_idx %arg15[%add3A_1578] : memref<256xi32, #tpu.memory_space<vmem>>[vector<16xi32>], vector<16xi32>,
    %add3A_1580 = arith.addi %add3A_1572, %gather3A_1579 : vector<16xi32>
    %mul3A_1581 = arith.constant 16 : i32
    %mul3A_1582 = vector.broadcast %mul3A_1581 : i32 to vector<16xi32>
    %mul3A_1583 = arith.muli %iota3A, %mul3A_1582 : vector<16xi32>
    %add3A_1584 = arith.constant 9 : i32
    %add3A_1585 = vector.broadcast %add3A_1584 : i32 to vector<16xi32>
    %add3A_1586 = arith.addi %mul3A_1583, %add3A_1585 : vector<16xi32>
    %gather3A_1587 = tpu.vector_load_idx %arg15[%add3A_1586] : memref<256xi32, #tpu.memory_space<vmem>>[vector<16xi32>], vector<16xi32>,
    %add3A_1588 = arith.addi %add3A_1580, %gather3A_1587 : vector<16xi32>
    %mul3A_1589 = arith.constant 16 : i32
    %mul3A_1590 = vector.broadcast %mul3A_1589 : i32 to vector<16xi32>
    %mul3A_1591 = arith.muli %iota3A, %mul3A_1590 : vector<16xi32>
    %add3A_1592 = arith.constant 10 : i32
    %add3A_1593 = vector.broadcast %add3A_1592 : i32 to vector<16xi32>
    %add3A_1594 = arith.addi %mul3A_1591, %add3A_1593 : vector<16xi32>
    %gather3A_1595 = tpu.vector_load_idx %arg15[%add3A_1594] : memref<256xi32, #tpu.memory_space<vmem>>[vector<16xi32>], vector<16xi32>,
    %add3A_1596 = arith.addi %add3A_1588, %gather3A_1595 : vector<16xi32>
    %mul3A_1597 = arith.constant 16 : i32
    %mul3A_1598 = vector.broadcast %mul3A_1597 : i32 to vector<16xi32>
    %mul3A_1599 = arith.muli %iota3A, %mul3A_1598 : vector<16xi32>
    %add3A_1600 = arith.constant 11 : i32
    %add3A_1601 = vector.broadcast %add3A_1600 : i32 to vector<16xi32>
    %add3A_1602 = arith.addi %mul3A_1599, %add3A_1601 : vector<16xi32>
    %gather3A_1603 = tpu.vector_load_idx %arg15[%add3A_1602] : memref<256xi32, #tpu.memory_space<vmem>>[vector<16xi32>], vector<16xi32>,
    %add3A_1604 = arith.addi %add3A_1596, %gather3A_1603 : vector<16xi32>
    %mul3A_1605 = arith.constant 16 : i32
    %mul3A_1606 = vector.broadcast %mul3A_1605 : i32 to vector<16xi32>
    %mul3A_1607 = arith.muli %iota3A, %mul3A_1606 : vector<16xi32>
    %add3A_1608 = arith.constant 12 : i32
    %add3A_1609 = vector.broadcast %add3A_1608 : i32 to vector<16xi32>
    %add3A_1610 = arith.addi %mul3A_1607, %add3A_1609 : vector<16xi32>
    %gather3A_1611 = tpu.vector_load_idx %arg15[%add3A_1610] : memref<256xi32, #tpu.memory_space<vmem>>[vector<16xi32>], vector<16xi32>,
    %add3A_1612 = arith.addi %add3A_1604, %gather3A_1611 : vector<16xi32>
    %mul3A_1613 = arith.constant 16 : i32
    %mul3A_1614 = vector.broadcast %mul3A_1613 : i32 to vector<16xi32>
    %mul3A_1615 = arith.muli %iota3A, %mul3A_1614 : vector<16xi32>
    %add3A_1616 = arith.constant 13 : i32
    %add3A_1617 = vector.broadcast %add3A_1616 : i32 to vector<16xi32>
    %add3A_1618 = arith.addi %mul3A_1615, %add3A_1617 : vector<16xi32>
    %gather3A_1619 = tpu.vector_load_idx %arg15[%add3A_1618] : memref<256xi32, #tpu.memory_space<vmem>>[vector<16xi32>], vector<16xi32>,
    %add3A_1620 = arith.addi %add3A_1612, %gather3A_1619 : vector<16xi32>
    %mul3A_1621 = arith.constant 16 : i32
    %mul3A_1622 = vector.broadcast %mul3A_1621 : i32 to vector<16xi32>
    %mul3A_1623 = arith.muli %iota3A, %mul3A_1622 : vector<16xi32>
    %add3A_1624 = arith.constant 14 : i32
    %add3A_1625 = vector.broadcast %add3A_1624 : i32 to vector<16xi32>
    %add3A_1626 = arith.addi %mul3A_1623, %add3A_1625 : vector<16xi32>
    %gather3A_1627 = tpu.vector_load_idx %arg15[%add3A_1626] : memref<256xi32, #tpu.memory_space<vmem>>[vector<16xi32>], vector<16xi32>,
    %add3A_1628 = arith.addi %add3A_1620, %gather3A_1627 : vector<16xi32>
    %mul3A_1629 = arith.constant 16 : i32
    %mul3A_1630 = vector.broadcast %mul3A_1629 : i32 to vector<16xi32>
    %mul3A_1631 = arith.muli %iota3A, %mul3A_1630 : vector<16xi32>
    %add3A_1632 = arith.constant 15 : i32
    %add3A_1633 = vector.broadcast %add3A_1632 : i32 to vector<16xi32>
    %add3A_1634 = arith.addi %mul3A_1631, %add3A_1633 : vector<16xi32>
    %gather3A_1635 = tpu.vector_load_idx %arg15[%add3A_1634] : memref<256xi32, #tpu.memory_space<vmem>>[vector<16xi32>], vector<16xi32>,
    %add3A_1636 = arith.addi %add3A_1628, %gather3A_1635 : vector<16xi32>
    %swap3A_1637 = arith.constant 0 : index
    %swap3A_1638 = tpu.vector_load %arg16[%swap3A_1637] {strides = array<i32>} : memref<16xi32, #tpu.memory_space<vmem>>, vector<16xi32>,
    tpu.vector_store %arg16[%swap3A_1637], %add3A_1636 {strides = array<i32>} : memref<16xi32, #tpu.memory_space<vmem>>, vector<16xi32>,
    %mul3A_1639 = arith.constant 16 : i32
    %mul3A_1640 = arith.muli %arg1, %mul3A_1639 : i32
    "tpu.region"() ({
      %run_scoped3A_2250 = tpu.sem_alloc : memref<!tpu.dma_semaphore, #tpu.memory_space<semaphore_mem>>
      %dma_start3A_2251 = tpu.memref_slice %arg25[%mul3A_1640] : memref<256xi32, #tpu.memory_space<vmem_shared>> -> memref<16xi32, #tpu.memory_space<vmem_shared>>
      %dma_start3A_2252 = tpu.memref_slice %arg25[%mul3A_1640] : memref<256xi32, #tpu.memory_space<vmem_shared>> -> memref<16xi32, #tpu.memory_space<vmem_shared>>
      tpu.enqueue_dma source(%arg16 : memref<16xi32, #tpu.memory_space<vmem>>) target(%dma_start3A_2252 : memref<16xi32, #tpu.memory_space<vmem_shared>>) target_semaphore(%run_scoped3A_2250 : memref<!tpu.dma_semaphore, #tpu.memory_space<semaphore_mem>>)
      %dma_wait3A_2253 = tpu.memref_slice %arg25[%mul3A_1640] : memref<256xi32, #tpu.memory_space<vmem_shared>> -> memref<16xi32, #tpu.memory_space<vmem_shared>>
      %dma_wait3A_2254 = tpu.memref_slice %arg25[%mul3A_1640] : memref<256xi32, #tpu.memory_space<vmem_shared>> -> memref<16xi32, #tpu.memory_space<vmem_shared>>
      tpu.wait_dma2 semaphore(%run_scoped3A_2250 : memref<!tpu.dma_semaphore, #tpu.memory_space<semaphore_mem>>) src(%arg16 : memref<16xi32, #tpu.memory_space<vmem>>) dst(%dma_wait3A_2254 : memref<16xi32, #tpu.memory_space<vmem_shared>>)
      tpu.yield
    }) : () -> ()
    %barrier3A_1641 = arith.constant 0 : index
    tpu.barrier barrier_id(%barrier3A_1641)
    "tpu.region"() ({
      %run_scoped3A_2250 = tpu.sem_alloc : memref<!tpu.dma_semaphore, #tpu.memory_space<semaphore_mem>>
      tpu.enqueue_dma source(%arg24 : memref<256xi32, #tpu.memory_space<vmem_shared>>) target(%arg13 : memref<256xi32, #tpu.memory_space<vmem>>) target_semaphore(%run_scoped3A_2250 : memref<!tpu.dma_semaphore, #tpu.memory_space<semaphore_mem>>)
      tpu.wait_dma2 semaphore(%run_scoped3A_2250 : memref<!tpu.dma_semaphore, #tpu.memory_space<semaphore_mem>>) src(%arg24 : memref<256xi32, #tpu.memory_space<vmem_shared>>) dst(%arg13 : memref<256xi32, #tpu.memory_space<vmem>>)
      tpu.yield
    }) : () -> ()
    "tpu.region"() ({
      %run_scoped3A_2250 = tpu.sem_alloc : memref<!tpu.dma_semaphore, #tpu.memory_space<semaphore_mem>>
      tpu.enqueue_dma source(%arg25 : memref<256xi32, #tpu.memory_space<vmem_shared>>) target(%arg15 : memref<256xi32, #tpu.memory_space<vmem>>) target_semaphore(%run_scoped3A_2250 : memref<!tpu.dma_semaphore, #tpu.memory_space<semaphore_mem>>)
      tpu.wait_dma2 semaphore(%run_scoped3A_2250 : memref<!tpu.dma_semaphore, #tpu.memory_space<semaphore_mem>>) src(%arg25 : memref<256xi32, #tpu.memory_space<vmem_shared>>) dst(%arg15 : memref<256xi32, #tpu.memory_space<vmem>>)
      tpu.yield
    }) : () -> ()
    %get3A = arith.constant 0 : index
    %get3A_1642 = tpu.vector_load %arg13[%get3A] {strides = array<i32>} : memref<256xi32, #tpu.memory_space<vmem>>, vector<16xi32>,
    %broadcast_in_dim3A_1643 = arith.constant true
    %broadcast_in_dim3A_1644 = vector.broadcast %broadcast_in_dim3A_1643 : i1 to vector<16xi1>
    %masked_cumsum3A = tpu.scan <sum>, %get3A_1642 masked %broadcast_in_dim3A_1644 : vector<16xi32>, vector<16xi1> -> vector<16xi32>
    %add3A_1645 = arith.constant 0 : i32
    %add3A_1646 = vector.broadcast %add3A_1645 : i32 to vector<16xi32>
    %add3A_1647 = arith.addi %masked_cumsum3A, %add3A_1646 : vector<16xi32>
    %slice3A = vector.extract_strided_slice %add3A_1647 {offsets = [15], sizes = [1], strides = [1]} : vector<16xi32> to vector<1xi32>
    %squeeze3A = vector.extract %slice3A[0] : i32 from vector<1xi32>
    %get3A_1648 = arith.constant 16 : index
    %get3A_1649 = tpu.vector_load %arg13[%get3A_1648] {strides = array<i32>} : memref<256xi32, #tpu.memory_space<vmem>>, vector<16xi32>,
    %broadcast_in_dim3A_1650 = arith.constant true
    %broadcast_in_dim3A_1651 = vector.broadcast %broadcast_in_dim3A_1650 : i1 to vector<16xi1>
    %masked_cumsum3A_1652 = tpu.scan <sum>, %get3A_1649 masked %broadcast_in_dim3A_1651 : vector<16xi32>, vector<16xi1> -> vector<16xi32>
    %add3A_1653 = vector.broadcast %squeeze3A : i32 to vector<16xi32>
    %add3A_1654 = arith.addi %masked_cumsum3A_1652, %add3A_1653 : vector<16xi32>
    %slice3A_1655 = vector.extract_strided_slice %add3A_1654 {offsets = [15], sizes = [1], strides = [1]} : vector<16xi32> to vector<1xi32>
    %squeeze3A_1656 = vector.extract %slice3A_1655[0] : i32 from vector<1xi32>
    %get3A_1657 = arith.constant 32 : index
    %get3A_1658 = tpu.vector_load %arg13[%get3A_1657] {strides = array<i32>} : memref<256xi32, #tpu.memory_space<vmem>>, vector<16xi32>,
    %broadcast_in_dim3A_1659 = arith.constant true
    %broadcast_in_dim3A_1660 = vector.broadcast %broadcast_in_dim3A_1659 : i1 to vector<16xi1>
    %masked_cumsum3A_1661 = tpu.scan <sum>, %get3A_1658 masked %broadcast_in_dim3A_1660 : vector<16xi32>, vector<16xi1> -> vector<16xi32>
    %add3A_1662 = vector.broadcast %squeeze3A_1656 : i32 to vector<16xi32>
    %add3A_1663 = arith.addi %masked_cumsum3A_1661, %add3A_1662 : vector<16xi32>
    %slice3A_1664 = vector.extract_strided_slice %add3A_1663 {offsets = [15], sizes = [1], strides = [1]} : vector<16xi32> to vector<1xi32>
    %squeeze3A_1665 = vector.extract %slice3A_1664[0] : i32 from vector<1xi32>
    %get3A_1666 = arith.constant 48 : index
    %get3A_1667 = tpu.vector_load %arg13[%get3A_1666] {strides = array<i32>} : memref<256xi32, #tpu.memory_space<vmem>>, vector<16xi32>,
    %broadcast_in_dim3A_1668 = arith.constant true
    %broadcast_in_dim3A_1669 = vector.broadcast %broadcast_in_dim3A_1668 : i1 to vector<16xi1>
    %masked_cumsum3A_1670 = tpu.scan <sum>, %get3A_1667 masked %broadcast_in_dim3A_1669 : vector<16xi32>, vector<16xi1> -> vector<16xi32>
    %add3A_1671 = vector.broadcast %squeeze3A_1665 : i32 to vector<16xi32>
    %add3A_1672 = arith.addi %masked_cumsum3A_1670, %add3A_1671 : vector<16xi32>
    %slice3A_1673 = vector.extract_strided_slice %add3A_1672 {offsets = [15], sizes = [1], strides = [1]} : vector<16xi32> to vector<1xi32>
    %squeeze3A_1674 = vector.extract %slice3A_1673[0] : i32 from vector<1xi32>
    %get3A_1675 = arith.constant 64 : index
    %get3A_1676 = tpu.vector_load %arg13[%get3A_1675] {strides = array<i32>} : memref<256xi32, #tpu.memory_space<vmem>>, vector<16xi32>,
    %broadcast_in_dim3A_1677 = arith.constant true
    %broadcast_in_dim3A_1678 = vector.broadcast %broadcast_in_dim3A_1677 : i1 to vector<16xi1>
    %masked_cumsum3A_1679 = tpu.scan <sum>, %get3A_1676 masked %broadcast_in_dim3A_1678 : vector<16xi32>, vector<16xi1> -> vector<16xi32>
    %add3A_1680 = vector.broadcast %squeeze3A_1674 : i32 to vector<16xi32>
    %add3A_1681 = arith.addi %masked_cumsum3A_1679, %add3A_1680 : vector<16xi32>
    %slice3A_1682 = vector.extract_strided_slice %add3A_1681 {offsets = [15], sizes = [1], strides = [1]} : vector<16xi32> to vector<1xi32>
    %squeeze3A_1683 = vector.extract %slice3A_1682[0] : i32 from vector<1xi32>
    %get3A_1684 = arith.constant 80 : index
    %get3A_1685 = tpu.vector_load %arg13[%get3A_1684] {strides = array<i32>} : memref<256xi32, #tpu.memory_space<vmem>>, vector<16xi32>,
    %broadcast_in_dim3A_1686 = arith.constant true
    %broadcast_in_dim3A_1687 = vector.broadcast %broadcast_in_dim3A_1686 : i1 to vector<16xi1>
    %masked_cumsum3A_1688 = tpu.scan <sum>, %get3A_1685 masked %broadcast_in_dim3A_1687 : vector<16xi32>, vector<16xi1> -> vector<16xi32>
    %add3A_1689 = vector.broadcast %squeeze3A_1683 : i32 to vector<16xi32>
    %add3A_1690 = arith.addi %masked_cumsum3A_1688, %add3A_1689 : vector<16xi32>
    %slice3A_1691 = vector.extract_strided_slice %add3A_1690 {offsets = [15], sizes = [1], strides = [1]} : vector<16xi32> to vector<1xi32>
    %squeeze3A_1692 = vector.extract %slice3A_1691[0] : i32 from vector<1xi32>
    %get3A_1693 = arith.constant 96 : index
    %get3A_1694 = tpu.vector_load %arg13[%get3A_1693] {strides = array<i32>} : memref<256xi32, #tpu.memory_space<vmem>>, vector<16xi32>,
    %broadcast_in_dim3A_1695 = arith.constant true
    %broadcast_in_dim3A_1696 = vector.broadcast %broadcast_in_dim3A_1695 : i1 to vector<16xi1>
    %masked_cumsum3A_1697 = tpu.scan <sum>, %get3A_1694 masked %broadcast_in_dim3A_1696 : vector<16xi32>, vector<16xi1> -> vector<16xi32>
    %add3A_1698 = vector.broadcast %squeeze3A_1692 : i32 to vector<16xi32>
    %add3A_1699 = arith.addi %masked_cumsum3A_1697, %add3A_1698 : vector<16xi32>
    %slice3A_1700 = vector.extract_strided_slice %add3A_1699 {offsets = [15], sizes = [1], strides = [1]} : vector<16xi32> to vector<1xi32>
    %squeeze3A_1701 = vector.extract %slice3A_1700[0] : i32 from vector<1xi32>
    %get3A_1702 = arith.constant 112 : index
    %get3A_1703 = tpu.vector_load %arg13[%get3A_1702] {strides = array<i32>} : memref<256xi32, #tpu.memory_space<vmem>>, vector<16xi32>,
    %broadcast_in_dim3A_1704 = arith.constant true
    %broadcast_in_dim3A_1705 = vector.broadcast %broadcast_in_dim3A_1704 : i1 to vector<16xi1>
    %masked_cumsum3A_1706 = tpu.scan <sum>, %get3A_1703 masked %broadcast_in_dim3A_1705 : vector<16xi32>, vector<16xi1> -> vector<16xi32>
    %add3A_1707 = vector.broadcast %squeeze3A_1701 : i32 to vector<16xi32>
    %add3A_1708 = arith.addi %masked_cumsum3A_1706, %add3A_1707 : vector<16xi32>
    %slice3A_1709 = vector.extract_strided_slice %add3A_1708 {offsets = [15], sizes = [1], strides = [1]} : vector<16xi32> to vector<1xi32>
    %squeeze3A_1710 = vector.extract %slice3A_1709[0] : i32 from vector<1xi32>
    %get3A_1711 = arith.constant 128 : index
    %get3A_1712 = tpu.vector_load %arg13[%get3A_1711] {strides = array<i32>} : memref<256xi32, #tpu.memory_space<vmem>>, vector<16xi32>,
    %broadcast_in_dim3A_1713 = arith.constant true
    %broadcast_in_dim3A_1714 = vector.broadcast %broadcast_in_dim3A_1713 : i1 to vector<16xi1>
    %masked_cumsum3A_1715 = tpu.scan <sum>, %get3A_1712 masked %broadcast_in_dim3A_1714 : vector<16xi32>, vector<16xi1> -> vector<16xi32>
    %add3A_1716 = vector.broadcast %squeeze3A_1710 : i32 to vector<16xi32>
    %add3A_1717 = arith.addi %masked_cumsum3A_1715, %add3A_1716 : vector<16xi32>
    %slice3A_1718 = vector.extract_strided_slice %add3A_1717 {offsets = [15], sizes = [1], strides = [1]} : vector<16xi32> to vector<1xi32>
    %squeeze3A_1719 = vector.extract %slice3A_1718[0] : i32 from vector<1xi32>
    %get3A_1720 = arith.constant 144 : index
    %get3A_1721 = tpu.vector_load %arg13[%get3A_1720] {strides = array<i32>} : memref<256xi32, #tpu.memory_space<vmem>>, vector<16xi32>,
    %broadcast_in_dim3A_1722 = arith.constant true
    %broadcast_in_dim3A_1723 = vector.broadcast %broadcast_in_dim3A_1722 : i1 to vector<16xi1>
    %masked_cumsum3A_1724 = tpu.scan <sum>, %get3A_1721 masked %broadcast_in_dim3A_1723 : vector<16xi32>, vector<16xi1> -> vector<16xi32>
    %add3A_1725 = vector.broadcast %squeeze3A_1719 : i32 to vector<16xi32>
    %add3A_1726 = arith.addi %masked_cumsum3A_1724, %add3A_1725 : vector<16xi32>
    %slice3A_1727 = vector.extract_strided_slice %add3A_1726 {offsets = [15], sizes = [1], strides = [1]} : vector<16xi32> to vector<1xi32>
    %squeeze3A_1728 = vector.extract %slice3A_1727[0] : i32 from vector<1xi32>
    %get3A_1729 = arith.constant 160 : index
    %get3A_1730 = tpu.vector_load %arg13[%get3A_1729] {strides = array<i32>} : memref<256xi32, #tpu.memory_space<vmem>>, vector<16xi32>,
    %broadcast_in_dim3A_1731 = arith.constant true
    %broadcast_in_dim3A_1732 = vector.broadcast %broadcast_in_dim3A_1731 : i1 to vector<16xi1>
    %masked_cumsum3A_1733 = tpu.scan <sum>, %get3A_1730 masked %broadcast_in_dim3A_1732 : vector<16xi32>, vector<16xi1> -> vector<16xi32>
    %add3A_1734 = vector.broadcast %squeeze3A_1728 : i32 to vector<16xi32>
    %add3A_1735 = arith.addi %masked_cumsum3A_1733, %add3A_1734 : vector<16xi32>
    %slice3A_1736 = vector.extract_strided_slice %add3A_1735 {offsets = [15], sizes = [1], strides = [1]} : vector<16xi32> to vector<1xi32>
    %squeeze3A_1737 = vector.extract %slice3A_1736[0] : i32 from vector<1xi32>
    %get3A_1738 = arith.constant 176 : index
    %get3A_1739 = tpu.vector_load %arg13[%get3A_1738] {strides = array<i32>} : memref<256xi32, #tpu.memory_space<vmem>>, vector<16xi32>,
    %broadcast_in_dim3A_1740 = arith.constant true
    %broadcast_in_dim3A_1741 = vector.broadcast %broadcast_in_dim3A_1740 : i1 to vector<16xi1>
    %masked_cumsum3A_1742 = tpu.scan <sum>, %get3A_1739 masked %broadcast_in_dim3A_1741 : vector<16xi32>, vector<16xi1> -> vector<16xi32>
    %add3A_1743 = vector.broadcast %squeeze3A_1737 : i32 to vector<16xi32>
    %add3A_1744 = arith.addi %masked_cumsum3A_1742, %add3A_1743 : vector<16xi32>
    %slice3A_1745 = vector.extract_strided_slice %add3A_1744 {offsets = [15], sizes = [1], strides = [1]} : vector<16xi32> to vector<1xi32>
    %squeeze3A_1746 = vector.extract %slice3A_1745[0] : i32 from vector<1xi32>
    %get3A_1747 = arith.constant 192 : index
    %get3A_1748 = tpu.vector_load %arg13[%get3A_1747] {strides = array<i32>} : memref<256xi32, #tpu.memory_space<vmem>>, vector<16xi32>,
    %broadcast_in_dim3A_1749 = arith.constant true
    %broadcast_in_dim3A_1750 = vector.broadcast %broadcast_in_dim3A_1749 : i1 to vector<16xi1>
    %masked_cumsum3A_1751 = tpu.scan <sum>, %get3A_1748 masked %broadcast_in_dim3A_1750 : vector<16xi32>, vector<16xi1> -> vector<16xi32>
    %add3A_1752 = vector.broadcast %squeeze3A_1746 : i32 to vector<16xi32>
    %add3A_1753 = arith.addi %masked_cumsum3A_1751, %add3A_1752 : vector<16xi32>
    %slice3A_1754 = vector.extract_strided_slice %add3A_1753 {offsets = [15], sizes = [1], strides = [1]} : vector<16xi32> to vector<1xi32>
    %squeeze3A_1755 = vector.extract %slice3A_1754[0] : i32 from vector<1xi32>
    %get3A_1756 = arith.constant 208 : index
    %get3A_1757 = tpu.vector_load %arg13[%get3A_1756] {strides = array<i32>} : memref<256xi32, #tpu.memory_space<vmem>>, vector<16xi32>,
    %broadcast_in_dim3A_1758 = arith.constant true
    %broadcast_in_dim3A_1759 = vector.broadcast %broadcast_in_dim3A_1758 : i1 to vector<16xi1>
    %masked_cumsum3A_1760 = tpu.scan <sum>, %get3A_1757 masked %broadcast_in_dim3A_1759 : vector<16xi32>, vector<16xi1> -> vector<16xi32>
    %add3A_1761 = vector.broadcast %squeeze3A_1755 : i32 to vector<16xi32>
    %add3A_1762 = arith.addi %masked_cumsum3A_1760, %add3A_1761 : vector<16xi32>
    %slice3A_1763 = vector.extract_strided_slice %add3A_1762 {offsets = [15], sizes = [1], strides = [1]} : vector<16xi32> to vector<1xi32>
    %squeeze3A_1764 = vector.extract %slice3A_1763[0] : i32 from vector<1xi32>
    %get3A_1765 = arith.constant 224 : index
    %get3A_1766 = tpu.vector_load %arg13[%get3A_1765] {strides = array<i32>} : memref<256xi32, #tpu.memory_space<vmem>>, vector<16xi32>,
    %broadcast_in_dim3A_1767 = arith.constant true
    %broadcast_in_dim3A_1768 = vector.broadcast %broadcast_in_dim3A_1767 : i1 to vector<16xi1>
    %masked_cumsum3A_1769 = tpu.scan <sum>, %get3A_1766 masked %broadcast_in_dim3A_1768 : vector<16xi32>, vector<16xi1> -> vector<16xi32>
    %add3A_1770 = vector.broadcast %squeeze3A_1764 : i32 to vector<16xi32>
    %add3A_1771 = arith.addi %masked_cumsum3A_1769, %add3A_1770 : vector<16xi32>
    %slice3A_1772 = vector.extract_strided_slice %add3A_1771 {offsets = [15], sizes = [1], strides = [1]} : vector<16xi32> to vector<1xi32>
    %squeeze3A_1773 = vector.extract %slice3A_1772[0] : i32 from vector<1xi32>
    %get3A_1774 = arith.constant 240 : index
    %get3A_1775 = tpu.vector_load %arg13[%get3A_1774] {strides = array<i32>} : memref<256xi32, #tpu.memory_space<vmem>>, vector<16xi32>,
    %broadcast_in_dim3A_1776 = arith.constant true
    %broadcast_in_dim3A_1777 = vector.broadcast %broadcast_in_dim3A_1776 : i1 to vector<16xi1>
    %masked_cumsum3A_1778 = tpu.scan <sum>, %get3A_1775 masked %broadcast_in_dim3A_1777 : vector<16xi32>, vector<16xi1> -> vector<16xi32>
    %add3A_1779 = vector.broadcast %squeeze3A_1773 : i32 to vector<16xi32>
    %add3A_1780 = arith.addi %masked_cumsum3A_1778, %add3A_1779 : vector<16xi32>
    %slice3A_1781 = vector.extract_strided_slice %add3A_1780 {offsets = [15], sizes = [1], strides = [1]} : vector<16xi32> to vector<1xi32>
    %squeeze3A_1782 = vector.extract %slice3A_1781[0] : i32 from vector<1xi32>
    %slice3A_1783 = vector.extract_strided_slice %add3A_1647 {offsets = [0], sizes = [1], strides = [1]} : vector<16xi32> to vector<1xi32>
    %squeeze3A_1784 = vector.extract %slice3A_1783[0] : i32 from vector<1xi32>
    %sub3A = vector.broadcast %squeeze3A_1784 : i32 to vector<16xi32>
    %sub3A_1785 = arith.subi %add3A_1647, %sub3A : vector<16xi32>
    %convert_element_type3A = arith.sitofp %sub3A_1785 : vector<16xi32> to vector<16xf32>
    %div3A = arith.constant 2.621430e+05 : f32
    %div3A_1786 = vector.broadcast %div3A : f32 to vector<16xf32>
    %div3A_1787 = arith.divf %convert_element_type3A, %div3A_1786 : vector<16xf32>
    %swap3A_1788 = arith.constant 0 : index
    %swap3A_1789 = tpu.vector_load %arg18[%swap3A_1788] {strides = array<i32>} : memref<256xf32, #tpu.memory_space<vmem>>, vector<16xf32>,
    tpu.vector_store %arg18[%swap3A_1788], %div3A_1787 {strides = array<i32>} : memref<256xf32, #tpu.memory_space<vmem>>, vector<16xf32>,
    %sub3A_1790 = vector.broadcast %squeeze3A_1784 : i32 to vector<16xi32>
    %sub3A_1791 = arith.subi %add3A_1654, %sub3A_1790 : vector<16xi32>
    %convert_element_type3A_1792 = arith.sitofp %sub3A_1791 : vector<16xi32> to vector<16xf32>
    %div3A_1793 = arith.constant 2.621430e+05 : f32
    %div3A_1794 = vector.broadcast %div3A_1793 : f32 to vector<16xf32>
    %div3A_1795 = arith.divf %convert_element_type3A_1792, %div3A_1794 : vector<16xf32>
    %swap3A_1796 = arith.constant 16 : index
    %swap3A_1797 = tpu.vector_load %arg18[%swap3A_1796] {strides = array<i32>} : memref<256xf32, #tpu.memory_space<vmem>>, vector<16xf32>,
    tpu.vector_store %arg18[%swap3A_1796], %div3A_1795 {strides = array<i32>} : memref<256xf32, #tpu.memory_space<vmem>>, vector<16xf32>,
    %sub3A_1798 = vector.broadcast %squeeze3A_1784 : i32 to vector<16xi32>
    %sub3A_1799 = arith.subi %add3A_1663, %sub3A_1798 : vector<16xi32>
    %convert_element_type3A_1800 = arith.sitofp %sub3A_1799 : vector<16xi32> to vector<16xf32>
    %div3A_1801 = arith.constant 2.621430e+05 : f32
    %div3A_1802 = vector.broadcast %div3A_1801 : f32 to vector<16xf32>
    %div3A_1803 = arith.divf %convert_element_type3A_1800, %div3A_1802 : vector<16xf32>
    %swap3A_1804 = arith.constant 32 : index
    %swap3A_1805 = tpu.vector_load %arg18[%swap3A_1804] {strides = array<i32>} : memref<256xf32, #tpu.memory_space<vmem>>, vector<16xf32>,
    tpu.vector_store %arg18[%swap3A_1804], %div3A_1803 {strides = array<i32>} : memref<256xf32, #tpu.memory_space<vmem>>, vector<16xf32>,
    %sub3A_1806 = vector.broadcast %squeeze3A_1784 : i32 to vector<16xi32>
    %sub3A_1807 = arith.subi %add3A_1672, %sub3A_1806 : vector<16xi32>
    %convert_element_type3A_1808 = arith.sitofp %sub3A_1807 : vector<16xi32> to vector<16xf32>
    %div3A_1809 = arith.constant 2.621430e+05 : f32
    %div3A_1810 = vector.broadcast %div3A_1809 : f32 to vector<16xf32>
    %div3A_1811 = arith.divf %convert_element_type3A_1808, %div3A_1810 : vector<16xf32>
    %swap3A_1812 = arith.constant 48 : index
    %swap3A_1813 = tpu.vector_load %arg18[%swap3A_1812] {strides = array<i32>} : memref<256xf32, #tpu.memory_space<vmem>>, vector<16xf32>,
    tpu.vector_store %arg18[%swap3A_1812], %div3A_1811 {strides = array<i32>} : memref<256xf32, #tpu.memory_space<vmem>>, vector<16xf32>,
    %sub3A_1814 = vector.broadcast %squeeze3A_1784 : i32 to vector<16xi32>
    %sub3A_1815 = arith.subi %add3A_1681, %sub3A_1814 : vector<16xi32>
    %convert_element_type3A_1816 = arith.sitofp %sub3A_1815 : vector<16xi32> to vector<16xf32>
    %div3A_1817 = arith.constant 2.621430e+05 : f32
    %div3A_1818 = vector.broadcast %div3A_1817 : f32 to vector<16xf32>
    %div3A_1819 = arith.divf %convert_element_type3A_1816, %div3A_1818 : vector<16xf32>
    %swap3A_1820 = arith.constant 64 : index
    %swap3A_1821 = tpu.vector_load %arg18[%swap3A_1820] {strides = array<i32>} : memref<256xf32, #tpu.memory_space<vmem>>, vector<16xf32>,
    tpu.vector_store %arg18[%swap3A_1820], %div3A_1819 {strides = array<i32>} : memref<256xf32, #tpu.memory_space<vmem>>, vector<16xf32>,
    %sub3A_1822 = vector.broadcast %squeeze3A_1784 : i32 to vector<16xi32>
    %sub3A_1823 = arith.subi %add3A_1690, %sub3A_1822 : vector<16xi32>
    %convert_element_type3A_1824 = arith.sitofp %sub3A_1823 : vector<16xi32> to vector<16xf32>
    %div3A_1825 = arith.constant 2.621430e+05 : f32
    %div3A_1826 = vector.broadcast %div3A_1825 : f32 to vector<16xf32>
    %div3A_1827 = arith.divf %convert_element_type3A_1824, %div3A_1826 : vector<16xf32>
    %swap3A_1828 = arith.constant 80 : index
    %swap3A_1829 = tpu.vector_load %arg18[%swap3A_1828] {strides = array<i32>} : memref<256xf32, #tpu.memory_space<vmem>>, vector<16xf32>,
    tpu.vector_store %arg18[%swap3A_1828], %div3A_1827 {strides = array<i32>} : memref<256xf32, #tpu.memory_space<vmem>>, vector<16xf32>,
    %sub3A_1830 = vector.broadcast %squeeze3A_1784 : i32 to vector<16xi32>
    %sub3A_1831 = arith.subi %add3A_1699, %sub3A_1830 : vector<16xi32>
    %convert_element_type3A_1832 = arith.sitofp %sub3A_1831 : vector<16xi32> to vector<16xf32>
    %div3A_1833 = arith.constant 2.621430e+05 : f32
    %div3A_1834 = vector.broadcast %div3A_1833 : f32 to vector<16xf32>
    %div3A_1835 = arith.divf %convert_element_type3A_1832, %div3A_1834 : vector<16xf32>
    %swap3A_1836 = arith.constant 96 : index
    %swap3A_1837 = tpu.vector_load %arg18[%swap3A_1836] {strides = array<i32>} : memref<256xf32, #tpu.memory_space<vmem>>, vector<16xf32>,
    tpu.vector_store %arg18[%swap3A_1836], %div3A_1835 {strides = array<i32>} : memref<256xf32, #tpu.memory_space<vmem>>, vector<16xf32>,
    %sub3A_1838 = vector.broadcast %squeeze3A_1784 : i32 to vector<16xi32>
    %sub3A_1839 = arith.subi %add3A_1708, %sub3A_1838 : vector<16xi32>
    %convert_element_type3A_1840 = arith.sitofp %sub3A_1839 : vector<16xi32> to vector<16xf32>
    %div3A_1841 = arith.constant 2.621430e+05 : f32
    %div3A_1842 = vector.broadcast %div3A_1841 : f32 to vector<16xf32>
    %div3A_1843 = arith.divf %convert_element_type3A_1840, %div3A_1842 : vector<16xf32>
    %swap3A_1844 = arith.constant 112 : index
    %swap3A_1845 = tpu.vector_load %arg18[%swap3A_1844] {strides = array<i32>} : memref<256xf32, #tpu.memory_space<vmem>>, vector<16xf32>,
    tpu.vector_store %arg18[%swap3A_1844], %div3A_1843 {strides = array<i32>} : memref<256xf32, #tpu.memory_space<vmem>>, vector<16xf32>,
    %sub3A_1846 = vector.broadcast %squeeze3A_1784 : i32 to vector<16xi32>
    %sub3A_1847 = arith.subi %add3A_1717, %sub3A_1846 : vector<16xi32>
    %convert_element_type3A_1848 = arith.sitofp %sub3A_1847 : vector<16xi32> to vector<16xf32>
    %div3A_1849 = arith.constant 2.621430e+05 : f32
    %div3A_1850 = vector.broadcast %div3A_1849 : f32 to vector<16xf32>
    %div3A_1851 = arith.divf %convert_element_type3A_1848, %div3A_1850 : vector<16xf32>
    %swap3A_1852 = arith.constant 128 : index
    %swap3A_1853 = tpu.vector_load %arg18[%swap3A_1852] {strides = array<i32>} : memref<256xf32, #tpu.memory_space<vmem>>, vector<16xf32>,
    tpu.vector_store %arg18[%swap3A_1852], %div3A_1851 {strides = array<i32>} : memref<256xf32, #tpu.memory_space<vmem>>, vector<16xf32>,
    %sub3A_1854 = vector.broadcast %squeeze3A_1784 : i32 to vector<16xi32>
    %sub3A_1855 = arith.subi %add3A_1726, %sub3A_1854 : vector<16xi32>
    %convert_element_type3A_1856 = arith.sitofp %sub3A_1855 : vector<16xi32> to vector<16xf32>
    %div3A_1857 = arith.constant 2.621430e+05 : f32
    %div3A_1858 = vector.broadcast %div3A_1857 : f32 to vector<16xf32>
    %div3A_1859 = arith.divf %convert_element_type3A_1856, %div3A_1858 : vector<16xf32>
    %swap3A_1860 = arith.constant 144 : index
    %swap3A_1861 = tpu.vector_load %arg18[%swap3A_1860] {strides = array<i32>} : memref<256xf32, #tpu.memory_space<vmem>>, vector<16xf32>,
    tpu.vector_store %arg18[%swap3A_1860], %div3A_1859 {strides = array<i32>} : memref<256xf32, #tpu.memory_space<vmem>>, vector<16xf32>,
    %sub3A_1862 = vector.broadcast %squeeze3A_1784 : i32 to vector<16xi32>
    %sub3A_1863 = arith.subi %add3A_1735, %sub3A_1862 : vector<16xi32>
    %convert_element_type3A_1864 = arith.sitofp %sub3A_1863 : vector<16xi32> to vector<16xf32>
    %div3A_1865 = arith.constant 2.621430e+05 : f32
    %div3A_1866 = vector.broadcast %div3A_1865 : f32 to vector<16xf32>
    %div3A_1867 = arith.divf %convert_element_type3A_1864, %div3A_1866 : vector<16xf32>
    %swap3A_1868 = arith.constant 160 : index
    %swap3A_1869 = tpu.vector_load %arg18[%swap3A_1868] {strides = array<i32>} : memref<256xf32, #tpu.memory_space<vmem>>, vector<16xf32>,
    tpu.vector_store %arg18[%swap3A_1868], %div3A_1867 {strides = array<i32>} : memref<256xf32, #tpu.memory_space<vmem>>, vector<16xf32>,
    %sub3A_1870 = vector.broadcast %squeeze3A_1784 : i32 to vector<16xi32>
    %sub3A_1871 = arith.subi %add3A_1744, %sub3A_1870 : vector<16xi32>
    %convert_element_type3A_1872 = arith.sitofp %sub3A_1871 : vector<16xi32> to vector<16xf32>
    %div3A_1873 = arith.constant 2.621430e+05 : f32
    %div3A_1874 = vector.broadcast %div3A_1873 : f32 to vector<16xf32>
    %div3A_1875 = arith.divf %convert_element_type3A_1872, %div3A_1874 : vector<16xf32>
    %swap3A_1876 = arith.constant 176 : index
    %swap3A_1877 = tpu.vector_load %arg18[%swap3A_1876] {strides = array<i32>} : memref<256xf32, #tpu.memory_space<vmem>>, vector<16xf32>,
    tpu.vector_store %arg18[%swap3A_1876], %div3A_1875 {strides = array<i32>} : memref<256xf32, #tpu.memory_space<vmem>>, vector<16xf32>,
    %sub3A_1878 = vector.broadcast %squeeze3A_1784 : i32 to vector<16xi32>
    %sub3A_1879 = arith.subi %add3A_1753, %sub3A_1878 : vector<16xi32>
    %convert_element_type3A_1880 = arith.sitofp %sub3A_1879 : vector<16xi32> to vector<16xf32>
    %div3A_1881 = arith.constant 2.621430e+05 : f32
    %div3A_1882 = vector.broadcast %div3A_1881 : f32 to vector<16xf32>
    %div3A_1883 = arith.divf %convert_element_type3A_1880, %div3A_1882 : vector<16xf32>
    %swap3A_1884 = arith.constant 192 : index
    %swap3A_1885 = tpu.vector_load %arg18[%swap3A_1884] {strides = array<i32>} : memref<256xf32, #tpu.memory_space<vmem>>, vector<16xf32>,
    tpu.vector_store %arg18[%swap3A_1884], %div3A_1883 {strides = array<i32>} : memref<256xf32, #tpu.memory_space<vmem>>, vector<16xf32>,
    %sub3A_1886 = vector.broadcast %squeeze3A_1784 : i32 to vector<16xi32>
    %sub3A_1887 = arith.subi %add3A_1762, %sub3A_1886 : vector<16xi32>
    %convert_element_type3A_1888 = arith.sitofp %sub3A_1887 : vector<16xi32> to vector<16xf32>
    %div3A_1889 = arith.constant 2.621430e+05 : f32
    %div3A_1890 = vector.broadcast %div3A_1889 : f32 to vector<16xf32>
    %div3A_1891 = arith.divf %convert_element_type3A_1888, %div3A_1890 : vector<16xf32>
    %swap3A_1892 = arith.constant 208 : index
    %swap3A_1893 = tpu.vector_load %arg18[%swap3A_1892] {strides = array<i32>} : memref<256xf32, #tpu.memory_space<vmem>>, vector<16xf32>,
    tpu.vector_store %arg18[%swap3A_1892], %div3A_1891 {strides = array<i32>} : memref<256xf32, #tpu.memory_space<vmem>>, vector<16xf32>,
    %sub3A_1894 = vector.broadcast %squeeze3A_1784 : i32 to vector<16xi32>
    %sub3A_1895 = arith.subi %add3A_1771, %sub3A_1894 : vector<16xi32>
    %convert_element_type3A_1896 = arith.sitofp %sub3A_1895 : vector<16xi32> to vector<16xf32>
    %div3A_1897 = arith.constant 2.621430e+05 : f32
    %div3A_1898 = vector.broadcast %div3A_1897 : f32 to vector<16xf32>
    %div3A_1899 = arith.divf %convert_element_type3A_1896, %div3A_1898 : vector<16xf32>
    %swap3A_1900 = arith.constant 224 : index
    %swap3A_1901 = tpu.vector_load %arg18[%swap3A_1900] {strides = array<i32>} : memref<256xf32, #tpu.memory_space<vmem>>, vector<16xf32>,
    tpu.vector_store %arg18[%swap3A_1900], %div3A_1899 {strides = array<i32>} : memref<256xf32, #tpu.memory_space<vmem>>, vector<16xf32>,
    %sub3A_1902 = vector.broadcast %squeeze3A_1784 : i32 to vector<16xi32>
    %sub3A_1903 = arith.subi %add3A_1780, %sub3A_1902 : vector<16xi32>
    %convert_element_type3A_1904 = arith.sitofp %sub3A_1903 : vector<16xi32> to vector<16xf32>
    %div3A_1905 = arith.constant 2.621430e+05 : f32
    %div3A_1906 = vector.broadcast %div3A_1905 : f32 to vector<16xf32>
    %div3A_1907 = arith.divf %convert_element_type3A_1904, %div3A_1906 : vector<16xf32>
    %swap3A_1908 = arith.constant 240 : index
    %swap3A_1909 = tpu.vector_load %arg18[%swap3A_1908] {strides = array<i32>} : memref<256xf32, #tpu.memory_space<vmem>>, vector<16xf32>,
    tpu.vector_store %arg18[%swap3A_1908], %div3A_1907 {strides = array<i32>} : memref<256xf32, #tpu.memory_space<vmem>>, vector<16xf32>,
    %get3A_1910 = arith.constant 0 : index
    %get3A_1911 = tpu.vector_load %arg15[%get3A_1910] {strides = array<i32>} : memref<256xi32, #tpu.memory_space<vmem>>, vector<16xi32>,
    %broadcast_in_dim3A_1912 = arith.constant true
    %broadcast_in_dim3A_1913 = vector.broadcast %broadcast_in_dim3A_1912 : i1 to vector<16xi1>
    %masked_cumsum3A_1914 = tpu.scan <sum>, %get3A_1911 masked %broadcast_in_dim3A_1913 : vector<16xi32>, vector<16xi1> -> vector<16xi32>
    %add3A_1915 = arith.constant 0 : i32
    %add3A_1916 = vector.broadcast %add3A_1915 : i32 to vector<16xi32>
    %add3A_1917 = arith.addi %masked_cumsum3A_1914, %add3A_1916 : vector<16xi32>
    %slice3A_1918 = vector.extract_strided_slice %add3A_1917 {offsets = [15], sizes = [1], strides = [1]} : vector<16xi32> to vector<1xi32>
    %squeeze3A_1919 = vector.extract %slice3A_1918[0] : i32 from vector<1xi32>
    %get3A_1920 = arith.constant 16 : index
    %get3A_1921 = tpu.vector_load %arg15[%get3A_1920] {strides = array<i32>} : memref<256xi32, #tpu.memory_space<vmem>>, vector<16xi32>,
    %broadcast_in_dim3A_1922 = arith.constant true
    %broadcast_in_dim3A_1923 = vector.broadcast %broadcast_in_dim3A_1922 : i1 to vector<16xi1>
    %masked_cumsum3A_1924 = tpu.scan <sum>, %get3A_1921 masked %broadcast_in_dim3A_1923 : vector<16xi32>, vector<16xi1> -> vector<16xi32>
    %add3A_1925 = vector.broadcast %squeeze3A_1919 : i32 to vector<16xi32>
    %add3A_1926 = arith.addi %masked_cumsum3A_1924, %add3A_1925 : vector<16xi32>
    %slice3A_1927 = vector.extract_strided_slice %add3A_1926 {offsets = [15], sizes = [1], strides = [1]} : vector<16xi32> to vector<1xi32>
    %squeeze3A_1928 = vector.extract %slice3A_1927[0] : i32 from vector<1xi32>
    %get3A_1929 = arith.constant 32 : index
    %get3A_1930 = tpu.vector_load %arg15[%get3A_1929] {strides = array<i32>} : memref<256xi32, #tpu.memory_space<vmem>>, vector<16xi32>,
    %broadcast_in_dim3A_1931 = arith.constant true
    %broadcast_in_dim3A_1932 = vector.broadcast %broadcast_in_dim3A_1931 : i1 to vector<16xi1>
    %masked_cumsum3A_1933 = tpu.scan <sum>, %get3A_1930 masked %broadcast_in_dim3A_1932 : vector<16xi32>, vector<16xi1> -> vector<16xi32>
    %add3A_1934 = vector.broadcast %squeeze3A_1928 : i32 to vector<16xi32>
    %add3A_1935 = arith.addi %masked_cumsum3A_1933, %add3A_1934 : vector<16xi32>
    %slice3A_1936 = vector.extract_strided_slice %add3A_1935 {offsets = [15], sizes = [1], strides = [1]} : vector<16xi32> to vector<1xi32>
    %squeeze3A_1937 = vector.extract %slice3A_1936[0] : i32 from vector<1xi32>
    %get3A_1938 = arith.constant 48 : index
    %get3A_1939 = tpu.vector_load %arg15[%get3A_1938] {strides = array<i32>} : memref<256xi32, #tpu.memory_space<vmem>>, vector<16xi32>,
    %broadcast_in_dim3A_1940 = arith.constant true
    %broadcast_in_dim3A_1941 = vector.broadcast %broadcast_in_dim3A_1940 : i1 to vector<16xi1>
    %masked_cumsum3A_1942 = tpu.scan <sum>, %get3A_1939 masked %broadcast_in_dim3A_1941 : vector<16xi32>, vector<16xi1> -> vector<16xi32>
    %add3A_1943 = vector.broadcast %squeeze3A_1937 : i32 to vector<16xi32>
    %add3A_1944 = arith.addi %masked_cumsum3A_1942, %add3A_1943 : vector<16xi32>
    %slice3A_1945 = vector.extract_strided_slice %add3A_1944 {offsets = [15], sizes = [1], strides = [1]} : vector<16xi32> to vector<1xi32>
    %squeeze3A_1946 = vector.extract %slice3A_1945[0] : i32 from vector<1xi32>
    %get3A_1947 = arith.constant 64 : index
    %get3A_1948 = tpu.vector_load %arg15[%get3A_1947] {strides = array<i32>} : memref<256xi32, #tpu.memory_space<vmem>>, vector<16xi32>,
    %broadcast_in_dim3A_1949 = arith.constant true
    %broadcast_in_dim3A_1950 = vector.broadcast %broadcast_in_dim3A_1949 : i1 to vector<16xi1>
    %masked_cumsum3A_1951 = tpu.scan <sum>, %get3A_1948 masked %broadcast_in_dim3A_1950 : vector<16xi32>, vector<16xi1> -> vector<16xi32>
    %add3A_1952 = vector.broadcast %squeeze3A_1946 : i32 to vector<16xi32>
    %add3A_1953 = arith.addi %masked_cumsum3A_1951, %add3A_1952 : vector<16xi32>
    %slice3A_1954 = vector.extract_strided_slice %add3A_1953 {offsets = [15], sizes = [1], strides = [1]} : vector<16xi32> to vector<1xi32>
    %squeeze3A_1955 = vector.extract %slice3A_1954[0] : i32 from vector<1xi32>
    %get3A_1956 = arith.constant 80 : index
    %get3A_1957 = tpu.vector_load %arg15[%get3A_1956] {strides = array<i32>} : memref<256xi32, #tpu.memory_space<vmem>>, vector<16xi32>,
    %broadcast_in_dim3A_1958 = arith.constant true
    %broadcast_in_dim3A_1959 = vector.broadcast %broadcast_in_dim3A_1958 : i1 to vector<16xi1>
    %masked_cumsum3A_1960 = tpu.scan <sum>, %get3A_1957 masked %broadcast_in_dim3A_1959 : vector<16xi32>, vector<16xi1> -> vector<16xi32>
    %add3A_1961 = vector.broadcast %squeeze3A_1955 : i32 to vector<16xi32>
    %add3A_1962 = arith.addi %masked_cumsum3A_1960, %add3A_1961 : vector<16xi32>
    %slice3A_1963 = vector.extract_strided_slice %add3A_1962 {offsets = [15], sizes = [1], strides = [1]} : vector<16xi32> to vector<1xi32>
    %squeeze3A_1964 = vector.extract %slice3A_1963[0] : i32 from vector<1xi32>
    %get3A_1965 = arith.constant 96 : index
    %get3A_1966 = tpu.vector_load %arg15[%get3A_1965] {strides = array<i32>} : memref<256xi32, #tpu.memory_space<vmem>>, vector<16xi32>,
    %broadcast_in_dim3A_1967 = arith.constant true
    %broadcast_in_dim3A_1968 = vector.broadcast %broadcast_in_dim3A_1967 : i1 to vector<16xi1>
    %masked_cumsum3A_1969 = tpu.scan <sum>, %get3A_1966 masked %broadcast_in_dim3A_1968 : vector<16xi32>, vector<16xi1> -> vector<16xi32>
    %add3A_1970 = vector.broadcast %squeeze3A_1964 : i32 to vector<16xi32>
    %add3A_1971 = arith.addi %masked_cumsum3A_1969, %add3A_1970 : vector<16xi32>
    %slice3A_1972 = vector.extract_strided_slice %add3A_1971 {offsets = [15], sizes = [1], strides = [1]} : vector<16xi32> to vector<1xi32>
    %squeeze3A_1973 = vector.extract %slice3A_1972[0] : i32 from vector<1xi32>
    %get3A_1974 = arith.constant 112 : index
    %get3A_1975 = tpu.vector_load %arg15[%get3A_1974] {strides = array<i32>} : memref<256xi32, #tpu.memory_space<vmem>>, vector<16xi32>,
    %broadcast_in_dim3A_1976 = arith.constant true
    %broadcast_in_dim3A_1977 = vector.broadcast %broadcast_in_dim3A_1976 : i1 to vector<16xi1>
    %masked_cumsum3A_1978 = tpu.scan <sum>, %get3A_1975 masked %broadcast_in_dim3A_1977 : vector<16xi32>, vector<16xi1> -> vector<16xi32>
    %add3A_1979 = vector.broadcast %squeeze3A_1973 : i32 to vector<16xi32>
    %add3A_1980 = arith.addi %masked_cumsum3A_1978, %add3A_1979 : vector<16xi32>
    %slice3A_1981 = vector.extract_strided_slice %add3A_1980 {offsets = [15], sizes = [1], strides = [1]} : vector<16xi32> to vector<1xi32>
    %squeeze3A_1982 = vector.extract %slice3A_1981[0] : i32 from vector<1xi32>
    %get3A_1983 = arith.constant 128 : index
    %get3A_1984 = tpu.vector_load %arg15[%get3A_1983] {strides = array<i32>} : memref<256xi32, #tpu.memory_space<vmem>>, vector<16xi32>,
    %broadcast_in_dim3A_1985 = arith.constant true
    %broadcast_in_dim3A_1986 = vector.broadcast %broadcast_in_dim3A_1985 : i1 to vector<16xi1>
    %masked_cumsum3A_1987 = tpu.scan <sum>, %get3A_1984 masked %broadcast_in_dim3A_1986 : vector<16xi32>, vector<16xi1> -> vector<16xi32>
    %add3A_1988 = vector.broadcast %squeeze3A_1982 : i32 to vector<16xi32>
    %add3A_1989 = arith.addi %masked_cumsum3A_1987, %add3A_1988 : vector<16xi32>
    %slice3A_1990 = vector.extract_strided_slice %add3A_1989 {offsets = [15], sizes = [1], strides = [1]} : vector<16xi32> to vector<1xi32>
    %squeeze3A_1991 = vector.extract %slice3A_1990[0] : i32 from vector<1xi32>
    %get3A_1992 = arith.constant 144 : index
    %get3A_1993 = tpu.vector_load %arg15[%get3A_1992] {strides = array<i32>} : memref<256xi32, #tpu.memory_space<vmem>>, vector<16xi32>,
    %broadcast_in_dim3A_1994 = arith.constant true
    %broadcast_in_dim3A_1995 = vector.broadcast %broadcast_in_dim3A_1994 : i1 to vector<16xi1>
    %masked_cumsum3A_1996 = tpu.scan <sum>, %get3A_1993 masked %broadcast_in_dim3A_1995 : vector<16xi32>, vector<16xi1> -> vector<16xi32>
    %add3A_1997 = vector.broadcast %squeeze3A_1991 : i32 to vector<16xi32>
    %add3A_1998 = arith.addi %masked_cumsum3A_1996, %add3A_1997 : vector<16xi32>
    %slice3A_1999 = vector.extract_strided_slice %add3A_1998 {offsets = [15], sizes = [1], strides = [1]} : vector<16xi32> to vector<1xi32>
    %squeeze3A_2000 = vector.extract %slice3A_1999[0] : i32 from vector<1xi32>
    %get3A_2001 = arith.constant 160 : index
    %get3A_2002 = tpu.vector_load %arg15[%get3A_2001] {strides = array<i32>} : memref<256xi32, #tpu.memory_space<vmem>>, vector<16xi32>,
    %broadcast_in_dim3A_2003 = arith.constant true
    %broadcast_in_dim3A_2004 = vector.broadcast %broadcast_in_dim3A_2003 : i1 to vector<16xi1>
    %masked_cumsum3A_2005 = tpu.scan <sum>, %get3A_2002 masked %broadcast_in_dim3A_2004 : vector<16xi32>, vector<16xi1> -> vector<16xi32>
    %add3A_2006 = vector.broadcast %squeeze3A_2000 : i32 to vector<16xi32>
    %add3A_2007 = arith.addi %masked_cumsum3A_2005, %add3A_2006 : vector<16xi32>
    %slice3A_2008 = vector.extract_strided_slice %add3A_2007 {offsets = [15], sizes = [1], strides = [1]} : vector<16xi32> to vector<1xi32>
    %squeeze3A_2009 = vector.extract %slice3A_2008[0] : i32 from vector<1xi32>
    %get3A_2010 = arith.constant 176 : index
    %get3A_2011 = tpu.vector_load %arg15[%get3A_2010] {strides = array<i32>} : memref<256xi32, #tpu.memory_space<vmem>>, vector<16xi32>,
    %broadcast_in_dim3A_2012 = arith.constant true
    %broadcast_in_dim3A_2013 = vector.broadcast %broadcast_in_dim3A_2012 : i1 to vector<16xi1>
    %masked_cumsum3A_2014 = tpu.scan <sum>, %get3A_2011 masked %broadcast_in_dim3A_2013 : vector<16xi32>, vector<16xi1> -> vector<16xi32>
    %add3A_2015 = vector.broadcast %squeeze3A_2009 : i32 to vector<16xi32>
    %add3A_2016 = arith.addi %masked_cumsum3A_2014, %add3A_2015 : vector<16xi32>
    %slice3A_2017 = vector.extract_strided_slice %add3A_2016 {offsets = [15], sizes = [1], strides = [1]} : vector<16xi32> to vector<1xi32>
    %squeeze3A_2018 = vector.extract %slice3A_2017[0] : i32 from vector<1xi32>
    %get3A_2019 = arith.constant 192 : index
    %get3A_2020 = tpu.vector_load %arg15[%get3A_2019] {strides = array<i32>} : memref<256xi32, #tpu.memory_space<vmem>>, vector<16xi32>,
    %broadcast_in_dim3A_2021 = arith.constant true
    %broadcast_in_dim3A_2022 = vector.broadcast %broadcast_in_dim3A_2021 : i1 to vector<16xi1>
    %masked_cumsum3A_2023 = tpu.scan <sum>, %get3A_2020 masked %broadcast_in_dim3A_2022 : vector<16xi32>, vector<16xi1> -> vector<16xi32>
    %add3A_2024 = vector.broadcast %squeeze3A_2018 : i32 to vector<16xi32>
    %add3A_2025 = arith.addi %masked_cumsum3A_2023, %add3A_2024 : vector<16xi32>
    %slice3A_2026 = vector.extract_strided_slice %add3A_2025 {offsets = [15], sizes = [1], strides = [1]} : vector<16xi32> to vector<1xi32>
    %squeeze3A_2027 = vector.extract %slice3A_2026[0] : i32 from vector<1xi32>
    %get3A_2028 = arith.constant 208 : index
    %get3A_2029 = tpu.vector_load %arg15[%get3A_2028] {strides = array<i32>} : memref<256xi32, #tpu.memory_space<vmem>>, vector<16xi32>,
    %broadcast_in_dim3A_2030 = arith.constant true
    %broadcast_in_dim3A_2031 = vector.broadcast %broadcast_in_dim3A_2030 : i1 to vector<16xi1>
    %masked_cumsum3A_2032 = tpu.scan <sum>, %get3A_2029 masked %broadcast_in_dim3A_2031 : vector<16xi32>, vector<16xi1> -> vector<16xi32>
    %add3A_2033 = vector.broadcast %squeeze3A_2027 : i32 to vector<16xi32>
    %add3A_2034 = arith.addi %masked_cumsum3A_2032, %add3A_2033 : vector<16xi32>
    %slice3A_2035 = vector.extract_strided_slice %add3A_2034 {offsets = [15], sizes = [1], strides = [1]} : vector<16xi32> to vector<1xi32>
    %squeeze3A_2036 = vector.extract %slice3A_2035[0] : i32 from vector<1xi32>
    %get3A_2037 = arith.constant 224 : index
    %get3A_2038 = tpu.vector_load %arg15[%get3A_2037] {strides = array<i32>} : memref<256xi32, #tpu.memory_space<vmem>>, vector<16xi32>,
    %broadcast_in_dim3A_2039 = arith.constant true
    %broadcast_in_dim3A_2040 = vector.broadcast %broadcast_in_dim3A_2039 : i1 to vector<16xi1>
    %masked_cumsum3A_2041 = tpu.scan <sum>, %get3A_2038 masked %broadcast_in_dim3A_2040 : vector<16xi32>, vector<16xi1> -> vector<16xi32>
    %add3A_2042 = vector.broadcast %squeeze3A_2036 : i32 to vector<16xi32>
    %add3A_2043 = arith.addi %masked_cumsum3A_2041, %add3A_2042 : vector<16xi32>
    %slice3A_2044 = vector.extract_strided_slice %add3A_2043 {offsets = [15], sizes = [1], strides = [1]} : vector<16xi32> to vector<1xi32>
    %squeeze3A_2045 = vector.extract %slice3A_2044[0] : i32 from vector<1xi32>
    %get3A_2046 = arith.constant 240 : index
    %get3A_2047 = tpu.vector_load %arg15[%get3A_2046] {strides = array<i32>} : memref<256xi32, #tpu.memory_space<vmem>>, vector<16xi32>,
    %broadcast_in_dim3A_2048 = arith.constant true
    %broadcast_in_dim3A_2049 = vector.broadcast %broadcast_in_dim3A_2048 : i1 to vector<16xi1>
    %masked_cumsum3A_2050 = tpu.scan <sum>, %get3A_2047 masked %broadcast_in_dim3A_2049 : vector<16xi32>, vector<16xi1> -> vector<16xi32>
    %add3A_2051 = vector.broadcast %squeeze3A_2045 : i32 to vector<16xi32>
    %add3A_2052 = arith.addi %masked_cumsum3A_2050, %add3A_2051 : vector<16xi32>
    %slice3A_2053 = vector.extract_strided_slice %add3A_2052 {offsets = [15], sizes = [1], strides = [1]} : vector<16xi32> to vector<1xi32>
    %squeeze3A_2054 = vector.extract %slice3A_2053[0] : i32 from vector<1xi32>
    %slice3A_2055 = vector.extract_strided_slice %add3A_1917 {offsets = [0], sizes = [1], strides = [1]} : vector<16xi32> to vector<1xi32>
    %squeeze3A_2056 = vector.extract %slice3A_2055[0] : i32 from vector<1xi32>
    %sub3A_2057 = vector.broadcast %squeeze3A_2056 : i32 to vector<16xi32>
    %sub3A_2058 = arith.subi %add3A_1917, %sub3A_2057 : vector<16xi32>
    %convert_element_type3A_2059 = arith.sitofp %sub3A_2058 : vector<16xi32> to vector<16xf32>
    %div3A_2060 = arith.constant 2.621430e+05 : f32
    %div3A_2061 = vector.broadcast %div3A_2060 : f32 to vector<16xf32>
    %div3A_2062 = arith.divf %convert_element_type3A_2059, %div3A_2061 : vector<16xf32>
    %swap3A_2063 = arith.constant 0 : index
    %swap3A_2064 = tpu.vector_load %arg19[%swap3A_2063] {strides = array<i32>} : memref<256xf32, #tpu.memory_space<vmem>>, vector<16xf32>,
    tpu.vector_store %arg19[%swap3A_2063], %div3A_2062 {strides = array<i32>} : memref<256xf32, #tpu.memory_space<vmem>>, vector<16xf32>,
    %sub3A_2065 = vector.broadcast %squeeze3A_2056 : i32 to vector<16xi32>
    %sub3A_2066 = arith.subi %add3A_1926, %sub3A_2065 : vector<16xi32>
    %convert_element_type3A_2067 = arith.sitofp %sub3A_2066 : vector<16xi32> to vector<16xf32>
    %div3A_2068 = arith.constant 2.621430e+05 : f32
    %div3A_2069 = vector.broadcast %div3A_2068 : f32 to vector<16xf32>
    %div3A_2070 = arith.divf %convert_element_type3A_2067, %div3A_2069 : vector<16xf32>
    %swap3A_2071 = arith.constant 16 : index
    %swap3A_2072 = tpu.vector_load %arg19[%swap3A_2071] {strides = array<i32>} : memref<256xf32, #tpu.memory_space<vmem>>, vector<16xf32>,
    tpu.vector_store %arg19[%swap3A_2071], %div3A_2070 {strides = array<i32>} : memref<256xf32, #tpu.memory_space<vmem>>, vector<16xf32>,
    %sub3A_2073 = vector.broadcast %squeeze3A_2056 : i32 to vector<16xi32>
    %sub3A_2074 = arith.subi %add3A_1935, %sub3A_2073 : vector<16xi32>
    %convert_element_type3A_2075 = arith.sitofp %sub3A_2074 : vector<16xi32> to vector<16xf32>
    %div3A_2076 = arith.constant 2.621430e+05 : f32
    %div3A_2077 = vector.broadcast %div3A_2076 : f32 to vector<16xf32>
    %div3A_2078 = arith.divf %convert_element_type3A_2075, %div3A_2077 : vector<16xf32>
    %swap3A_2079 = arith.constant 32 : index
    %swap3A_2080 = tpu.vector_load %arg19[%swap3A_2079] {strides = array<i32>} : memref<256xf32, #tpu.memory_space<vmem>>, vector<16xf32>,
    tpu.vector_store %arg19[%swap3A_2079], %div3A_2078 {strides = array<i32>} : memref<256xf32, #tpu.memory_space<vmem>>, vector<16xf32>,
    %sub3A_2081 = vector.broadcast %squeeze3A_2056 : i32 to vector<16xi32>
    %sub3A_2082 = arith.subi %add3A_1944, %sub3A_2081 : vector<16xi32>
    %convert_element_type3A_2083 = arith.sitofp %sub3A_2082 : vector<16xi32> to vector<16xf32>
    %div3A_2084 = arith.constant 2.621430e+05 : f32
    %div3A_2085 = vector.broadcast %div3A_2084 : f32 to vector<16xf32>
    %div3A_2086 = arith.divf %convert_element_type3A_2083, %div3A_2085 : vector<16xf32>
    %swap3A_2087 = arith.constant 48 : index
    %swap3A_2088 = tpu.vector_load %arg19[%swap3A_2087] {strides = array<i32>} : memref<256xf32, #tpu.memory_space<vmem>>, vector<16xf32>,
    tpu.vector_store %arg19[%swap3A_2087], %div3A_2086 {strides = array<i32>} : memref<256xf32, #tpu.memory_space<vmem>>, vector<16xf32>,
    %sub3A_2089 = vector.broadcast %squeeze3A_2056 : i32 to vector<16xi32>
    %sub3A_2090 = arith.subi %add3A_1953, %sub3A_2089 : vector<16xi32>
    %convert_element_type3A_2091 = arith.sitofp %sub3A_2090 : vector<16xi32> to vector<16xf32>
    %div3A_2092 = arith.constant 2.621430e+05 : f32
    %div3A_2093 = vector.broadcast %div3A_2092 : f32 to vector<16xf32>
    %div3A_2094 = arith.divf %convert_element_type3A_2091, %div3A_2093 : vector<16xf32>
    %swap3A_2095 = arith.constant 64 : index
    %swap3A_2096 = tpu.vector_load %arg19[%swap3A_2095] {strides = array<i32>} : memref<256xf32, #tpu.memory_space<vmem>>, vector<16xf32>,
    tpu.vector_store %arg19[%swap3A_2095], %div3A_2094 {strides = array<i32>} : memref<256xf32, #tpu.memory_space<vmem>>, vector<16xf32>,
    %sub3A_2097 = vector.broadcast %squeeze3A_2056 : i32 to vector<16xi32>
    %sub3A_2098 = arith.subi %add3A_1962, %sub3A_2097 : vector<16xi32>
    %convert_element_type3A_2099 = arith.sitofp %sub3A_2098 : vector<16xi32> to vector<16xf32>
    %div3A_2100 = arith.constant 2.621430e+05 : f32
    %div3A_2101 = vector.broadcast %div3A_2100 : f32 to vector<16xf32>
    %div3A_2102 = arith.divf %convert_element_type3A_2099, %div3A_2101 : vector<16xf32>
    %swap3A_2103 = arith.constant 80 : index
    %swap3A_2104 = tpu.vector_load %arg19[%swap3A_2103] {strides = array<i32>} : memref<256xf32, #tpu.memory_space<vmem>>, vector<16xf32>,
    tpu.vector_store %arg19[%swap3A_2103], %div3A_2102 {strides = array<i32>} : memref<256xf32, #tpu.memory_space<vmem>>, vector<16xf32>,
    %sub3A_2105 = vector.broadcast %squeeze3A_2056 : i32 to vector<16xi32>
    %sub3A_2106 = arith.subi %add3A_1971, %sub3A_2105 : vector<16xi32>
    %convert_element_type3A_2107 = arith.sitofp %sub3A_2106 : vector<16xi32> to vector<16xf32>
    %div3A_2108 = arith.constant 2.621430e+05 : f32
    %div3A_2109 = vector.broadcast %div3A_2108 : f32 to vector<16xf32>
    %div3A_2110 = arith.divf %convert_element_type3A_2107, %div3A_2109 : vector<16xf32>
    %swap3A_2111 = arith.constant 96 : index
    %swap3A_2112 = tpu.vector_load %arg19[%swap3A_2111] {strides = array<i32>} : memref<256xf32, #tpu.memory_space<vmem>>, vector<16xf32>,
    tpu.vector_store %arg19[%swap3A_2111], %div3A_2110 {strides = array<i32>} : memref<256xf32, #tpu.memory_space<vmem>>, vector<16xf32>,
    %sub3A_2113 = vector.broadcast %squeeze3A_2056 : i32 to vector<16xi32>
    %sub3A_2114 = arith.subi %add3A_1980, %sub3A_2113 : vector<16xi32>
    %convert_element_type3A_2115 = arith.sitofp %sub3A_2114 : vector<16xi32> to vector<16xf32>
    %div3A_2116 = arith.constant 2.621430e+05 : f32
    %div3A_2117 = vector.broadcast %div3A_2116 : f32 to vector<16xf32>
    %div3A_2118 = arith.divf %convert_element_type3A_2115, %div3A_2117 : vector<16xf32>
    %swap3A_2119 = arith.constant 112 : index
    %swap3A_2120 = tpu.vector_load %arg19[%swap3A_2119] {strides = array<i32>} : memref<256xf32, #tpu.memory_space<vmem>>, vector<16xf32>,
    tpu.vector_store %arg19[%swap3A_2119], %div3A_2118 {strides = array<i32>} : memref<256xf32, #tpu.memory_space<vmem>>, vector<16xf32>,
    %sub3A_2121 = vector.broadcast %squeeze3A_2056 : i32 to vector<16xi32>
    %sub3A_2122 = arith.subi %add3A_1989, %sub3A_2121 : vector<16xi32>
    %convert_element_type3A_2123 = arith.sitofp %sub3A_2122 : vector<16xi32> to vector<16xf32>
    %div3A_2124 = arith.constant 2.621430e+05 : f32
    %div3A_2125 = vector.broadcast %div3A_2124 : f32 to vector<16xf32>
    %div3A_2126 = arith.divf %convert_element_type3A_2123, %div3A_2125 : vector<16xf32>
    %swap3A_2127 = arith.constant 128 : index
    %swap3A_2128 = tpu.vector_load %arg19[%swap3A_2127] {strides = array<i32>} : memref<256xf32, #tpu.memory_space<vmem>>, vector<16xf32>,
    tpu.vector_store %arg19[%swap3A_2127], %div3A_2126 {strides = array<i32>} : memref<256xf32, #tpu.memory_space<vmem>>, vector<16xf32>,
    %sub3A_2129 = vector.broadcast %squeeze3A_2056 : i32 to vector<16xi32>
    %sub3A_2130 = arith.subi %add3A_1998, %sub3A_2129 : vector<16xi32>
    %convert_element_type3A_2131 = arith.sitofp %sub3A_2130 : vector<16xi32> to vector<16xf32>
    %div3A_2132 = arith.constant 2.621430e+05 : f32
    %div3A_2133 = vector.broadcast %div3A_2132 : f32 to vector<16xf32>
    %div3A_2134 = arith.divf %convert_element_type3A_2131, %div3A_2133 : vector<16xf32>
    %swap3A_2135 = arith.constant 144 : index
    %swap3A_2136 = tpu.vector_load %arg19[%swap3A_2135] {strides = array<i32>} : memref<256xf32, #tpu.memory_space<vmem>>, vector<16xf32>,
    tpu.vector_store %arg19[%swap3A_2135], %div3A_2134 {strides = array<i32>} : memref<256xf32, #tpu.memory_space<vmem>>, vector<16xf32>,
    %sub3A_2137 = vector.broadcast %squeeze3A_2056 : i32 to vector<16xi32>
    %sub3A_2138 = arith.subi %add3A_2007, %sub3A_2137 : vector<16xi32>
    %convert_element_type3A_2139 = arith.sitofp %sub3A_2138 : vector<16xi32> to vector<16xf32>
    %div3A_2140 = arith.constant 2.621430e+05 : f32
    %div3A_2141 = vector.broadcast %div3A_2140 : f32 to vector<16xf32>
    %div3A_2142 = arith.divf %convert_element_type3A_2139, %div3A_2141 : vector<16xf32>
    %swap3A_2143 = arith.constant 160 : index
    %swap3A_2144 = tpu.vector_load %arg19[%swap3A_2143] {strides = array<i32>} : memref<256xf32, #tpu.memory_space<vmem>>, vector<16xf32>,
    tpu.vector_store %arg19[%swap3A_2143], %div3A_2142 {strides = array<i32>} : memref<256xf32, #tpu.memory_space<vmem>>, vector<16xf32>,
    %sub3A_2145 = vector.broadcast %squeeze3A_2056 : i32 to vector<16xi32>
    %sub3A_2146 = arith.subi %add3A_2016, %sub3A_2145 : vector<16xi32>
    %convert_element_type3A_2147 = arith.sitofp %sub3A_2146 : vector<16xi32> to vector<16xf32>
    %div3A_2148 = arith.constant 2.621430e+05 : f32
    %div3A_2149 = vector.broadcast %div3A_2148 : f32 to vector<16xf32>
    %div3A_2150 = arith.divf %convert_element_type3A_2147, %div3A_2149 : vector<16xf32>
    %swap3A_2151 = arith.constant 176 : index
    %swap3A_2152 = tpu.vector_load %arg19[%swap3A_2151] {strides = array<i32>} : memref<256xf32, #tpu.memory_space<vmem>>, vector<16xf32>,
    tpu.vector_store %arg19[%swap3A_2151], %div3A_2150 {strides = array<i32>} : memref<256xf32, #tpu.memory_space<vmem>>, vector<16xf32>,
    %sub3A_2153 = vector.broadcast %squeeze3A_2056 : i32 to vector<16xi32>
    %sub3A_2154 = arith.subi %add3A_2025, %sub3A_2153 : vector<16xi32>
    %convert_element_type3A_2155 = arith.sitofp %sub3A_2154 : vector<16xi32> to vector<16xf32>
    %div3A_2156 = arith.constant 2.621430e+05 : f32
    %div3A_2157 = vector.broadcast %div3A_2156 : f32 to vector<16xf32>
    %div3A_2158 = arith.divf %convert_element_type3A_2155, %div3A_2157 : vector<16xf32>
    %swap3A_2159 = arith.constant 192 : index
    %swap3A_2160 = tpu.vector_load %arg19[%swap3A_2159] {strides = array<i32>} : memref<256xf32, #tpu.memory_space<vmem>>, vector<16xf32>,
    tpu.vector_store %arg19[%swap3A_2159], %div3A_2158 {strides = array<i32>} : memref<256xf32, #tpu.memory_space<vmem>>, vector<16xf32>,
    %sub3A_2161 = vector.broadcast %squeeze3A_2056 : i32 to vector<16xi32>
    %sub3A_2162 = arith.subi %add3A_2034, %sub3A_2161 : vector<16xi32>
    %convert_element_type3A_2163 = arith.sitofp %sub3A_2162 : vector<16xi32> to vector<16xf32>
    %div3A_2164 = arith.constant 2.621430e+05 : f32
    %div3A_2165 = vector.broadcast %div3A_2164 : f32 to vector<16xf32>
    %div3A_2166 = arith.divf %convert_element_type3A_2163, %div3A_2165 : vector<16xf32>
    %swap3A_2167 = arith.constant 208 : index
    %swap3A_2168 = tpu.vector_load %arg19[%swap3A_2167] {strides = array<i32>} : memref<256xf32, #tpu.memory_space<vmem>>, vector<16xf32>,
    tpu.vector_store %arg19[%swap3A_2167], %div3A_2166 {strides = array<i32>} : memref<256xf32, #tpu.memory_space<vmem>>, vector<16xf32>,
    %sub3A_2169 = vector.broadcast %squeeze3A_2056 : i32 to vector<16xi32>
    %sub3A_2170 = arith.subi %add3A_2043, %sub3A_2169 : vector<16xi32>
    %convert_element_type3A_2171 = arith.sitofp %sub3A_2170 : vector<16xi32> to vector<16xf32>
    %div3A_2172 = arith.constant 2.621430e+05 : f32
    %div3A_2173 = vector.broadcast %div3A_2172 : f32 to vector<16xf32>
    %div3A_2174 = arith.divf %convert_element_type3A_2171, %div3A_2173 : vector<16xf32>
    %swap3A_2175 = arith.constant 224 : index
    %swap3A_2176 = tpu.vector_load %arg19[%swap3A_2175] {strides = array<i32>} : memref<256xf32, #tpu.memory_space<vmem>>, vector<16xf32>,
    tpu.vector_store %arg19[%swap3A_2175], %div3A_2174 {strides = array<i32>} : memref<256xf32, #tpu.memory_space<vmem>>, vector<16xf32>,
    %sub3A_2177 = vector.broadcast %squeeze3A_2056 : i32 to vector<16xi32>
    %sub3A_2178 = arith.subi %add3A_2052, %sub3A_2177 : vector<16xi32>
    %convert_element_type3A_2179 = arith.sitofp %sub3A_2178 : vector<16xi32> to vector<16xf32>
    %div3A_2180 = arith.constant 2.621430e+05 : f32
    %div3A_2181 = vector.broadcast %div3A_2180 : f32 to vector<16xf32>
    %div3A_2182 = arith.divf %convert_element_type3A_2179, %div3A_2181 : vector<16xf32>
    %swap3A_2183 = arith.constant 240 : index
    %swap3A_2184 = tpu.vector_load %arg19[%swap3A_2183] {strides = array<i32>} : memref<256xf32, #tpu.memory_space<vmem>>, vector<16xf32>,
    tpu.vector_store %arg19[%swap3A_2183], %div3A_2182 {strides = array<i32>} : memref<256xf32, #tpu.memory_space<vmem>>, vector<16xf32>,
    %mul3A_2185 = arith.constant 16 : i32
    %mul3A_2186 = arith.muli %arg1, %mul3A_2185 : i32
    %get3A_2187 = arith.index_cast %mul3A_2186 : i32 to index
    %get3A_2188 = tpu.vector_load %arg18[%get3A_2187] {strides = array<i32>} : memref<256xf32, #tpu.memory_space<vmem>>, vector<16xf32>,
    %scan3A_2189 = arith.constant 0 : i32
    %scan3A_2190 = arith.constant 16 : i32
    %scan3A_2191 = arith.addi %scan3A_2189, %scan3A_2190 : i32
    %scan3A_2192 = arith.constant 1 : i32
    %scan3A_2193 = scf.for %scan3A_2250 = %scan3A_2189 to %scan3A_2191 step %scan3A_2192 iter_args(%scan3A_2251 = %broadcast_in_dim3A_0) -> (vector<16xi32>)  : i32 {
      %mul3A_2252 = arith.constant 16 : i32
      %mul3A_2253 = arith.muli %scan3A_2250, %mul3A_2252 : i32
      %get3A_2254 = arith.index_cast %mul3A_2253 : i32 to index
      %get3A_2255 = tpu.vector_load %arg19[%get3A_2254] {strides = array<i32>} : memref<256xf32, #tpu.memory_space<vmem>>, vector<16xf32>,
      %slice3A_2256 = vector.extract_strided_slice %get3A_2255 {offsets = [0], sizes = [1], strides = [1]} : vector<16xf32> to vector<1xf32>
      %squeeze3A_2257 = vector.extract %slice3A_2256[0] : f32 from vector<1xf32>
      %le3A_2258 = vector.broadcast %squeeze3A_2257 : f32 to vector<16xf32>
      %le3A_2259 = arith.cmpf ole, %le3A_2258, %get3A_2188 : vector<16xf32>
      %jit3A_2260 = arith.constant 1 : i32
      %jit3A_2261 = arith.constant 0 : i32
      %broadcast_in_dim3A_2262 = vector.broadcast %jit3A_2260 : i32 to vector<16xi32>
      %broadcast_in_dim3A_2263 = vector.broadcast %jit3A_2261 : i32 to vector<16xi32>
      %select_n3A_2264 = arith.select %le3A_2259, %broadcast_in_dim3A_2262, %broadcast_in_dim3A_2263 : vector<16xi1>, vector<16xi32>
      %add3A_2265 = arith.addi %scan3A_2251, %select_n3A_2264 : vector<16xi32>
      %slice3A_2266 = vector.extract_strided_slice %get3A_2255 {offsets = [1], sizes = [1], strides = [1]} : vector<16xf32> to vector<1xf32>
      %squeeze3A_2267 = vector.extract %slice3A_2266[0] : f32 from vector<1xf32>
      %le3A_2268 = vector.broadcast %squeeze3A_2267 : f32 to vector<16xf32>
      %le3A_2269 = arith.cmpf ole, %le3A_2268, %get3A_2188 : vector<16xf32>
      %jit3A_2270 = arith.constant 1 : i32
      %jit3A_2271 = arith.constant 0 : i32
      %broadcast_in_dim3A_2272 = vector.broadcast %jit3A_2270 : i32 to vector<16xi32>
      %broadcast_in_dim3A_2273 = vector.broadcast %jit3A_2271 : i32 to vector<16xi32>
      %select_n3A_2274 = arith.select %le3A_2269, %broadcast_in_dim3A_2272, %broadcast_in_dim3A_2273 : vector<16xi1>, vector<16xi32>
      %add3A_2275 = arith.addi %add3A_2265, %select_n3A_2274 : vector<16xi32>
      %slice3A_2276 = vector.extract_strided_slice %get3A_2255 {offsets = [2], sizes = [1], strides = [1]} : vector<16xf32> to vector<1xf32>
      %squeeze3A_2277 = vector.extract %slice3A_2276[0] : f32 from vector<1xf32>
      %le3A_2278 = vector.broadcast %squeeze3A_2277 : f32 to vector<16xf32>
      %le3A_2279 = arith.cmpf ole, %le3A_2278, %get3A_2188 : vector<16xf32>
      %jit3A_2280 = arith.constant 1 : i32
      %jit3A_2281 = arith.constant 0 : i32
      %broadcast_in_dim3A_2282 = vector.broadcast %jit3A_2280 : i32 to vector<16xi32>
      %broadcast_in_dim3A_2283 = vector.broadcast %jit3A_2281 : i32 to vector<16xi32>
      %select_n3A_2284 = arith.select %le3A_2279, %broadcast_in_dim3A_2282, %broadcast_in_dim3A_2283 : vector<16xi1>, vector<16xi32>
      %add3A_2285 = arith.addi %add3A_2275, %select_n3A_2284 : vector<16xi32>
      %slice3A_2286 = vector.extract_strided_slice %get3A_2255 {offsets = [3], sizes = [1], strides = [1]} : vector<16xf32> to vector<1xf32>
      %squeeze3A_2287 = vector.extract %slice3A_2286[0] : f32 from vector<1xf32>
      %le3A_2288 = vector.broadcast %squeeze3A_2287 : f32 to vector<16xf32>
      %le3A_2289 = arith.cmpf ole, %le3A_2288, %get3A_2188 : vector<16xf32>
      %jit3A_2290 = arith.constant 1 : i32
      %jit3A_2291 = arith.constant 0 : i32
      %broadcast_in_dim3A_2292 = vector.broadcast %jit3A_2290 : i32 to vector<16xi32>
      %broadcast_in_dim3A_2293 = vector.broadcast %jit3A_2291 : i32 to vector<16xi32>
      %select_n3A_2294 = arith.select %le3A_2289, %broadcast_in_dim3A_2292, %broadcast_in_dim3A_2293 : vector<16xi1>, vector<16xi32>
      %add3A_2295 = arith.addi %add3A_2285, %select_n3A_2294 : vector<16xi32>
      %slice3A_2296 = vector.extract_strided_slice %get3A_2255 {offsets = [4], sizes = [1], strides = [1]} : vector<16xf32> to vector<1xf32>
      %squeeze3A_2297 = vector.extract %slice3A_2296[0] : f32 from vector<1xf32>
      %le3A_2298 = vector.broadcast %squeeze3A_2297 : f32 to vector<16xf32>
      %le3A_2299 = arith.cmpf ole, %le3A_2298, %get3A_2188 : vector<16xf32>
      %jit3A_2300 = arith.constant 1 : i32
      %jit3A_2301 = arith.constant 0 : i32
      %broadcast_in_dim3A_2302 = vector.broadcast %jit3A_2300 : i32 to vector<16xi32>
      %broadcast_in_dim3A_2303 = vector.broadcast %jit3A_2301 : i32 to vector<16xi32>
      %select_n3A_2304 = arith.select %le3A_2299, %broadcast_in_dim3A_2302, %broadcast_in_dim3A_2303 : vector<16xi1>, vector<16xi32>
      %add3A_2305 = arith.addi %add3A_2295, %select_n3A_2304 : vector<16xi32>
      %slice3A_2306 = vector.extract_strided_slice %get3A_2255 {offsets = [5], sizes = [1], strides = [1]} : vector<16xf32> to vector<1xf32>
      %squeeze3A_2307 = vector.extract %slice3A_2306[0] : f32 from vector<1xf32>
      %le3A_2308 = vector.broadcast %squeeze3A_2307 : f32 to vector<16xf32>
      %le3A_2309 = arith.cmpf ole, %le3A_2308, %get3A_2188 : vector<16xf32>
      %jit3A_2310 = arith.constant 1 : i32
      %jit3A_2311 = arith.constant 0 : i32
      %broadcast_in_dim3A_2312 = vector.broadcast %jit3A_2310 : i32 to vector<16xi32>
      %broadcast_in_dim3A_2313 = vector.broadcast %jit3A_2311 : i32 to vector<16xi32>
      %select_n3A_2314 = arith.select %le3A_2309, %broadcast_in_dim3A_2312, %broadcast_in_dim3A_2313 : vector<16xi1>, vector<16xi32>
      %add3A_2315 = arith.addi %add3A_2305, %select_n3A_2314 : vector<16xi32>
      %slice3A_2316 = vector.extract_strided_slice %get3A_2255 {offsets = [6], sizes = [1], strides = [1]} : vector<16xf32> to vector<1xf32>
      %squeeze3A_2317 = vector.extract %slice3A_2316[0] : f32 from vector<1xf32>
      %le3A_2318 = vector.broadcast %squeeze3A_2317 : f32 to vector<16xf32>
      %le3A_2319 = arith.cmpf ole, %le3A_2318, %get3A_2188 : vector<16xf32>
      %jit3A_2320 = arith.constant 1 : i32
      %jit3A_2321 = arith.constant 0 : i32
      %broadcast_in_dim3A_2322 = vector.broadcast %jit3A_2320 : i32 to vector<16xi32>
      %broadcast_in_dim3A_2323 = vector.broadcast %jit3A_2321 : i32 to vector<16xi32>
      %select_n3A_2324 = arith.select %le3A_2319, %broadcast_in_dim3A_2322, %broadcast_in_dim3A_2323 : vector<16xi1>, vector<16xi32>
      %add3A_2325 = arith.addi %add3A_2315, %select_n3A_2324 : vector<16xi32>
      %slice3A_2326 = vector.extract_strided_slice %get3A_2255 {offsets = [7], sizes = [1], strides = [1]} : vector<16xf32> to vector<1xf32>
      %squeeze3A_2327 = vector.extract %slice3A_2326[0] : f32 from vector<1xf32>
      %le3A_2328 = vector.broadcast %squeeze3A_2327 : f32 to vector<16xf32>
      %le3A_2329 = arith.cmpf ole, %le3A_2328, %get3A_2188 : vector<16xf32>
      %jit3A_2330 = arith.constant 1 : i32
      %jit3A_2331 = arith.constant 0 : i32
      %broadcast_in_dim3A_2332 = vector.broadcast %jit3A_2330 : i32 to vector<16xi32>
      %broadcast_in_dim3A_2333 = vector.broadcast %jit3A_2331 : i32 to vector<16xi32>
      %select_n3A_2334 = arith.select %le3A_2329, %broadcast_in_dim3A_2332, %broadcast_in_dim3A_2333 : vector<16xi1>, vector<16xi32>
      %add3A_2335 = arith.addi %add3A_2325, %select_n3A_2334 : vector<16xi32>
      %slice3A_2336 = vector.extract_strided_slice %get3A_2255 {offsets = [8], sizes = [1], strides = [1]} : vector<16xf32> to vector<1xf32>
      %squeeze3A_2337 = vector.extract %slice3A_2336[0] : f32 from vector<1xf32>
      %le3A_2338 = vector.broadcast %squeeze3A_2337 : f32 to vector<16xf32>
      %le3A_2339 = arith.cmpf ole, %le3A_2338, %get3A_2188 : vector<16xf32>
      %jit3A_2340 = arith.constant 1 : i32
      %jit3A_2341 = arith.constant 0 : i32
      %broadcast_in_dim3A_2342 = vector.broadcast %jit3A_2340 : i32 to vector<16xi32>
      %broadcast_in_dim3A_2343 = vector.broadcast %jit3A_2341 : i32 to vector<16xi32>
      %select_n3A_2344 = arith.select %le3A_2339, %broadcast_in_dim3A_2342, %broadcast_in_dim3A_2343 : vector<16xi1>, vector<16xi32>
      %add3A_2345 = arith.addi %add3A_2335, %select_n3A_2344 : vector<16xi32>
      %slice3A_2346 = vector.extract_strided_slice %get3A_2255 {offsets = [9], sizes = [1], strides = [1]} : vector<16xf32> to vector<1xf32>
      %squeeze3A_2347 = vector.extract %slice3A_2346[0] : f32 from vector<1xf32>
      %le3A_2348 = vector.broadcast %squeeze3A_2347 : f32 to vector<16xf32>
      %le3A_2349 = arith.cmpf ole, %le3A_2348, %get3A_2188 : vector<16xf32>
      %jit3A_2350 = arith.constant 1 : i32
      %jit3A_2351 = arith.constant 0 : i32
      %broadcast_in_dim3A_2352 = vector.broadcast %jit3A_2350 : i32 to vector<16xi32>
      %broadcast_in_dim3A_2353 = vector.broadcast %jit3A_2351 : i32 to vector<16xi32>
      %select_n3A_2354 = arith.select %le3A_2349, %broadcast_in_dim3A_2352, %broadcast_in_dim3A_2353 : vector<16xi1>, vector<16xi32>
      %add3A_2355 = arith.addi %add3A_2345, %select_n3A_2354 : vector<16xi32>
      %slice3A_2356 = vector.extract_strided_slice %get3A_2255 {offsets = [10], sizes = [1], strides = [1]} : vector<16xf32> to vector<1xf32>
      %squeeze3A_2357 = vector.extract %slice3A_2356[0] : f32 from vector<1xf32>
      %le3A_2358 = vector.broadcast %squeeze3A_2357 : f32 to vector<16xf32>
      %le3A_2359 = arith.cmpf ole, %le3A_2358, %get3A_2188 : vector<16xf32>
      %jit3A_2360 = arith.constant 1 : i32
      %jit3A_2361 = arith.constant 0 : i32
      %broadcast_in_dim3A_2362 = vector.broadcast %jit3A_2360 : i32 to vector<16xi32>
      %broadcast_in_dim3A_2363 = vector.broadcast %jit3A_2361 : i32 to vector<16xi32>
      %select_n3A_2364 = arith.select %le3A_2359, %broadcast_in_dim3A_2362, %broadcast_in_dim3A_2363 : vector<16xi1>, vector<16xi32>
      %add3A_2365 = arith.addi %add3A_2355, %select_n3A_2364 : vector<16xi32>
      %slice3A_2366 = vector.extract_strided_slice %get3A_2255 {offsets = [11], sizes = [1], strides = [1]} : vector<16xf32> to vector<1xf32>
      %squeeze3A_2367 = vector.extract %slice3A_2366[0] : f32 from vector<1xf32>
      %le3A_2368 = vector.broadcast %squeeze3A_2367 : f32 to vector<16xf32>
      %le3A_2369 = arith.cmpf ole, %le3A_2368, %get3A_2188 : vector<16xf32>
      %jit3A_2370 = arith.constant 1 : i32
      %jit3A_2371 = arith.constant 0 : i32
      %broadcast_in_dim3A_2372 = vector.broadcast %jit3A_2370 : i32 to vector<16xi32>
      %broadcast_in_dim3A_2373 = vector.broadcast %jit3A_2371 : i32 to vector<16xi32>
      %select_n3A_2374 = arith.select %le3A_2369, %broadcast_in_dim3A_2372, %broadcast_in_dim3A_2373 : vector<16xi1>, vector<16xi32>
      %add3A_2375 = arith.addi %add3A_2365, %select_n3A_2374 : vector<16xi32>
      %slice3A_2376 = vector.extract_strided_slice %get3A_2255 {offsets = [12], sizes = [1], strides = [1]} : vector<16xf32> to vector<1xf32>
      %squeeze3A_2377 = vector.extract %slice3A_2376[0] : f32 from vector<1xf32>
      %le3A_2378 = vector.broadcast %squeeze3A_2377 : f32 to vector<16xf32>
      %le3A_2379 = arith.cmpf ole, %le3A_2378, %get3A_2188 : vector<16xf32>
      %jit3A_2380 = arith.constant 1 : i32
      %jit3A_2381 = arith.constant 0 : i32
      %broadcast_in_dim3A_2382 = vector.broadcast %jit3A_2380 : i32 to vector<16xi32>
      %broadcast_in_dim3A_2383 = vector.broadcast %jit3A_2381 : i32 to vector<16xi32>
      %select_n3A_2384 = arith.select %le3A_2379, %broadcast_in_dim3A_2382, %broadcast_in_dim3A_2383 : vector<16xi1>, vector<16xi32>
      %add3A_2385 = arith.addi %add3A_2375, %select_n3A_2384 : vector<16xi32>
      %slice3A_2386 = vector.extract_strided_slice %get3A_2255 {offsets = [13], sizes = [1], strides = [1]} : vector<16xf32> to vector<1xf32>
      %squeeze3A_2387 = vector.extract %slice3A_2386[0] : f32 from vector<1xf32>
      %le3A_2388 = vector.broadcast %squeeze3A_2387 : f32 to vector<16xf32>
      %le3A_2389 = arith.cmpf ole, %le3A_2388, %get3A_2188 : vector<16xf32>
      %jit3A_2390 = arith.constant 1 : i32
      %jit3A_2391 = arith.constant 0 : i32
      %broadcast_in_dim3A_2392 = vector.broadcast %jit3A_2390 : i32 to vector<16xi32>
      %broadcast_in_dim3A_2393 = vector.broadcast %jit3A_2391 : i32 to vector<16xi32>
      %select_n3A_2394 = arith.select %le3A_2389, %broadcast_in_dim3A_2392, %broadcast_in_dim3A_2393 : vector<16xi1>, vector<16xi32>
      %add3A_2395 = arith.addi %add3A_2385, %select_n3A_2394 : vector<16xi32>
      %slice3A_2396 = vector.extract_strided_slice %get3A_2255 {offsets = [14], sizes = [1], strides = [1]} : vector<16xf32> to vector<1xf32>
      %squeeze3A_2397 = vector.extract %slice3A_2396[0] : f32 from vector<1xf32>
      %le3A_2398 = vector.broadcast %squeeze3A_2397 : f32 to vector<16xf32>
      %le3A_2399 = arith.cmpf ole, %le3A_2398, %get3A_2188 : vector<16xf32>
      %jit3A_2400 = arith.constant 1 : i32
      %jit3A_2401 = arith.constant 0 : i32
      %broadcast_in_dim3A_2402 = vector.broadcast %jit3A_2400 : i32 to vector<16xi32>
      %broadcast_in_dim3A_2403 = vector.broadcast %jit3A_2401 : i32 to vector<16xi32>
      %select_n3A_2404 = arith.select %le3A_2399, %broadcast_in_dim3A_2402, %broadcast_in_dim3A_2403 : vector<16xi1>, vector<16xi32>
      %add3A_2405 = arith.addi %add3A_2395, %select_n3A_2404 : vector<16xi32>
      %slice3A_2406 = vector.extract_strided_slice %get3A_2255 {offsets = [15], sizes = [1], strides = [1]} : vector<16xf32> to vector<1xf32>
      %squeeze3A_2407 = vector.extract %slice3A_2406[0] : f32 from vector<1xf32>
      %le3A_2408 = vector.broadcast %squeeze3A_2407 : f32 to vector<16xf32>
      %le3A_2409 = arith.cmpf ole, %le3A_2408, %get3A_2188 : vector<16xf32>
      %jit3A_2410 = arith.constant 1 : i32
      %jit3A_2411 = arith.constant 0 : i32
      %broadcast_in_dim3A_2412 = vector.broadcast %jit3A_2410 : i32 to vector<16xi32>
      %broadcast_in_dim3A_2413 = vector.broadcast %jit3A_2411 : i32 to vector<16xi32>
      %select_n3A_2414 = arith.select %le3A_2409, %broadcast_in_dim3A_2412, %broadcast_in_dim3A_2413 : vector<16xi1>, vector<16xi32>
      %add3A_2415 = arith.addi %add3A_2405, %select_n3A_2414 : vector<16xi32>
      scf.yield %add3A_2415 : vector<16xi32>
    }
    %scan3A_2194 = arith.constant 16 : i32
    %jit3A = arith.constant 1 : i32
    %jit3A_2195 = arith.constant 255 : i32
    %max3A = vector.broadcast %jit3A : i32 to vector<16xi32>
    %max3A_2196 = arith.maxsi %max3A, %scan3A_2193 : vector<16xi32>
    %min3A = vector.broadcast %jit3A_2195 : i32 to vector<16xi32>
    %min3A_2197 = arith.minsi %min3A, %max3A_2196 : vector<16xi32>
    %sub3A_2198 = arith.constant 1 : i32
    %sub3A_2199 = vector.broadcast %sub3A_2198 : i32 to vector<16xi32>
    %sub3A_2200 = arith.subi %min3A_2197, %sub3A_2199 : vector<16xi32>
    %gather3A_2201 = tpu.vector_load_idx %arg19[%sub3A_2200] : memref<256xf32, #tpu.memory_space<vmem>>[vector<16xi32>], vector<16xf32>,
    %gather3A_2202 = tpu.vector_load_idx %arg19[%min3A_2197] : memref<256xf32, #tpu.memory_space<vmem>>[vector<16xi32>], vector<16xf32>,
    %sub3A_2203 = arith.subf %gather3A_2202, %gather3A_2201 : vector<16xf32>
    %eq3A = arith.constant 0.000000e+00 : f32
    %eq3A_2204 = vector.broadcast %eq3A : f32 to vector<16xf32>
    %eq3A_2205 = arith.cmpf oeq, %sub3A_2203, %eq3A_2204 : vector<16xf32>
    %jit3A_2206 = arith.constant 1.000000e+00 : f32
    %broadcast_in_dim3A_2207 = vector.broadcast %jit3A_2206 : f32 to vector<16xf32>
    %select_n3A = arith.select %eq3A_2205, %broadcast_in_dim3A_2207, %sub3A_2203 : vector<16xi1>, vector<16xf32>
    %convert_element_type3A_2208 = arith.sitofp %sub3A_2200 : vector<16xi32> to vector<16xf32>
    %sub3A_2209 = arith.subf %get3A_2188, %gather3A_2201 : vector<16xf32>
    %div3A_2210 = arith.divf %sub3A_2209, %select_n3A : vector<16xf32>
    %add3A_2211 = arith.addf %convert_element_type3A_2208, %div3A_2210 : vector<16xf32>
    %mul3A_2212 = arith.constant 0.00392156886 : f32
    %mul3A_2213 = vector.broadcast %mul3A_2212 : f32 to vector<16xf32>
    %mul3A_2214 = arith.mulf %add3A_2211, %mul3A_2213 : vector<16xf32>
    %get3A_2215 = arith.constant 0 : index
    %get3A_2216 = tpu.vector_load %arg19[%get3A_2215] {strides = array<i32>} : memref<256xf32, #tpu.memory_space<vmem>>, vector<16xf32>,
    %slice3A_2217 = vector.extract_strided_slice %get3A_2216 {offsets = [0], sizes = [1], strides = [1]} : vector<16xf32> to vector<1xf32>
    %squeeze3A_2218 = vector.extract %slice3A_2217[0] : f32 from vector<1xf32>
    %get3A_2219 = arith.constant 240 : index
    %get3A_2220 = tpu.vector_load %arg19[%get3A_2219] {strides = array<i32>} : memref<256xf32, #tpu.memory_space<vmem>>, vector<16xf32>,
    %slice3A_2221 = vector.extract_strided_slice %get3A_2220 {offsets = [15], sizes = [1], strides = [1]} : vector<16xf32> to vector<1xf32>
    %squeeze3A_2222 = vector.extract %slice3A_2221[0] : f32 from vector<1xf32>
    %le3A = vector.broadcast %squeeze3A_2218 : f32 to vector<16xf32>
    %le3A_2223 = arith.cmpf ole, %get3A_2188, %le3A : vector<16xf32>
    %ge3A = vector.broadcast %squeeze3A_2222 : f32 to vector<16xf32>
    %ge3A_2224 = arith.cmpf oge, %get3A_2188, %ge3A : vector<16xf32>
    %jit3A_2225 = arith.constant 1.000000e+00 : f32
    %broadcast_in_dim3A_2226 = vector.broadcast %jit3A_2225 : f32 to vector<16xf32>
    %select_n3A_2227 = arith.select %ge3A_2224, %broadcast_in_dim3A_2226, %mul3A_2214 : vector<16xi1>, vector<16xf32>
    %jit3A_2228 = arith.constant 0.000000e+00 : f32
    %broadcast_in_dim3A_2229 = vector.broadcast %jit3A_2228 : f32 to vector<16xf32>
    %select_n3A_2230 = arith.select %le3A_2223, %broadcast_in_dim3A_2229, %select_n3A_2227 : vector<16xi1>, vector<16xf32>
    %swap3A_2231 = arith.constant 0 : index
    %swap3A_2232 = tpu.vector_load %arg21[%swap3A_2231] {strides = array<i32>} : memref<16xf32, #tpu.memory_space<vmem>>, vector<16xf32>,
    tpu.vector_store %arg21[%swap3A_2231], %select_n3A_2230 {strides = array<i32>} : memref<16xf32, #tpu.memory_space<vmem>>, vector<16xf32>,
    %mul3A_2233 = arith.constant 16 : i32
    %mul3A_2234 = arith.muli %arg1, %mul3A_2233 : i32
    "tpu.region"() ({
      %run_scoped3A_2250 = tpu.sem_alloc : memref<!tpu.dma_semaphore, #tpu.memory_space<semaphore_mem>>
      %dma_start3A_2251 = tpu.memref_slice %arg28[%mul3A_2234] : memref<256xf32, #tpu.memory_space<vmem_shared>> -> memref<16xf32, #tpu.memory_space<vmem_shared>>
      %dma_start3A_2252 = tpu.memref_slice %arg28[%mul3A_2234] : memref<256xf32, #tpu.memory_space<vmem_shared>> -> memref<16xf32, #tpu.memory_space<vmem_shared>>
      tpu.enqueue_dma source(%arg21 : memref<16xf32, #tpu.memory_space<vmem>>) target(%dma_start3A_2252 : memref<16xf32, #tpu.memory_space<vmem_shared>>) target_semaphore(%run_scoped3A_2250 : memref<!tpu.dma_semaphore, #tpu.memory_space<semaphore_mem>>)
      %dma_wait3A_2253 = tpu.memref_slice %arg28[%mul3A_2234] : memref<256xf32, #tpu.memory_space<vmem_shared>> -> memref<16xf32, #tpu.memory_space<vmem_shared>>
      %dma_wait3A_2254 = tpu.memref_slice %arg28[%mul3A_2234] : memref<256xf32, #tpu.memory_space<vmem_shared>> -> memref<16xf32, #tpu.memory_space<vmem_shared>>
      tpu.wait_dma2 semaphore(%run_scoped3A_2250 : memref<!tpu.dma_semaphore, #tpu.memory_space<semaphore_mem>>) src(%arg21 : memref<16xf32, #tpu.memory_space<vmem>>) dst(%dma_wait3A_2254 : memref<16xf32, #tpu.memory_space<vmem_shared>>)
      tpu.yield
    }) : () -> ()
    %barrier3A_2235 = arith.constant 0 : index
    tpu.barrier barrier_id(%barrier3A_2235)
    "tpu.region"() ({
      %run_scoped3A_2250 = tpu.sem_alloc : memref<!tpu.dma_semaphore, #tpu.memory_space<semaphore_mem>>
      tpu.enqueue_dma source(%arg28 : memref<256xf32, #tpu.memory_space<vmem_shared>>) target(%arg20 : memref<256xf32, #tpu.memory_space<vmem>>) target_semaphore(%run_scoped3A_2250 : memref<!tpu.dma_semaphore, #tpu.memory_space<semaphore_mem>>)
      tpu.wait_dma2 semaphore(%run_scoped3A_2250 : memref<!tpu.dma_semaphore, #tpu.memory_space<semaphore_mem>>) src(%arg28 : memref<256xf32, #tpu.memory_space<vmem_shared>>) dst(%arg20 : memref<256xf32, #tpu.memory_space<vmem>>)
      tpu.yield
    }) : () -> ()
    %mul3A_2236 = arith.constant 8192 : i32
    %mul3A_2237 = arith.muli %arg0, %mul3A_2236 : i32
    %scan3A_2238 = arith.constant 0 : i32
    %scan3A_2239 = arith.constant 512 : i32
    %scan3A_2240 = arith.addi %scan3A_2238, %scan3A_2239 : i32
    %scan3A_2241 = arith.constant 1 : i32
    scf.for %scan3A_2250 = %scan3A_2238 to %scan3A_2240 step %scan3A_2241  : i32 {
      %mul3A_2251 = arith.constant 1 : i32
      %mul3A_2252 = arith.muli %scan3A_2250, %mul3A_2251 : i32
      %add3A_2253 = arith.constant 0 : i32
      %add3A_2254 = arith.addi %add3A_2253, %mul3A_2252 : i32
      %shift_right_logical3A = arith.constant 5 : i32
      %shift_right_logical3A_2255 = arith.shrui %add3A_2254, %shift_right_logical3A : i32
      %and3A = arith.constant 31 : i32
      %and3A_2256 = arith.andi %add3A_2254, %and3A : i32
      %mul3A_2257 = arith.constant 16 : i32
      %mul3A_2258 = arith.muli %and3A_2256, %mul3A_2257 : i32
      %mul3A_2259 = arith.constant 16 : i32
      %mul3A_2260 = arith.muli %arg0, %mul3A_2259 : i32
      %add3A_2261 = arith.addi %shift_right_logical3A_2255, %mul3A_2260 : i32
      %get3A_2262 = arith.index_cast %add3A_2261 : i32 to index
      %get3A_2263 = arith.index_cast %mul3A_2258 : i32 to index
      %get3A_2264 = tpu.vector_load %arg5[%get3A_2262, %get3A_2263] {strides = array<i32>} : memref<32x512xf32, #tpu.memory_space<vmem>>, vector<16xf32>,
      %get3A_2265 = arith.index_cast %add3A_2261 : i32 to index
      %get3A_2266 = arith.index_cast %mul3A_2258 : i32 to index
      %get3A_2267 = tpu.vector_load %arg6[%get3A_2265, %get3A_2266] {strides = array<i32>} : memref<32x512xf32, #tpu.memory_space<vmem>>, vector<16xf32>,
      %get3A_2268 = arith.index_cast %add3A_2261 : i32 to index
      %get3A_2269 = arith.index_cast %mul3A_2258 : i32 to index
      %get3A_2270 = tpu.vector_load %arg7[%get3A_2268, %get3A_2269] {strides = array<i32>} : memref<32x512xf32, #tpu.memory_space<vmem>>, vector<16xf32>,
      %max3A_2271 = arith.maximumf %get3A_2264, %get3A_2267 : vector<16xf32>
      %max3A_2272 = arith.maximumf %max3A_2271, %get3A_2270 : vector<16xf32>
      %add3A_2273 = arith.constant 1.000000e+00 : f32
      %add3A_2274 = vector.broadcast %add3A_2273 : f32 to vector<16xf32>
      %add3A_2275 = arith.addf %max3A_2272, %add3A_2274 : vector<16xf32>
      %mul3A_2276 = arith.constant 1.270000e+02 : f32
      %mul3A_2277 = vector.broadcast %mul3A_2276 : f32 to vector<16xf32>
      %mul3A_2278 = arith.mulf %add3A_2275, %mul3A_2277 : vector<16xf32>
      %convert_element_type3A_2279 = arith.fptosi %mul3A_2278 : vector<16xf32> to vector<16xi32>
      %convert_element_type3A_2280 = arith.sitofp %convert_element_type3A_2279 : vector<16xi32> to vector<16xf32>
      %sub3A_2281 = arith.subf %mul3A_2278, %convert_element_type3A_2280 : vector<16xf32>
      %gather3A_2282 = tpu.vector_load_idx %arg20[%convert_element_type3A_2279] : memref<256xf32, #tpu.memory_space<vmem>>[vector<16xi32>], vector<16xf32>,
      %add3A_2283 = arith.constant 1 : i32
      %add3A_2284 = vector.broadcast %add3A_2283 : i32 to vector<16xi32>
      %add3A_2285 = arith.addi %convert_element_type3A_2279, %add3A_2284 : vector<16xi32>
      %gather3A_2286 = tpu.vector_load_idx %arg20[%add3A_2285] : memref<256xf32, #tpu.memory_space<vmem>>[vector<16xi32>], vector<16xf32>,
      %sub3A_2287 = arith.subf %gather3A_2286, %gather3A_2282 : vector<16xf32>
      %mul3A_2288 = arith.mulf %sub3A_2287, %sub3A_2281 : vector<16xf32>
      %add3A_2289 = arith.addf %gather3A_2282, %mul3A_2288 : vector<16xf32>
      %mul3A_2290 = arith.constant 2.550000e+02 : f32
      %mul3A_2291 = vector.broadcast %mul3A_2290 : f32 to vector<16xf32>
      %mul3A_2292 = arith.mulf %add3A_2289, %mul3A_2291 : vector<16xf32>
      %eq3A_2293 = arith.constant 0.000000e+00 : f32
      %eq3A_2294 = vector.broadcast %eq3A_2293 : f32 to vector<16xf32>
      %eq3A_2295 = arith.cmpf oeq, %mul3A_2278, %eq3A_2294 : vector<16xf32>
      %jit3A_2296 = arith.constant 1.000000e+00 : f32
      %broadcast_in_dim3A_2297 = vector.broadcast %jit3A_2296 : f32 to vector<16xf32>
      %select_n3A_2298 = arith.select %eq3A_2295, %broadcast_in_dim3A_2297, %mul3A_2278 : vector<16xi1>, vector<16xf32>
      %mul3A_2299 = arith.constant 1.000000e-03 : f32
      %mul3A_2300 = vector.broadcast %mul3A_2299 : f32 to vector<16xf32>
      %mul3A_2301 = arith.mulf %mul3A_2292, %mul3A_2300 : vector<16xf32>
      %sub3A_2302 = arith.constant 1.000000e+00 : f32
      %sub3A_2303 = vector.broadcast %sub3A_2302 : f32 to vector<16xf32>
      %sub3A_2304 = arith.subf %mul3A_2301, %sub3A_2303 : vector<16xf32>
      %mul3A_2305 = arith.constant 0.00787401571 : f32
      %mul3A_2306 = vector.broadcast %mul3A_2305 : f32 to vector<16xf32>
      %mul3A_2307 = arith.mulf %mul3A_2292, %mul3A_2306 : vector<16xf32>
      %sub3A_2308 = arith.constant 1.000000e+00 : f32
      %sub3A_2309 = vector.broadcast %sub3A_2308 : f32 to vector<16xf32>
      %sub3A_2310 = arith.subf %mul3A_2307, %sub3A_2309 : vector<16xf32>
      %mul3A_2311 = arith.mulf %get3A_2264, %mul3A_2301 : vector<16xf32>
      %add3A_2312 = arith.addf %mul3A_2311, %sub3A_2304 : vector<16xf32>
      %select_n3A_2313 = arith.select %eq3A_2295, %sub3A_2310, %add3A_2312 : vector<16xi1>, vector<16xf32>
      %mul3A_2314 = arith.mulf %get3A_2267, %mul3A_2301 : vector<16xf32>
      %add3A_2315 = arith.addf %mul3A_2314, %sub3A_2304 : vector<16xf32>
      %select_n3A_2316 = arith.select %eq3A_2295, %sub3A_2310, %add3A_2315 : vector<16xi1>, vector<16xf32>
      %mul3A_2317 = arith.mulf %get3A_2270, %mul3A_2301 : vector<16xf32>
      %add3A_2318 = arith.addf %mul3A_2317, %sub3A_2304 : vector<16xf32>
      %select_n3A_2319 = arith.select %eq3A_2295, %sub3A_2310, %add3A_2318 : vector<16xi1>, vector<16xf32>
      %swap3A_2320 = arith.index_cast %shift_right_logical3A_2255 : i32 to index
      %swap3A_2321 = arith.index_cast %mul3A_2258 : i32 to index
      %swap3A_2322 = tpu.vector_load %arg8[%swap3A_2320, %swap3A_2321] {strides = array<i32>} : memref<32x512xf32, #tpu.memory_space<vmem>>, vector<16xf32>,
      tpu.vector_store %arg8[%swap3A_2320, %swap3A_2321], %select_n3A_2313 {strides = array<i32>} : memref<32x512xf32, #tpu.memory_space<vmem>>, vector<16xf32>,
      %swap3A_2323 = arith.index_cast %shift_right_logical3A_2255 : i32 to index
      %swap3A_2324 = arith.index_cast %mul3A_2258 : i32 to index
      %swap3A_2325 = tpu.vector_load %arg9[%swap3A_2323, %swap3A_2324] {strides = array<i32>} : memref<32x512xf32, #tpu.memory_space<vmem>>, vector<16xf32>,
      tpu.vector_store %arg9[%swap3A_2323, %swap3A_2324], %select_n3A_2316 {strides = array<i32>} : memref<32x512xf32, #tpu.memory_space<vmem>>, vector<16xf32>,
      %swap3A_2326 = arith.index_cast %shift_right_logical3A_2255 : i32 to index
      %swap3A_2327 = arith.index_cast %mul3A_2258 : i32 to index
      %swap3A_2328 = tpu.vector_load %arg10[%swap3A_2326, %swap3A_2327] {strides = array<i32>} : memref<32x512xf32, #tpu.memory_space<vmem>>, vector<16xf32>,
      tpu.vector_store %arg10[%swap3A_2326, %swap3A_2327], %select_n3A_2319 {strides = array<i32>} : memref<32x512xf32, #tpu.memory_space<vmem>>, vector<16xf32>,
    }
    %scan3A_2242 = arith.constant 512 : i32
    %mul3A_2243 = arith.constant 32 : i32
    %mul3A_2244 = arith.muli %arg1, %mul3A_2243 : i32
    %mul3A_2245 = arith.constant 16 : i32
    %mul3A_2246 = arith.muli %arg0, %mul3A_2245 : i32
    %add3A_2247 = arith.addi %mul3A_2244, %mul3A_2246 : i32
    %run_scoped3A = arith.constant 0 : i32
    "tpu.region"() ({
      %run_scoped3A_2250 = tpu.sem_alloc : memref<!tpu.dma_semaphore, #tpu.memory_space<semaphore_mem>>
      %dma_start3A_2251 = arith.constant 0 : i32
      %dma_start3A_2252 = arith.constant 0 : i32
      %dma_start3A_2253 = tpu.memref_slice %arg8[%dma_start3A_2251, %dma_start3A_2252] : memref<32x512xf32, #tpu.memory_space<vmem>> -> memref<16x512xf32, #tpu.memory_space<vmem>>
      %dma_start3A_2254 = arith.constant 0 : i32
      %dma_start3A_2255 = tpu.memref_slice %arg4[%run_scoped3A, %add3A_2247, %dma_start3A_2254] : memref<3x512x512xf32, #tpu.memory_space<hbm>> -> memref<1x16x512xf32, #tpu.memory_space<hbm>>
      %dma_start3A_2256 = tpu.memref_squeeze %dma_start3A_2255 : memref<1x16x512xf32, #tpu.memory_space<hbm>> -> memref<16x512xf32, #tpu.memory_space<hbm>>
      %dma_start3A_2257 = arith.constant 0 : i32
      %dma_start3A_2258 = tpu.memref_slice %arg4[%run_scoped3A, %add3A_2247, %dma_start3A_2257] : memref<3x512x512xf32, #tpu.memory_space<hbm>> -> memref<1x16x512xf32, #tpu.memory_space<hbm>>
      %dma_start3A_2259 = tpu.memref_squeeze %dma_start3A_2258 : memref<1x16x512xf32, #tpu.memory_space<hbm>> -> memref<16x512xf32, #tpu.memory_space<hbm>>
      %dma_start3A_2260 = arith.constant 0 : i32
      %dma_start3A_2261 = arith.constant 0 : i32
      %dma_start3A_2262 = tpu.memref_slice %arg8[%dma_start3A_2260, %dma_start3A_2261] : memref<32x512xf32, #tpu.memory_space<vmem>> -> memref<16x512xf32, #tpu.memory_space<vmem>>
      tpu.enqueue_dma source(%dma_start3A_2262 : memref<16x512xf32, #tpu.memory_space<vmem>>) target(%dma_start3A_2259 : memref<16x512xf32, #tpu.memory_space<hbm>>) target_semaphore(%run_scoped3A_2250 : memref<!tpu.dma_semaphore, #tpu.memory_space<semaphore_mem>>)
      %dma_wait3A_2263 = arith.constant 0 : i32
      %dma_wait3A_2264 = arith.constant 0 : i32
      %dma_wait3A_2265 = tpu.memref_slice %arg8[%dma_wait3A_2263, %dma_wait3A_2264] : memref<32x512xf32, #tpu.memory_space<vmem>> -> memref<16x512xf32, #tpu.memory_space<vmem>>
      %dma_wait3A_2266 = arith.constant 0 : i32
      %dma_wait3A_2267 = tpu.memref_slice %arg4[%run_scoped3A, %add3A_2247, %dma_wait3A_2266] : memref<3x512x512xf32, #tpu.memory_space<hbm>> -> memref<1x16x512xf32, #tpu.memory_space<hbm>>
      %dma_wait3A_2268 = tpu.memref_squeeze %dma_wait3A_2267 : memref<1x16x512xf32, #tpu.memory_space<hbm>> -> memref<16x512xf32, #tpu.memory_space<hbm>>
      %dma_wait3A_2269 = arith.constant 0 : i32
      %dma_wait3A_2270 = tpu.memref_slice %arg4[%run_scoped3A, %add3A_2247, %dma_wait3A_2269] : memref<3x512x512xf32, #tpu.memory_space<hbm>> -> memref<1x16x512xf32, #tpu.memory_space<hbm>>
      %dma_wait3A_2271 = tpu.memref_squeeze %dma_wait3A_2270 : memref<1x16x512xf32, #tpu.memory_space<hbm>> -> memref<16x512xf32, #tpu.memory_space<hbm>>
      %dma_wait3A_2272 = arith.constant 0 : i32
      %dma_wait3A_2273 = arith.constant 0 : i32
      %dma_wait3A_2274 = tpu.memref_slice %arg8[%dma_wait3A_2272, %dma_wait3A_2273] : memref<32x512xf32, #tpu.memory_space<vmem>> -> memref<16x512xf32, #tpu.memory_space<vmem>>
      tpu.wait_dma2 semaphore(%run_scoped3A_2250 : memref<!tpu.dma_semaphore, #tpu.memory_space<semaphore_mem>>) src(%dma_wait3A_2274 : memref<16x512xf32, #tpu.memory_space<vmem>>) dst(%dma_wait3A_2271 : memref<16x512xf32, #tpu.memory_space<hbm>>)
      tpu.yield
    }) : () -> ()
    %run_scoped3A_2248 = arith.constant 1 : i32
    "tpu.region"() ({
      %run_scoped3A_2250 = tpu.sem_alloc : memref<!tpu.dma_semaphore, #tpu.memory_space<semaphore_mem>>
      %dma_start3A_2251 = arith.constant 0 : i32
      %dma_start3A_2252 = arith.constant 0 : i32
      %dma_start3A_2253 = tpu.memref_slice %arg9[%dma_start3A_2251, %dma_start3A_2252] : memref<32x512xf32, #tpu.memory_space<vmem>> -> memref<16x512xf32, #tpu.memory_space<vmem>>
      %dma_start3A_2254 = arith.constant 0 : i32
      %dma_start3A_2255 = tpu.memref_slice %arg4[%run_scoped3A_2248, %add3A_2247, %dma_start3A_2254] : memref<3x512x512xf32, #tpu.memory_space<hbm>> -> memref<1x16x512xf32, #tpu.memory_space<hbm>>
      %dma_start3A_2256 = tpu.memref_squeeze %dma_start3A_2255 : memref<1x16x512xf32, #tpu.memory_space<hbm>> -> memref<16x512xf32, #tpu.memory_space<hbm>>
      %dma_start3A_2257 = arith.constant 0 : i32
      %dma_start3A_2258 = tpu.memref_slice %arg4[%run_scoped3A_2248, %add3A_2247, %dma_start3A_2257] : memref<3x512x512xf32, #tpu.memory_space<hbm>> -> memref<1x16x512xf32, #tpu.memory_space<hbm>>
      %dma_start3A_2259 = tpu.memref_squeeze %dma_start3A_2258 : memref<1x16x512xf32, #tpu.memory_space<hbm>> -> memref<16x512xf32, #tpu.memory_space<hbm>>
      %dma_start3A_2260 = arith.constant 0 : i32
      %dma_start3A_2261 = arith.constant 0 : i32
      %dma_start3A_2262 = tpu.memref_slice %arg9[%dma_start3A_2260, %dma_start3A_2261] : memref<32x512xf32, #tpu.memory_space<vmem>> -> memref<16x512xf32, #tpu.memory_space<vmem>>
      tpu.enqueue_dma source(%dma_start3A_2262 : memref<16x512xf32, #tpu.memory_space<vmem>>) target(%dma_start3A_2259 : memref<16x512xf32, #tpu.memory_space<hbm>>) target_semaphore(%run_scoped3A_2250 : memref<!tpu.dma_semaphore, #tpu.memory_space<semaphore_mem>>)
      %dma_wait3A_2263 = arith.constant 0 : i32
      %dma_wait3A_2264 = arith.constant 0 : i32
      %dma_wait3A_2265 = tpu.memref_slice %arg9[%dma_wait3A_2263, %dma_wait3A_2264] : memref<32x512xf32, #tpu.memory_space<vmem>> -> memref<16x512xf32, #tpu.memory_space<vmem>>
      %dma_wait3A_2266 = arith.constant 0 : i32
      %dma_wait3A_2267 = tpu.memref_slice %arg4[%run_scoped3A_2248, %add3A_2247, %dma_wait3A_2266] : memref<3x512x512xf32, #tpu.memory_space<hbm>> -> memref<1x16x512xf32, #tpu.memory_space<hbm>>
      %dma_wait3A_2268 = tpu.memref_squeeze %dma_wait3A_2267 : memref<1x16x512xf32, #tpu.memory_space<hbm>> -> memref<16x512xf32, #tpu.memory_space<hbm>>
      %dma_wait3A_2269 = arith.constant 0 : i32
      %dma_wait3A_2270 = tpu.memref_slice %arg4[%run_scoped3A_2248, %add3A_2247, %dma_wait3A_2269] : memref<3x512x512xf32, #tpu.memory_space<hbm>> -> memref<1x16x512xf32, #tpu.memory_space<hbm>>
      %dma_wait3A_2271 = tpu.memref_squeeze %dma_wait3A_2270 : memref<1x16x512xf32, #tpu.memory_space<hbm>> -> memref<16x512xf32, #tpu.memory_space<hbm>>
      %dma_wait3A_2272 = arith.constant 0 : i32
      %dma_wait3A_2273 = arith.constant 0 : i32
      %dma_wait3A_2274 = tpu.memref_slice %arg9[%dma_wait3A_2272, %dma_wait3A_2273] : memref<32x512xf32, #tpu.memory_space<vmem>> -> memref<16x512xf32, #tpu.memory_space<vmem>>
      tpu.wait_dma2 semaphore(%run_scoped3A_2250 : memref<!tpu.dma_semaphore, #tpu.memory_space<semaphore_mem>>) src(%dma_wait3A_2274 : memref<16x512xf32, #tpu.memory_space<vmem>>) dst(%dma_wait3A_2271 : memref<16x512xf32, #tpu.memory_space<hbm>>)
      tpu.yield
    }) : () -> ()
    %run_scoped3A_2249 = arith.constant 2 : i32
    "tpu.region"() ({
      %run_scoped3A_2250 = tpu.sem_alloc : memref<!tpu.dma_semaphore, #tpu.memory_space<semaphore_mem>>
      %dma_start3A_2251 = arith.constant 0 : i32
      %dma_start3A_2252 = arith.constant 0 : i32
      %dma_start3A_2253 = tpu.memref_slice %arg10[%dma_start3A_2251, %dma_start3A_2252] : memref<32x512xf32, #tpu.memory_space<vmem>> -> memref<16x512xf32, #tpu.memory_space<vmem>>
      %dma_start3A_2254 = arith.constant 0 : i32
      %dma_start3A_2255 = tpu.memref_slice %arg4[%run_scoped3A_2249, %add3A_2247, %dma_start3A_2254] : memref<3x512x512xf32, #tpu.memory_space<hbm>> -> memref<1x16x512xf32, #tpu.memory_space<hbm>>
      %dma_start3A_2256 = tpu.memref_squeeze %dma_start3A_2255 : memref<1x16x512xf32, #tpu.memory_space<hbm>> -> memref<16x512xf32, #tpu.memory_space<hbm>>
      %dma_start3A_2257 = arith.constant 0 : i32
      %dma_start3A_2258 = tpu.memref_slice %arg4[%run_scoped3A_2249, %add3A_2247, %dma_start3A_2257] : memref<3x512x512xf32, #tpu.memory_space<hbm>> -> memref<1x16x512xf32, #tpu.memory_space<hbm>>
      %dma_start3A_2259 = tpu.memref_squeeze %dma_start3A_2258 : memref<1x16x512xf32, #tpu.memory_space<hbm>> -> memref<16x512xf32, #tpu.memory_space<hbm>>
      %dma_start3A_2260 = arith.constant 0 : i32
      %dma_start3A_2261 = arith.constant 0 : i32
      %dma_start3A_2262 = tpu.memref_slice %arg10[%dma_start3A_2260, %dma_start3A_2261] : memref<32x512xf32, #tpu.memory_space<vmem>> -> memref<16x512xf32, #tpu.memory_space<vmem>>
      tpu.enqueue_dma source(%dma_start3A_2262 : memref<16x512xf32, #tpu.memory_space<vmem>>) target(%dma_start3A_2259 : memref<16x512xf32, #tpu.memory_space<hbm>>) target_semaphore(%run_scoped3A_2250 : memref<!tpu.dma_semaphore, #tpu.memory_space<semaphore_mem>>)
      %dma_wait3A_2263 = arith.constant 0 : i32
      %dma_wait3A_2264 = arith.constant 0 : i32
      %dma_wait3A_2265 = tpu.memref_slice %arg10[%dma_wait3A_2263, %dma_wait3A_2264] : memref<32x512xf32, #tpu.memory_space<vmem>> -> memref<16x512xf32, #tpu.memory_space<vmem>>
      %dma_wait3A_2266 = arith.constant 0 : i32
      %dma_wait3A_2267 = tpu.memref_slice %arg4[%run_scoped3A_2249, %add3A_2247, %dma_wait3A_2266] : memref<3x512x512xf32, #tpu.memory_space<hbm>> -> memref<1x16x512xf32, #tpu.memory_space<hbm>>
      %dma_wait3A_2268 = tpu.memref_squeeze %dma_wait3A_2267 : memref<1x16x512xf32, #tpu.memory_space<hbm>> -> memref<16x512xf32, #tpu.memory_space<hbm>>
      %dma_wait3A_2269 = arith.constant 0 : i32
      %dma_wait3A_2270 = tpu.memref_slice %arg4[%run_scoped3A_2249, %add3A_2247, %dma_wait3A_2269] : memref<3x512x512xf32, #tpu.memory_space<hbm>> -> memref<1x16x512xf32, #tpu.memory_space<hbm>>
      %dma_wait3A_2271 = tpu.memref_squeeze %dma_wait3A_2270 : memref<1x16x512xf32, #tpu.memory_space<hbm>> -> memref<16x512xf32, #tpu.memory_space<hbm>>
      %dma_wait3A_2272 = arith.constant 0 : i32
      %dma_wait3A_2273 = arith.constant 0 : i32
      %dma_wait3A_2274 = tpu.memref_slice %arg10[%dma_wait3A_2272, %dma_wait3A_2273] : memref<32x512xf32, #tpu.memory_space<vmem>> -> memref<16x512xf32, #tpu.memory_space<vmem>>
      tpu.wait_dma2 semaphore(%run_scoped3A_2250 : memref<!tpu.dma_semaphore, #tpu.memory_space<semaphore_mem>>) src(%dma_wait3A_2274 : memref<16x512xf32, #tpu.memory_space<vmem>>) dst(%dma_wait3A_2271 : memref<16x512xf32, #tpu.memory_space<hbm>>)
      tpu.yield
    }) : () -> ()
    return
  }
}

</mosaic_0001>

<sc_bundles>
// kernel: kernel.3.cloned.1.call-start
scs
__scs_entry_jumppad:
0x0: {  	(pc) =	sbr.rel $0x88, $3  }
0x1: {  	(tag) =	ssettag $0x0;
	lr =	simm.s32 $0x1  }
0x2: {  	[smem:$0x3F9F] =	sst lr;
	_ =	strace $0xD0000000  }
0x3: {  	_ = 	snop  }
0x4: {  	_ = 	snop  }
0x5: {  	_ = 	snop  }
0x6: {  	_ = 	snop  }
0x7: {  	_ = 	snop  }
__scs_overlays_trampoline_lowered:
0x8: {  	[smem:$0x3FAE] =	sst s0  }
0x9: {  	[smem:$0x3FAF] =	sst s1  }
0xa: {  	[smem:$0x3FB0] =	sst s2  }
0xb: {  	[smem:$0x3FB1] =	sst s3  }
0xc: {  	[smem:$0x3FB2] =	sst s4  }
0xd: {  	[smem:$0x3FB3] =	sst s5  }
0xe: {  	[smem:$0x3FB4] =	sst s6  }
0xf: {  	[smem:$0x3FB5] =	sst s7  }
0x10: {  	[smem:$0x3FB6] =	sst s8  }
0x11: {  	[smem:$0x3FB7] =	sst s9;
	s0 =	simm.s32 @!p0 $0x0  }
0x12: {  	s1 =	sld [smem:$0x3F9D];
	s0 =	simm.s32 @p0 $0x1  }
0x13: {  	[smem:$0x3FB8] =	sst s0;
	s0 =	simm.s32 @!p1 $0x0  }
0x14: {  	s2 =	sld [smem:$0x3F9C];
	s0 =	simm.s32 @p1 $0x1  }
0x15: {  	[smem:$0x3FB9] =	sst s0;
	s0 =	simm.s32 @!p2 $0x0  }
0x16: {  	s3 =	sld [smem:$0x3FDB];
	s0 =	simm.s32 @p2 $0x1  }
0x17: {  	s4 =	simm.s32 $0x1BF5;
	[smem:$0x3FBB] =	sst s0  }
0x18: {  	s0 =	sld [smem:$0x3F9E];
	_ =	swait.ge [sflag:s4], $0x0  }
0x19: {  	s7 =	sld [smem:$0x3F9F]  }
0x1a: {  	s8 =	sadd.s32 $0xFFFFE003, lr  }
0x1b: {  	s9 =	sadd.s32 $0xFFFFFEF7, lr;
	s5 =	simm.s32 $0xFFFFFFFF;
	p2 =	slt.u32 s8, $0xFFFFF086  }
0x1c: {  	p1 =	slt.u32 s9, $0xF7A;
	s5 =	simm.s32 @!p2 $0x0  }
0x1d: {  	s5 =	simm.s32 @p1 $0x1;
	p0 =	seq.s32 s7, s2  }
0x1e: {  	s7 =	smul.u32 @!p0 $0xF7A, s2;
	p2 =	seq.s32 @!p0 s5, $0x0  }
0x1f: {  	s9 =	smul.u32 $0xF7A, s1;
	s8 =	simm.s32 @!p0 $0x1BF5;
	p2 =	por !p2, p0  }
0x20: {  	[sflag:s8] =	ssyncset.s32 @!p0 $0xFFFFF086;
	s6 =	sadd.s32 @!p0 s3, s7;
	s7 =	simm.s32 @!p0 $0x108  }
0x21: {  	s3 =	sadd.s32 s3, s9;
	s6 =	sadd.s32 @!p0 $0x88, s6;
	s7 =	simm.s32 @p2 $0x1082  }
0x22: {  	[simem:s7], [sflag:s8] =	dma.local @!p0 [hbm:s6], $0xF7A  }
0x23: {  	s9 =	sor.u32 $0xD0000000, s2;
	s6 =	simm.s32 $0x108;
	_ =	swait.ge @!p0 [sflag:s8], $0x0  }
0x24: {  	s3 =	sadd.s32 $0x88, s3;
	s6 =	simm.s32 @!p1 $0x1082;
	[sflag:s4] =	ssyncset.s32 $0xFFFFF086  }
0x25: {  	[simem:s6], [sflag:s4] =	dma.local [hbm:s3], $0xF7A  }
0x26: {  	[smem:$0x3F9F] =	sst s1;
	(tag) =	ssettag s2;
	_ =	strace s9  }
0x27: {  	s1 =	sld [smem:$0x3FAF]  }
0x28: {  	s2 =	sld [smem:$0x3FB0]  }
0x29: {  	s4 =	sld [smem:$0x3FB2]  }
0x2a: {  	p0 =	seq.s32 s5, $0x0;
	s5 =	sld [smem:$0x3FB3]  }
0x2b: {  	s6 =	sld [smem:$0x3FB4]  }
0x2c: {  	s7 =	sld [smem:$0x3FB5]  }
0x2d: {  	s3 =	simm.s32 $0x108;
	s8 =	sld [smem:$0x3FB6]  }
0x2e: {  	s3 =	simm.s32 @!p0 $0x1082;
	s9 =	sld [smem:$0x3FB7]  }
0x2f: {  	lr =	sadd.s32 s0, s3;
	s0 =	sld [smem:$0x3FAE]  }
0x30: {  	s3 =	sld [smem:$0x3FB1]  }
0x31: {  	[smem:$0x3FBA] =	sst s10  }
0x32: {  	s10 =	sld [smem:$0x3FB8];
	_ =	sdelay $0x3  }
0x33: {  	p0 =	seq.s32 s10, $0x1;
	s10 =	sld [smem:$0x3FBA];
	_ =	sdelay $0x3  }
0x34: {  	[smem:$0x3FBA] =	sst s10  }
0x35: {  	s10 =	sld [smem:$0x3FB9];
	_ =	sdelay $0x3  }
0x36: {  	p1 =	seq.s32 s10, $0x1;
	s10 =	sld [smem:$0x3FBA];
	_ =	sdelay $0x3  }
0x37: {  	[smem:$0x3FBA] =	sst s10  }
0x38: {  	s10 =	sld [smem:$0x3FBB]  }
0x39: {  	_ = 	snop;
	(pc) =	sbr.ind lr, $3  }
0x3a: {  	_ = 	snop  }
0x3b: {  	_ = 	snop  }
0x3c: {  	p2 =	seq.s32 s10, $0x1;
	s10 =	sld [smem:$0x3FBA]  }
0x3d: {  	_ =	shalt  }
0x3e: {  	_ =	shalt  }
0x3f: {  	_ =	shalt  }
0x40: {  	_ =	shalt  }
0x41: {  	_ =	shalt  }
0x42: {  	_ =	shalt  }
0x43: {  	_ =	shalt  }
0x44: {  	_ =	shalt  }
0x45: {  	_ =	shalt  }
0x46: {  	_ =	shalt  }
0x47: {  	_ =	shalt  }
0x48: {  	_ =	shalt  }
0x49: {  	_ =	shalt  }
0x4a: {  	_ =	shalt  }
0x4b: {  	_ =	shalt  }
0x4c: {  	_ =	shalt  }
0x4d: {  	_ =	shalt  }
0x4e: {  	_ =	shalt  }
0x4f: {  	_ =	shalt  }
0x50: {  	_ =	shalt  }
0x51: {  	_ =	shalt  }
0x52: {  	_ =	shalt  }
0x53: {  	_ =	shalt  }
0x54: {  	_ =	shalt  }
0x55: {  	_ =	shalt  }
0x56: {  	_ =	shalt  }
0x57: {  	_ =	shalt  }
0x58: {  	_ =	shalt  }
0x59: {  	_ =	shalt  }
0x5a: {  	_ =	shalt  }
0x5b: {  	_ =	shalt  }
0x5c: {  	_ =	shalt  }
0x5d: {  	_ =	shalt  }
0x5e: {  	_ =	shalt  }
0x5f: {  	_ =	shalt  }
0x60: {  	_ =	shalt  }
0x61: {  	_ =	shalt  }
0x62: {  	_ =	shalt  }
0x63: {  	_ =	shalt  }
0x64: {  	_ =	shalt  }
0x65: {  	_ =	shalt  }
0x66: {  	_ =	shalt  }
0x67: {  	_ =	shalt  }
0x68: {  	_ =	shalt  }
0x69: {  	_ =	shalt  }
0x6a: {  	_ =	shalt  }
0x6b: {  	_ =	shalt  }
0x6c: {  	_ =	shalt  }
0x6d: {  	_ =	shalt  }
0x6e: {  	_ =	shalt  }
0x6f: {  	_ =	shalt  }
0x70: {  	_ =	shalt  }
0x71: {  	_ =	shalt  }
0x72: {  	_ =	shalt  }
0x73: {  	_ =	shalt  }
0x74: {  	_ =	shalt  }
0x75: {  	_ =	shalt  }
0x76: {  	_ =	shalt  }
0x77: {  	_ =	shalt  }
0x78: {  	_ =	shalt  }
0x79: {  	_ =	shalt  }
0x7a: {  	_ =	shalt  }
0x7b: {  	_ =	shalt  }
0x7c: {  	_ =	shalt  }
0x7d: {  	_ =	shalt  }
0x7e: {  	_ =	shalt  }
0x7f: {  	_ =	shalt  }
0x80: {  	_ =	shalt  }
0x81: {  	_ =	shalt  }
0x82: {  	_ =	shalt  }
0x83: {  	_ =	shalt  }
0x84: {  	_ =	shalt  }
0x85: {  	_ =	shalt  }
0x86: {  	_ =	shalt  }
0x87: {  	_ =	shalt  }
.Lfunc_end0:
.L_simem_size_0:
called_computation_lowered:
.L_overlay_start_0:
0x88: {  	s2 =	sld [smem:$0x3FD9]  }
0x89: {  	s3 =	sld [smem:$0x3FFE];
	_ =	sdelay $0x1  }
0x8a: {  	s1 =	srdreg.scid  }
0x8b: {  	s0 =	sand.u32 $0x1, s1  }
0x8c: {  	s18 =	sshll.u32 s0, $0xA;
	s2 =	sadd.s32 s3, s2  }
0x8d: {  	s2 =	sadd.s32 s2, s18  }
0x8e: {  	[smem:$0x3FC6] =	sst s2  }
0x8f: {  	_ = 	snop  }
0x90: {  	s2 =	sld [smem:$0x3FC9]  }
0x91: {  	s19 =	sld [smem:$0x3FC8]  }
0x92: {  	s4 =	sld [smem:$0x3FD0];
	(tm) =	ssettm $0x1  }
0x93: {  	s5 =	sld [smem:$0x3FFB];
	_ =	sdelay $0x3  }
0x94: {  	_ =	strace s5  }
0x95: {  	s5 =	sld [smem:$0x3FFC];
	_ =	sdelay $0x3  }
0x96: {  	_ =	strace s5  }
0x97: {  	s5 =	sld [smem:$0x3FFD];
	_ =	sdelay $0x3  }
0x98: {  	_ =	strace s5  }
0x99: {  	_ =	strace $0x8FFFFFFF  }
0x9a: {  	s20 =	sld [smem:$0x3FDB];
	_ =	sdelay $0x1  }
0x9b: {  	s6 =	simm.s32 $_scs_section_size  }
0x9c: {  	s7 =	simm.s32 $_size__tile_overlayer_lowered;
	s8 =	simm.s32 $_tile_overlayer_lowered  }
0x9d: {  	s23 =	simm.s32 $0x1BFF;
	s22 =	sshll.u32 s8, $0x1;
	s5 =	sadd.s32 s6, s20  }
0x9e: {  	s9 =	simm.s32 $0x0;
	s21 =	sshll.u32 s7, $0x1;
	s7 =	sadd.s32 s22, s5  }
0x9f: {  	[timem:s9], [sflag:s23] =	dma.local [hbm:s7], s21  }
0xa0: {  	_ =	swait.ge [sflag:s23], s21  }
0xa1: {  	s6 =	ssub.s32 $0x0, s21;
	[sflag:s23] =	ssyncset.done $0x0  }
0xa2: {  	[sflag:s23] =	ssyncadd.s32 s6;
	_ =	sdelay $0x1  }
0xa3: {  	s24 =	simm.s32 $0x1B8B  }
0xa4: {  	_ =	swait.ge [sflag:s24], $0x1  }
0xa5: {  	[sflag:s24] =	ssyncset.done $0x0  }
0xa6: {  	s25 =	simm.s32 $0x1B8E;
	[sflag:s24] =	ssyncadd.s32 $0xFFFFFFFF  }
0xa7: {  	s26 =	simm.s32 $execute0_lowered;
	[smem:$0x3FD2] =	sst s25  }
0xa8: {  	s6 =	sshll.u32 s26, $0x1;
	_ =	strace $0x80000046;
	[dreg:$0x1] =	wrdreg $0xFFFFFFFF  }
0xa9: {  	s28 =	simm.s32 $_size_execute0_lowered;
	s5 =	sadd.s32 s5, s6;
	[dreg:$0x0] =	wrdreg $0x0  }
0xaa: {  	s6 =	sshll.u32 s28, $0x1;
	[dreg:$0x2] =	wrdreg s5  }
0xab: {  	[dreg:$0x3] =	wrdreg s6  }
0xac: {  	[dreg:$0x4] =	wrdreg $0xC0  }
0xad: {  	_ =	task [dreg:s9], $0x5FFFF  }
0xae: {  	[dreg:$0x1] =	wrdreg $0xFFFFFFFF  }
0xaf: {  	[dreg:$0x0] =	wrdreg $0x60  }
0xb0: {  	[dreg:$0x2] =	wrdreg s2  }
0xb1: {  	[dreg:$0x3] =	wrdreg s19  }
0xb2: {  	[dreg:$0x4] =	wrdreg s4  }
0xb3: {  	[dreg:$0x5] =	wrdreg $0x1B6000  }
0xb4: {  	[dreg:$0x6] =	wrdreg $0x1C6000  }
0xb5: {  	[dreg:$0x7] =	wrdreg $0x1D6000  }
0xb6: {  	[dreg:$0x8] =	wrdreg $0x1D6100  }
0xb7: {  	[dreg:$0x9] =	wrdreg $0x1D6200  }
0xb8: {  	[dreg:$0xa] =	wrdreg $0x9  }
0xb9: {  	_ =	task.clear_ibuf [dreg:s9], $0xBFFFF;
	_ =	strace $0x90000046  }
0xba: {  	s29 =	simm.s32 $0x9;
	_ =	strace $0x80000048  }
0xbb: {  	_ =	swait.ge [sflag:s29], $0x1  }
0xbc: {  	[sflag:s29] =	ssyncadd.s32 $0xFFFFFFFF  }
0xbd: {  	_ =	strace $0x90000048  }
0xbe: {  	_ =	sfence  }
0xbf: {  	s30 =	sld [smem:$0x0];
	_ =	sdelay $0x2  }
0xc0: {  	s31 =	sshll.u32 s1, $0xD;
	s1 =	sshrl.u32 s1, $0x2  }
0xc1: {  	s3 =	sand.u32 $0x4000, s31;
	s1 =	sadd.s32 s1, s30  }
0xc2: {  	s0 =	sor.u32 s3, s0;
	s1 =	sshll.u32 s1, $0x11  }
0xc3: {  	s0 =	sor.u32 s1, s0  }
0xc4: {  	s0 =	sadd.s32 $0x8F2B, s0  }
0xc5: {  	[sflag:s0] =	ssyncadd.remote.s32 $0x1  }
0xc6: {  	_ =	sfence.sel $0xFFFF  }
0xc7: {  	[dreg:$0x0] =	wrdreg $0xFFFFFFFF;
	(pc) =	sbr.abs _section_cstart, $3  }
0xc8: {  	[dreg:$0x1] =	wrdreg $0xFFFFFFFF  }
0xc9: {  	_ =	task.clear_ibuf [dreg:s9], $0x2FFFF;
	_ =	strace $0x9FFFFFFF  }
0xca: {  	(tm) =	ssettm $0x7FFFFFFF  }
0xcb: {  	_ =	shalt  }
tec
execute0_lowered:
.L_overlay_start_1:
0x0: {  	(tag) =	ssettag $0x1  }
0x1: {  	s0 =	rddreg [dreg:$0x0]  }
0x2: {  	s1 =	rddreg [dreg:$0x1]  }
0x3: {  	s2 =	rddreg [dreg:$0x2]  }
0x4: {  	s3 =	rddreg [dreg:$0x3]  }
0x5: {  	s4 =	rddreg [dreg:$0x4]  }
0x6: {  	s14 =	rddreg [dreg:$0x5];
	s16 =	stileid.u32  }
0x7: {  	s15 =	rddreg [dreg:$0x6];
	s8 =	sshll.u32 s16, $0xB  }
0x8: {  	s17 =	rddreg [dreg:$0x7];
	s9 =	sadd.s32 s0, s8  }
0x9: {  	s19 =	sor.u32 $0x8000, s8;
	s21 =	sadd.s32 s1, s8;
	[dreg:$0x9] =	wrdreg s9  }
0xa: {  	s10 =	sor.u32 $0x10000, s8;
	s11 =	sadd.s32 s0, s19;
	[dreg:$0xc] =	wrdreg s21  }
0xb: {  	s20 =	sadd.s32 s0, s10;
	[dreg:$0xa] =	wrdreg s11  }
0xc: {  	s9 =	sadd.s32 s1, s19;
	[dreg:$0xb] =	wrdreg s20  }
0xd: {  	s23 =	sor.u32 $0x400, s8;
	s22 =	sadd.s32 s1, s10;
	[dreg:$0xd] =	wrdreg s9  }
0xe: {  	s12 =	sor.u32 $0x8400, s8;
	s24 =	sadd.s32 s0, s23;
	[dreg:$0xe] =	wrdreg s22  }
0xf: {  	s13 =	sor.u32 $0x10400, s8;
	s28 =	sadd.s32 s0, s12;
	[dreg:$0xf] =	wrdreg s24  }
0x10: {  	s0 =	sadd.s32 s0, s13;
	[dreg:$0x10] =	wrdreg s28  }
0x11: {  	s5 =	srdreg.scid;
	s18 =	sadd.s32 s1, s12;
	[dreg:$0x11] =	wrdreg s0  }
0x12: {  	s25 =	sshll.u32 s16, $0xC;
	s19 =	sadd.s32 s1, s13;
	[dreg:$0x13] =	wrdreg s18  }
0x13: {  	s26 =	sshll.u32 s16, $0x7;
	s11 =	sadd.s32 s1, s23;
	[dreg:$0x14] =	wrdreg s19  }
0x14: {  	s10 =	sor.u32 s26, s25;
	s22 =	sadd.s32 s8, s3;
	[dreg:$0x12] =	wrdreg s11  }
0x15: {  	s20 =	sand.u32 $0x8380, s10;
	s24 =	sadd.s32 s8, s4;
	[dreg:$0x17] =	wrdreg s22  }
0x16: {  	s5 =	sand.u32 $0x1, s5;
	s21 =	sadd.s32 s20, s3;
	[dreg:$0x18] =	wrdreg s24  }
0x17: {  	s6 =	ssub.s32 $0x2, s5;
	s0 =	sadd.s32 s20, s4;
	[dreg:$0x15] =	wrdreg s21  }
0x18: {  	s7 =	sshrl.u32 s6, $0x1;
	[dreg:$0x16] =	wrdreg s0;
	s21 =	simm.s32 $0x0  }
0x19: {  	s12 =	simm.s32 $0x1B200;
	s13 =	simm.s32 $0x1B380;
	[smem:$0x7FF] =	sst s21  }
0x1a: {  	v0 =	vimm.f32 $2.621430000e+05;
	s6 =	ssub.s32 s6, s7;
	s7 =	sshll.u32 s16, $0xE;
	_ =	strace $0x80000047  }
0x1b: {  	s19 =	sshll.u32 s5, $0xD;
	s18 =	simm.s32 $0x10000;
	s5 =	simm.s32 $0x18000;
	(erf) = vrcp.f32 v0  }
0x1c: {  	s8 =	simm.s32 $0x80;
	s9 =	simm.s32 $0x400;
	s10 =	simm.s32 $0x3  }
0x1d: {  	s1 =	simm.s32 $0x1B100;
	s23 =	sor.u32 s19, s7;
	s24 =	sshll.u32 s16, $0x4;
	v0 =	vlaneseq.u32  }
0x1e: {  	s25 =	smax.u32 s6, $0x1;
	s3 =	simm.s32 $0x8000;
	s20 =	simm.s32 $0x14000;
	v1 =	vmul.u32 $0x10, v0  }
0x1f: {  	v2 =	vimm.s32 $0x0;
	v3 =	vimm.s32 $0x1;
	s4 =	simm.s32 $0x1;
	s6 =	simm.s32 $0x19000;
	s7 =	simm.s32 $0x2  }
0x20: {  	s11 =	simm.s32 $0x800;
	s0 =	sshrl.u32 s23, $0x3;
	s26 =	sadd.s32 s24, s14;
	v4 =	vor.u32 $0x1, v1;
	v5 =	vor.u32 $0x2, v1;
	v6 =	vor.u32 $0x3, v1  }
0x21: {  	s28 =	sadd.s32 s24, s15;
	s29 =	sadd.s32 s24, s17;
	s17 =	simm.s32 $0xC000;
	v7 =	vor.u32 $0x4, v1;
	v8 =	vor.u32 $0x5, v1;
	v9 =	vor.u32 $0x6, v1  }
0x22: {  	s14 =	simm.s32 $0x0;
	s23 =	sadd.s32 s2, s0;
	[dreg:$0x19] =	wrdreg s25;
	v10 =	vor.u32 $0x7, v1;
	v11 =	vor.u32 $0x8, v1;
	v12 =	vor.u32 $0x9, v1  }
0x23: {  	s0 =	simm.s32 $0x1A100;
	s2 =	simm.s32 $0x1B480;
	[dreg:$0x1a] =	wrdreg s26;
	v13 =	vor.u32 $0xA, v1;
	v14 =	vor.u32 $0xB, v1;
	v15 =	vor.u32 $0xC, v1  }
0x24: {  	[dreg:$0x1b] =	wrdreg s28;
	s30 =	sadd.s32 $0x8000, s23;
	s31 =	sadd.s32 $0x10000, s23;
	v17 =	vor.u32 $0xD, v1;
	v18 =	vor.u32 $0xE, v1;
	v19 =	vor.u32 $0xF, v1;
	v16 =	vpop (erf)  }
.LBB2_1:
0x25: {  	[tilespmem:$0x18000] =	vst v2  }
0x26: {  	[tilespmem:$0x19000] =	vst v2  }
0x27: {  	[tilespmem:$0x18010] =	vst v2  }
0x28: {  	[tilespmem:$0x19010] =	vst v2  }
0x29: {  	[tilespmem:$0x18020] =	vst v2  }
0x2a: {  	[tilespmem:$0x19020] =	vst v2  }
0x2b: {  	[tilespmem:$0x18030] =	vst v2  }
0x2c: {  	[tilespmem:$0x19030] =	vst v2  }
0x2d: {  	[tilespmem:$0x18040] =	vst v2  }
0x2e: {  	[tilespmem:$0x19040] =	vst v2  }
0x2f: {  	[tilespmem:$0x18050] =	vst v2  }
0x30: {  	[tilespmem:$0x19050] =	vst v2  }
0x31: {  	[tilespmem:$0x18060] =	vst v2  }
0x32: {  	[tilespmem:$0x19060] =	vst v2  }
0x33: {  	[tilespmem:$0x18070] =	vst v2  }
0x34: {  	[tilespmem:$0x19070] =	vst v2  }
0x35: {  	[tilespmem:$0x18080] =	vst v2  }
0x36: {  	[tilespmem:$0x19080] =	vst v2  }
0x37: {  	[tilespmem:$0x18090] =	vst v2  }
0x38: {  	[tilespmem:$0x19090] =	vst v2  }
0x39: {  	[tilespmem:$0x180A0] =	vst v2  }
0x3a: {  	[tilespmem:$0x190A0] =	vst v2  }
0x3b: {  	[tilespmem:$0x180B0] =	vst v2  }
0x3c: {  	[tilespmem:$0x190B0] =	vst v2  }
0x3d: {  	[tilespmem:$0x180C0] =	vst v2  }
0x3e: {  	[tilespmem:$0x190C0] =	vst v2  }
0x3f: {  	[tilespmem:$0x180D0] =	vst v2  }
0x40: {  	[tilespmem:$0x190D0] =	vst v2  }
0x41: {  	[tilespmem:$0x180E0] =	vst v2  }
0x42: {  	[tilespmem:$0x190E0] =	vst v2  }
0x43: {  	[tilespmem:$0x180F0] =	vst v2  }
0x44: {  	[tilespmem:$0x190F0] =	vst v2  }
0x45: {  	[tilespmem:$0x18100] =	vst v2  }
0x46: {  	[tilespmem:$0x19100] =	vst v2  }
0x47: {  	[tilespmem:$0x18110] =	vst v2  }
0x48: {  	[tilespmem:$0x19110] =	vst v2  }
0x49: {  	[tilespmem:$0x18120] =	vst v2  }
0x4a: {  	[tilespmem:$0x19120] =	vst v2  }
0x4b: {  	[tilespmem:$0x18130] =	vst v2  }
0x4c: {  	[tilespmem:$0x19130] =	vst v2  }
0x4d: {  	[tilespmem:$0x18140] =	vst v2  }
0x4e: {  	[tilespmem:$0x19140] =	vst v2  }
0x4f: {  	[tilespmem:$0x18150] =	vst v2  }
0x50: {  	[tilespmem:$0x19150] =	vst v2  }
0x51: {  	[tilespmem:$0x18160] =	vst v2  }
0x52: {  	[tilespmem:$0x19160] =	vst v2  }
0x53: {  	[tilespmem:$0x18170] =	vst v2  }
0x54: {  	[tilespmem:$0x19170] =	vst v2  }
0x55: {  	[tilespmem:$0x18180] =	vst v2  }
0x56: {  	[tilespmem:$0x19180] =	vst v2  }
0x57: {  	[tilespmem:$0x18190] =	vst v2  }
0x58: {  	[tilespmem:$0x19190] =	vst v2  }
0x59: {  	[tilespmem:$0x181A0] =	vst v2  }
0x5a: {  	[tilespmem:$0x191A0] =	vst v2  }
0x5b: {  	[tilespmem:$0x181B0] =	vst v2  }
0x5c: {  	[tilespmem:$0x191B0] =	vst v2  }
0x5d: {  	[tilespmem:$0x181C0] =	vst v2  }
0x5e: {  	[tilespmem:$0x191C0] =	vst v2  }
0x5f: {  	[tilespmem:$0x181D0] =	vst v2  }
0x60: {  	[tilespmem:$0x191D0] =	vst v2  }
0x61: {  	[tilespmem:$0x181E0] =	vst v2  }
0x62: {  	[tilespmem:$0x191E0] =	vst v2  }
0x63: {  	[tilespmem:$0x181F0] =	vst v2  }
0x64: {  	[tilespmem:$0x191F0] =	vst v2  }
0x65: {  	[tilespmem:$0x18200] =	vst v2  }
0x66: {  	[tilespmem:$0x19200] =	vst v2  }
0x67: {  	[tilespmem:$0x18210] =	vst v2  }
0x68: {  	[tilespmem:$0x19210] =	vst v2  }
0x69: {  	[tilespmem:$0x18220] =	vst v2  }
0x6a: {  	[tilespmem:$0x19220] =	vst v2  }
0x6b: {  	[tilespmem:$0x18230] =	vst v2  }
0x6c: {  	[tilespmem:$0x19230] =	vst v2  }
0x6d: {  	[tilespmem:$0x18240] =	vst v2  }
0x6e: {  	[tilespmem:$0x19240] =	vst v2  }
0x6f: {  	[tilespmem:$0x18250] =	vst v2  }
0x70: {  	[tilespmem:$0x19250] =	vst v2  }
0x71: {  	[tilespmem:$0x18260] =	vst v2  }
0x72: {  	[tilespmem:$0x19260] =	vst v2  }
0x73: {  	[tilespmem:$0x18270] =	vst v2  }
0x74: {  	[tilespmem:$0x19270] =	vst v2  }
0x75: {  	[tilespmem:$0x18280] =	vst v2  }
0x76: {  	[tilespmem:$0x19280] =	vst v2  }
0x77: {  	[tilespmem:$0x18290] =	vst v2  }
0x78: {  	[tilespmem:$0x19290] =	vst v2  }
0x79: {  	[tilespmem:$0x182A0] =	vst v2  }
0x7a: {  	[tilespmem:$0x192A0] =	vst v2  }
0x7b: {  	[tilespmem:$0x182B0] =	vst v2  }
0x7c: {  	[tilespmem:$0x192B0] =	vst v2  }
0x7d: {  	[tilespmem:$0x182C0] =	vst v2  }
0x7e: {  	[tilespmem:$0x192C0] =	vst v2  }
0x7f: {  	[tilespmem:$0x182D0] =	vst v2  }
0x80: {  	[tilespmem:$0x192D0] =	vst v2  }
0x81: {  	[tilespmem:$0x182E0] =	vst v2  }
0x82: {  	[tilespmem:$0x192E0] =	vst v2  }
0x83: {  	[tilespmem:$0x182F0] =	vst v2  }
0x84: {  	[tilespmem:$0x192F0] =	vst v2  }
0x85: {  	[tilespmem:$0x18300] =	vst v2  }
0x86: {  	[tilespmem:$0x19300] =	vst v2  }
0x87: {  	[tilespmem:$0x18310] =	vst v2  }
0x88: {  	[tilespmem:$0x19310] =	vst v2  }
0x89: {  	[tilespmem:$0x18320] =	vst v2  }
0x8a: {  	[tilespmem:$0x19320] =	vst v2  }
0x8b: {  	[tilespmem:$0x18330] =	vst v2  }
0x8c: {  	[tilespmem:$0x19330] =	vst v2  }
0x8d: {  	[tilespmem:$0x18340] =	vst v2  }
0x8e: {  	[tilespmem:$0x19340] =	vst v2  }
0x8f: {  	[tilespmem:$0x18350] =	vst v2  }
0x90: {  	[tilespmem:$0x19350] =	vst v2  }
0x91: {  	[tilespmem:$0x18360] =	vst v2  }
0x92: {  	[tilespmem:$0x19360] =	vst v2  }
0x93: {  	[tilespmem:$0x18370] =	vst v2  }
0x94: {  	[tilespmem:$0x19370] =	vst v2  }
0x95: {  	[tilespmem:$0x18380] =	vst v2  }
0x96: {  	[tilespmem:$0x19380] =	vst v2  }
0x97: {  	[tilespmem:$0x18390] =	vst v2  }
0x98: {  	[tilespmem:$0x19390] =	vst v2  }
0x99: {  	[tilespmem:$0x183A0] =	vst v2  }
0x9a: {  	[tilespmem:$0x193A0] =	vst v2  }
0x9b: {  	[tilespmem:$0x183B0] =	vst v2  }
0x9c: {  	[tilespmem:$0x193B0] =	vst v2  }
0x9d: {  	[tilespmem:$0x183C0] =	vst v2  }
0x9e: {  	[tilespmem:$0x193C0] =	vst v2  }
0x9f: {  	[tilespmem:$0x183D0] =	vst v2  }
0xa0: {  	[tilespmem:$0x193D0] =	vst v2  }
0xa1: {  	[tilespmem:$0x183E0] =	vst v2  }
0xa2: {  	[tilespmem:$0x193E0] =	vst v2  }
0xa3: {  	[tilespmem:$0x183F0] =	vst v2  }
0xa4: {  	[tilespmem:$0x193F0] =	vst v2  }
0xa5: {  	[tilespmem:$0x18400] =	vst v2  }
0xa6: {  	[tilespmem:$0x19400] =	vst v2  }
0xa7: {  	[tilespmem:$0x18410] =	vst v2  }
0xa8: {  	[tilespmem:$0x19410] =	vst v2  }
0xa9: {  	[tilespmem:$0x18420] =	vst v2  }
0xaa: {  	[tilespmem:$0x19420] =	vst v2  }
0xab: {  	[tilespmem:$0x18430] =	vst v2  }
0xac: {  	[tilespmem:$0x19430] =	vst v2  }
0xad: {  	[tilespmem:$0x18440] =	vst v2  }
0xae: {  	[tilespmem:$0x19440] =	vst v2  }
0xaf: {  	[tilespmem:$0x18450] =	vst v2  }
0xb0: {  	[tilespmem:$0x19450] =	vst v2  }
0xb1: {  	[tilespmem:$0x18460] =	vst v2  }
0xb2: {  	[tilespmem:$0x19460] =	vst v2  }
0xb3: {  	[tilespmem:$0x18470] =	vst v2  }
0xb4: {  	[tilespmem:$0x19470] =	vst v2  }
0xb5: {  	[tilespmem:$0x18480] =	vst v2  }
0xb6: {  	[tilespmem:$0x19480] =	vst v2  }
0xb7: {  	[tilespmem:$0x18490] =	vst v2  }
0xb8: {  	[tilespmem:$0x19490] =	vst v2  }
0xb9: {  	[tilespmem:$0x184A0] =	vst v2  }
0xba: {  	[tilespmem:$0x194A0] =	vst v2  }
0xbb: {  	[tilespmem:$0x184B0] =	vst v2  }
0xbc: {  	[tilespmem:$0x194B0] =	vst v2  }
0xbd: {  	[tilespmem:$0x184C0] =	vst v2  }
0xbe: {  	[tilespmem:$0x194C0] =	vst v2  }
0xbf: {  	[tilespmem:$0x184D0] =	vst v2  }
0xc0: {  	[tilespmem:$0x194D0] =	vst v2  }
0xc1: {  	[tilespmem:$0x184E0] =	vst v2  }
0xc2: {  	[tilespmem:$0x194E0] =	vst v2  }
0xc3: {  	[tilespmem:$0x184F0] =	vst v2  }
0xc4: {  	[tilespmem:$0x194F0] =	vst v2  }
0xc5: {  	[tilespmem:$0x18500] =	vst v2  }
0xc6: {  	[tilespmem:$0x19500] =	vst v2  }
0xc7: {  	[tilespmem:$0x18510] =	vst v2  }
0xc8: {  	[tilespmem:$0x19510] =	vst v2  }
0xc9: {  	[tilespmem:$0x18520] =	vst v2  }
0xca: {  	[tilespmem:$0x19520] =	vst v2  }
0xcb: {  	[tilespmem:$0x18530] =	vst v2  }
0xcc: {  	[tilespmem:$0x19530] =	vst v2  }
0xcd: {  	[tilespmem:$0x18540] =	vst v2  }
0xce: {  	[tilespmem:$0x19540] =	vst v2  }
0xcf: {  	[tilespmem:$0x18550] =	vst v2  }
0xd0: {  	[tilespmem:$0x19550] =	vst v2  }
0xd1: {  	[tilespmem:$0x18560] =	vst v2  }
0xd2: {  	[tilespmem:$0x19560] =	vst v2  }
0xd3: {  	[tilespmem:$0x18570] =	vst v2  }
0xd4: {  	[tilespmem:$0x19570] =	vst v2  }
0xd5: {  	[tilespmem:$0x18580] =	vst v2  }
0xd6: {  	[tilespmem:$0x19580] =	vst v2  }
0xd7: {  	[tilespmem:$0x18590] =	vst v2  }
0xd8: {  	[tilespmem:$0x19590] =	vst v2  }
0xd9: {  	[tilespmem:$0x185A0] =	vst v2  }
0xda: {  	[tilespmem:$0x195A0] =	vst v2  }
0xdb: {  	[tilespmem:$0x185B0] =	vst v2  }
0xdc: {  	[tilespmem:$0x195B0] =	vst v2  }
0xdd: {  	[tilespmem:$0x185C0] =	vst v2  }
0xde: {  	[tilespmem:$0x195C0] =	vst v2  }
0xdf: {  	[tilespmem:$0x185D0] =	vst v2  }
0xe0: {  	[tilespmem:$0x195D0] =	vst v2  }
0xe1: {  	[tilespmem:$0x185E0] =	vst v2  }
0xe2: {  	[tilespmem:$0x195E0] =	vst v2  }
0xe3: {  	[tilespmem:$0x185F0] =	vst v2  }
0xe4: {  	[tilespmem:$0x195F0] =	vst v2  }
0xe5: {  	[tilespmem:$0x18600] =	vst v2  }
0xe6: {  	[tilespmem:$0x19600] =	vst v2  }
0xe7: {  	[tilespmem:$0x18610] =	vst v2  }
0xe8: {  	[tilespmem:$0x19610] =	vst v2  }
0xe9: {  	[tilespmem:$0x18620] =	vst v2  }
0xea: {  	[tilespmem:$0x19620] =	vst v2  }
0xeb: {  	[tilespmem:$0x18630] =	vst v2  }
0xec: {  	[tilespmem:$0x19630] =	vst v2  }
0xed: {  	[tilespmem:$0x18640] =	vst v2  }
0xee: {  	[tilespmem:$0x19640] =	vst v2  }
0xef: {  	[tilespmem:$0x18650] =	vst v2  }
0xf0: {  	[tilespmem:$0x19650] =	vst v2  }
0xf1: {  	[tilespmem:$0x18660] =	vst v2  }
0xf2: {  	[tilespmem:$0x19660] =	vst v2  }
0xf3: {  	[tilespmem:$0x18670] =	vst v2  }
0xf4: {  	[tilespmem:$0x19670] =	vst v2  }
0xf5: {  	[tilespmem:$0x18680] =	vst v2  }
0xf6: {  	[tilespmem:$0x19680] =	vst v2  }
0xf7: {  	[tilespmem:$0x18690] =	vst v2  }
0xf8: {  	[tilespmem:$0x19690] =	vst v2  }
0xf9: {  	[tilespmem:$0x186A0] =	vst v2  }
0xfa: {  	[tilespmem:$0x196A0] =	vst v2  }
0xfb: {  	[tilespmem:$0x186B0] =	vst v2  }
0xfc: {  	[tilespmem:$0x196B0] =	vst v2  }
0xfd: {  	[tilespmem:$0x186C0] =	vst v2  }
0xfe: {  	[tilespmem:$0x196C0] =	vst v2  }
0xff: {  	[tilespmem:$0x186D0] =	vst v2  }
0x100: {  	[tilespmem:$0x196D0] =	vst v2  }
0x101: {  	[tilespmem:$0x186E0] =	vst v2  }
0x102: {  	[tilespmem:$0x196E0] =	vst v2  }
0x103: {  	[tilespmem:$0x186F0] =	vst v2  }
0x104: {  	[tilespmem:$0x196F0] =	vst v2  }
0x105: {  	[tilespmem:$0x18700] =	vst v2  }
0x106: {  	[tilespmem:$0x19700] =	vst v2  }
0x107: {  	[tilespmem:$0x18710] =	vst v2  }
0x108: {  	[tilespmem:$0x19710] =	vst v2  }
0x109: {  	[tilespmem:$0x18720] =	vst v2  }
0x10a: {  	[tilespmem:$0x19720] =	vst v2  }
0x10b: {  	[tilespmem:$0x18730] =	vst v2  }
0x10c: {  	[tilespmem:$0x19730] =	vst v2  }
0x10d: {  	[tilespmem:$0x18740] =	vst v2  }
0x10e: {  	[tilespmem:$0x19740] =	vst v2  }
0x10f: {  	[tilespmem:$0x18750] =	vst v2  }
0x110: {  	[tilespmem:$0x19750] =	vst v2  }
0x111: {  	[tilespmem:$0x18760] =	vst v2  }
0x112: {  	[tilespmem:$0x19760] =	vst v2  }
0x113: {  	[tilespmem:$0x18770] =	vst v2  }
0x114: {  	[tilespmem:$0x19770] =	vst v2  }
0x115: {  	[tilespmem:$0x18780] =	vst v2  }
0x116: {  	[tilespmem:$0x19780] =	vst v2  }
0x117: {  	[tilespmem:$0x18790] =	vst v2  }
0x118: {  	[tilespmem:$0x19790] =	vst v2  }
0x119: {  	[tilespmem:$0x187A0] =	vst v2  }
0x11a: {  	[tilespmem:$0x197A0] =	vst v2  }
0x11b: {  	[tilespmem:$0x187B0] =	vst v2  }
0x11c: {  	[tilespmem:$0x197B0] =	vst v2  }
0x11d: {  	[tilespmem:$0x187C0] =	vst v2  }
0x11e: {  	[tilespmem:$0x197C0] =	vst v2  }
0x11f: {  	[tilespmem:$0x187D0] =	vst v2  }
0x120: {  	[tilespmem:$0x197D0] =	vst v2  }
0x121: {  	[tilespmem:$0x187E0] =	vst v2  }
0x122: {  	[tilespmem:$0x197E0] =	vst v2  }
0x123: {  	[tilespmem:$0x187F0] =	vst v2  }
0x124: {  	[tilespmem:$0x197F0] =	vst v2  }
0x125: {  	[tilespmem:$0x18800] =	vst v2  }
0x126: {  	[tilespmem:$0x19800] =	vst v2  }
0x127: {  	[tilespmem:$0x18810] =	vst v2  }
0x128: {  	[tilespmem:$0x19810] =	vst v2  }
0x129: {  	[tilespmem:$0x18820] =	vst v2  }
0x12a: {  	[tilespmem:$0x19820] =	vst v2  }
0x12b: {  	[tilespmem:$0x18830] =	vst v2  }
0x12c: {  	[tilespmem:$0x19830] =	vst v2  }
0x12d: {  	[tilespmem:$0x18840] =	vst v2  }
0x12e: {  	[tilespmem:$0x19840] =	vst v2  }
0x12f: {  	[tilespmem:$0x18850] =	vst v2  }
0x130: {  	[tilespmem:$0x19850] =	vst v2  }
0x131: {  	[tilespmem:$0x18860] =	vst v2  }
0x132: {  	[tilespmem:$0x19860] =	vst v2  }
0x133: {  	[tilespmem:$0x18870] =	vst v2  }
0x134: {  	[tilespmem:$0x19870] =	vst v2  }
0x135: {  	[tilespmem:$0x18880] =	vst v2  }
0x136: {  	[tilespmem:$0x19880] =	vst v2  }
0x137: {  	[tilespmem:$0x18890] =	vst v2  }
0x138: {  	[tilespmem:$0x19890] =	vst v2  }
0x139: {  	[tilespmem:$0x188A0] =	vst v2  }
0x13a: {  	[tilespmem:$0x198A0] =	vst v2  }
0x13b: {  	[tilespmem:$0x188B0] =	vst v2  }
0x13c: {  	[tilespmem:$0x198B0] =	vst v2  }
0x13d: {  	[tilespmem:$0x18FF0] =	vst v2  }
0x13e: {  	[tilespmem:$0x19FE0] =	vst v2  }
0x13f: {  	[tilespmem:$0x18FE0] =	vst v2  }
0x140: {  	[tilespmem:$0x19FD0] =	vst v2  }
0x141: {  	[tilespmem:$0x18FD0] =	vst v2  }
0x142: {  	[tilespmem:$0x19FC0] =	vst v2  }
0x143: {  	[tilespmem:$0x18FC0] =	vst v2  }
0x144: {  	[tilespmem:$0x19FB0] =	vst v2  }
0x145: {  	[tilespmem:$0x18FB0] =	vst v2  }
0x146: {  	[tilespmem:$0x19FA0] =	vst v2  }
0x147: {  	[tilespmem:$0x18FA0] =	vst v2  }
0x148: {  	[tilespmem:$0x19F90] =	vst v2  }
0x149: {  	[tilespmem:$0x19FF0] =	vst v2  }
0x14a: {  	[tilespmem:$0x188C0] =	vst v2  }
0x14b: {  	[tilespmem:$0x198C0] =	vst v2  }
0x14c: {  	[tilespmem:$0x188D0] =	vst v2  }
0x14d: {  	[tilespmem:$0x198D0] =	vst v2  }
0x14e: {  	[tilespmem:$0x188E0] =	vst v2  }
0x14f: {  	[tilespmem:$0x198E0] =	vst v2  }
0x150: {  	[tilespmem:$0x188F0] =	vst v2  }
0x151: {  	[tilespmem:$0x198F0] =	vst v2  }
0x152: {  	[tilespmem:$0x18900] =	vst v2  }
0x153: {  	[tilespmem:$0x19900] =	vst v2  }
0x154: {  	[tilespmem:$0x18910] =	vst v2  }
0x155: {  	[tilespmem:$0x19910] =	vst v2  }
0x156: {  	[tilespmem:$0x18920] =	vst v2  }
0x157: {  	[tilespmem:$0x19920] =	vst v2  }
0x158: {  	[tilespmem:$0x18930] =	vst v2  }
0x159: {  	[tilespmem:$0x19930] =	vst v2  }
0x15a: {  	[tilespmem:$0x18940] =	vst v2  }
0x15b: {  	[tilespmem:$0x19940] =	vst v2  }
0x15c: {  	[tilespmem:$0x18950] =	vst v2  }
0x15d: {  	[tilespmem:$0x19950] =	vst v2  }
0x15e: {  	[tilespmem:$0x18960] =	vst v2  }
0x15f: {  	[tilespmem:$0x19960] =	vst v2  }
0x160: {  	[tilespmem:$0x18970] =	vst v2  }
0x161: {  	[tilespmem:$0x19970] =	vst v2  }
0x162: {  	[tilespmem:$0x18980] =	vst v2  }
0x163: {  	[tilespmem:$0x19980] =	vst v2  }
0x164: {  	[tilespmem:$0x18990] =	vst v2  }
0x165: {  	[tilespmem:$0x19990] =	vst v2  }
0x166: {  	[tilespmem:$0x189A0] =	vst v2  }
0x167: {  	[tilespmem:$0x199A0] =	vst v2  }
0x168: {  	[tilespmem:$0x189B0] =	vst v2  }
0x169: {  	[tilespmem:$0x199B0] =	vst v2  }
0x16a: {  	[tilespmem:$0x189C0] =	vst v2  }
0x16b: {  	[tilespmem:$0x199C0] =	vst v2  }
0x16c: {  	[tilespmem:$0x189D0] =	vst v2  }
0x16d: {  	[tilespmem:$0x199D0] =	vst v2  }
0x16e: {  	[tilespmem:$0x189E0] =	vst v2  }
0x16f: {  	[tilespmem:$0x199E0] =	vst v2  }
0x170: {  	[tilespmem:$0x189F0] =	vst v2  }
0x171: {  	[tilespmem:$0x199F0] =	vst v2  }
0x172: {  	[tilespmem:$0x18A00] =	vst v2  }
0x173: {  	[tilespmem:$0x19A00] =	vst v2  }
0x174: {  	[tilespmem:$0x18A10] =	vst v2  }
0x175: {  	[tilespmem:$0x19A10] =	vst v2  }
0x176: {  	[tilespmem:$0x18A20] =	vst v2  }
0x177: {  	[tilespmem:$0x19A20] =	vst v2  }
0x178: {  	[tilespmem:$0x18A30] =	vst v2  }
0x179: {  	[tilespmem:$0x19A30] =	vst v2  }
0x17a: {  	[tilespmem:$0x18A40] =	vst v2  }
0x17b: {  	[tilespmem:$0x19A40] =	vst v2  }
0x17c: {  	[tilespmem:$0x18A50] =	vst v2  }
0x17d: {  	[tilespmem:$0x19A50] =	vst v2  }
0x17e: {  	[tilespmem:$0x18A60] =	vst v2  }
0x17f: {  	[tilespmem:$0x19A60] =	vst v2  }
0x180: {  	[tilespmem:$0x18A70] =	vst v2  }
0x181: {  	[tilespmem:$0x19A70] =	vst v2  }
0x182: {  	[tilespmem:$0x18A80] =	vst v2  }
0x183: {  	[tilespmem:$0x19A80] =	vst v2  }
0x184: {  	[tilespmem:$0x18A90] =	vst v2  }
0x185: {  	[tilespmem:$0x19A90] =	vst v2  }
0x186: {  	[tilespmem:$0x18AA0] =	vst v2  }
0x187: {  	[tilespmem:$0x19AA0] =	vst v2  }
0x188: {  	[tilespmem:$0x18AB0] =	vst v2  }
0x189: {  	[tilespmem:$0x19AB0] =	vst v2  }
0x18a: {  	[tilespmem:$0x18AC0] =	vst v2  }
0x18b: {  	[tilespmem:$0x19AC0] =	vst v2  }
0x18c: {  	[tilespmem:$0x18AD0] =	vst v2  }
0x18d: {  	[tilespmem:$0x19AD0] =	vst v2  }
0x18e: {  	[tilespmem:$0x18AE0] =	vst v2  }
0x18f: {  	[tilespmem:$0x19AE0] =	vst v2  }
0x190: {  	[tilespmem:$0x18AF0] =	vst v2  }
0x191: {  	[tilespmem:$0x19AF0] =	vst v2  }
0x192: {  	[tilespmem:$0x18B00] =	vst v2  }
0x193: {  	[tilespmem:$0x19B00] =	vst v2  }
0x194: {  	[tilespmem:$0x18B10] =	vst v2  }
0x195: {  	[tilespmem:$0x19B10] =	vst v2  }
0x196: {  	[tilespmem:$0x18B20] =	vst v2  }
0x197: {  	[tilespmem:$0x19B20] =	vst v2  }
0x198: {  	[tilespmem:$0x18B30] =	vst v2  }
0x199: {  	[tilespmem:$0x19B30] =	vst v2  }
0x19a: {  	[tilespmem:$0x18B40] =	vst v2  }
0x19b: {  	[tilespmem:$0x19B40] =	vst v2  }
0x19c: {  	[tilespmem:$0x18B50] =	vst v2  }
0x19d: {  	[tilespmem:$0x19B50] =	vst v2  }
0x19e: {  	[tilespmem:$0x18B60] =	vst v2  }
0x19f: {  	[tilespmem:$0x19B60] =	vst v2  }
0x1a0: {  	[tilespmem:$0x18B70] =	vst v2  }
0x1a1: {  	[tilespmem:$0x19B70] =	vst v2  }
0x1a2: {  	[tilespmem:$0x18B80] =	vst v2  }
0x1a3: {  	[tilespmem:$0x19B80] =	vst v2  }
0x1a4: {  	[tilespmem:$0x18B90] =	vst v2  }
0x1a5: {  	[tilespmem:$0x19B90] =	vst v2  }
0x1a6: {  	[tilespmem:$0x18BA0] =	vst v2  }
0x1a7: {  	[tilespmem:$0x19BA0] =	vst v2  }
0x1a8: {  	[tilespmem:$0x18BB0] =	vst v2  }
0x1a9: {  	[tilespmem:$0x19BB0] =	vst v2  }
0x1aa: {  	[tilespmem:$0x18BC0] =	vst v2  }
0x1ab: {  	[tilespmem:$0x19BC0] =	vst v2  }
0x1ac: {  	[tilespmem:$0x18BD0] =	vst v2  }
0x1ad: {  	[tilespmem:$0x19BD0] =	vst v2  }
0x1ae: {  	[tilespmem:$0x18BE0] =	vst v2  }
0x1af: {  	[tilespmem:$0x19BE0] =	vst v2  }
0x1b0: {  	[tilespmem:$0x18BF0] =	vst v2  }
0x1b1: {  	[tilespmem:$0x19BF0] =	vst v2  }
0x1b2: {  	[tilespmem:$0x18C00] =	vst v2  }
0x1b3: {  	[tilespmem:$0x19C00] =	vst v2  }
0x1b4: {  	[tilespmem:$0x18C10] =	vst v2  }
0x1b5: {  	[tilespmem:$0x19C10] =	vst v2  }
0x1b6: {  	[tilespmem:$0x18C20] =	vst v2  }
0x1b7: {  	[tilespmem:$0x19C20] =	vst v2  }
0x1b8: {  	[tilespmem:$0x18C30] =	vst v2  }
0x1b9: {  	[tilespmem:$0x19C30] =	vst v2  }
0x1ba: {  	[tilespmem:$0x18C40] =	vst v2  }
0x1bb: {  	[tilespmem:$0x19C40] =	vst v2  }
0x1bc: {  	[tilespmem:$0x18C50] =	vst v2  }
0x1bd: {  	[tilespmem:$0x19C50] =	vst v2  }
0x1be: {  	[tilespmem:$0x18C60] =	vst v2  }
0x1bf: {  	[tilespmem:$0x19C60] =	vst v2  }
0x1c0: {  	[tilespmem:$0x18C70] =	vst v2  }
0x1c1: {  	[tilespmem:$0x19C70] =	vst v2  }
0x1c2: {  	[tilespmem:$0x18C80] =	vst v2  }
0x1c3: {  	[tilespmem:$0x19C80] =	vst v2  }
0x1c4: {  	[tilespmem:$0x18C90] =	vst v2  }
0x1c5: {  	[tilespmem:$0x19C90] =	vst v2  }
0x1c6: {  	[tilespmem:$0x18CA0] =	vst v2  }
0x1c7: {  	[tilespmem:$0x19CA0] =	vst v2  }
0x1c8: {  	[tilespmem:$0x18CB0] =	vst v2  }
0x1c9: {  	[tilespmem:$0x19CB0] =	vst v2  }
0x1ca: {  	[tilespmem:$0x18CC0] =	vst v2  }
0x1cb: {  	[tilespmem:$0x19CC0] =	vst v2  }
0x1cc: {  	[tilespmem:$0x18CD0] =	vst v2  }
0x1cd: {  	[tilespmem:$0x19CD0] =	vst v2  }
0x1ce: {  	[tilespmem:$0x18CE0] =	vst v2  }
0x1cf: {  	[tilespmem:$0x19CE0] =	vst v2  }
0x1d0: {  	[tilespmem:$0x18CF0] =	vst v2  }
0x1d1: {  	[tilespmem:$0x19CF0] =	vst v2  }
0x1d2: {  	[tilespmem:$0x18D00] =	vst v2  }
0x1d3: {  	[tilespmem:$0x19D00] =	vst v2  }
0x1d4: {  	[tilespmem:$0x18D10] =	vst v2  }
0x1d5: {  	[tilespmem:$0x19D10] =	vst v2  }
0x1d6: {  	[tilespmem:$0x18D20] =	vst v2  }
0x1d7: {  	[tilespmem:$0x19D20] =	vst v2  }
0x1d8: {  	[tilespmem:$0x18D30] =	vst v2  }
0x1d9: {  	[tilespmem:$0x19D30] =	vst v2  }
0x1da: {  	[tilespmem:$0x18D40] =	vst v2  }
0x1db: {  	[tilespmem:$0x19D40] =	vst v2  }
0x1dc: {  	[tilespmem:$0x18D50] =	vst v2  }
0x1dd: {  	[tilespmem:$0x19D50] =	vst v2  }
0x1de: {  	[tilespmem:$0x18D60] =	vst v2  }
0x1df: {  	[tilespmem:$0x19D60] =	vst v2  }
0x1e0: {  	[tilespmem:$0x18D70] =	vst v2  }
0x1e1: {  	[tilespmem:$0x19D70] =	vst v2  }
0x1e2: {  	[tilespmem:$0x18D80] =	vst v2  }
0x1e3: {  	[tilespmem:$0x19D80] =	vst v2  }
0x1e4: {  	[tilespmem:$0x18D90] =	vst v2  }
0x1e5: {  	[tilespmem:$0x19D90] =	vst v2  }
0x1e6: {  	[tilespmem:$0x18DA0] =	vst v2  }
0x1e7: {  	[tilespmem:$0x19DA0] =	vst v2  }
0x1e8: {  	[tilespmem:$0x18DB0] =	vst v2  }
0x1e9: {  	[tilespmem:$0x19DB0] =	vst v2  }
0x1ea: {  	[tilespmem:$0x18DC0] =	vst v2  }
0x1eb: {  	[tilespmem:$0x19DC0] =	vst v2  }
0x1ec: {  	[tilespmem:$0x18DD0] =	vst v2  }
0x1ed: {  	[tilespmem:$0x19DD0] =	vst v2  }
0x1ee: {  	[tilespmem:$0x18DE0] =	vst v2  }
0x1ef: {  	[tilespmem:$0x19DE0] =	vst v2  }
0x1f0: {  	[tilespmem:$0x18DF0] =	vst v2  }
0x1f1: {  	[tilespmem:$0x19DF0] =	vst v2  }
0x1f2: {  	[tilespmem:$0x18E00] =	vst v2  }
0x1f3: {  	[tilespmem:$0x19E00] =	vst v2  }
0x1f4: {  	[tilespmem:$0x18E10] =	vst v2  }
0x1f5: {  	[tilespmem:$0x19E10] =	vst v2  }
0x1f6: {  	[tilespmem:$0x18E20] =	vst v2  }
0x1f7: {  	[tilespmem:$0x19E20] =	vst v2  }
0x1f8: {  	[tilespmem:$0x18E30] =	vst v2  }
0x1f9: {  	[tilespmem:$0x19E30] =	vst v2  }
0x1fa: {  	[tilespmem:$0x18E40] =	vst v2  }
0x1fb: {  	[tilespmem:$0x19E40] =	vst v2  }
0x1fc: {  	[tilespmem:$0x18E50] =	vst v2  }
0x1fd: {  	[tilespmem:$0x19E50] =	vst v2  }
0x1fe: {  	[tilespmem:$0x18E60] =	vst v2  }
0x1ff: {  	[tilespmem:$0x19E60] =	vst v2  }
0x200: {  	[tilespmem:$0x18E70] =	vst v2  }
0x201: {  	[tilespmem:$0x19E70] =	vst v2  }
0x202: {  	[tilespmem:$0x18E80] =	vst v2  }
0x203: {  	[tilespmem:$0x19E80] =	vst v2  }
0x204: {  	[tilespmem:$0x18E90] =	vst v2  }
0x205: {  	[tilespmem:$0x19E90] =	vst v2  }
0x206: {  	[tilespmem:$0x18EA0] =	vst v2  }
0x207: {  	[tilespmem:$0x19EA0] =	vst v2  }
0x208: {  	[tilespmem:$0x18EB0] =	vst v2  }
0x209: {  	[tilespmem:$0x19EB0] =	vst v2  }
0x20a: {  	[tilespmem:$0x18EC0] =	vst v2  }
0x20b: {  	[tilespmem:$0x19EC0] =	vst v2  }
0x20c: {  	[tilespmem:$0x18ED0] =	vst v2  }
0x20d: {  	[tilespmem:$0x19ED0] =	vst v2  }
0x20e: {  	[tilespmem:$0x18EE0] =	vst v2  }
0x20f: {  	[tilespmem:$0x19EE0] =	vst v2  }
0x210: {  	[tilespmem:$0x18EF0] =	vst v2  }
0x211: {  	[tilespmem:$0x19EF0] =	vst v2  }
0x212: {  	[tilespmem:$0x18F00] =	vst v2  }
0x213: {  	[tilespmem:$0x19F00] =	vst v2  }
0x214: {  	[tilespmem:$0x18F10] =	vst v2  }
0x215: {  	[tilespmem:$0x19F10] =	vst v2  }
0x216: {  	[tilespmem:$0x18F20] =	vst v2  }
0x217: {  	[tilespmem:$0x19F20] =	vst v2  }
0x218: {  	[tilespmem:$0x18F30] =	vst v2  }
0x219: {  	[tilespmem:$0x19F30] =	vst v2  }
0x21a: {  	[tilespmem:$0x18F40] =	vst v2  }
0x21b: {  	[tilespmem:$0x19F40] =	vst v2  }
0x21c: {  	[tilespmem:$0x18F50] =	vst v2  }
0x21d: {  	[tilespmem:$0x19F50] =	vst v2  }
0x21e: {  	[tilespmem:$0x18F60] =	vst v2  }
0x21f: {  	[tilespmem:$0x19F60] =	vst v2  }
0x220: {  	[tilespmem:$0x18F70] =	vst v2  }
0x221: {  	[tilespmem:$0x19F70] =	vst v2  }
0x222: {  	[tilespmem:$0x18F80] =	vst v2  }
0x223: {  	[tilespmem:$0x19F80] =	vst v2  }
0x224: {  	[tilespmem:$0x18F90] =	vst v2;
	s15 =	rddreg [dreg:$0x9]  }
0x225: {  	[tilespmem:s21], [sflag:$0x1] =	stream.linear.gather [hbm4b:s15+s21], $0x2000, $0x38;
	[tilespmem:$0x1D630] =	vst v63  }
0x226: {  	s16 =	simm.s32 $0x4000;
	s26 =	rddreg [dreg:$0xa]  }
0x227: {  	[tilespmem:s16], [sflag:$0x1] =	stream.linear.gather [hbm4b:s26+s21], $0x2000, $0x38;
	[tilespmem:$0x1D630] =	vst v63  }
0x228: {  	s28 =	rddreg [dreg:$0xb]  }
0x229: {  	[tilespmem:s3], [sflag:$0x1] =	stream.linear.gather [hbm4b:s28+s21], $0x2000, $0x38;
	[tilespmem:$0x1D630] =	vst v63  }
0x22a: {  	s16 =	rddreg [dreg:$0xc]  }
0x22b: {  	[tilespmem:s17], [sflag:$0x1] =	stream.linear.gather [hbm4b:s16+s21], $0x2000, $0x38;
	[tilespmem:$0x1D630] =	vst v63  }
0x22c: {  	s17 =	rddreg [dreg:$0xd]  }
0x22d: {  	[tilespmem:s18], [sflag:$0x1] =	stream.linear.gather [hbm4b:s17+s21], $0x2000, $0x38;
	[tilespmem:$0x1D630] =	vst v63  }
0x22e: {  	s18 =	rddreg [dreg:$0xe]  }
0x22f: {  	[tilespmem:s20], [sflag:$0x1] =	stream.linear.gather [hbm4b:s18+s21], $0x2000, $0x38;
	[tilespmem:$0x1D630] =	vst v63  }
0x230: {  	s25 =	simm.s32 $0x2000;
	s22 =	rddreg [dreg:$0xf]  }
0x231: {  	[tilespmem:s25], [sflag:$0x2] =	stream.linear.gather [hbm4b:s22+s21], $0x2000, $0x38;
	[tilespmem:$0x1D630] =	vst v63  }
0x232: {  	s26 =	rddreg [dreg:$0x10];
	s28 =	simm.s32 $0x6000  }
0x233: {  	[tilespmem:s28], [sflag:$0x2] =	stream.linear.gather [hbm4b:s26+s21], $0x2000, $0x38;
	[tilespmem:$0x1D630] =	vst v63  }
0x234: {  	s16 =	rddreg [dreg:$0x11];
	s17 =	simm.s32 $0xA000  }
0x235: {  	[tilespmem:s17], [sflag:$0x2] =	stream.linear.gather [hbm4b:s16+s21], $0x2000, $0x38;
	[tilespmem:$0x1D630] =	vst v63  }
0x236: {  	s18 =	rddreg [dreg:$0x12];
	s20 =	simm.s32 $0xE000  }
0x237: {  	[tilespmem:s20], [sflag:$0x2] =	stream.linear.gather [hbm4b:s18+s21], $0x2000, $0x38;
	[tilespmem:$0x1D630] =	vst v63  }
0x238: {  	s15 =	simm.s32 $0x40;
	s22 =	rddreg [dreg:$0x13];
	s25 =	simm.s32 $0x12000  }
0x239: {  	[tilespmem:s25], [sflag:$0x2] =	stream.linear.gather [hbm4b:s22+s21], $0x2000, $0x38;
	[tilespmem:$0x1D630] =	vst v63  }
0x23a: {  	s26 =	rddreg [dreg:$0x14];
	s28 =	simm.s32 $0x16000;
	s16 =	simm.s32 $0x0  }
0x23b: {  	[tilespmem:s28], [sflag:$0x2] =	stream.linear.gather [hbm4b:s26+s21], $0x2000, $0x38;
	[tilespmem:$0x1D630] =	vst v63  }
.LBB2_2:
0x23c: {  	p0 =	sne.s32 s15, $0x3FC0;
	[tilespmem:s16+$0x18000] =	vst v2;
	s17 =	smov.u32 s15;
	s15 =	sadd.s32 $0x40, s15  }
.Ltmp0:
0x23d: {  	[tilespmem:s16+$0x19000] =	vst v2;
	(pc) =	sbr.rel @p0 .LBB2_2-.Ltmp0, $2  }
0x23e: {  	_ =	sdelay $0x2  }
0x23f: {  	s16 =	sshra.s32 s17, $0x2  }
0x240: {  	[tilespmem:s16+$0x18000] =	vst v2  }
0x241: {  	[tilespmem:s16+$0x19000] =	vst v2  }
0x242: {  	_ =	swait.ge [sflag:s4], $0x2000  }
0x243: {  	[sflag:s4] =	ssyncset.done $0x0  }
0x244: {  	[sflag:s4] =	ssyncadd.s32 $0xFFFFE000  }
0x245: {  	_ =	swait.ge [sflag:s4], $0x2000  }
0x246: {  	[sflag:s4] =	ssyncset.done $0x0  }
0x247: {  	[sflag:s4] =	ssyncadd.s32 $0xFFFFE000  }
0x248: {  	_ =	swait.ge [sflag:s4], $0x2000  }
0x249: {  	[sflag:s4] =	ssyncset.done $0x0  }
0x24a: {  	[sflag:s4] =	ssyncadd.s32 $0xFFFFE000  }
0x24b: {  	_ =	swait.ge [sflag:s4], $0x2000  }
0x24c: {  	[sflag:s4] =	ssyncset.done $0x0  }
0x24d: {  	[sflag:s4] =	ssyncadd.s32 $0xFFFFE000  }
0x24e: {  	_ =	swait.ge [sflag:s4], $0x2000  }
0x24f: {  	s15 =	simm.s32 $0x0;
	[sflag:s4] =	ssyncset.done $0x0  }
0x250: {  	s26 =	sand.u32 $0x1000, s15;
	s17 =	sand.u32 $0xC00, s15;
	[sflag:s4] =	ssyncadd.s32 $0xFFFFE000  }
0x251: {  	s28 =	sand.u32 $0x380, s15;
	s16 =	sor.u32 s17, s26;
	_ =	swait.ge [sflag:s4], $0x2000  }
0x252: {  	s18 =	sand.u32 $0x70, s15;
	s16 =	sor.u32 s28, s16;
	[sflag:s4] =	ssyncset.done $0x0  }
0x253: {  	s18 =	sor.u32 s18, s16;
	[sflag:s4] =	ssyncadd.s32 $0xFFFFE000  }
0x254: {  	s17 =	simm.s32 $0x0;
	s16 =	simm.s32 $0x10;
	v20 =	vld [tilespmem:s18+$0x8000]  }
.LBB2_4:
0x255: {  	p0 =	sne.s32 s16, $0x1FF0;
	v21 =	vld [tilespmem:s18+$0x4000]  }
0x256: {  	v22 =	vld [tilespmem:s18+$0x0]  }
0x257: {  	v23 =	vld [tilespmem:s18+$0x10000]  }
0x258: {  	v24 =	vld [tilespmem:s18+$0xC000]  }
0x259: {  	v25 =	vld [tilespmem:s18+$0x14000];
	_ =	sdelay $0x2  }
0x25a: {  	v21 =	vmax.f32 v22, v21  }
0x25b: {  	v20 =	vmax.f32 v21, v20;
	v21 =	vmax.f32 v24, v23  }
0x25c: {  	v20 =	vmul.f32 $1.274980390e+02, v20;
	v21 =	vmax.f32 v21, v25  }
0x25d: {  	v21 =	vmul.f32 $1.274980390e+02, v21  }
0x25e: {  	v20 =	vadd.f32 $1.274980390e+02, v20  }
0x25f: {  	v21 =	vadd.f32 $1.274980390e+02, v21  }
0x260: {  	v20 =	vtrunc.f32 v20  }
0x261: {  	v20 =	vcvt.f32.s32 v20;
	v21 =	vtrunc.f32 v21  }
0x262: {  	v21 =	vcvt.f32.s32 v21  }
0x263: {  	v20 =	vshll.u32 v20, $0x4  }
0x264: {  	v20 =	vor.u32 v0, v20;
	v21 =	vshll.u32 v21, $0x4  }
0x265: {  	v21 =	vor.u32 v0, v21  }
0x266: {  	s15 =	sadd.s32 $0x80, s15;
	s17 =	sadd.s32 $0x4, s17  }
.Ltmp1:
0x267: {  	s20 =	sand.u32 $0xC00, s15;
	s18 =	sand.u32 $0x1000, s16;
	(pc) =	sbr.rel @p0 .LBB2_4-.Ltmp1, $4  }
0x268: {  	s18 =	sor.u32 s20, s18;
	s20 =	sand.u32 $0x380, s17  }
0x269: {  	s22 =	sand.u32 $0x70, s16;
	s18 =	sor.u32 s20, s18;
	[tilespmem:v20+s5+$0x0] =	vst.idx.add.s32.msk $0xffff, v3  }
0x26a: {  	s18 =	sor.u32 s22, s18;
	[tilespmem:v21+s6+$0x0] =	vst.idx.add.s32.msk $0xffff, v3  }
0x26b: {  	s16 =	sadd.s32 $0x10, s16;
	v20 =	vld [tilespmem:s18+$0x8000]  }
0x26c: {  	v21 =	vld [tilespmem:s18+$0x4000]  }
0x26d: {  	v22 =	vld [tilespmem:s18+$0x0]  }
0x26e: {  	v23 =	vld [tilespmem:s18+$0x10000]  }
0x26f: {  	v24 =	vld [tilespmem:s18+$0xC000]  }
0x270: {  	v25 =	vld [tilespmem:s18+$0x14000];
	_ =	sdelay $0x2  }
0x271: {  	v21 =	vmax.f32 v22, v21  }
0x272: {  	v20 =	vmax.f32 v21, v20;
	v21 =	vmax.f32 v24, v23  }
0x273: {  	v21 =	vmax.f32 v21, v25;
	v20 =	vmul.f32 $1.274980390e+02, v20  }
0x274: {  	v21 =	vmul.f32 $1.274980390e+02, v21  }
0x275: {  	v20 =	vadd.f32 $1.274980390e+02, v20  }
0x276: {  	v21 =	vadd.f32 $1.274980390e+02, v21  }
0x277: {  	v20 =	vtrunc.f32 v20  }
0x278: {  	v20 =	vcvt.f32.s32 v20;
	v21 =	vtrunc.f32 v21  }
0x279: {  	v21 =	vcvt.f32.s32 v21  }
0x27a: {  	v20 =	vshll.u32 v20, $0x4  }
0x27b: {  	v20 =	vor.u32 v0, v20;
	v21 =	vshll.u32 v21, $0x4  }
0x27c: {  	v21 =	vor.u32 v0, v21;
	_ =	sdelay $0x3  }
0x27d: {  	[tilespmem:v20+s5+$0x0] =	vst.idx.add.s32.msk $0xffff, v3  }
0x27e: {  	[tilespmem:v21+s6+$0x0] =	vst.idx.add.s32.msk $0xffff, v3  }
0x27f: {  	_ =	swait.ge [sflag:s7], $0x2000  }
0x280: {  	[sflag:s7] =	ssyncset.done $0x0  }
0x281: {  	[sflag:s7] =	ssyncadd.s32 $0xFFFFE000  }
0x282: {  	_ =	swait.ge [sflag:s7], $0x2000  }
0x283: {  	[sflag:s7] =	ssyncset.done $0x0  }
0x284: {  	[sflag:s7] =	ssyncadd.s32 $0xFFFFE000  }
0x285: {  	_ =	swait.ge [sflag:s7], $0x2000  }
0x286: {  	[sflag:s7] =	ssyncset.done $0x0  }
0x287: {  	[sflag:s7] =	ssyncadd.s32 $0xFFFFE000  }
0x288: {  	_ =	swait.ge [sflag:s7], $0x2000  }
0x289: {  	[sflag:s7] =	ssyncset.done $0x0  }
0x28a: {  	[sflag:s7] =	ssyncadd.s32 $0xFFFFE000  }
0x28b: {  	_ =	swait.ge [sflag:s7], $0x2000  }
0x28c: {  	s15 =	simm.s32 $0x0;
	[sflag:s7] =	ssyncset.done $0x0  }
0x28d: {  	s16 =	sand.u32 $0x1000, s15;
	s17 =	sand.u32 $0xC00, s15;
	[sflag:s7] =	ssyncadd.s32 $0xFFFFE000  }
0x28e: {  	s26 =	sand.u32 $0x380, s15;
	s16 =	sor.u32 s16, s17;
	_ =	swait.ge [sflag:s7], $0x2000  }
0x28f: {  	s28 =	sand.u32 $0x70, s15;
	s16 =	sor.u32 s26, s16;
	[sflag:s7] =	ssyncset.done $0x0  }
0x290: {  	s18 =	sor.u32 s28, s16;
	[sflag:s7] =	ssyncadd.s32 $0xFFFFE000  }
0x291: {  	s17 =	simm.s32 $0x0;
	s16 =	simm.s32 $0x10;
	v20 =	vld [tilespmem:s18+$0xA000]  }
.LBB2_6:
0x292: {  	p0 =	sne.s32 s16, $0x1FF0;
	v21 =	vld [tilespmem:s18+$0x6000]  }
0x293: {  	v22 =	vld [tilespmem:s18+$0x2000]  }
0x294: {  	v23 =	vld [tilespmem:s18+$0x12000]  }
0x295: {  	v24 =	vld [tilespmem:s18+$0xE000]  }
0x296: {  	v25 =	vld [tilespmem:s18+$0x16000];
	_ =	sdelay $0x2  }
0x297: {  	v21 =	vmax.f32 v22, v21  }
0x298: {  	v20 =	vmax.f32 v21, v20;
	v21 =	vmax.f32 v24, v23  }
0x299: {  	v20 =	vmul.f32 $1.274980390e+02, v20;
	v21 =	vmax.f32 v21, v25  }
0x29a: {  	v21 =	vmul.f32 $1.274980390e+02, v21  }
0x29b: {  	v20 =	vadd.f32 $1.274980390e+02, v20  }
0x29c: {  	v21 =	vadd.f32 $1.274980390e+02, v21  }
0x29d: {  	v20 =	vtrunc.f32 v20  }
0x29e: {  	v20 =	vcvt.f32.s32 v20;
	v21 =	vtrunc.f32 v21  }
0x29f: {  	v21 =	vcvt.f32.s32 v21  }
0x2a0: {  	v20 =	vshll.u32 v20, $0x4  }
0x2a1: {  	v20 =	vor.u32 v0, v20;
	v21 =	vshll.u32 v21, $0x4  }
0x2a2: {  	v21 =	vor.u32 v0, v21  }
0x2a3: {  	s15 =	sadd.s32 $0x80, s15;
	s17 =	sadd.s32 $0x4, s17  }
.Ltmp2:
0x2a4: {  	s20 =	sand.u32 $0xC00, s15;
	s18 =	sand.u32 $0x1000, s16;
	(pc) =	sbr.rel @p0 .LBB2_6-.Ltmp2, $4  }
0x2a5: {  	s22 =	sand.u32 $0x380, s17;
	s18 =	sor.u32 s18, s20  }
0x2a6: {  	s20 =	sand.u32 $0x70, s16;
	s18 =	sor.u32 s22, s18;
	[tilespmem:v20+s5+$0x0] =	vst.idx.add.s32.msk $0xffff, v3  }
0x2a7: {  	s18 =	sor.u32 s20, s18;
	[tilespmem:v21+s6+$0x0] =	vst.idx.add.s32.msk $0xffff, v3  }
0x2a8: {  	s16 =	sadd.s32 $0x10, s16;
	v20 =	vld [tilespmem:s18+$0xA000]  }
0x2a9: {  	v21 =	vld [tilespmem:s18+$0x6000]  }
0x2aa: {  	v22 =	vld [tilespmem:s18+$0x2000]  }
0x2ab: {  	v23 =	vld [tilespmem:s18+$0x12000]  }
0x2ac: {  	v24 =	vld [tilespmem:s18+$0xE000]  }
0x2ad: {  	v25 =	vld [tilespmem:s18+$0x16000];
	_ =	sdelay $0x2  }
0x2ae: {  	v21 =	vmax.f32 v22, v21  }
0x2af: {  	v48 =	vmax.f32 v24, v23;
	v20 =	vmax.f32 v21, v20  }
0x2b0: {  	v21 =	vmax.f32 v48, v25;
	v20 =	vmul.f32 $1.274980390e+02, v20  }
0x2b1: {  	v21 =	vmul.f32 $1.274980390e+02, v21  }
0x2b2: {  	v20 =	vadd.f32 $1.274980390e+02, v20  }
0x2b3: {  	v21 =	vadd.f32 $1.274980390e+02, v21  }
0x2b4: {  	v20 =	vtrunc.f32 v20  }
0x2b5: {  	v21 =	vtrunc.f32 v21;
	v20 =	vcvt.f32.s32 v20  }
0x2b6: {  	v21 =	vcvt.f32.s32 v21  }
0x2b7: {  	v20 =	vshll.u32 v20, $0x4  }
0x2b8: {  	v21 =	vshll.u32 v21, $0x4;
	v20 =	vor.u32 v0, v20  }
0x2b9: {  	v21 =	vor.u32 v0, v21;
	_ =	sdelay $0x3  }
0x2ba: {  	[tilespmem:v20+s5+$0x0] =	vst.idx.add.s32.msk $0xffff, v3  }
0x2bb: {  	s15 =	rddreg [dreg:$0x15];
	[tilespmem:v21+s6+$0x0] =	vst.idx.add.s32.msk $0xffff, v3  }
0x2bc: {  	[spmem:s15] =	stream.strided.scatter [tilespmem:s5], [sflag:$0x3], $0x1000, s9, s8, $0x38;
	[tilespmem:$0x1D630] =	vst v63  }
0x2bd: {  	_ =	swait.ge [sflag:s10], $0x1000  }
0x2be: {  	[sflag:s10] =	ssyncset.done $0x0  }
0x2bf: {  	s20 =	rddreg [dreg:$0x16];
	[sflag:s10] =	ssyncadd.s32 $0xFFFFF000  }
0x2c0: {  	[spmem:s20] =	stream.strided.scatter [tilespmem:s6], [sflag:$0x3], $0x1000, s9, s8, $0x38;
	[tilespmem:$0x1D630] =	vst v63  }
0x2c1: {  	_ =	swait.ge [sflag:s10], $0x1000  }
0x2c2: {  	[sflag:s10] =	ssyncset.done $0x0  }
0x2c3: {  	[sflag:s10] =	ssyncadd.s32 $0xFFFFF000  }
0x2c4: {  	[bflag:$0x0] =	sbarrier.arrive $0xFFFF  }
0x2c5: {  	s22 =	rddreg [dreg:$0x17]  }
0x2c6: {  	[tilespmem:s0], [sflag:$0x3] =	stream.strided.gather [spmem:s22], $0x1000, s3, s11, $0x38;
	[tilespmem:$0x1D630] =	vst v63  }
0x2c7: {  	s25 =	simm.s32 $0x0;
	_ =	swait.ge [sflag:s10], $0x1000  }
0x2c8: {  	s16 =	sand.u32 $0x70, s25;
	s15 =	sand.u32 $0x400, s25;
	[sflag:s10] =	ssyncset.done $0x0  }
0x2c9: {  	s15 =	sor.u32 s16, s15;
	[sflag:s10] =	ssyncadd.s32 $0xFFFFF000  }
0x2ca: {  	v20 =	vld [tilespmem:s15+$0x1A180]  }
0x2cb: {  	v49 =	vld [tilespmem:s15+$0x1A100]  }
0x2cc: {  	v50 =	vld [tilespmem:s15+$0x1A200]  }
0x2cd: {  	v51 =	vld [tilespmem:s15+$0x1A280]  }
0x2ce: {  	v52 =	vld [tilespmem:s15+$0x1A300]  }
0x2cf: {  	v53 =	vld [tilespmem:s15+$0x1A380]  }
0x2d0: {  	v54 =	vld [tilespmem:s15+$0x1A400];
	v20 =	vadd.s32 v49, v20  }
0x2d1: {  	v55 =	vld [tilespmem:s15+$0x1A480];
	v20 =	vadd.s32 v50, v20  }
0x2d2: {  	v56 =	vld [tilespmem:s15+$0x1A900];
	v20 =	vadd.s32 v51, v20  }
0x2d3: {  	v57 =	vld [tilespmem:s15+$0x1A980];
	v20 =	vadd.s32 v52, v20  }
0x2d4: {  	v58 =	vld [tilespmem:s15+$0x1AA00];
	v20 =	vadd.s32 v53, v20  }
0x2d5: {  	v59 =	vld [tilespmem:s15+$0x1AA80];
	v20 =	vadd.s32 v54, v20  }
0x2d6: {  	v60 =	vld [tilespmem:s15+$0x1AB00];
	v20 =	vadd.s32 v55, v20  }
0x2d7: {  	v61 =	vld [tilespmem:s15+$0x1AB80];
	v20 =	vadd.s32 v56, v20  }
0x2d8: {  	v62 =	vld [tilespmem:s15+$0x1AC00];
	v20 =	vadd.s32 v57, v20  }
0x2d9: {  	v63 =	vld [tilespmem:s15+$0x1AC80];
	v20 =	vadd.s32 v58, v20  }
0x2da: {  	v20 =	vadd.s32 v59, v20  }
0x2db: {  	v20 =	vadd.s32 v60, v20  }
0x2dc: {  	v20 =	vadd.s32 v61, v20  }
0x2dd: {  	s26 =	simm.s32 $0x10;
	s17 =	simm.s32 $0x80;
	v20 =	vadd.s32 v62, v20  }
0x2de: {  	s28 =	sand.u32 $0x400, s17;
	s16 =	sand.u32 $0x70, s26;
	s15 =	simm.s32 $0x1B100;
	v20 =	vadd.s32 v63, v20  }
0x2df: {  	s18 =	simm.s32 $0x20;
	s16 =	sor.u32 s16, s28;
	[tilespmem:s15+$0x0] =	vst v20  }
.LBB2_8:
0x2e0: {  	p0 =	sne.s32 s18, $0xF0;
	v20 =	vld [tilespmem:s16+$0x1A180]  }
0x2e1: {  	v21 =	vld [tilespmem:s16+$0x1A100]  }
0x2e2: {  	v22 =	vld [tilespmem:s16+$0x1A200]  }
0x2e3: {  	v23 =	vld [tilespmem:s16+$0x1A280]  }
0x2e4: {  	v24 =	vld [tilespmem:s16+$0x1A300]  }
0x2e5: {  	v25 =	vld [tilespmem:s16+$0x1A380]  }
0x2e6: {  	v20 =	vadd.s32 v21, v20;
	v21 =	vld [tilespmem:s16+$0x1A400]  }
0x2e7: {  	v20 =	vadd.s32 v22, v20;
	v22 =	vld [tilespmem:s16+$0x1A480]  }
0x2e8: {  	v20 =	vadd.s32 v23, v20;
	v23 =	vld [tilespmem:s16+$0x1A900]  }
0x2e9: {  	v20 =	vadd.s32 v24, v20;
	v24 =	vld [tilespmem:s16+$0x1A980]  }
0x2ea: {  	v20 =	vadd.s32 v25, v20;
	v25 =	vld [tilespmem:s16+$0x1AA00]  }
0x2eb: {  	v20 =	vadd.s32 v21, v20;
	v21 =	vld [tilespmem:s16+$0x1AA80]  }
0x2ec: {  	v20 =	vadd.s32 v22, v20;
	v22 =	vld [tilespmem:s16+$0x1AB00]  }
0x2ed: {  	v20 =	vadd.s32 v23, v20;
	v23 =	vld [tilespmem:s16+$0x1AB80]  }
0x2ee: {  	v20 =	vadd.s32 v24, v20;
	v24 =	vld [tilespmem:s16+$0x1AC00]  }
0x2ef: {  	v20 =	vadd.s32 v25, v20;
	v25 =	vld [tilespmem:s16+$0x1AC80]  }
0x2f0: {  	v20 =	vadd.s32 v21, v20  }
.Ltmp3:
0x2f1: {  	v20 =	vadd.s32 v22, v20;
	(pc) =	sbr.rel @p0 .LBB2_8-.Ltmp3, $4  }
0x2f2: {  	v20 =	vadd.s32 v23, v20  }
0x2f3: {  	s17 =	sadd.s32 $0x80, s17;
	v20 =	vadd.s32 v24, v20  }
0x2f4: {  	s15 =	sadd.s32 $0x10, s15;
	s20 =	sand.u32 $0x400, s17;
	s16 =	sand.u32 $0x70, s18;
	v20 =	vadd.s32 v25, v20  }
0x2f5: {  	s18 =	sadd.s32 $0x10, s18;
	s16 =	sor.u32 s16, s20;
	[tilespmem:s15+$0x0] =	vst v20  }
0x2f6: {  	v20 =	vld [tilespmem:s16+$0x1A180]  }
0x2f7: {  	v21 =	vld [tilespmem:s16+$0x1A100]  }
0x2f8: {  	v22 =	vld [tilespmem:s16+$0x1A200]  }
0x2f9: {  	v23 =	vld [tilespmem:s16+$0x1A280]  }
0x2fa: {  	v24 =	vld [tilespmem:s16+$0x1A300]  }
0x2fb: {  	v25 =	vld [tilespmem:s16+$0x1A380]  }
0x2fc: {  	v60 =	vld [tilespmem:s16+$0x1A400];
	v20 =	vadd.s32 v21, v20  }
0x2fd: {  	v61 =	vld [tilespmem:s16+$0x1A480];
	v20 =	vadd.s32 v22, v20  }
0x2fe: {  	v62 =	vld [tilespmem:s16+$0x1A900];
	v20 =	vadd.s32 v23, v20  }
0x2ff: {  	v63 =	vld [tilespmem:s16+$0x1A980];
	v20 =	vadd.s32 v24, v20  }
0x300: {  	v28 =	vld [tilespmem:s16+$0x1AA00];
	v20 =	vadd.s32 v25, v20  }
0x301: {  	v29 =	vld [tilespmem:s16+$0x1AA80];
	v20 =	vadd.s32 v60, v20  }
0x302: {  	v30 =	vld [tilespmem:s16+$0x1AB00];
	v20 =	vadd.s32 v61, v20  }
0x303: {  	v31 =	vld [tilespmem:s16+$0x1AB80];
	v20 =	vadd.s32 v62, v20  }
0x304: {  	v32 =	vld [tilespmem:s16+$0x1AC00];
	v20 =	vadd.s32 v63, v20  }
0x305: {  	v33 =	vld [tilespmem:s16+$0x1AC80];
	v20 =	vadd.s32 v28, v20  }
0x306: {  	v20 =	vadd.s32 v29, v20  }
0x307: {  	v20 =	vadd.s32 v30, v20  }
0x308: {  	v20 =	vadd.s32 v31, v20  }
0x309: {  	v20 =	vadd.s32 v32, v20  }
0x30a: {  	s15 =	sadd.s32 $0x10, s15;
	v20 =	vadd.s32 v33, v20  }
0x30b: {  	[tilespmem:s15+$0x0] =	vst v20;
	s15 =	simm.s32 $0x1B100  }
0x30c: {  	v20 =	vld.idx.msk [tilespmem:v1+s15+$0x0], $0xffff  }
0x30d: {  	v34 =	vld.idx.msk [tilespmem:v4+s15+$0x0], $0xffff  }
0x30e: {  	v35 =	vld.idx.msk [tilespmem:v5+s15+$0x0], $0xffff  }
0x30f: {  	v36 =	vld.idx.msk [tilespmem:v6+s15+$0x0], $0xffff  }
0x310: {  	v37 =	vld.idx.msk [tilespmem:v7+s15+$0x0], $0xffff  }
0x311: {  	v38 =	vld.idx.msk [tilespmem:v8+s15+$0x0], $0xffff  }
0x312: {  	v39 =	vld.idx.msk [tilespmem:v9+s15+$0x0], $0xffff;
	v20 =	vadd.s32 v20, v34  }
0x313: {  	v40 =	vld.idx.msk [tilespmem:v10+s15+$0x0], $0xffff;
	v20 =	vadd.s32 v35, v20  }
0x314: {  	v41 =	vld.idx.msk [tilespmem:v11+s15+$0x0], $0xffff;
	v20 =	vadd.s32 v36, v20  }
0x315: {  	v42 =	vld.idx.msk [tilespmem:v12+s15+$0x0], $0xffff;
	v20 =	vadd.s32 v37, v20  }
0x316: {  	v43 =	vld.idx.msk [tilespmem:v13+s15+$0x0], $0xffff;
	v20 =	vadd.s32 v38, v20  }
0x317: {  	v44 =	vld.idx.msk [tilespmem:v14+s15+$0x0], $0xffff;
	v20 =	vadd.s32 v39, v20  }
0x318: {  	v45 =	vld.idx.msk [tilespmem:v15+s15+$0x0], $0xffff;
	v20 =	vadd.s32 v40, v20  }
0x319: {  	v46 =	vld.idx.msk [tilespmem:v17+s15+$0x0], $0xffff;
	v20 =	vadd.s32 v41, v20  }
0x31a: {  	v47 =	vld.idx.msk [tilespmem:v18+s15+$0x0], $0xffff;
	v20 =	vadd.s32 v42, v20  }
0x31b: {  	v48 =	vld.idx.msk [tilespmem:v19+s15+$0x0], $0xffff;
	v20 =	vadd.s32 v43, v20  }
0x31c: {  	v20 =	vadd.s32 v44, v20  }
0x31d: {  	v20 =	vadd.s32 v45, v20  }
0x31e: {  	v20 =	vadd.s32 v46, v20  }
0x31f: {  	v20 =	vadd.s32 v47, v20  }
0x320: {  	v20 =	vadd.s32 v48, v20  }
0x321: {  	s22 =	rddreg [dreg:$0x1a];
	[tilespmem:$0x1B200] =	vst v20  }
0x322: {  	[spmem:s22] =	stream.linear.scatter [tilespmem:s12], [sflag:$0x3], $0x10, $0x38;
	[tilespmem:$0x1D630] =	vst v63  }
0x323: {  	_ =	swait.ge [sflag:s10], $0x10  }
0x324: {  	[sflag:s10] =	ssyncset.done $0x0  }
0x325: {  	s25 =	rddreg [dreg:$0x18];
	[sflag:s10] =	ssyncadd.s32 $0xFFFFFFF0  }
0x326: {  	[tilespmem:s0], [sflag:$0x3] =	stream.strided.gather [spmem:s25], $0x1000, s3, s11, $0x38;
	[tilespmem:$0x1D630] =	vst v63  }
0x327: {  	s26 =	simm.s32 $0x0;
	_ =	swait.ge [sflag:s10], $0x1000  }
0x328: {  	s17 =	sand.u32 $0x70, s26;
	s16 =	sand.u32 $0x400, s26;
	[sflag:s10] =	ssyncset.done $0x0  }
0x329: {  	s16 =	sor.u32 s17, s16;
	[sflag:s10] =	ssyncadd.s32 $0xFFFFF000  }
0x32a: {  	v20 =	vld [tilespmem:s16+$0x1A180]  }
0x32b: {  	v49 =	vld [tilespmem:s16+$0x1A100]  }
0x32c: {  	v50 =	vld [tilespmem:s16+$0x1A200]  }
0x32d: {  	v51 =	vld [tilespmem:s16+$0x1A280]  }
0x32e: {  	v52 =	vld [tilespmem:s16+$0x1A300]  }
0x32f: {  	v53 =	vld [tilespmem:s16+$0x1A380]  }
0x330: {  	v54 =	vld [tilespmem:s16+$0x1A400];
	v20 =	vadd.s32 v49, v20  }
0x331: {  	v55 =	vld [tilespmem:s16+$0x1A480];
	v20 =	vadd.s32 v50, v20  }
0x332: {  	v56 =	vld [tilespmem:s16+$0x1A900];
	v20 =	vadd.s32 v51, v20  }
0x333: {  	v57 =	vld [tilespmem:s16+$0x1A980];
	v20 =	vadd.s32 v52, v20  }
0x334: {  	v58 =	vld [tilespmem:s16+$0x1AA00];
	v20 =	vadd.s32 v53, v20  }
0x335: {  	v59 =	vld [tilespmem:s16+$0x1AA80];
	v20 =	vadd.s32 v54, v20  }
0x336: {  	v60 =	vld [tilespmem:s16+$0x1AB00];
	v20 =	vadd.s32 v55, v20  }
0x337: {  	v61 =	vld [tilespmem:s16+$0x1AB80];
	v20 =	vadd.s32 v56, v20  }
0x338: {  	v62 =	vld [tilespmem:s16+$0x1AC00];
	v20 =	vadd.s32 v57, v20  }
0x339: {  	v63 =	vld [tilespmem:s16+$0x1AC80];
	v20 =	vadd.s32 v58, v20  }
0x33a: {  	v20 =	vadd.s32 v59, v20  }
0x33b: {  	v20 =	vadd.s32 v60, v20  }
0x33c: {  	v20 =	vadd.s32 v61, v20  }
0x33d: {  	s28 =	simm.s32 $0x10;
	s17 =	simm.s32 $0x80;
	v20 =	vadd.s32 v62, v20  }
0x33e: {  	s18 =	sand.u32 $0x400, s17;
	s16 =	sand.u32 $0x70, s28;
	v20 =	vadd.s32 v63, v20  }
0x33f: {  	s16 =	sor.u32 s16, s18;
	s18 =	simm.s32 $0x20;
	[tilespmem:s15+$0x0] =	vst v20  }
.LBB2_10:
0x340: {  	p0 =	sne.s32 s18, $0xF0;
	v20 =	vld [tilespmem:s16+$0x1A180]  }
0x341: {  	v21 =	vld [tilespmem:s16+$0x1A100]  }
0x342: {  	v22 =	vld [tilespmem:s16+$0x1A200]  }
0x343: {  	v23 =	vld [tilespmem:s16+$0x1A280]  }
0x344: {  	v24 =	vld [tilespmem:s16+$0x1A300]  }
0x345: {  	v25 =	vld [tilespmem:s16+$0x1A380]  }
0x346: {  	v20 =	vadd.s32 v21, v20;
	v21 =	vld [tilespmem:s16+$0x1A400]  }
0x347: {  	v20 =	vadd.s32 v22, v20;
	v22 =	vld [tilespmem:s16+$0x1A480]  }
0x348: {  	v20 =	vadd.s32 v23, v20;
	v23 =	vld [tilespmem:s16+$0x1A900]  }
0x349: {  	v20 =	vadd.s32 v24, v20;
	v24 =	vld [tilespmem:s16+$0x1A980]  }
0x34a: {  	v20 =	vadd.s32 v25, v20;
	v25 =	vld [tilespmem:s16+$0x1AA00]  }
0x34b: {  	v20 =	vadd.s32 v21, v20;
	v21 =	vld [tilespmem:s16+$0x1AA80]  }
0x34c: {  	v20 =	vadd.s32 v22, v20;
	v22 =	vld [tilespmem:s16+$0x1AB00]  }
0x34d: {  	v20 =	vadd.s32 v23, v20;
	v23 =	vld [tilespmem:s16+$0x1AB80]  }
0x34e: {  	v20 =	vadd.s32 v24, v20;
	v24 =	vld [tilespmem:s16+$0x1AC00]  }
0x34f: {  	v20 =	vadd.s32 v25, v20;
	v25 =	vld [tilespmem:s16+$0x1AC80]  }
0x350: {  	v20 =	vadd.s32 v21, v20  }
.Ltmp4:
0x351: {  	v20 =	vadd.s32 v22, v20;
	(pc) =	sbr.rel @p0 .LBB2_10-.Ltmp4, $4  }
0x352: {  	v20 =	vadd.s32 v23, v20  }
0x353: {  	s17 =	sadd.s32 $0x80, s17;
	v20 =	vadd.s32 v24, v20  }
0x354: {  	s15 =	sadd.s32 $0x10, s15;
	s20 =	sand.u32 $0x400, s17;
	s16 =	sand.u32 $0x70, s18;
	v20 =	vadd.s32 v25, v20  }
0x355: {  	s18 =	sadd.s32 $0x10, s18;
	s16 =	sor.u32 s16, s20;
	[tilespmem:s15+$0x0] =	vst v20  }
0x356: {  	v20 =	vld [tilespmem:s16+$0x1A180]  }
0x357: {  	v21 =	vld [tilespmem:s16+$0x1A100]  }
0x358: {  	v22 =	vld [tilespmem:s16+$0x1A200]  }
0x359: {  	v23 =	vld [tilespmem:s16+$0x1A280]  }
0x35a: {  	v24 =	vld [tilespmem:s16+$0x1A300]  }
0x35b: {  	v25 =	vld [tilespmem:s16+$0x1A380]  }
0x35c: {  	v20 =	vadd.s32 v21, v20;
	v21 =	vld [tilespmem:s16+$0x1A400]  }
0x35d: {  	v20 =	vadd.s32 v22, v20;
	v22 =	vld [tilespmem:s16+$0x1A480]  }
0x35e: {  	v20 =	vadd.s32 v23, v20;
	v23 =	vld [tilespmem:s16+$0x1A900]  }
0x35f: {  	v20 =	vadd.s32 v24, v20;
	v24 =	vld [tilespmem:s16+$0x1A980]  }
0x360: {  	v20 =	vadd.s32 v25, v20;
	v25 =	vld [tilespmem:s16+$0x1AA00]  }
0x361: {  	v20 =	vadd.s32 v21, v20;
	v21 =	vld [tilespmem:s16+$0x1AA80]  }
0x362: {  	v20 =	vadd.s32 v22, v20;
	v22 =	vld [tilespmem:s16+$0x1AB00]  }
0x363: {  	v20 =	vadd.s32 v23, v20;
	v23 =	vld [tilespmem:s16+$0x1AB80]  }
0x364: {  	v20 =	vadd.s32 v24, v20;
	v24 =	vld [tilespmem:s16+$0x1AC00]  }
0x365: {  	v20 =	vadd.s32 v25, v20;
	v25 =	vld [tilespmem:s16+$0x1AC80]  }
0x366: {  	v20 =	vadd.s32 v21, v20  }
0x367: {  	v20 =	vadd.s32 v22, v20  }
0x368: {  	v20 =	vadd.s32 v23, v20  }
0x369: {  	v20 =	vadd.s32 v24, v20  }
0x36a: {  	s15 =	sadd.s32 $0x10, s15;
	v20 =	vadd.s32 v25, v20  }
0x36b: {  	[tilespmem:s15+$0x0] =	vst v20  }
0x36c: {  	v20 =	vld.idx.msk [tilespmem:v1+s1+$0x0], $0xffff  }
0x36d: {  	v21 =	vld.idx.msk [tilespmem:v4+s1+$0x0], $0xffff  }
0x36e: {  	v22 =	vld.idx.msk [tilespmem:v5+s1+$0x0], $0xffff  }
0x36f: {  	v23 =	vld.idx.msk [tilespmem:v6+s1+$0x0], $0xffff  }
0x370: {  	v24 =	vld.idx.msk [tilespmem:v7+s1+$0x0], $0xffff  }
0x371: {  	v25 =	vld.idx.msk [tilespmem:v8+s1+$0x0], $0xffff  }
0x372: {  	v20 =	vadd.s32 v20, v21;
	v21 =	vld.idx.msk [tilespmem:v9+s1+$0x0], $0xffff  }
0x373: {  	v20 =	vadd.s32 v22, v20;
	v22 =	vld.idx.msk [tilespmem:v10+s1+$0x0], $0xffff  }
0x374: {  	v20 =	vadd.s32 v23, v20;
	v23 =	vld.idx.msk [tilespmem:v11+s1+$0x0], $0xffff  }
0x375: {  	v20 =	vadd.s32 v24, v20;
	v24 =	vld.idx.msk [tilespmem:v12+s1+$0x0], $0xffff  }
0x376: {  	v20 =	vadd.s32 v25, v20;
	v25 =	vld.idx.msk [tilespmem:v13+s1+$0x0], $0xffff  }
0x377: {  	v20 =	vadd.s32 v21, v20;
	v21 =	vld.idx.msk [tilespmem:v14+s1+$0x0], $0xffff  }
0x378: {  	v20 =	vadd.s32 v22, v20;
	v22 =	vld.idx.msk [tilespmem:v15+s1+$0x0], $0xffff  }
0x379: {  	v20 =	vadd.s32 v23, v20;
	v23 =	vld.idx.msk [tilespmem:v17+s1+$0x0], $0xffff  }
0x37a: {  	v20 =	vadd.s32 v24, v20;
	v24 =	vld.idx.msk [tilespmem:v18+s1+$0x0], $0xffff  }
0x37b: {  	v20 =	vadd.s32 v25, v20;
	v25 =	vld.idx.msk [tilespmem:v19+s1+$0x0], $0xffff  }
0x37c: {  	v20 =	vadd.s32 v21, v20  }
0x37d: {  	v20 =	vadd.s32 v22, v20  }
0x37e: {  	v20 =	vadd.s32 v23, v20  }
0x37f: {  	v20 =	vadd.s32 v24, v20  }
0x380: {  	v20 =	vadd.s32 v25, v20  }
0x381: {  	s20 =	rddreg [dreg:$0x1b];
	[tilespmem:$0x1B200] =	vst v20  }
0x382: {  	[spmem:s20] =	stream.linear.scatter [tilespmem:s12], [sflag:$0x3], $0x10, $0x38;
	[tilespmem:$0x1D630] =	vst v63  }
0x383: {  	_ =	swait.ge [sflag:s10], $0x10  }
0x384: {  	[sflag:s10] =	ssyncset.done $0x0  }
0x385: {  	[sflag:s10] =	ssyncadd.s32 $0xFFFFFFF0  }
0x386: {  	[bflag:$0x0] =	sbarrier.arrive $0xFFFF  }
0x387: {  	s25 =	simm.s32 $0x1A000;
	s22 =	rddreg [dreg:$0x5]  }
0x388: {  	[tilespmem:s25], [sflag:$0x3] =	stream.linear.gather [spmem:s22], $0x100, $0x38;
	[tilespmem:$0x1D630] =	vst v63  }
0x389: {  	_ =	swait.ge [sflag:s10], $0x100  }
0x38a: {  	[sflag:s10] =	ssyncset.done $0x0  }
0x38b: {  	[sflag:s10] =	ssyncadd.s32 $0xFFFFFF00  }
0x38c: {  	s26 =	rddreg [dreg:$0x6]  }
0x38d: {  	[tilespmem:s1], [sflag:$0x3] =	stream.linear.gather [spmem:s26], $0x100, $0x38;
	[tilespmem:$0x1D630] =	vst v63  }
0x38e: {  	_ =	swait.ge [sflag:s10], $0x100  }
0x38f: {  	[sflag:s10] =	ssyncset.done $0x0  }
0x390: {  	[sflag:s10] =	ssyncadd.s32 $0xFFFFFF00  }
0x391: {  	v20 =	vld [tilespmem:$0x1A000];
	_ =	sdelay $0x1  }
0x392: {  	v21 =	vld [tilespmem:$0x1A010];
	_ =	sdelay $0x2  }
0x393: {  	(xrf0) =	vadd.scan.msk.s32 $0xffff, v20;
	v20 =	vld [tilespmem:$0x1A020];
	_ =	sdelay $0x1  }
0x394: {  	(xrf0) =	vadd.scan.msk.s32 $0xffff, v21  }
0x395: {  	v21 =	vld [tilespmem:$0x1A030];
	_ =	sdelay $0x1  }
0x396: {  	(xrf0) =	vadd.scan.msk.s32 $0xffff, v20  }
0x397: {  	v25, _, _ =	vpop (xrf0)  }
0x398: {  	v20 =	vld [tilespmem:$0x1A040];
	v23 =	vbroadcast v25, $0xF  }
0x399: {  	v22 =	vld [tilespmem:$0x1A050];
	(xrf0) =	vadd.scan.msk.s32 $0xffff, v21;
	v26, _, _ =	vpop (xrf0)  }
0x39a: {  	v24 =	vld [tilespmem:$0x1A060];
	v26 =	vadd.s32 v23, v26  }
0x39b: {  	v21 =	vld [tilespmem:$0x1A070];
	v27 =	vbroadcast v26, $0xF  }
0x39c: {  	v23 =	vld [tilespmem:$0x1A080];
	v28, _, _ =	vpop (xrf0)  }
0x39d: {  	(xrf0) =	vadd.scan.msk.s32 $0xffff, v20;
	v20 =	vld [tilespmem:$0x1A090];
	v27 =	vadd.s32 v28, v27  }
0x39e: {  	(xrf0) =	vadd.scan.msk.s32 $0xffff, v22;
	v22 =	vld [tilespmem:$0x1A0A0];
	v28 =	vbroadcast v27, $0xF  }
0x39f: {  	(xrf0) =	vadd.scan.msk.s32 $0xffff, v24;
	v24 =	vld [tilespmem:$0x1A0B0];
	v29, _, _ =	vpop (xrf0)  }
0x3a0: {  	(xrf0) =	vadd.scan.msk.s32 $0xffff, v21;
	v21 =	vld [tilespmem:$0x1A0C0];
	v28 =	vadd.s32 v29, v28  }
0x3a1: {  	(xrf0) =	vadd.scan.msk.s32 $0xffff, v23;
	v30 =	vbroadcast v28, $0xF  }
0x3a2: {  	v23 =	vld [tilespmem:$0x1A0D0];
	(xrf0) =	vadd.scan.msk.s32 $0xffff, v20  }
0x3a3: {  	v20 =	vld [tilespmem:$0x1A0E0];
	v29, _, _ =	vpop (xrf0);
	(xrf0) =	vadd.scan.msk.s32 $0xffff, v22  }
0x3a4: {  	v31, _, _ =	vpop (xrf0);
	(xrf0) =	vadd.scan.msk.s32 $0xffff, v24;
	v29 =	vadd.s32 v29, v30  }
0x3a5: {  	v22 =	vld [tilespmem:$0x1A0F0];
	v30, _, _ =	vpop (xrf0);
	(xrf0) =	vadd.scan.msk.s32 $0xffff, v21;
	v21 =	vbroadcast v29, $0xF  }
0x3a6: {  	v24 =	vld [tilespmem:$0x1B100]  }
0x3a7: {  	v32, _, _ =	vpop (xrf0);
	(xrf0) =	vadd.scan.msk.s32 $0xffff, v23;
	v31 =	vadd.s32 v31, v21  }
0x3a8: {  	v23 =	vld [tilespmem:$0x1B110];
	v33, _, _ =	vpop (xrf0);
	(xrf0) =	vadd.scan.msk.s32 $0xffff, v20;
	v20 =	vbroadcast v31, $0xF  }
0x3a9: {  	v21 =	vld [tilespmem:$0x1B120];
	v34, _, _ =	vpop (xrf0)  }
0x3aa: {  	(xrf0) =	vadd.scan.msk.s32 $0xffff, v22;
	v35, _, _ =	vpop (xrf0);
	v30 =	vadd.s32 v30, v20  }
0x3ab: {  	(xrf0) =	vadd.scan.msk.s32 $0xffff, v24;
	v36, _, _ =	vpop (xrf0);
	v20 =	vbroadcast v30, $0xF  }
0x3ac: {  	v22 =	vld [tilespmem:$0x1B130];
	v37, _, _ =	vpop (xrf0)  }
0x3ad: {  	(xrf0) =	vadd.scan.msk.s32 $0xffff, v23;
	v38, _, _ =	vpop (xrf0);
	v32 =	vadd.s32 v32, v20  }
0x3ae: {  	v39, _, _ =	vpop (xrf0);
	(xrf0) =	vadd.scan.msk.s32 $0xffff, v21;
	v21 =	vbroadcast v32, $0xF;
	_ =	sdelay $0x1  }
0x3af: {  	v46 =	vbroadcast v25, $0x0;
	v23 =	vld [tilespmem:$0x1B140];
	v40, _, _ =	vpop (xrf0);
	v33 =	vadd.s32 v33, v21  }
0x3b0: {  	v20, _, _ =	vpop (xrf0);
	(xrf0) =	vadd.scan.msk.s32 $0xffff, v22;
	v22 =	vbroadcast v33, $0xF  }
0x3b1: {  	v25 =	vsub.s32 v25, v46;
	v24 =	vbroadcast v20, $0xF  }
0x3b2: {  	v26 =	vsub.s32 v26, v46;
	v25 =	vcvt.s32.f32 v25;
	v21, _, _ =	vpop (xrf0)  }
0x3b3: {  	v26 =	vcvt.s32.f32 v26;
	v21 =	vadd.s32 v24, v21;
	v24 =	vld [tilespmem:$0x1B150];
	v34 =	vadd.s32 v34, v22  }
0x3b4: {  	v41 =	vbroadcast v21, $0xF;
	v22, _, _ =	vpop (xrf0);
	(xrf0) =	vadd.scan.msk.s32 $0xffff, v23;
	v23 =	vbroadcast v34, $0xF  }
0x3b5: {  	v25 =	vmul.f32 v25, v16  }
0x3b6: {  	v62 =	vld [tilespmem:$0x1B160];
	v26 =	vmul.f32 v26, v16;
	v27 =	vsub.s32 v27, v46;
	v22 =	vadd.s32 v22, v41  }
0x3b7: {  	v27 =	vcvt.s32.f32 v27;
	v28 =	vsub.s32 v28, v46;
	v42 =	vbroadcast v22, $0xF  }
0x3b8: {  	v28 =	vcvt.s32.f32 v28;
	v29 =	vsub.s32 v29, v46;
	v35 =	vadd.s32 v35, v23;
	v23, _, _ =	vpop (xrf0);
	(xrf0) =	vadd.scan.msk.s32 $0xffff, v24  }
0x3b9: {  	v63 =	vld [tilespmem:$0x1B170];
	v27 =	vmul.f32 v27, v16;
	v29 =	vcvt.s32.f32 v29;
	v24 =	vadd.s32 v23, v42  }
0x3ba: {  	v28 =	vmul.f32 v28, v16;
	v23 =	vbroadcast v24, $0xF  }
0x3bb: {  	v31 =	vsub.s32 v31, v46;
	v29 =	vmul.f32 v29, v16;
	v30 =	vsub.s32 v30, v46;
	v47, _, _ =	vpop (xrf0);
	(xrf0) =	vadd.scan.msk.s32 $0xffff, v62  }
0x3bc: {  	v49 =	vld [tilespmem:$0x1B180];
	v31 =	vcvt.s32.f32 v31;
	v30 =	vcvt.s32.f32 v30;
	v23 =	vadd.s32 v47, v23  }
0x3bd: {  	v43 =	vbroadcast v35, $0xF;
	v44 =	vbroadcast v23, $0xF  }
0x3be: {  	v31 =	vmul.f32 v31, v16;
	v32 =	vsub.s32 v32, v46;
	v30 =	vmul.f32 v30, v16;
	v50, _, _ =	vpop (xrf0);
	(xrf0) =	vadd.scan.msk.s32 $0xffff, v63  }
0x3bf: {  	v52 =	vld [tilespmem:$0x1B190];
	v32 =	vcvt.s32.f32 v32;
	v36 =	vadd.s32 v36, v43;
	v41 =	vadd.s32 v50, v44  }
0x3c0: {  	[tilespmem:$0x1B290] =	vst v26;
	v34 =	vsub.s32 v34, v46;
	v48 =	vbroadcast v36, $0xF;
	v45 =	vbroadcast v41, $0xF  }
0x3c1: {  	v26 =	vmul.f32 v32, v16;
	v34 =	vcvt.s32.f32 v34;
	v36 =	vsub.s32 v36, v46;
	v53, _, _ =	vpop (xrf0);
	(xrf0) =	vadd.scan.msk.s32 $0xffff, v49  }
0x3c2: {  	v55 =	vld [tilespmem:$0x1B1A0];
	[tilespmem:$0x1B2B0] =	vst v28;
	v28 =	vcvt.s32.f32 v36;
	v37 =	vadd.s32 v37, v48;
	v42 =	vadd.s32 v53, v45  }
0x3c3: {  	v33 =	vsub.s32 v33, v46;
	v51 =	vbroadcast v37, $0xF;
	v47 =	vbroadcast v42, $0xF  }
0x3c4: {  	[tilespmem:$0x1B2A0] =	vst v27;
	v33 =	vcvt.s32.f32 v33;
	v27 =	vmul.f32 v34, v16;
	v56, _, _ =	vpop (xrf0);
	(xrf0) =	vadd.scan.msk.s32 $0xffff, v52  }
0x3c5: {  	v28 =	vmul.f32 v28, v16;
	v38 =	vadd.s32 v38, v51;
	v43 =	vadd.s32 v56, v47  }
0x3c6: {  	[tilespmem:$0x1B2C0] =	vst v29;
	v54 =	vbroadcast v38, $0xF;
	v29 =	vsub.s32 v38, v46;
	v48 =	vbroadcast v43, $0xF  }
0x3c7: {  	v57 =	vld [tilespmem:$0x1B1B0];
	v37 =	vsub.s32 v37, v46;
	v63 =	vmul.f32 v33, v16;
	v29 =	vcvt.s32.f32 v29;
	v49, _, _ =	vpop (xrf0);
	(xrf0) =	vadd.scan.msk.s32 $0xffff, v55  }
0x3c8: {  	v59 =	vld [tilespmem:$0x1B1C0];
	[tilespmem:$0x1B280] =	vst v25;
	v39 =	vadd.s32 v39, v54;
	v53 =	vcvt.s32.f32 v37;
	v45 =	vadd.s32 v49, v48  }
0x3c9: {  	[tilespmem:$0x1B2D0] =	vst v31;
	v31 =	vsub.s32 v40, v46;
	v58 =	vbroadcast v39, $0xF;
	v49 =	vbroadcast v45, $0xF  }
0x3ca: {  	[tilespmem:$0x1B2E0] =	vst v30;
	v54 =	vsub.s32 v39, v46;
	v29 =	vmul.f32 v29, v16;
	v36 =	vmul.f32 v53, v16;
	v50, _, _ =	vpop (xrf0)  }
0x3cb: {  	[tilespmem:$0x1B2F0] =	vst v26;
	v26 =	vcvt.s32.f32 v54;
	v31 =	vadd.s32 v58, v31;
	v44 =	vadd.s32 v50, v49  }
0x3cc: {  	v31 =	vcvt.s32.f32 v31;
	(xrf0) =	vadd.scan.msk.s32 $0xffff, v57;
	v49 =	vsub.s32 v35, v46;
	v50 =	vbroadcast v44, $0xF  }
0x3cd: {  	v60 =	vld [tilespmem:$0x1B1D0];
	[tilespmem:$0x1B310] =	vst v27;
	v51, _, _ =	vpop (xrf0);
	(xrf0) =	vadd.scan.msk.s32 $0xffff, v59;
	v33 =	vcvt.s32.f32 v49;
	v59 =	vbroadcast v20, $0x0  }
0x3ce: {  	v62 =	vld [tilespmem:$0x1B1E0];
	[tilespmem:$0x1B330] =	vst v28;
	v26 =	vmul.f32 v26, v16;
	v31 =	vmul.f32 v31, v16;
	v61 =	vadd.s32 v51, v50  }
0x3cf: {  	[tilespmem:$0x1B300] =	vst v63;
	v33 =	vmul.f32 v33, v16;
	v20 =	vsub.s32 v20, v59;
	v21 =	vsub.s32 v21, v59  }
0x3d0: {  	[tilespmem:$0x1B350] =	vst v29;
	v22 =	vsub.s32 v22, v59;
	v24 =	vsub.s32 v24, v59;
	v51 =	vbroadcast v61, $0xF  }
0x3d1: {  	[tilespmem:$0x1B360] =	vst v26;
	v23 =	vsub.s32 v23, v59;
	v20 =	vcvt.s32.f32 v20;
	v21 =	vcvt.s32.f32 v21  }
0x3d2: {  	v26 =	vsub.s32 v41, v59;
	v22 =	vcvt.s32.f32 v22;
	v24 =	vcvt.s32.f32 v24;
	v25, _, _ =	vpop (xrf0);
	(xrf0) =	vadd.scan.msk.s32 $0xffff, v60  }
0x3d3: {  	v29 =	vsub.s32 v42, v59;
	v23 =	vcvt.s32.f32 v23;
	v26 =	vcvt.s32.f32 v26;
	v52, _, _ =	vpop (xrf0);
	(xrf0) =	vadd.scan.msk.s32 $0xffff, v62  }
0x3d4: {  	v28 =	vld [tilespmem:$0x1B1F0];
	[tilespmem:$0x1B340] =	vst v36;
	v25 =	vadd.s32 v25, v51;
	v20 =	vmul.f32 v20, v16;
	v21 =	vmul.f32 v21, v16  }
0x3d5: {  	[tilespmem:$0x1B370] =	vst v31;
	v31 =	vsub.s32 v43, v59;
	v22 =	vmul.f32 v22, v16;
	v51 =	vbroadcast v25, $0xF  }
0x3d6: {  	v24 =	vmul.f32 v24, v16;
	v25 =	vsub.s32 v25, v59;
	[tilespmem:$0x1B390] =	vst v21;
	v21 =	vcvt.s32.f32 v29  }
0x3d7: {  	[tilespmem:$0x1B3A0] =	vst v22;
	v22 =	vmul.f32 v23, v16;
	v23 =	vmul.f32 v26, v16;
	v34 =	vadd.s32 v52, v51  }
0x3d8: {  	[tilespmem:$0x1B320] =	vst v33;
	v26 =	vsub.s32 v45, v59;
	v55 =	vbroadcast v34, $0xF;
	v21 =	vmul.f32 v21, v16;
	v56, _, _ =	vpop (xrf0)  }
0x3d9: {  	[tilespmem:$0x1B3C0] =	vst v22;
	v22 =	vcvt.s32.f32 v26;
	v26 =	vsub.s32 v44, v59;
	v58, _, _ =	vpop (xrf0);
	(xrf0) =	vadd.scan.msk.s32 $0xffff, v28  }
0x3da: {  	v29 =	vcvt.s32.f32 v31;
	[tilespmem:$0x1B3D0] =	vst v23;
	v23 =	vcvt.s32.f32 v26;
	v28 =	vsub.s32 v61, v59  }
0x3db: {  	v30 =	vadd.s32 v56, v55;
	[tilespmem:$0x1B3E0] =	vst v21;
	v21 =	vmul.f32 v22, v16;
	v26 =	vcvt.s32.f32 v28  }
0x3dc: {  	[tilespmem:$0x1B380] =	vst v20;
	v22 =	vcvt.s32.f32 v25;
	v57 =	vbroadcast v30, $0xF  }
0x3dd: {  	[tilespmem:$0x1B3B0] =	vst v24;
	v24 =	vmul.f32 v29, v16;
	v25 =	vsub.s32 v34, v59;
	v23 =	vmul.f32 v23, v16  }
0x3de: {  	[tilespmem:$0x1B400] =	vst v21;
	v21 =	vmul.f32 v22, v16;
	v22 =	vcvt.s32.f32 v25;
	v27 =	vadd.s32 v58, v57  }
0x3df: {  	[tilespmem:$0x1B3F0] =	vst v24;
	v25 =	vsub.s32 v30, v59;
	v32 =	vbroadcast v27, $0xF;
	v24 =	vmul.f32 v26, v16;
	v26, _, _ =	vpop (xrf0)  }
0x3e0: {  	[tilespmem:$0x1B410] =	vst v23;
	v23 =	vcvt.s32.f32 v25;
	v25 =	vsub.s32 v27, v59;
	v26 =	vsub.s32 v26, v59  }
0x3e1: {  	v22 =	vmul.f32 v22, v16;
	[tilespmem:$0x1B420] =	vst v24;
	v24 =	vcvt.s32.f32 v25;
	v25 =	vadd.s32 v32, v26  }
0x3e2: {  	[tilespmem:$0x1B430] =	vst v21;
	v21 =	vmul.f32 v23, v16;
	v23 =	vcvt.s32.f32 v25  }
0x3e3: {  	[tilespmem:$0x1B440] =	vst v22;
	v22 =	vmul.f32 v24, v16  }
0x3e4: {  	[tilespmem:$0x1B450] =	vst v21;
	v21 =	vmul.f32 v23, v16  }
0x3e5: {  	[tilespmem:$0x1B460] =	vst v22  }
0x3e6: {  	s28 =	simm.s32 $0x0;
	[tilespmem:$0x1B470] =	vst v21  }
0x3e7: {  	v23 =	vld [tilespmem:s28+$0x1B380];
	_ =	sdelay $0x3  }
0x3e8: {  	v22 =	vld [tilespmem:s24+$0x1B280]  }
0x3e9: {  	v25 =	vbroadcast v23, $0x0  }
0x3ea: {  	v24 =	vbroadcast v23, $0x9;
	v26 =	vbroadcast v23, $0x3  }
0x3eb: {  	v28 =	vbroadcast v23, $0x1;
	v29 =	vbroadcast v23, $0x6  }
0x3ec: {  	v27 =	vimm.s32 $0x0;
	v31 =	vbroadcast v23, $0x2;
	v61 =	vbroadcast v23, $0xC  }
0x3ed: {  	v32 =	vbroadcast v23, $0xD;
	vm0 =	vle.f32 v25, v22;
	v25 =	vbroadcast v23, $0x5  }
0x3ee: {  	vm1 =	vle.f32 v26, v22;
	vm2 =	vle.f32 v29, v22;
	v29 =	vbroadcast v23, $0x8  }
0x3ef: {  	v30 =	vsel vm0, $0x1, v2;
	vm0 =	vle.f32 v28, v22;
	v28 =	vbroadcast v23, $0x4  }
0x3f0: {  	v60 =	vsel vm0, $0x1, v2;
	vm0 =	vle.f32 v25, v22;
	v25 =	vbroadcast v23, $0x7  }
0x3f1: {  	v26 =	vsel vm2, $0x1, v2;
	v62 =	vsel vm1, $0x1, v2;
	vm2 =	vle.f32 v29, v22  }
0x3f2: {  	vm3 =	vle.f32 v28, v22;
	v28 =	vsel vm0, $0x1, v2;
	vm0 =	vle.f32 v25, v22  }
0x3f3: {  	v29 =	vadd.s32 v30, v27;
	v25 =	vsel vm0, $0x1, v2;
	vm0 =	vle.f32 v31, v22  }
0x3f4: {  	v27 =	vsel vm2, $0x1, v2;
	v29 =	vadd.s32 v60, v29;
	v30 =	vsel vm0, $0x1, v2  }
0x3f5: {  	v31 =	vsel vm3, $0x1, v2;
	vm0 =	vle.f32 v61, v22;
	v63 =	vadd.s32 v30, v29  }
0x3f6: {  	s15 =	simm.s32 $0x40;
	v29 =	vbroadcast v23, $0xA;
	v30 =	vbroadcast v23, $0xB;
	v33 =	vadd.s32 v62, v63  }
.LBB2_12:
0x3f7: {  	s16 =	sshra.s32 s15, $0x2;
	p0 =	sne.s32 s15, $0x3C0;
	s15 =	sadd.s32 $0x40, s15;
	v34 =	vbroadcast v23, $0xE;
	v35 =	vbroadcast v23, $0xF  }
0x3f8: {  	vm1 =	vle.f32 v24, v22;
	v23 =	vld [tilespmem:s16+$0x1B380];
	vm2 =	vle.f32 v32, v22  }
0x3f9: {  	v32 =	vsel vm2, $0x1, v2;
	vm2 =	vle.f32 v34, v22;
	vm3 =	vle.f32 v35, v22  }
0x3fa: {  	v24 =	vadd.s32 v31, v33;
	v31 =	vsel vm0, $0x1, v2;
	v33 =	vsel vm3, $0x1, v2  }
0x3fb: {  	vm0 =	vle.f32 v30, v22;
	v28 =	vadd.s32 v28, v24;
	v30 =	vsel vm2, $0x1, v2  }
0x3fc: {  	v34 =	vsel vm1, $0x1, v2;
	vm1 =	vle.f32 v29, v22;
	v29 =	vsel vm0, $0x1, v2  }
0x3fd: {  	v36 =	vsel vm1, $0x1, v2;
	v35 =	vbroadcast v23, $0x0;
	v24 =	vbroadcast v23, $0x9  }
0x3fe: {  	v26 =	vadd.s32 v26, v28;
	v37 =	vbroadcast v23, $0x3;
	v38 =	vbroadcast v23, $0x6  }
0x3ff: {  	v25 =	vadd.s32 v25, v26;
	v28 =	vbroadcast v23, $0x1;
	vm0 =	vle.f32 v35, v22  }
0x400: {  	v25 =	vadd.s32 v27, v25;
	v26 =	vbroadcast v23, $0x5;
	v35 =	vsel vm0, $0x1, v2  }
0x401: {  	v25 =	vadd.s32 v34, v25;
	v27 =	vbroadcast v23, $0x2;
	vm0 =	vle.f32 v28, v22  }
0x402: {  	v28 =	vbroadcast v23, $0x4;
	v34 =	vsel vm0, $0x1, v2;
	vm0 =	vle.f32 v26, v22  }
0x403: {  	v39 =	vbroadcast v23, $0xC;
	v25 =	vadd.s32 v36, v25;
	v26 =	vbroadcast v23, $0x7  }
0x404: {  	v25 =	vadd.s32 v29, v25;
	vm1 =	vle.f32 v37, v22;
	vm2 =	vle.f32 v38, v22  }
0x405: {  	v25 =	vadd.s32 v31, v25;
	vm3 =	vle.f32 v28, v22;
	v28 =	vsel vm0, $0x1, v2  }
0x406: {  	v29 =	vbroadcast v23, $0x8;
	v31 =	vadd.s32 v32, v25;
	vm0 =	vle.f32 v26, v22  }
0x407: {  	v30 =	vadd.s32 v30, v31;
	v26 =	vsel vm2, $0x1, v2;
	v25 =	vsel vm0, $0x1, v2  }
.Ltmp5:
0x408: {  	vm2 =	vle.f32 v29, v22;
	vm0 =	vle.f32 v27, v22;
	v27 =	vadd.s32 v33, v30;
	(pc) =	sbr.rel @p0 .LBB2_12-.Ltmp5, $4  }
0x409: {  	v29 =	vadd.s32 v35, v27;
	v30 =	vsel vm0, $0x1, v2;
	v27 =	vsel vm2, $0x1, v2  }
0x40a: {  	v32 =	vsel vm1, $0x1, v2;
	v31 =	vsel vm3, $0x1, v2;
	v29 =	vadd.s32 v34, v29  }
0x40b: {  	v33 =	vadd.s32 v30, v29;
	v29 =	vbroadcast v23, $0xA;
	v30 =	vbroadcast v23, $0xB  }
0x40c: {  	vm0 =	vle.f32 v39, v22;
	v33 =	vadd.s32 v32, v33;
	v32 =	vbroadcast v23, $0xD  }
0x40d: {  	v31 =	vadd.s32 v31, v33  }
0x40e: {  	v28 =	vadd.s32 v28, v31  }
0x40f: {  	v26 =	vadd.s32 v26, v28  }
0x410: {  	v48 =	vbroadcast v23, $0xE;
	vm1 =	vle.f32 v24, v22;
	v49 =	vadd.s32 v25, v26  }
0x411: {  	v50 =	vsel vm1, $0x1, v2;
	vm1 =	vle.f32 v29, v22;
	v24 =	vadd.s32 v27, v49  }
0x412: {  	vm2 =	vle.f32 v30, v22;
	v51 =	vsel vm1, $0x1, v2;
	v24 =	vadd.s32 v50, v24  }
0x413: {  	v23 =	vbroadcast v23, $0xF;
	v52 =	vsel vm2, $0x1, v2;
	v24 =	vadd.s32 v51, v24  }
0x414: {  	v53 =	vsel vm0, $0x1, v2;
	vm1 =	vle.f32 v32, v22;
	v24 =	vadd.s32 v52, v24  }
0x415: {  	vm0 =	vle.f32 v48, v22;
	v54 =	vsel vm1, $0x1, v2;
	v24 =	vadd.s32 v53, v24  }
0x416: {  	vm1 =	vle.f32 v23, v22;
	v23 =	vsel vm0, $0x1, v2;
	v24 =	vadd.s32 v54, v24  }
0x417: {  	v55 =	vsel vm1, $0x1, v2;
	v23 =	vadd.s32 v23, v24  }
0x418: {  	v23 =	vadd.s32 v55, v23  }
0x419: {  	vm0 =	vgt.s32 v23, $0x1  }
0x41a: {  	v23 =	vnsel vm0, $0x1, v23  }
0x41b: {  	v23 =	vmin.u32 v23, $0xFF  }
0x41c: {  	v56 =	vadd.s32 $0xFFFFFFFF, v23;
	_ =	sdelay $0x3  }
0x41d: {  	v23 =	vld.idx.msk [tilespmem:v23+s13+$0x0], $0xffff  }
0x41e: {  	v57 =	vld.idx.msk [tilespmem:v56+s13+$0x0], $0xffff;
	_ =	sdelay $0x4  }
0x41f: {  	v23 =	vsub.f32 v23, v57;
	_ =	sdelay $0x1  }
0x420: {  	vm0 =	veq.f32 v23, $0.0e+00  }
0x421: {  	v23 =	vsel vm0, $0x3F800000, v23  }
0x422: {  	(erf) = vrcp.f32 v23;
	_ =	sdelay $0x7  }
0x423: {  	v23 =	vsub.f32 v22, v57  }
0x424: {  	v58 =	vpop (erf)  }
0x425: {  	v24 =	vcvt.s32.f32 v56;
	v23 =	vmul.f32 v58, v23;
	_ =	sdelay $0x1  }
0x426: {  	v23 =	vadd.f32 v24, v23  }
0x427: {  	v21 =	vbroadcast v21, $0xF  }
0x428: {  	v20 =	vbroadcast v20, $0x0;
	v23 =	vmul.f32 $3.921568860e-03, v23  }
0x429: {  	vm0 =	vge.f32 v22, v21  }
0x42a: {  	vm1 =	vle.f32 v22, v20;
	v20 =	vsel vm0, $0x3F800000, v23  }
0x42b: {  	v20 =	vsel vm1, $0x0, v20  }
0x42c: {  	s15 =	simm.s32 $0x1B580;
	[tilespmem:$0x1B580] =	vst v20  }
0x42d: {  	[spmem:s29] =	stream.linear.scatter [tilespmem:s15], [sflag:$0x3], $0x10, $0x38;
	[tilespmem:$0x1D630] =	vst v63  }
0x42e: {  	_ =	swait.ge [sflag:s10], $0x10  }
0x42f: {  	[sflag:s10] =	ssyncset.done $0x0  }
0x430: {  	s28 =	simm.s32 $0x0;
	s16 =	simm.s32 $0x0;
	[sflag:s10] =	ssyncadd.s32 $0xFFFFFFF0  }
0x431: {  	s17 =	sand.u32 $0x1000, s28;
	s16 =	sand.u32 $0x380, s16;
	[bflag:$0x0] =	sbarrier.arrive $0xFFFF  }
0x432: {  	s17 =	sor.u32 s19, s17;
	s15 =	simm.s32 $0x0;
	s26 =	rddreg [dreg:$0x7]  }
0x433: {  	[tilespmem:s2], [sflag:$0x3] =	stream.linear.gather [spmem:s26], $0x100, $0x38;
	[tilespmem:$0x1D630] =	vst v63  }
0x434: {  	s17 =	sor.u32 s16, s17;
	s18 =	sand.u32 $0xC00, s15;
	_ =	swait.ge [sflag:s10], $0x100  }
0x435: {  	s22 =	sand.u32 $0x70, s15;
	s17 =	sor.u32 s18, s17;
	[sflag:s10] =	ssyncset.done $0x0  }
0x436: {  	s17 =	sor.u32 s22, s17;
	[sflag:s10] =	ssyncadd.s32 $0xFFFFFF00  }
0x437: {  	v20 =	vld [tilespmem:s17+$0x4000]  }
0x438: {  	v21 =	vld [tilespmem:s17+$0x0]  }
0x439: {  	v22 =	vld [tilespmem:s17+$0x8000];
	_ =	sdelay $0x3  }
0x43a: {  	v23 =	vmax.f32 v21, v20  }
0x43b: {  	v23 =	vmax.f32 v23, v22  }
0x43c: {  	v23 =	vadd.f32 $1.000000000e+00, v23;
	_ =	sdelay $0x1  }
0x43d: {  	v23 =	vmul.f32 $1.270000000e+02, v23;
	_ =	sdelay $0x1  }
0x43e: {  	v59 =	vtrunc.f32 v23  }
0x43f: {  	v24 =	vcvt.f32.s32 v59;
	_ =	sdelay $0x1  }
0x440: {  	v60 =	vadd.s32 $0x1, v24;
	_ =	sdelay $0x3  }
0x441: {  	v61 =	vld.idx.msk [tilespmem:v24+s2+$0x0], $0xffff  }
0x442: {  	v25 =	vld.idx.msk [tilespmem:v60+s2+$0x0], $0xffff;
	_ =	sdelay $0x2  }
0x443: {  	v24 =	vcvt.s32.f32 v24;
	_ =	sdelay $0x1  }
0x444: {  	v24 =	vsub.f32 v23, v24;
	v25 =	vsub.f32 v25, v61;
	_ =	sdelay $0x1  }
0x445: {  	v24 =	vmul.f32 v24, v25;
	_ =	sdelay $0x1  }
0x446: {  	v24 =	vadd.f32 v24, v61;
	_ =	sdelay $0x1  }
0x447: {  	v24 =	vmul.f32 $2.550000000e+02, v24;
	_ =	sdelay $0x1  }
0x448: {  	v62 =	vmul.f32 $1.000000050e-03, v24;
	_ =	sdelay $0x1  }
0x449: {  	s20 =	simm.s32 $0x4;
	v24 =	vmul.f32 $7.874015710e-03, v24;
	v63 =	vadd.f32 $-1.000000000e+00, v62;
	v22 =	vmul.f32 v62, v22  }
0x44a: {  	s20 =	sand.u32 $0x380, s20;
	s25 =	sand.u32 $0x1000, s15;
	v21 =	vmul.f32 v62, v21;
	v25 =	vmul.f32 v62, v20  }
0x44b: {  	s28 =	sor.u32 s25, s18;
	s18 =	simm.s32 $0x2;
	s26 =	simm.s32 $0x10;
	v20 =	vadd.f32 $-1.000000000e+00, v24;
	v22 =	vadd.f32 v63, v22  }
0x44c: {  	s22 =	sor.u32 s22, s28;
	s25 =	sand.u32 $0x1000, s26;
	s17 =	simm.s32 $0x80;
	vm0 =	veq.f32 v23, $0.0e+00;
	v21 =	vadd.f32 v63, v21;
	v23 =	vadd.f32 v63, v25  }
.LBB2_14:
0x44d: {  	p0 =	sne.s32 s18, $0x1FF;
	s26 =	sor.u32 s19, s25;
	v22 =	vsel vm0, v20, v22;
	s28 =	sor.u32 s16, s22  }
0x44e: {  	s25 =	sand.u32 $0xC00, s17;
	s15 =	sadd.s32 $0x10, s15;
	s16 =	sor.u32 s20, s26;
	v21 =	vsel vm0, v20, v21;
	v20 =	vsel vm0, v20, v23;
	[tilespmem:s28+$0x14000] =	vst v22  }
0x44f: {  	s22 =	sand.u32 $0x70, s15;
	s26 =	sor.u32 s25, s16;
	[tilespmem:s28+$0x10000] =	vst v20;
	s16 =	smov.u32 s20  }
0x450: {  	s20 =	sor.u32 s22, s26;
	[tilespmem:s28+$0xC000] =	vst v21  }
0x451: {  	v20 =	vld [tilespmem:s20+$0x4000]  }
0x452: {  	v21 =	vld [tilespmem:s20+$0x0]  }
0x453: {  	v22 =	vld [tilespmem:s20+$0x8000];
	_ =	sdelay $0x3  }
0x454: {  	v23 =	vmax.f32 v21, v20  }
0x455: {  	v23 =	vmax.f32 v23, v22  }
0x456: {  	v23 =	vadd.f32 $1.000000000e+00, v23;
	_ =	sdelay $0x1  }
0x457: {  	v23 =	vmul.f32 $1.270000000e+02, v23;
	_ =	sdelay $0x1  }
0x458: {  	v24 =	vtrunc.f32 v23  }
0x459: {  	v24 =	vcvt.f32.s32 v24;
	_ =	sdelay $0x1  }
0x45a: {  	v25 =	vadd.s32 $0x1, v24;
	_ =	sdelay $0x3  }
0x45b: {  	v26 =	vld.idx.msk [tilespmem:v24+s2+$0x0], $0xffff  }
0x45c: {  	v25 =	vld.idx.msk [tilespmem:v25+s2+$0x0], $0xffff;
	_ =	sdelay $0x3  }
0x45d: {  	v24 =	vcvt.s32.f32 v24;
	_ =	sdelay $0x1  }
0x45e: {  	v24 =	vsub.f32 v23, v24;
	v25 =	vsub.f32 v25, v26;
	_ =	sdelay $0x1  }
0x45f: {  	v24 =	vmul.f32 v24, v25;
	_ =	sdelay $0x1  }
0x460: {  	v24 =	vadd.f32 v24, v26;
	_ =	sdelay $0x1  }
0x461: {  	v24 =	vmul.f32 $2.550000000e+02, v24;
	_ =	sdelay $0x1  }
0x462: {  	v25 =	vmul.f32 $1.000000050e-03, v24  }
.Ltmp6:
0x463: {  	(pc) =	sbr.rel @p0 .LBB2_14-.Ltmp6, $4  }
0x464: {  	v24 =	vmul.f32 $7.874015710e-03, v24;
	v26 =	vadd.f32 $-1.000000000e+00, v25;
	v22 =	vmul.f32 v25, v22  }
0x465: {  	s17 =	sadd.s32 $0x80, s17;
	s26 =	sand.u32 $0x1000, s15;
	s20 =	sshll.u32 s18, $0x2;
	v21 =	vmul.f32 v25, v21;
	v25 =	vmul.f32 v25, v20  }
0x466: {  	s28 =	sshll.u32 s18, $0x4;
	s26 =	sor.u32 s26, s25;
	s20 =	sand.u32 $0x380, s20;
	v20 =	vadd.f32 $-1.000000000e+00, v24;
	v22 =	vadd.f32 v26, v22  }
0x467: {  	s25 =	sand.u32 $0x1000, s28;
	s22 =	sor.u32 s22, s26;
	s18 =	sadd.s32 $0x1, s18;
	vm0 =	veq.f32 v23, $0.0e+00;
	v21 =	vadd.f32 v26, v21;
	v23 =	vadd.f32 v26, v25  }
0x468: {  	s18 =	sor.u32 s19, s25;
	v22 =	vsel vm0, v20, v22;
	s16 =	sor.u32 s16, s22  }
0x469: {  	s17 =	sand.u32 $0xC00, s17;
	s15 =	sadd.s32 $0x10, s15;
	s18 =	sor.u32 s20, s18;
	v23 =	vsel vm0, v20, v23;
	[tilespmem:s16+$0x14000] =	vst v22  }
0x46a: {  	v20 =	vsel vm0, v20, v21;
	s26 =	sand.u32 $0x70, s15;
	s18 =	sor.u32 s17, s18;
	[tilespmem:s16+$0x10000] =	vst v23  }
0x46b: {  	[tilespmem:s16+$0xC000] =	vst v20;
	s18 =	sor.u32 s26, s18  }
0x46c: {  	v20 =	vld [tilespmem:s18+$0x4000]  }
0x46d: {  	v60 =	vld [tilespmem:s18+$0x0]  }
0x46e: {  	v22 =	vld [tilespmem:s18+$0x8000];
	_ =	sdelay $0x3  }
0x46f: {  	v61 =	vmax.f32 v60, v20  }
0x470: {  	v23 =	vmax.f32 v61, v22  }
0x471: {  	v23 =	vadd.f32 $1.000000000e+00, v23;
	_ =	sdelay $0x1  }
0x472: {  	v23 =	vmul.f32 $1.270000000e+02, v23;
	_ =	sdelay $0x1  }
0x473: {  	v24 =	vtrunc.f32 v23  }
0x474: {  	v24 =	vcvt.f32.s32 v24;
	_ =	sdelay $0x1  }
0x475: {  	v25 =	vadd.s32 $0x1, v24;
	_ =	sdelay $0x3  }
0x476: {  	v26 =	vld.idx.msk [tilespmem:v24+s2+$0x0], $0xffff  }
0x477: {  	v25 =	vld.idx.msk [tilespmem:v25+s2+$0x0], $0xffff;
	_ =	sdelay $0x2  }
0x478: {  	v24 =	vcvt.s32.f32 v24;
	_ =	sdelay $0x1  }
0x479: {  	v24 =	vsub.f32 v23, v24;
	v25 =	vsub.f32 v25, v26;
	_ =	sdelay $0x1  }
0x47a: {  	v24 =	vmul.f32 v24, v25;
	_ =	sdelay $0x1  }
0x47b: {  	v24 =	vadd.f32 v24, v26;
	_ =	sdelay $0x1  }
0x47c: {  	v24 =	vmul.f32 $2.550000000e+02, v24;
	_ =	sdelay $0x1  }
0x47d: {  	v62 =	vmul.f32 $1.000000050e-03, v24;
	_ =	sdelay $0x1  }
0x47e: {  	v24 =	vmul.f32 $7.874015710e-03, v24;
	v63 =	vadd.f32 $-1.000000000e+00, v62;
	v22 =	vmul.f32 v62, v22  }
0x47f: {  	s15 =	sand.u32 $0x1000, s15;
	v20 =	vmul.f32 v62, v20  }
0x480: {  	s15 =	sor.u32 s15, s17;
	v21 =	vmul.f32 v62, v60;
	v24 =	vadd.f32 $-1.000000000e+00, v24;
	v22 =	vadd.f32 v63, v22  }
0x481: {  	s15 =	sor.u32 s26, s15;
	vm15 =	veq.f32 v23, $0.0e+00;
	v20 =	vadd.f32 v63, v20  }
0x482: {  	s15 =	sor.u32 s20, s15;
	v21 =	vadd.f32 v63, v21;
	v22 =	vsel vm15, v24, v22  }
0x483: {  	v20 =	vsel vm15, v24, v20;
	[tilespmem:s15+$0x14000] =	vst v22  }
0x484: {  	v21 =	vsel vm15, v24, v21;
	[tilespmem:s15+$0x10000] =	vst v20  }
0x485: {  	s17 =	simm.s32 $0xC000;
	[tilespmem:s15+$0xC000] =	vst v21  }
0x486: {  	[hbm4b:s23+s21] =	stream.linear.scatter [tilespmem:s17], [sflag:$0x3], $0x2000, $0x38;
	[tilespmem:$0x1D630] =	vst v63  }
0x487: {  	_ =	swait.ge [sflag:s10], $0x2000  }
0x488: {  	[sflag:s10] =	ssyncset.done $0x0  }
0x489: {  	s18 =	simm.s32 $0x10000;
	[sflag:s10] =	ssyncadd.s32 $0xFFFFE000  }
0x48a: {  	[hbm4b:s30+s21] =	stream.linear.scatter [tilespmem:s18], [sflag:$0x3], $0x2000, $0x38;
	[tilespmem:$0x1D630] =	vst v63  }
0x48b: {  	_ =	swait.ge [sflag:s10], $0x2000  }
0x48c: {  	[sflag:s10] =	ssyncset.done $0x0  }
0x48d: {  	s20 =	simm.s32 $0x14000;
	[sflag:s10] =	ssyncadd.s32 $0xFFFFE000  }
0x48e: {  	[hbm4b:s31+s21] =	stream.linear.scatter [tilespmem:s20], [sflag:$0x3], $0x2000, $0x38;
	[tilespmem:$0x1D630] =	vst v63  }
0x48f: {  	_ =	swait.ge [sflag:s10], $0x2000  }
0x490: {  	s14 =	sadd.s32 $0x1, s14;
	s28 =	rddreg [dreg:$0x19]  }
0x491: {  	p0 =	sne.s32 s14, s28  }
.Ltmp7:
0x492: {  	_ = 	snop;
	(pc) =	sbr.rel @p0 .LBB2_1-.Ltmp7, $3  }
0x493: {  	_ =	sdelay $0x1  }
0x494: {  	[sflag:s10] =	ssyncset.done $0x0  }
0x495: {  	[sflag:s10] =	ssyncadd.s32 $0xFFFFE000  }
0x496: {  	_ =	sfence.sel $0x180000  }
0x497: {  	[bflag:$0x0] =	sbarrier.arrive $0xFFFF  }
0x498: {  	_ =	strace $0x90000047  }
0x499: {  	s0 =	stileid.u32;
	[bflag:$0x2] =	sbarrier.arrive $0xFFFF  }
0x49a: {  	p0 =	sne.s32 s0, $0x0;
	s0 =	rddreg [dreg:$0x8]  }
0x49b: {  	s0 =	sadd.s32 @!p0 $0x100000, s0  }
0x49c: {  	[sflag:s0] =	ssyncadd.tile.s32 @!p0 $0x1;
	_ =	shalt  }
.Lfunc_end2:
_tile_overlayer_lowered:
.L_overlay_start_2:
0x49d: {  	(tag) =	ssettag $0x2  }
0x49e: {  	s0 =	rddreg [dreg:$0x0];
	s2 =	stileid.u32  }
0x49f: {  	s1 =	rddreg [dreg:$0x1];
	p0 =	sne.s32 s2, $0x0  }
0x4a0: {  	s3 =	rddreg [dreg:$0x2];
	[bflag:$0x3] =	sbarrier.arrive $0xFFFF;
	s2 =	simm.s32 @!p0 $0x1C03  }
0x4a1: {  	[timem:s3], [sflag:s2] =	dma.local @!p0 [hbm:s0], s1  }
0x4a2: {  	s0 =	simm.s32 @!p0 $0x3  }
0x4a3: {  	_ =	swait.ge @!p0 [sflag:s0], s1  }
0x4a4: {  	s1 =	ssub.s32 @!p0 $0x0, s1;
	[sflag:s0] =	ssyncset.done @!p0 $0x0  }
0x4a5: {  	[sflag:s0] =	ssyncadd.s32 @!p0 s1  }
0x4a6: {  	[bflag:$0x3] =	sbarrier.arrive $0xFFFF  }
0x4a7: {  	_ =	shalt  }

</sc_bundles>
